<compile_context>
chip_gen: v7x
topology: tpu7x:2x2x1
jax: 0.10.2.dev20260603
libtpu: 0.0.44.dev20260713+nightly
codegen_flags: <defaults>
</compile_context>

<pallas_src>
import functools

import jax
import jax.numpy as jnp
from jax import lax
from jax.experimental import pallas as pl
from jax.experimental.pallas import tpu as pltpu
from jax.experimental.pallas import tpu_sc as plsc

_THRESHOLD = 0.01


def _make_sc(M, rows, hw):
    NW = 32
    rpw = rows // NW
    nct = hw // 16
    RB = 8
    nb = rpw // RB
    mesh = plsc.VectorSubcoreMesh(core_axis_name="c", subcore_axis_name="s")

    @functools.partial(
        pl.kernel,
        mesh=mesh,
        compiler_params=pltpu.CompilerParams(needs_layout_passes=False),
        out_type=jax.ShapeDtypeStruct((M, rows, hw), jnp.float32),
        scratch_types=[
            pltpu.VMEM((RB, hw), jnp.float32),
            pltpu.VMEM((RB, hw), jnp.float32),
            pltpu.VMEM((RB, hw), jnp.float32),
            pltpu.VMEM((RB, hw), jnp.float32),
        ],
    )
    def k(x_hbm, o_hbm, b0, b1, c0, c1):
        wid = lax.axis_index("s") * 2 + lax.axis_index("c")
        row0 = wid * rpw

        def batch_body(ib, carry):
            r0 = row0 + ib * RB
            pltpu.sync_copy(x_hbm.at[0, pl.ds(r0, RB)], b0)
            pltpu.sync_copy(x_hbm.at[1, pl.ds(r0, RB)], b1)
            for r in range(RB):
                def acc_body(ct, c):
                    a0, q0, a1, q1 = c
                    v0 = b0[r, pl.ds(ct * 16, 16)]
                    v1 = b1[r, pl.ds(ct * 16, 16)]
                    return (a0 + v0, q0 + v0 * v0, a1 + v1, q1 + v1 * v1)

                z = jnp.zeros((16,), jnp.float32)
                a0, q0, a1, q1 = lax.fori_loop(0, nct, acc_body, (z, z, z, z), unroll=7)
                s0 = jnp.sum(a0, axis=0)
                ss0 = jnp.sum(q0, axis=0)
                s1 = jnp.sum(a1, axis=0)
                ss1 = jnp.sum(q1, axis=0)
                var0 = (ss0 - s0 * s0 * (1.0 / hw)) * (1.0 / (hw - 1))
                var1 = (ss1 - s1 * s1 * (1.0 / hw)) * (1.0 / (hw - 1))
                m0 = jnp.broadcast_to(var0 >= _THRESHOLD, (16,))
                m1 = jnp.broadcast_to(var1 >= _THRESHOLD, (16,))

                def sel_body(ct, c):
                    v0 = b0[r, pl.ds(ct * 16, 16)]
                    v1 = b1[r, pl.ds(ct * 16, 16)]
                    c0[r, pl.ds(ct * 16, 16)] = jnp.where(m0, v0, v1)
                    c1[r, pl.ds(ct * 16, 16)] = jnp.where(m1, v1, v0)
                    return c

                lax.fori_loop(0, nct, sel_body, 0, unroll=7)
            pltpu.sync_copy(c0, o_hbm.at[0, pl.ds(r0, RB)])
            pltpu.sync_copy(c1, o_hbm.at[1, pl.ds(r0, RB)])
            return carry

        lax.fori_loop(0, nb, batch_body, 0)

    return k


def kernel(x):
    M, n, c, H, W = x.shape
    rows, hw = n * c, H * W
    xs = x.reshape(M, rows, hw)
    out = _make_sc(M, rows, hw)(xs)
    return out.reshape(M, n, c, H, W)

# --- scband reference (transcript-rebuilt; emitter-appended) ---
"""Pipeline reference for scband-exchange-59150289600781 (READ-ONLY COPY).

The authoritative reference and input builder live on the scoring server;
editing this copy changes nothing except your own understanding.
"""

import jax, jax.numpy as jnp
import numpy as np


def setup_inputs(seed: int = 0) -> dict:
    key = jax.random.key(seed)
    # x is the 'list of modalities' stacked as a leading dim: [M, n, c, H, W]
    # The torch module treats x as a sequence; a 5D tensor supports len(x) and x[i] identically.
    x = jax.random.normal(key, (2, 8, 384, 56, 56), dtype=jnp.float32)
    return {"x": x}


def reference(x):
    threshold = 0.01
    M = x.shape[0]
    n, c = x.shape[1], x.shape[2]
    # per-(sample, channel) variance over spatial positions (torch.var default unbiased, ddof=1)
    xf = x.reshape(M, n, c, -1)
    var = jnp.var(xf, axis=3, ddof=1)  # [M, n, c]
    out = []
    for i in range(M):
        mask = var[i] >= threshold  # [n, c]
        others = jnp.stack([x[j] for j in range(M) if j != i], axis=0)
        others_mean = jnp.mean(others, axis=0)  # [n, c, H, W]
        # masked scatter on (n, c) dims: keep x[i] where var>=thr, else mean of other modalities
        xi_out = jnp.where(mask[:, :, None, None], x[i], others_mean)
        out.append(xi_out)
    return jnp.stack(out, axis=0)

if __name__ == "__main__":
    import jax
    _d = setup_inputs()
    print(jax.jit(kernel)(*tuple(_d.values())))

</pallas_src>

<mosaic_0001>
#map = affine_map<(d0, d1) -> (0, 0, 0)>
module attributes {stable_mosaic.version = 14 : i64} {
  func.func @k(%arg0: i32, %arg1: i32, %arg2: memref<2x3072x3136xf32, #tpu.memory_space<hbm>>, %arg3: memref<2x3072x3136xf32, #tpu.memory_space<hbm>>, %arg4: memref<8x3136xf32, #tpu.memory_space<vmem>>, %arg5: memref<8x3136xf32, #tpu.memory_space<vmem>>, %arg6: memref<8x3136xf32, #tpu.memory_space<vmem>>, %arg7: memref<8x3136xf32, #tpu.memory_space<vmem>>) attributes {dimension_semantics = [#tpu.dimension_semantics<core_parallel>, #tpu.dimension_semantics<subcore_parallel>], iteration_bounds = array<i64: 2, 16>, scalar_prefetch = 0 : i64, scratch_operands = 4 : i64, tpu.core_type = #tpu.core_type<sc_vector_subcore>, window_params = [{transform_indices = #map}, {transform_indices = #map}]} {
    %mul3A = arith.constant 2 : i32
    %mul3A_0 = arith.muli %arg1, %mul3A : i32
    %add3A = arith.addi %mul3A_0, %arg0 : i32
    %mul3A_1 = arith.constant 96 : i32
    %mul3A_2 = arith.muli %add3A, %mul3A_1 : i32
    %scan3A = arith.constant 0 : i32
    %scan3A_3 = arith.constant 0 : i32
    %scan3A_4 = arith.constant 12 : i32
    %scan3A_5 = arith.addi %scan3A_3, %scan3A_4 : i32
    %scan3A_6 = arith.constant 1 : i32
    scf.for %scan3A_8 = %scan3A_3 to %scan3A_5 step %scan3A_6  : i32 {
      %mul3A_9 = arith.constant 8 : i32
      %mul3A_10 = arith.muli %scan3A_8, %mul3A_9 : i32
      %add3A_11 = arith.addi %mul3A_2, %mul3A_10 : i32
      %run_scoped3A = arith.constant 0 : i32
      "tpu.region"() ({
        %run_scoped3A_395 = tpu.sem_alloc : memref<!tpu.dma_semaphore, #tpu.memory_space<semaphore_mem>>
        %dma_start3A = arith.constant 0 : i32
        %dma_start3A_396 = tpu.memref_slice %arg2[%run_scoped3A, %add3A_11, %dma_start3A] : memref<2x3072x3136xf32, #tpu.memory_space<hbm>> -> memref<1x8x3136xf32, #tpu.memory_space<hbm>>
        %dma_start3A_397 = tpu.memref_squeeze %dma_start3A_396 : memref<1x8x3136xf32, #tpu.memory_space<hbm>> -> memref<8x3136xf32, #tpu.memory_space<hbm>>
        %dma_start3A_398 = arith.constant 0 : i32
        %dma_start3A_399 = tpu.memref_slice %arg2[%run_scoped3A, %add3A_11, %dma_start3A_398] : memref<2x3072x3136xf32, #tpu.memory_space<hbm>> -> memref<1x8x3136xf32, #tpu.memory_space<hbm>>
        %dma_start3A_400 = tpu.memref_squeeze %dma_start3A_399 : memref<1x8x3136xf32, #tpu.memory_space<hbm>> -> memref<8x3136xf32, #tpu.memory_space<hbm>>
        tpu.enqueue_dma source(%dma_start3A_400 : memref<8x3136xf32, #tpu.memory_space<hbm>>) target(%arg4 : memref<8x3136xf32, #tpu.memory_space<vmem>>) target_semaphore(%run_scoped3A_395 : memref<!tpu.dma_semaphore, #tpu.memory_space<semaphore_mem>>)
        %dma_wait3A = arith.constant 0 : i32
        %dma_wait3A_401 = tpu.memref_slice %arg2[%run_scoped3A, %add3A_11, %dma_wait3A] : memref<2x3072x3136xf32, #tpu.memory_space<hbm>> -> memref<1x8x3136xf32, #tpu.memory_space<hbm>>
        %dma_wait3A_402 = tpu.memref_squeeze %dma_wait3A_401 : memref<1x8x3136xf32, #tpu.memory_space<hbm>> -> memref<8x3136xf32, #tpu.memory_space<hbm>>
        %dma_wait3A_403 = arith.constant 0 : i32
        %dma_wait3A_404 = tpu.memref_slice %arg2[%run_scoped3A, %add3A_11, %dma_wait3A_403] : memref<2x3072x3136xf32, #tpu.memory_space<hbm>> -> memref<1x8x3136xf32, #tpu.memory_space<hbm>>
        %dma_wait3A_405 = tpu.memref_squeeze %dma_wait3A_404 : memref<1x8x3136xf32, #tpu.memory_space<hbm>> -> memref<8x3136xf32, #tpu.memory_space<hbm>>
        tpu.wait_dma2 semaphore(%run_scoped3A_395 : memref<!tpu.dma_semaphore, #tpu.memory_space<semaphore_mem>>) src(%dma_wait3A_405 : memref<8x3136xf32, #tpu.memory_space<hbm>>) dst(%arg4 : memref<8x3136xf32, #tpu.memory_space<vmem>>)
        tpu.yield
      }) : () -> ()
      %run_scoped3A_12 = arith.constant 1 : i32
      "tpu.region"() ({
        %run_scoped3A_395 = tpu.sem_alloc : memref<!tpu.dma_semaphore, #tpu.memory_space<semaphore_mem>>
        %dma_start3A = arith.constant 0 : i32
        %dma_start3A_396 = tpu.memref_slice %arg2[%run_scoped3A_12, %add3A_11, %dma_start3A] : memref<2x3072x3136xf32, #tpu.memory_space<hbm>> -> memref<1x8x3136xf32, #tpu.memory_space<hbm>>
        %dma_start3A_397 = tpu.memref_squeeze %dma_start3A_396 : memref<1x8x3136xf32, #tpu.memory_space<hbm>> -> memref<8x3136xf32, #tpu.memory_space<hbm>>
        %dma_start3A_398 = arith.constant 0 : i32
        %dma_start3A_399 = tpu.memref_slice %arg2[%run_scoped3A_12, %add3A_11, %dma_start3A_398] : memref<2x3072x3136xf32, #tpu.memory_space<hbm>> -> memref<1x8x3136xf32, #tpu.memory_space<hbm>>
        %dma_start3A_400 = tpu.memref_squeeze %dma_start3A_399 : memref<1x8x3136xf32, #tpu.memory_space<hbm>> -> memref<8x3136xf32, #tpu.memory_space<hbm>>
        tpu.enqueue_dma source(%dma_start3A_400 : memref<8x3136xf32, #tpu.memory_space<hbm>>) target(%arg5 : memref<8x3136xf32, #tpu.memory_space<vmem>>) target_semaphore(%run_scoped3A_395 : memref<!tpu.dma_semaphore, #tpu.memory_space<semaphore_mem>>)
        %dma_wait3A = arith.constant 0 : i32
        %dma_wait3A_401 = tpu.memref_slice %arg2[%run_scoped3A_12, %add3A_11, %dma_wait3A] : memref<2x3072x3136xf32, #tpu.memory_space<hbm>> -> memref<1x8x3136xf32, #tpu.memory_space<hbm>>
        %dma_wait3A_402 = tpu.memref_squeeze %dma_wait3A_401 : memref<1x8x3136xf32, #tpu.memory_space<hbm>> -> memref<8x3136xf32, #tpu.memory_space<hbm>>
        %dma_wait3A_403 = arith.constant 0 : i32
        %dma_wait3A_404 = tpu.memref_slice %arg2[%run_scoped3A_12, %add3A_11, %dma_wait3A_403] : memref<2x3072x3136xf32, #tpu.memory_space<hbm>> -> memref<1x8x3136xf32, #tpu.memory_space<hbm>>
        %dma_wait3A_405 = tpu.memref_squeeze %dma_wait3A_404 : memref<1x8x3136xf32, #tpu.memory_space<hbm>> -> memref<8x3136xf32, #tpu.memory_space<hbm>>
        tpu.wait_dma2 semaphore(%run_scoped3A_395 : memref<!tpu.dma_semaphore, #tpu.memory_space<semaphore_mem>>) src(%dma_wait3A_405 : memref<8x3136xf32, #tpu.memory_space<hbm>>) dst(%arg5 : memref<8x3136xf32, #tpu.memory_space<vmem>>)
        tpu.yield
      }) : () -> ()
      %broadcast_in_dim3A = arith.constant 0.000000e+00 : f32
      %broadcast_in_dim3A_13 = vector.broadcast %broadcast_in_dim3A : f32 to vector<16xf32>
      %scan3A_14 = arith.constant 0 : i32
      %scan3A_15 = arith.constant 196 : i32
      %scan3A_16 = arith.addi %scan3A_14, %scan3A_15 : i32
      %scan3A_17 = arith.constant 7 : i32
      %scan3A_18:4 = scf.for %scan3A_395 = %scan3A_14 to %scan3A_16 step %scan3A_17 iter_args(%scan3A_396 = %broadcast_in_dim3A_13, %scan3A_397 = %broadcast_in_dim3A_13, %scan3A_398 = %broadcast_in_dim3A_13, %scan3A_399 = %broadcast_in_dim3A_13) -> (vector<16xf32>, vector<16xf32>, vector<16xf32>, vector<16xf32>)  : i32 {
        %mul3A_400 = arith.constant 16 : i32
        %mul3A_401 = arith.muli %scan3A_395, %mul3A_400 : i32
        %get3A = arith.constant 0 : i32
        %get3A_402 = arith.index_cast %get3A : i32 to index
        %get3A_403 = arith.index_cast %mul3A_401 : i32 to index
        %get3A_404 = tpu.vector_load %arg4[%get3A_402, %get3A_403] {strides = array<i32>} : memref<8x3136xf32, #tpu.memory_space<vmem>>, vector<16xf32>,
        %mul3A_405 = arith.constant 16 : i32
        %mul3A_406 = arith.muli %scan3A_395, %mul3A_405 : i32
        %get3A_407 = arith.constant 0 : i32
        %get3A_408 = arith.index_cast %get3A_407 : i32 to index
        %get3A_409 = arith.index_cast %mul3A_406 : i32 to index
        %get3A_410 = tpu.vector_load %arg5[%get3A_408, %get3A_409] {strides = array<i32>} : memref<8x3136xf32, #tpu.memory_space<vmem>>, vector<16xf32>,
        %add3A_411 = arith.addf %scan3A_396, %get3A_404 : vector<16xf32>
        %mul3A_412 = arith.mulf %get3A_404, %get3A_404 : vector<16xf32>
        %add3A_413 = arith.addf %scan3A_397, %mul3A_412 : vector<16xf32>
        %add3A_414 = arith.addf %scan3A_398, %get3A_410 : vector<16xf32>
        %mul3A_415 = arith.mulf %get3A_410, %get3A_410 : vector<16xf32>
        %add3A_416 = arith.addf %scan3A_399, %mul3A_415 : vector<16xf32>
        %scan3A_417 = arith.constant 1 : i32
        %scan3A_418 = arith.addi %scan3A_395, %scan3A_417 : i32
        %mul3A_419 = arith.constant 16 : i32
        %mul3A_420 = arith.muli %scan3A_418, %mul3A_419 : i32
        %get3A_421 = arith.constant 0 : i32
        %get3A_422 = arith.index_cast %get3A_421 : i32 to index
        %get3A_423 = arith.index_cast %mul3A_420 : i32 to index
        %get3A_424 = tpu.vector_load %arg4[%get3A_422, %get3A_423] {strides = array<i32>} : memref<8x3136xf32, #tpu.memory_space<vmem>>, vector<16xf32>,
        %mul3A_425 = arith.constant 16 : i32
        %mul3A_426 = arith.muli %scan3A_418, %mul3A_425 : i32
        %get3A_427 = arith.constant 0 : i32
        %get3A_428 = arith.index_cast %get3A_427 : i32 to index
        %get3A_429 = arith.index_cast %mul3A_426 : i32 to index
        %get3A_430 = tpu.vector_load %arg5[%get3A_428, %get3A_429] {strides = array<i32>} : memref<8x3136xf32, #tpu.memory_space<vmem>>, vector<16xf32>,
        %add3A_431 = arith.addf %add3A_411, %get3A_424 : vector<16xf32>
        %mul3A_432 = arith.mulf %get3A_424, %get3A_424 : vector<16xf32>
        %add3A_433 = arith.addf %add3A_413, %mul3A_432 : vector<16xf32>
        %add3A_434 = arith.addf %add3A_414, %get3A_430 : vector<16xf32>
        %mul3A_435 = arith.mulf %get3A_430, %get3A_430 : vector<16xf32>
        %add3A_436 = arith.addf %add3A_416, %mul3A_435 : vector<16xf32>
        %scan3A_437 = arith.constant 2 : i32
        %scan3A_438 = arith.addi %scan3A_395, %scan3A_437 : i32
        %mul3A_439 = arith.constant 16 : i32
        %mul3A_440 = arith.muli %scan3A_438, %mul3A_439 : i32
        %get3A_441 = arith.constant 0 : i32
        %get3A_442 = arith.index_cast %get3A_441 : i32 to index
        %get3A_443 = arith.index_cast %mul3A_440 : i32 to index
        %get3A_444 = tpu.vector_load %arg4[%get3A_442, %get3A_443] {strides = array<i32>} : memref<8x3136xf32, #tpu.memory_space<vmem>>, vector<16xf32>,
        %mul3A_445 = arith.constant 16 : i32
        %mul3A_446 = arith.muli %scan3A_438, %mul3A_445 : i32
        %get3A_447 = arith.constant 0 : i32
        %get3A_448 = arith.index_cast %get3A_447 : i32 to index
        %get3A_449 = arith.index_cast %mul3A_446 : i32 to index
        %get3A_450 = tpu.vector_load %arg5[%get3A_448, %get3A_449] {strides = array<i32>} : memref<8x3136xf32, #tpu.memory_space<vmem>>, vector<16xf32>,
        %add3A_451 = arith.addf %add3A_431, %get3A_444 : vector<16xf32>
        %mul3A_452 = arith.mulf %get3A_444, %get3A_444 : vector<16xf32>
        %add3A_453 = arith.addf %add3A_433, %mul3A_452 : vector<16xf32>
        %add3A_454 = arith.addf %add3A_434, %get3A_450 : vector<16xf32>
        %mul3A_455 = arith.mulf %get3A_450, %get3A_450 : vector<16xf32>
        %add3A_456 = arith.addf %add3A_436, %mul3A_455 : vector<16xf32>
        %scan3A_457 = arith.constant 3 : i32
        %scan3A_458 = arith.addi %scan3A_395, %scan3A_457 : i32
        %mul3A_459 = arith.constant 16 : i32
        %mul3A_460 = arith.muli %scan3A_458, %mul3A_459 : i32
        %get3A_461 = arith.constant 0 : i32
        %get3A_462 = arith.index_cast %get3A_461 : i32 to index
        %get3A_463 = arith.index_cast %mul3A_460 : i32 to index
        %get3A_464 = tpu.vector_load %arg4[%get3A_462, %get3A_463] {strides = array<i32>} : memref<8x3136xf32, #tpu.memory_space<vmem>>, vector<16xf32>,
        %mul3A_465 = arith.constant 16 : i32
        %mul3A_466 = arith.muli %scan3A_458, %mul3A_465 : i32
        %get3A_467 = arith.constant 0 : i32
        %get3A_468 = arith.index_cast %get3A_467 : i32 to index
        %get3A_469 = arith.index_cast %mul3A_466 : i32 to index
        %get3A_470 = tpu.vector_load %arg5[%get3A_468, %get3A_469] {strides = array<i32>} : memref<8x3136xf32, #tpu.memory_space<vmem>>, vector<16xf32>,
        %add3A_471 = arith.addf %add3A_451, %get3A_464 : vector<16xf32>
        %mul3A_472 = arith.mulf %get3A_464, %get3A_464 : vector<16xf32>
        %add3A_473 = arith.addf %add3A_453, %mul3A_472 : vector<16xf32>
        %add3A_474 = arith.addf %add3A_454, %get3A_470 : vector<16xf32>
        %mul3A_475 = arith.mulf %get3A_470, %get3A_470 : vector<16xf32>
        %add3A_476 = arith.addf %add3A_456, %mul3A_475 : vector<16xf32>
        %scan3A_477 = arith.constant 4 : i32
        %scan3A_478 = arith.addi %scan3A_395, %scan3A_477 : i32
        %mul3A_479 = arith.constant 16 : i32
        %mul3A_480 = arith.muli %scan3A_478, %mul3A_479 : i32
        %get3A_481 = arith.constant 0 : i32
        %get3A_482 = arith.index_cast %get3A_481 : i32 to index
        %get3A_483 = arith.index_cast %mul3A_480 : i32 to index
        %get3A_484 = tpu.vector_load %arg4[%get3A_482, %get3A_483] {strides = array<i32>} : memref<8x3136xf32, #tpu.memory_space<vmem>>, vector<16xf32>,
        %mul3A_485 = arith.constant 16 : i32
        %mul3A_486 = arith.muli %scan3A_478, %mul3A_485 : i32
        %get3A_487 = arith.constant 0 : i32
        %get3A_488 = arith.index_cast %get3A_487 : i32 to index
        %get3A_489 = arith.index_cast %mul3A_486 : i32 to index
        %get3A_490 = tpu.vector_load %arg5[%get3A_488, %get3A_489] {strides = array<i32>} : memref<8x3136xf32, #tpu.memory_space<vmem>>, vector<16xf32>,
        %add3A_491 = arith.addf %add3A_471, %get3A_484 : vector<16xf32>
        %mul3A_492 = arith.mulf %get3A_484, %get3A_484 : vector<16xf32>
        %add3A_493 = arith.addf %add3A_473, %mul3A_492 : vector<16xf32>
        %add3A_494 = arith.addf %add3A_474, %get3A_490 : vector<16xf32>
        %mul3A_495 = arith.mulf %get3A_490, %get3A_490 : vector<16xf32>
        %add3A_496 = arith.addf %add3A_476, %mul3A_495 : vector<16xf32>
        %scan3A_497 = arith.constant 5 : i32
        %scan3A_498 = arith.addi %scan3A_395, %scan3A_497 : i32
        %mul3A_499 = arith.constant 16 : i32
        %mul3A_500 = arith.muli %scan3A_498, %mul3A_499 : i32
        %get3A_501 = arith.constant 0 : i32
        %get3A_502 = arith.index_cast %get3A_501 : i32 to index
        %get3A_503 = arith.index_cast %mul3A_500 : i32 to index
        %get3A_504 = tpu.vector_load %arg4[%get3A_502, %get3A_503] {strides = array<i32>} : memref<8x3136xf32, #tpu.memory_space<vmem>>, vector<16xf32>,
        %mul3A_505 = arith.constant 16 : i32
        %mul3A_506 = arith.muli %scan3A_498, %mul3A_505 : i32
        %get3A_507 = arith.constant 0 : i32
        %get3A_508 = arith.index_cast %get3A_507 : i32 to index
        %get3A_509 = arith.index_cast %mul3A_506 : i32 to index
        %get3A_510 = tpu.vector_load %arg5[%get3A_508, %get3A_509] {strides = array<i32>} : memref<8x3136xf32, #tpu.memory_space<vmem>>, vector<16xf32>,
        %add3A_511 = arith.addf %add3A_491, %get3A_504 : vector<16xf32>
        %mul3A_512 = arith.mulf %get3A_504, %get3A_504 : vector<16xf32>
        %add3A_513 = arith.addf %add3A_493, %mul3A_512 : vector<16xf32>
        %add3A_514 = arith.addf %add3A_494, %get3A_510 : vector<16xf32>
        %mul3A_515 = arith.mulf %get3A_510, %get3A_510 : vector<16xf32>
        %add3A_516 = arith.addf %add3A_496, %mul3A_515 : vector<16xf32>
        %scan3A_517 = arith.constant 6 : i32
        %scan3A_518 = arith.addi %scan3A_395, %scan3A_517 : i32
        %mul3A_519 = arith.constant 16 : i32
        %mul3A_520 = arith.muli %scan3A_518, %mul3A_519 : i32
        %get3A_521 = arith.constant 0 : i32
        %get3A_522 = arith.index_cast %get3A_521 : i32 to index
        %get3A_523 = arith.index_cast %mul3A_520 : i32 to index
        %get3A_524 = tpu.vector_load %arg4[%get3A_522, %get3A_523] {strides = array<i32>} : memref<8x3136xf32, #tpu.memory_space<vmem>>, vector<16xf32>,
        %mul3A_525 = arith.constant 16 : i32
        %mul3A_526 = arith.muli %scan3A_518, %mul3A_525 : i32
        %get3A_527 = arith.constant 0 : i32
        %get3A_528 = arith.index_cast %get3A_527 : i32 to index
        %get3A_529 = arith.index_cast %mul3A_526 : i32 to index
        %get3A_530 = tpu.vector_load %arg5[%get3A_528, %get3A_529] {strides = array<i32>} : memref<8x3136xf32, #tpu.memory_space<vmem>>, vector<16xf32>,
        %add3A_531 = arith.addf %add3A_511, %get3A_524 : vector<16xf32>
        %mul3A_532 = arith.mulf %get3A_524, %get3A_524 : vector<16xf32>
        %add3A_533 = arith.addf %add3A_513, %mul3A_532 : vector<16xf32>
        %add3A_534 = arith.addf %add3A_514, %get3A_530 : vector<16xf32>
        %mul3A_535 = arith.mulf %get3A_530, %get3A_530 : vector<16xf32>
        %add3A_536 = arith.addf %add3A_516, %mul3A_535 : vector<16xf32>
        scf.yield %add3A_531, %add3A_533, %add3A_534, %add3A_536 : vector<16xf32>, vector<16xf32>, vector<16xf32>, vector<16xf32>
      }
      %scan3A_19 = arith.constant 196 : i32
      %reduce_sum3A = arith.constant true
      %reduce_sum3A_20 = vector.broadcast %reduce_sum3A : i1 to vector<16xi1>
      %reduce_sum3A_21 = tpu.scan <sum>, %scan3A_18#0 masked %reduce_sum3A_20 : vector<16xf32>, vector<16xi1> -> vector<16xf32>
      %reduce_sum3A_22 = vector.extract %reduce_sum3A_21[15] : f32 from vector<16xf32>
      %reduce_sum3A_23 = arith.constant true
      %reduce_sum3A_24 = vector.broadcast %reduce_sum3A_23 : i1 to vector<16xi1>
      %reduce_sum3A_25 = tpu.scan <sum>, %scan3A_18#1 masked %reduce_sum3A_24 : vector<16xf32>, vector<16xi1> -> vector<16xf32>
      %reduce_sum3A_26 = vector.extract %reduce_sum3A_25[15] : f32 from vector<16xf32>
      %reduce_sum3A_27 = arith.constant true
      %reduce_sum3A_28 = vector.broadcast %reduce_sum3A_27 : i1 to vector<16xi1>
      %reduce_sum3A_29 = tpu.scan <sum>, %scan3A_18#2 masked %reduce_sum3A_28 : vector<16xf32>, vector<16xi1> -> vector<16xf32>
      %reduce_sum3A_30 = vector.extract %reduce_sum3A_29[15] : f32 from vector<16xf32>
      %reduce_sum3A_31 = arith.constant true
      %reduce_sum3A_32 = vector.broadcast %reduce_sum3A_31 : i1 to vector<16xi1>
      %reduce_sum3A_33 = tpu.scan <sum>, %scan3A_18#3 masked %reduce_sum3A_32 : vector<16xf32>, vector<16xi1> -> vector<16xf32>
      %reduce_sum3A_34 = vector.extract %reduce_sum3A_33[15] : f32 from vector<16xf32>
      %mul3A_35 = arith.mulf %reduce_sum3A_22, %reduce_sum3A_22 : f32
      %mul3A_36 = arith.constant 3.18877544E-4 : f32
      %mul3A_37 = arith.mulf %mul3A_35, %mul3A_36 : f32
      %sub3A = arith.subf %reduce_sum3A_26, %mul3A_37 : f32
      %mul3A_38 = arith.constant 3.18979262E-4 : f32
      %mul3A_39 = arith.mulf %sub3A, %mul3A_38 : f32
      %mul3A_40 = arith.mulf %reduce_sum3A_30, %reduce_sum3A_30 : f32
      %mul3A_41 = arith.constant 3.18877544E-4 : f32
      %mul3A_42 = arith.mulf %mul3A_40, %mul3A_41 : f32
      %sub3A_43 = arith.subf %reduce_sum3A_34, %mul3A_42 : f32
      %mul3A_44 = arith.constant 3.18979262E-4 : f32
      %mul3A_45 = arith.mulf %sub3A_43, %mul3A_44 : f32
      %ge3A = arith.constant 0.00999999977 : f32
      %ge3A_46 = arith.cmpf oge, %mul3A_39, %ge3A : f32
      %broadcast_in_dim3A_47 = vector.broadcast %ge3A_46 : i1 to vector<16xi1>
      %ge3A_48 = arith.constant 0.00999999977 : f32
      %ge3A_49 = arith.cmpf oge, %mul3A_45, %ge3A_48 : f32
      %broadcast_in_dim3A_50 = vector.broadcast %ge3A_49 : i1 to vector<16xi1>
      %scan3A_51 = arith.constant 0 : i32
      %scan3A_52 = arith.constant 0 : i32
      %scan3A_53 = arith.constant 196 : i32
      %scan3A_54 = arith.addi %scan3A_52, %scan3A_53 : i32
      %scan3A_55 = arith.constant 7 : i32
      scf.for %scan3A_395 = %scan3A_52 to %scan3A_54 step %scan3A_55  : i32 {
        %mul3A_396 = arith.constant 16 : i32
        %mul3A_397 = arith.muli %scan3A_395, %mul3A_396 : i32
        %get3A = arith.constant 0 : i32
        %get3A_398 = arith.index_cast %get3A : i32 to index
        %get3A_399 = arith.index_cast %mul3A_397 : i32 to index
        %get3A_400 = tpu.vector_load %arg4[%get3A_398, %get3A_399] {strides = array<i32>} : memref<8x3136xf32, #tpu.memory_space<vmem>>, vector<16xf32>,
        %mul3A_401 = arith.constant 16 : i32
        %mul3A_402 = arith.muli %scan3A_395, %mul3A_401 : i32
        %get3A_403 = arith.constant 0 : i32
        %get3A_404 = arith.index_cast %get3A_403 : i32 to index
        %get3A_405 = arith.index_cast %mul3A_402 : i32 to index
        %get3A_406 = tpu.vector_load %arg5[%get3A_404, %get3A_405] {strides = array<i32>} : memref<8x3136xf32, #tpu.memory_space<vmem>>, vector<16xf32>,
        %select_n3A = arith.select %broadcast_in_dim3A_47, %get3A_400, %get3A_406 : vector<16xi1>, vector<16xf32>
        %mul3A_407 = arith.constant 16 : i32
        %mul3A_408 = arith.muli %scan3A_395, %mul3A_407 : i32
        %swap3A = arith.constant 0 : i32
        %swap3A_409 = arith.index_cast %swap3A : i32 to index
        %swap3A_410 = arith.index_cast %mul3A_408 : i32 to index
        %swap3A_411 = tpu.vector_load %arg6[%swap3A_409, %swap3A_410] {strides = array<i32>} : memref<8x3136xf32, #tpu.memory_space<vmem>>, vector<16xf32>,
        tpu.vector_store %arg6[%swap3A_409, %swap3A_410], %select_n3A {strides = array<i32>} : memref<8x3136xf32, #tpu.memory_space<vmem>>, vector<16xf32>,
        %select_n3A_412 = arith.select %broadcast_in_dim3A_50, %get3A_406, %get3A_400 : vector<16xi1>, vector<16xf32>
        %mul3A_413 = arith.constant 16 : i32
        %mul3A_414 = arith.muli %scan3A_395, %mul3A_413 : i32
        %swap3A_415 = arith.constant 0 : i32
        %swap3A_416 = arith.index_cast %swap3A_415 : i32 to index
        %swap3A_417 = arith.index_cast %mul3A_414 : i32 to index
        %swap3A_418 = tpu.vector_load %arg7[%swap3A_416, %swap3A_417] {strides = array<i32>} : memref<8x3136xf32, #tpu.memory_space<vmem>>, vector<16xf32>,
        tpu.vector_store %arg7[%swap3A_416, %swap3A_417], %select_n3A_412 {strides = array<i32>} : memref<8x3136xf32, #tpu.memory_space<vmem>>, vector<16xf32>,
        %scan3A_419 = arith.constant 1 : i32
        %scan3A_420 = arith.addi %scan3A_395, %scan3A_419 : i32
        %mul3A_421 = arith.constant 16 : i32
        %mul3A_422 = arith.muli %scan3A_420, %mul3A_421 : i32
        %get3A_423 = arith.constant 0 : i32
        %get3A_424 = arith.index_cast %get3A_423 : i32 to index
        %get3A_425 = arith.index_cast %mul3A_422 : i32 to index
        %get3A_426 = tpu.vector_load %arg4[%get3A_424, %get3A_425] {strides = array<i32>} : memref<8x3136xf32, #tpu.memory_space<vmem>>, vector<16xf32>,
        %mul3A_427 = arith.constant 16 : i32
        %mul3A_428 = arith.muli %scan3A_420, %mul3A_427 : i32
        %get3A_429 = arith.constant 0 : i32
        %get3A_430 = arith.index_cast %get3A_429 : i32 to index
        %get3A_431 = arith.index_cast %mul3A_428 : i32 to index
        %get3A_432 = tpu.vector_load %arg5[%get3A_430, %get3A_431] {strides = array<i32>} : memref<8x3136xf32, #tpu.memory_space<vmem>>, vector<16xf32>,
        %select_n3A_433 = arith.select %broadcast_in_dim3A_47, %get3A_426, %get3A_432 : vector<16xi1>, vector<16xf32>
        %mul3A_434 = arith.constant 16 : i32
        %mul3A_435 = arith.muli %scan3A_420, %mul3A_434 : i32
        %swap3A_436 = arith.constant 0 : i32
        %swap3A_437 = arith.index_cast %swap3A_436 : i32 to index
        %swap3A_438 = arith.index_cast %mul3A_435 : i32 to index
        %swap3A_439 = tpu.vector_load %arg6[%swap3A_437, %swap3A_438] {strides = array<i32>} : memref<8x3136xf32, #tpu.memory_space<vmem>>, vector<16xf32>,
        tpu.vector_store %arg6[%swap3A_437, %swap3A_438], %select_n3A_433 {strides = array<i32>} : memref<8x3136xf32, #tpu.memory_space<vmem>>, vector<16xf32>,
        %select_n3A_440 = arith.select %broadcast_in_dim3A_50, %get3A_432, %get3A_426 : vector<16xi1>, vector<16xf32>
        %mul3A_441 = arith.constant 16 : i32
        %mul3A_442 = arith.muli %scan3A_420, %mul3A_441 : i32
        %swap3A_443 = arith.constant 0 : i32
        %swap3A_444 = arith.index_cast %swap3A_443 : i32 to index
        %swap3A_445 = arith.index_cast %mul3A_442 : i32 to index
        %swap3A_446 = tpu.vector_load %arg7[%swap3A_444, %swap3A_445] {strides = array<i32>} : memref<8x3136xf32, #tpu.memory_space<vmem>>, vector<16xf32>,
        tpu.vector_store %arg7[%swap3A_444, %swap3A_445], %select_n3A_440 {strides = array<i32>} : memref<8x3136xf32, #tpu.memory_space<vmem>>, vector<16xf32>,
        %scan3A_447 = arith.constant 2 : i32
        %scan3A_448 = arith.addi %scan3A_395, %scan3A_447 : i32
        %mul3A_449 = arith.constant 16 : i32
        %mul3A_450 = arith.muli %scan3A_448, %mul3A_449 : i32
        %get3A_451 = arith.constant 0 : i32
        %get3A_452 = arith.index_cast %get3A_451 : i32 to index
        %get3A_453 = arith.index_cast %mul3A_450 : i32 to index
        %get3A_454 = tpu.vector_load %arg4[%get3A_452, %get3A_453] {strides = array<i32>} : memref<8x3136xf32, #tpu.memory_space<vmem>>, vector<16xf32>,
        %mul3A_455 = arith.constant 16 : i32
        %mul3A_456 = arith.muli %scan3A_448, %mul3A_455 : i32
        %get3A_457 = arith.constant 0 : i32
        %get3A_458 = arith.index_cast %get3A_457 : i32 to index
        %get3A_459 = arith.index_cast %mul3A_456 : i32 to index
        %get3A_460 = tpu.vector_load %arg5[%get3A_458, %get3A_459] {strides = array<i32>} : memref<8x3136xf32, #tpu.memory_space<vmem>>, vector<16xf32>,
        %select_n3A_461 = arith.select %broadcast_in_dim3A_47, %get3A_454, %get3A_460 : vector<16xi1>, vector<16xf32>
        %mul3A_462 = arith.constant 16 : i32
        %mul3A_463 = arith.muli %scan3A_448, %mul3A_462 : i32
        %swap3A_464 = arith.constant 0 : i32
        %swap3A_465 = arith.index_cast %swap3A_464 : i32 to index
        %swap3A_466 = arith.index_cast %mul3A_463 : i32 to index
        %swap3A_467 = tpu.vector_load %arg6[%swap3A_465, %swap3A_466] {strides = array<i32>} : memref<8x3136xf32, #tpu.memory_space<vmem>>, vector<16xf32>,
        tpu.vector_store %arg6[%swap3A_465, %swap3A_466], %select_n3A_461 {strides = array<i32>} : memref<8x3136xf32, #tpu.memory_space<vmem>>, vector<16xf32>,
        %select_n3A_468 = arith.select %broadcast_in_dim3A_50, %get3A_460, %get3A_454 : vector<16xi1>, vector<16xf32>
        %mul3A_469 = arith.constant 16 : i32
        %mul3A_470 = arith.muli %scan3A_448, %mul3A_469 : i32
        %swap3A_471 = arith.constant 0 : i32
        %swap3A_472 = arith.index_cast %swap3A_471 : i32 to index
        %swap3A_473 = arith.index_cast %mul3A_470 : i32 to index
        %swap3A_474 = tpu.vector_load %arg7[%swap3A_472, %swap3A_473] {strides = array<i32>} : memref<8x3136xf32, #tpu.memory_space<vmem>>, vector<16xf32>,
        tpu.vector_store %arg7[%swap3A_472, %swap3A_473], %select_n3A_468 {strides = array<i32>} : memref<8x3136xf32, #tpu.memory_space<vmem>>, vector<16xf32>,
        %scan3A_475 = arith.constant 3 : i32
        %scan3A_476 = arith.addi %scan3A_395, %scan3A_475 : i32
        %mul3A_477 = arith.constant 16 : i32
        %mul3A_478 = arith.muli %scan3A_476, %mul3A_477 : i32
        %get3A_479 = arith.constant 0 : i32
        %get3A_480 = arith.index_cast %get3A_479 : i32 to index
        %get3A_481 = arith.index_cast %mul3A_478 : i32 to index
        %get3A_482 = tpu.vector_load %arg4[%get3A_480, %get3A_481] {strides = array<i32>} : memref<8x3136xf32, #tpu.memory_space<vmem>>, vector<16xf32>,
        %mul3A_483 = arith.constant 16 : i32
        %mul3A_484 = arith.muli %scan3A_476, %mul3A_483 : i32
        %get3A_485 = arith.constant 0 : i32
        %get3A_486 = arith.index_cast %get3A_485 : i32 to index
        %get3A_487 = arith.index_cast %mul3A_484 : i32 to index
        %get3A_488 = tpu.vector_load %arg5[%get3A_486, %get3A_487] {strides = array<i32>} : memref<8x3136xf32, #tpu.memory_space<vmem>>, vector<16xf32>,
        %select_n3A_489 = arith.select %broadcast_in_dim3A_47, %get3A_482, %get3A_488 : vector<16xi1>, vector<16xf32>
        %mul3A_490 = arith.constant 16 : i32
        %mul3A_491 = arith.muli %scan3A_476, %mul3A_490 : i32
        %swap3A_492 = arith.constant 0 : i32
        %swap3A_493 = arith.index_cast %swap3A_492 : i32 to index
        %swap3A_494 = arith.index_cast %mul3A_491 : i32 to index
        %swap3A_495 = tpu.vector_load %arg6[%swap3A_493, %swap3A_494] {strides = array<i32>} : memref<8x3136xf32, #tpu.memory_space<vmem>>, vector<16xf32>,
        tpu.vector_store %arg6[%swap3A_493, %swap3A_494], %select_n3A_489 {strides = array<i32>} : memref<8x3136xf32, #tpu.memory_space<vmem>>, vector<16xf32>,
        %select_n3A_496 = arith.select %broadcast_in_dim3A_50, %get3A_488, %get3A_482 : vector<16xi1>, vector<16xf32>
        %mul3A_497 = arith.constant 16 : i32
        %mul3A_498 = arith.muli %scan3A_476, %mul3A_497 : i32
        %swap3A_499 = arith.constant 0 : i32
        %swap3A_500 = arith.index_cast %swap3A_499 : i32 to index
        %swap3A_501 = arith.index_cast %mul3A_498 : i32 to index
        %swap3A_502 = tpu.vector_load %arg7[%swap3A_500, %swap3A_501] {strides = array<i32>} : memref<8x3136xf32, #tpu.memory_space<vmem>>, vector<16xf32>,
        tpu.vector_store %arg7[%swap3A_500, %swap3A_501], %select_n3A_496 {strides = array<i32>} : memref<8x3136xf32, #tpu.memory_space<vmem>>, vector<16xf32>,
        %scan3A_503 = arith.constant 4 : i32
        %scan3A_504 = arith.addi %scan3A_395, %scan3A_503 : i32
        %mul3A_505 = arith.constant 16 : i32
        %mul3A_506 = arith.muli %scan3A_504, %mul3A_505 : i32
        %get3A_507 = arith.constant 0 : i32
        %get3A_508 = arith.index_cast %get3A_507 : i32 to index
        %get3A_509 = arith.index_cast %mul3A_506 : i32 to index
        %get3A_510 = tpu.vector_load %arg4[%get3A_508, %get3A_509] {strides = array<i32>} : memref<8x3136xf32, #tpu.memory_space<vmem>>, vector<16xf32>,
        %mul3A_511 = arith.constant 16 : i32
        %mul3A_512 = arith.muli %scan3A_504, %mul3A_511 : i32
        %get3A_513 = arith.constant 0 : i32
        %get3A_514 = arith.index_cast %get3A_513 : i32 to index
        %get3A_515 = arith.index_cast %mul3A_512 : i32 to index
        %get3A_516 = tpu.vector_load %arg5[%get3A_514, %get3A_515] {strides = array<i32>} : memref<8x3136xf32, #tpu.memory_space<vmem>>, vector<16xf32>,
        %select_n3A_517 = arith.select %broadcast_in_dim3A_47, %get3A_510, %get3A_516 : vector<16xi1>, vector<16xf32>
        %mul3A_518 = arith.constant 16 : i32
        %mul3A_519 = arith.muli %scan3A_504, %mul3A_518 : i32
        %swap3A_520 = arith.constant 0 : i32
        %swap3A_521 = arith.index_cast %swap3A_520 : i32 to index
        %swap3A_522 = arith.index_cast %mul3A_519 : i32 to index
        %swap3A_523 = tpu.vector_load %arg6[%swap3A_521, %swap3A_522] {strides = array<i32>} : memref<8x3136xf32, #tpu.memory_space<vmem>>, vector<16xf32>,
        tpu.vector_store %arg6[%swap3A_521, %swap3A_522], %select_n3A_517 {strides = array<i32>} : memref<8x3136xf32, #tpu.memory_space<vmem>>, vector<16xf32>,
        %select_n3A_524 = arith.select %broadcast_in_dim3A_50, %get3A_516, %get3A_510 : vector<16xi1>, vector<16xf32>
        %mul3A_525 = arith.constant 16 : i32
        %mul3A_526 = arith.muli %scan3A_504, %mul3A_525 : i32
        %swap3A_527 = arith.constant 0 : i32
        %swap3A_528 = arith.index_cast %swap3A_527 : i32 to index
        %swap3A_529 = arith.index_cast %mul3A_526 : i32 to index
        %swap3A_530 = tpu.vector_load %arg7[%swap3A_528, %swap3A_529] {strides = array<i32>} : memref<8x3136xf32, #tpu.memory_space<vmem>>, vector<16xf32>,
        tpu.vector_store %arg7[%swap3A_528, %swap3A_529], %select_n3A_524 {strides = array<i32>} : memref<8x3136xf32, #tpu.memory_space<vmem>>, vector<16xf32>,
        %scan3A_531 = arith.constant 5 : i32
        %scan3A_532 = arith.addi %scan3A_395, %scan3A_531 : i32
        %mul3A_533 = arith.constant 16 : i32
        %mul3A_534 = arith.muli %scan3A_532, %mul3A_533 : i32
        %get3A_535 = arith.constant 0 : i32
        %get3A_536 = arith.index_cast %get3A_535 : i32 to index
        %get3A_537 = arith.index_cast %mul3A_534 : i32 to index
        %get3A_538 = tpu.vector_load %arg4[%get3A_536, %get3A_537] {strides = array<i32>} : memref<8x3136xf32, #tpu.memory_space<vmem>>, vector<16xf32>,
        %mul3A_539 = arith.constant 16 : i32
        %mul3A_540 = arith.muli %scan3A_532, %mul3A_539 : i32
        %get3A_541 = arith.constant 0 : i32
        %get3A_542 = arith.index_cast %get3A_541 : i32 to index
        %get3A_543 = arith.index_cast %mul3A_540 : i32 to index
        %get3A_544 = tpu.vector_load %arg5[%get3A_542, %get3A_543] {strides = array<i32>} : memref<8x3136xf32, #tpu.memory_space<vmem>>, vector<16xf32>,
        %select_n3A_545 = arith.select %broadcast_in_dim3A_47, %get3A_538, %get3A_544 : vector<16xi1>, vector<16xf32>
        %mul3A_546 = arith.constant 16 : i32
        %mul3A_547 = arith.muli %scan3A_532, %mul3A_546 : i32
        %swap3A_548 = arith.constant 0 : i32
        %swap3A_549 = arith.index_cast %swap3A_548 : i32 to index
        %swap3A_550 = arith.index_cast %mul3A_547 : i32 to index
        %swap3A_551 = tpu.vector_load %arg6[%swap3A_549, %swap3A_550] {strides = array<i32>} : memref<8x3136xf32, #tpu.memory_space<vmem>>, vector<16xf32>,
        tpu.vector_store %arg6[%swap3A_549, %swap3A_550], %select_n3A_545 {strides = array<i32>} : memref<8x3136xf32, #tpu.memory_space<vmem>>, vector<16xf32>,
        %select_n3A_552 = arith.select %broadcast_in_dim3A_50, %get3A_544, %get3A_538 : vector<16xi1>, vector<16xf32>
        %mul3A_553 = arith.constant 16 : i32
        %mul3A_554 = arith.muli %scan3A_532, %mul3A_553 : i32
        %swap3A_555 = arith.constant 0 : i32
        %swap3A_556 = arith.index_cast %swap3A_555 : i32 to index
        %swap3A_557 = arith.index_cast %mul3A_554 : i32 to index
        %swap3A_558 = tpu.vector_load %arg7[%swap3A_556, %swap3A_557] {strides = array<i32>} : memref<8x3136xf32, #tpu.memory_space<vmem>>, vector<16xf32>,
        tpu.vector_store %arg7[%swap3A_556, %swap3A_557], %select_n3A_552 {strides = array<i32>} : memref<8x3136xf32, #tpu.memory_space<vmem>>, vector<16xf32>,
        %scan3A_559 = arith.constant 6 : i32
        %scan3A_560 = arith.addi %scan3A_395, %scan3A_559 : i32
        %mul3A_561 = arith.constant 16 : i32
        %mul3A_562 = arith.muli %scan3A_560, %mul3A_561 : i32
        %get3A_563 = arith.constant 0 : i32
        %get3A_564 = arith.index_cast %get3A_563 : i32 to index
        %get3A_565 = arith.index_cast %mul3A_562 : i32 to index
        %get3A_566 = tpu.vector_load %arg4[%get3A_564, %get3A_565] {strides = array<i32>} : memref<8x3136xf32, #tpu.memory_space<vmem>>, vector<16xf32>,
        %mul3A_567 = arith.constant 16 : i32
        %mul3A_568 = arith.muli %scan3A_560, %mul3A_567 : i32
        %get3A_569 = arith.constant 0 : i32
        %get3A_570 = arith.index_cast %get3A_569 : i32 to index
        %get3A_571 = arith.index_cast %mul3A_568 : i32 to index
        %get3A_572 = tpu.vector_load %arg5[%get3A_570, %get3A_571] {strides = array<i32>} : memref<8x3136xf32, #tpu.memory_space<vmem>>, vector<16xf32>,
        %select_n3A_573 = arith.select %broadcast_in_dim3A_47, %get3A_566, %get3A_572 : vector<16xi1>, vector<16xf32>
        %mul3A_574 = arith.constant 16 : i32
        %mul3A_575 = arith.muli %scan3A_560, %mul3A_574 : i32
        %swap3A_576 = arith.constant 0 : i32
        %swap3A_577 = arith.index_cast %swap3A_576 : i32 to index
        %swap3A_578 = arith.index_cast %mul3A_575 : i32 to index
        %swap3A_579 = tpu.vector_load %arg6[%swap3A_577, %swap3A_578] {strides = array<i32>} : memref<8x3136xf32, #tpu.memory_space<vmem>>, vector<16xf32>,
        tpu.vector_store %arg6[%swap3A_577, %swap3A_578], %select_n3A_573 {strides = array<i32>} : memref<8x3136xf32, #tpu.memory_space<vmem>>, vector<16xf32>,
        %select_n3A_580 = arith.select %broadcast_in_dim3A_50, %get3A_572, %get3A_566 : vector<16xi1>, vector<16xf32>
        %mul3A_581 = arith.constant 16 : i32
        %mul3A_582 = arith.muli %scan3A_560, %mul3A_581 : i32
        %swap3A_583 = arith.constant 0 : i32
        %swap3A_584 = arith.index_cast %swap3A_583 : i32 to index
        %swap3A_585 = arith.index_cast %mul3A_582 : i32 to index
        %swap3A_586 = tpu.vector_load %arg7[%swap3A_584, %swap3A_585] {strides = array<i32>} : memref<8x3136xf32, #tpu.memory_space<vmem>>, vector<16xf32>,
        tpu.vector_store %arg7[%swap3A_584, %swap3A_585], %select_n3A_580 {strides = array<i32>} : memref<8x3136xf32, #tpu.memory_space<vmem>>, vector<16xf32>,
      }
      %scan3A_56 = arith.constant 196 : i32
      %broadcast_in_dim3A_57 = arith.constant 0.000000e+00 : f32
      %broadcast_in_dim3A_58 = vector.broadcast %broadcast_in_dim3A_57 : f32 to vector<16xf32>
      %scan3A_59 = arith.constant 0 : i32
      %scan3A_60 = arith.constant 196 : i32
      %scan3A_61 = arith.addi %scan3A_59, %scan3A_60 : i32
      %scan3A_62 = arith.constant 7 : i32
      %scan3A_63:4 = scf.for %scan3A_395 = %scan3A_59 to %scan3A_61 step %scan3A_62 iter_args(%scan3A_396 = %broadcast_in_dim3A_58, %scan3A_397 = %broadcast_in_dim3A_58, %scan3A_398 = %broadcast_in_dim3A_58, %scan3A_399 = %broadcast_in_dim3A_58) -> (vector<16xf32>, vector<16xf32>, vector<16xf32>, vector<16xf32>)  : i32 {
        %mul3A_400 = arith.constant 16 : i32
        %mul3A_401 = arith.muli %scan3A_395, %mul3A_400 : i32
        %get3A = arith.constant 1 : i32
        %get3A_402 = arith.index_cast %get3A : i32 to index
        %get3A_403 = arith.index_cast %mul3A_401 : i32 to index
        %get3A_404 = tpu.vector_load %arg4[%get3A_402, %get3A_403] {strides = array<i32>} : memref<8x3136xf32, #tpu.memory_space<vmem>>, vector<16xf32>,
        %mul3A_405 = arith.constant 16 : i32
        %mul3A_406 = arith.muli %scan3A_395, %mul3A_405 : i32
        %get3A_407 = arith.constant 1 : i32
        %get3A_408 = arith.index_cast %get3A_407 : i32 to index
        %get3A_409 = arith.index_cast %mul3A_406 : i32 to index
        %get3A_410 = tpu.vector_load %arg5[%get3A_408, %get3A_409] {strides = array<i32>} : memref<8x3136xf32, #tpu.memory_space<vmem>>, vector<16xf32>,
        %add3A_411 = arith.addf %scan3A_396, %get3A_404 : vector<16xf32>
        %mul3A_412 = arith.mulf %get3A_404, %get3A_404 : vector<16xf32>
        %add3A_413 = arith.addf %scan3A_397, %mul3A_412 : vector<16xf32>
        %add3A_414 = arith.addf %scan3A_398, %get3A_410 : vector<16xf32>
        %mul3A_415 = arith.mulf %get3A_410, %get3A_410 : vector<16xf32>
        %add3A_416 = arith.addf %scan3A_399, %mul3A_415 : vector<16xf32>
        %scan3A_417 = arith.constant 1 : i32
        %scan3A_418 = arith.addi %scan3A_395, %scan3A_417 : i32
        %mul3A_419 = arith.constant 16 : i32
        %mul3A_420 = arith.muli %scan3A_418, %mul3A_419 : i32
        %get3A_421 = arith.constant 1 : i32
        %get3A_422 = arith.index_cast %get3A_421 : i32 to index
        %get3A_423 = arith.index_cast %mul3A_420 : i32 to index
        %get3A_424 = tpu.vector_load %arg4[%get3A_422, %get3A_423] {strides = array<i32>} : memref<8x3136xf32, #tpu.memory_space<vmem>>, vector<16xf32>,
        %mul3A_425 = arith.constant 16 : i32
        %mul3A_426 = arith.muli %scan3A_418, %mul3A_425 : i32
        %get3A_427 = arith.constant 1 : i32
        %get3A_428 = arith.index_cast %get3A_427 : i32 to index
        %get3A_429 = arith.index_cast %mul3A_426 : i32 to index
        %get3A_430 = tpu.vector_load %arg5[%get3A_428, %get3A_429] {strides = array<i32>} : memref<8x3136xf32, #tpu.memory_space<vmem>>, vector<16xf32>,
        %add3A_431 = arith.addf %add3A_411, %get3A_424 : vector<16xf32>
        %mul3A_432 = arith.mulf %get3A_424, %get3A_424 : vector<16xf32>
        %add3A_433 = arith.addf %add3A_413, %mul3A_432 : vector<16xf32>
        %add3A_434 = arith.addf %add3A_414, %get3A_430 : vector<16xf32>
        %mul3A_435 = arith.mulf %get3A_430, %get3A_430 : vector<16xf32>
        %add3A_436 = arith.addf %add3A_416, %mul3A_435 : vector<16xf32>
        %scan3A_437 = arith.constant 2 : i32
        %scan3A_438 = arith.addi %scan3A_395, %scan3A_437 : i32
        %mul3A_439 = arith.constant 16 : i32
        %mul3A_440 = arith.muli %scan3A_438, %mul3A_439 : i32
        %get3A_441 = arith.constant 1 : i32
        %get3A_442 = arith.index_cast %get3A_441 : i32 to index
        %get3A_443 = arith.index_cast %mul3A_440 : i32 to index
        %get3A_444 = tpu.vector_load %arg4[%get3A_442, %get3A_443] {strides = array<i32>} : memref<8x3136xf32, #tpu.memory_space<vmem>>, vector<16xf32>,
        %mul3A_445 = arith.constant 16 : i32
        %mul3A_446 = arith.muli %scan3A_438, %mul3A_445 : i32
        %get3A_447 = arith.constant 1 : i32
        %get3A_448 = arith.index_cast %get3A_447 : i32 to index
        %get3A_449 = arith.index_cast %mul3A_446 : i32 to index
        %get3A_450 = tpu.vector_load %arg5[%get3A_448, %get3A_449] {strides = array<i32>} : memref<8x3136xf32, #tpu.memory_space<vmem>>, vector<16xf32>,
        %add3A_451 = arith.addf %add3A_431, %get3A_444 : vector<16xf32>
        %mul3A_452 = arith.mulf %get3A_444, %get3A_444 : vector<16xf32>
        %add3A_453 = arith.addf %add3A_433, %mul3A_452 : vector<16xf32>
        %add3A_454 = arith.addf %add3A_434, %get3A_450 : vector<16xf32>
        %mul3A_455 = arith.mulf %get3A_450, %get3A_450 : vector<16xf32>
        %add3A_456 = arith.addf %add3A_436, %mul3A_455 : vector<16xf32>
        %scan3A_457 = arith.constant 3 : i32
        %scan3A_458 = arith.addi %scan3A_395, %scan3A_457 : i32
        %mul3A_459 = arith.constant 16 : i32
        %mul3A_460 = arith.muli %scan3A_458, %mul3A_459 : i32
        %get3A_461 = arith.constant 1 : i32
        %get3A_462 = arith.index_cast %get3A_461 : i32 to index
        %get3A_463 = arith.index_cast %mul3A_460 : i32 to index
        %get3A_464 = tpu.vector_load %arg4[%get3A_462, %get3A_463] {strides = array<i32>} : memref<8x3136xf32, #tpu.memory_space<vmem>>, vector<16xf32>,
        %mul3A_465 = arith.constant 16 : i32
        %mul3A_466 = arith.muli %scan3A_458, %mul3A_465 : i32
        %get3A_467 = arith.constant 1 : i32
        %get3A_468 = arith.index_cast %get3A_467 : i32 to index
        %get3A_469 = arith.index_cast %mul3A_466 : i32 to index
        %get3A_470 = tpu.vector_load %arg5[%get3A_468, %get3A_469] {strides = array<i32>} : memref<8x3136xf32, #tpu.memory_space<vmem>>, vector<16xf32>,
        %add3A_471 = arith.addf %add3A_451, %get3A_464 : vector<16xf32>
        %mul3A_472 = arith.mulf %get3A_464, %get3A_464 : vector<16xf32>
        %add3A_473 = arith.addf %add3A_453, %mul3A_472 : vector<16xf32>
        %add3A_474 = arith.addf %add3A_454, %get3A_470 : vector<16xf32>
        %mul3A_475 = arith.mulf %get3A_470, %get3A_470 : vector<16xf32>
        %add3A_476 = arith.addf %add3A_456, %mul3A_475 : vector<16xf32>
        %scan3A_477 = arith.constant 4 : i32
        %scan3A_478 = arith.addi %scan3A_395, %scan3A_477 : i32
        %mul3A_479 = arith.constant 16 : i32
        %mul3A_480 = arith.muli %scan3A_478, %mul3A_479 : i32
        %get3A_481 = arith.constant 1 : i32
        %get3A_482 = arith.index_cast %get3A_481 : i32 to index
        %get3A_483 = arith.index_cast %mul3A_480 : i32 to index
        %get3A_484 = tpu.vector_load %arg4[%get3A_482, %get3A_483] {strides = array<i32>} : memref<8x3136xf32, #tpu.memory_space<vmem>>, vector<16xf32>,
        %mul3A_485 = arith.constant 16 : i32
        %mul3A_486 = arith.muli %scan3A_478, %mul3A_485 : i32
        %get3A_487 = arith.constant 1 : i32
        %get3A_488 = arith.index_cast %get3A_487 : i32 to index
        %get3A_489 = arith.index_cast %mul3A_486 : i32 to index
        %get3A_490 = tpu.vector_load %arg5[%get3A_488, %get3A_489] {strides = array<i32>} : memref<8x3136xf32, #tpu.memory_space<vmem>>, vector<16xf32>,
        %add3A_491 = arith.addf %add3A_471, %get3A_484 : vector<16xf32>
        %mul3A_492 = arith.mulf %get3A_484, %get3A_484 : vector<16xf32>
        %add3A_493 = arith.addf %add3A_473, %mul3A_492 : vector<16xf32>
        %add3A_494 = arith.addf %add3A_474, %get3A_490 : vector<16xf32>
        %mul3A_495 = arith.mulf %get3A_490, %get3A_490 : vector<16xf32>
        %add3A_496 = arith.addf %add3A_476, %mul3A_495 : vector<16xf32>
        %scan3A_497 = arith.constant 5 : i32
        %scan3A_498 = arith.addi %scan3A_395, %scan3A_497 : i32
        %mul3A_499 = arith.constant 16 : i32
        %mul3A_500 = arith.muli %scan3A_498, %mul3A_499 : i32
        %get3A_501 = arith.constant 1 : i32
        %get3A_502 = arith.index_cast %get3A_501 : i32 to index
        %get3A_503 = arith.index_cast %mul3A_500 : i32 to index
        %get3A_504 = tpu.vector_load %arg4[%get3A_502, %get3A_503] {strides = array<i32>} : memref<8x3136xf32, #tpu.memory_space<vmem>>, vector<16xf32>,
        %mul3A_505 = arith.constant 16 : i32
        %mul3A_506 = arith.muli %scan3A_498, %mul3A_505 : i32
        %get3A_507 = arith.constant 1 : i32
        %get3A_508 = arith.index_cast %get3A_507 : i32 to index
        %get3A_509 = arith.index_cast %mul3A_506 : i32 to index
        %get3A_510 = tpu.vector_load %arg5[%get3A_508, %get3A_509] {strides = array<i32>} : memref<8x3136xf32, #tpu.memory_space<vmem>>, vector<16xf32>,
        %add3A_511 = arith.addf %add3A_491, %get3A_504 : vector<16xf32>
        %mul3A_512 = arith.mulf %get3A_504, %get3A_504 : vector<16xf32>
        %add3A_513 = arith.addf %add3A_493, %mul3A_512 : vector<16xf32>
        %add3A_514 = arith.addf %add3A_494, %get3A_510 : vector<16xf32>
        %mul3A_515 = arith.mulf %get3A_510, %get3A_510 : vector<16xf32>
        %add3A_516 = arith.addf %add3A_496, %mul3A_515 : vector<16xf32>
        %scan3A_517 = arith.constant 6 : i32
        %scan3A_518 = arith.addi %scan3A_395, %scan3A_517 : i32
        %mul3A_519 = arith.constant 16 : i32
        %mul3A_520 = arith.muli %scan3A_518, %mul3A_519 : i32
        %get3A_521 = arith.constant 1 : i32
        %get3A_522 = arith.index_cast %get3A_521 : i32 to index
        %get3A_523 = arith.index_cast %mul3A_520 : i32 to index
        %get3A_524 = tpu.vector_load %arg4[%get3A_522, %get3A_523] {strides = array<i32>} : memref<8x3136xf32, #tpu.memory_space<vmem>>, vector<16xf32>,
        %mul3A_525 = arith.constant 16 : i32
        %mul3A_526 = arith.muli %scan3A_518, %mul3A_525 : i32
        %get3A_527 = arith.constant 1 : i32
        %get3A_528 = arith.index_cast %get3A_527 : i32 to index
        %get3A_529 = arith.index_cast %mul3A_526 : i32 to index
        %get3A_530 = tpu.vector_load %arg5[%get3A_528, %get3A_529] {strides = array<i32>} : memref<8x3136xf32, #tpu.memory_space<vmem>>, vector<16xf32>,
        %add3A_531 = arith.addf %add3A_511, %get3A_524 : vector<16xf32>
        %mul3A_532 = arith.mulf %get3A_524, %get3A_524 : vector<16xf32>
        %add3A_533 = arith.addf %add3A_513, %mul3A_532 : vector<16xf32>
        %add3A_534 = arith.addf %add3A_514, %get3A_530 : vector<16xf32>
        %mul3A_535 = arith.mulf %get3A_530, %get3A_530 : vector<16xf32>
        %add3A_536 = arith.addf %add3A_516, %mul3A_535 : vector<16xf32>
        scf.yield %add3A_531, %add3A_533, %add3A_534, %add3A_536 : vector<16xf32>, vector<16xf32>, vector<16xf32>, vector<16xf32>
      }
      %scan3A_64 = arith.constant 196 : i32
      %reduce_sum3A_65 = arith.constant true
      %reduce_sum3A_66 = vector.broadcast %reduce_sum3A_65 : i1 to vector<16xi1>
      %reduce_sum3A_67 = tpu.scan <sum>, %scan3A_63#0 masked %reduce_sum3A_66 : vector<16xf32>, vector<16xi1> -> vector<16xf32>
      %reduce_sum3A_68 = vector.extract %reduce_sum3A_67[15] : f32 from vector<16xf32>
      %reduce_sum3A_69 = arith.constant true
      %reduce_sum3A_70 = vector.broadcast %reduce_sum3A_69 : i1 to vector<16xi1>
      %reduce_sum3A_71 = tpu.scan <sum>, %scan3A_63#1 masked %reduce_sum3A_70 : vector<16xf32>, vector<16xi1> -> vector<16xf32>
      %reduce_sum3A_72 = vector.extract %reduce_sum3A_71[15] : f32 from vector<16xf32>
      %reduce_sum3A_73 = arith.constant true
      %reduce_sum3A_74 = vector.broadcast %reduce_sum3A_73 : i1 to vector<16xi1>
      %reduce_sum3A_75 = tpu.scan <sum>, %scan3A_63#2 masked %reduce_sum3A_74 : vector<16xf32>, vector<16xi1> -> vector<16xf32>
      %reduce_sum3A_76 = vector.extract %reduce_sum3A_75[15] : f32 from vector<16xf32>
      %reduce_sum3A_77 = arith.constant true
      %reduce_sum3A_78 = vector.broadcast %reduce_sum3A_77 : i1 to vector<16xi1>
      %reduce_sum3A_79 = tpu.scan <sum>, %scan3A_63#3 masked %reduce_sum3A_78 : vector<16xf32>, vector<16xi1> -> vector<16xf32>
      %reduce_sum3A_80 = vector.extract %reduce_sum3A_79[15] : f32 from vector<16xf32>
      %mul3A_81 = arith.mulf %reduce_sum3A_68, %reduce_sum3A_68 : f32
      %mul3A_82 = arith.constant 3.18877544E-4 : f32
      %mul3A_83 = arith.mulf %mul3A_81, %mul3A_82 : f32
      %sub3A_84 = arith.subf %reduce_sum3A_72, %mul3A_83 : f32
      %mul3A_85 = arith.constant 3.18979262E-4 : f32
      %mul3A_86 = arith.mulf %sub3A_84, %mul3A_85 : f32
      %mul3A_87 = arith.mulf %reduce_sum3A_76, %reduce_sum3A_76 : f32
      %mul3A_88 = arith.constant 3.18877544E-4 : f32
      %mul3A_89 = arith.mulf %mul3A_87, %mul3A_88 : f32
      %sub3A_90 = arith.subf %reduce_sum3A_80, %mul3A_89 : f32
      %mul3A_91 = arith.constant 3.18979262E-4 : f32
      %mul3A_92 = arith.mulf %sub3A_90, %mul3A_91 : f32
      %ge3A_93 = arith.constant 0.00999999977 : f32
      %ge3A_94 = arith.cmpf oge, %mul3A_86, %ge3A_93 : f32
      %broadcast_in_dim3A_95 = vector.broadcast %ge3A_94 : i1 to vector<16xi1>
      %ge3A_96 = arith.constant 0.00999999977 : f32
      %ge3A_97 = arith.cmpf oge, %mul3A_92, %ge3A_96 : f32
      %broadcast_in_dim3A_98 = vector.broadcast %ge3A_97 : i1 to vector<16xi1>
      %scan3A_99 = arith.constant 0 : i32
      %scan3A_100 = arith.constant 0 : i32
      %scan3A_101 = arith.constant 196 : i32
      %scan3A_102 = arith.addi %scan3A_100, %scan3A_101 : i32
      %scan3A_103 = arith.constant 7 : i32
      scf.for %scan3A_395 = %scan3A_100 to %scan3A_102 step %scan3A_103  : i32 {
        %mul3A_396 = arith.constant 16 : i32
        %mul3A_397 = arith.muli %scan3A_395, %mul3A_396 : i32
        %get3A = arith.constant 1 : i32
        %get3A_398 = arith.index_cast %get3A : i32 to index
        %get3A_399 = arith.index_cast %mul3A_397 : i32 to index
        %get3A_400 = tpu.vector_load %arg4[%get3A_398, %get3A_399] {strides = array<i32>} : memref<8x3136xf32, #tpu.memory_space<vmem>>, vector<16xf32>,
        %mul3A_401 = arith.constant 16 : i32
        %mul3A_402 = arith.muli %scan3A_395, %mul3A_401 : i32
        %get3A_403 = arith.constant 1 : i32
        %get3A_404 = arith.index_cast %get3A_403 : i32 to index
        %get3A_405 = arith.index_cast %mul3A_402 : i32 to index
        %get3A_406 = tpu.vector_load %arg5[%get3A_404, %get3A_405] {strides = array<i32>} : memref<8x3136xf32, #tpu.memory_space<vmem>>, vector<16xf32>,
        %select_n3A = arith.select %broadcast_in_dim3A_95, %get3A_400, %get3A_406 : vector<16xi1>, vector<16xf32>
        %mul3A_407 = arith.constant 16 : i32
        %mul3A_408 = arith.muli %scan3A_395, %mul3A_407 : i32
        %swap3A = arith.constant 1 : i32
        %swap3A_409 = arith.index_cast %swap3A : i32 to index
        %swap3A_410 = arith.index_cast %mul3A_408 : i32 to index
        %swap3A_411 = tpu.vector_load %arg6[%swap3A_409, %swap3A_410] {strides = array<i32>} : memref<8x3136xf32, #tpu.memory_space<vmem>>, vector<16xf32>,
        tpu.vector_store %arg6[%swap3A_409, %swap3A_410], %select_n3A {strides = array<i32>} : memref<8x3136xf32, #tpu.memory_space<vmem>>, vector<16xf32>,
        %select_n3A_412 = arith.select %broadcast_in_dim3A_98, %get3A_406, %get3A_400 : vector<16xi1>, vector<16xf32>
        %mul3A_413 = arith.constant 16 : i32
        %mul3A_414 = arith.muli %scan3A_395, %mul3A_413 : i32
        %swap3A_415 = arith.constant 1 : i32
        %swap3A_416 = arith.index_cast %swap3A_415 : i32 to index
        %swap3A_417 = arith.index_cast %mul3A_414 : i32 to index
        %swap3A_418 = tpu.vector_load %arg7[%swap3A_416, %swap3A_417] {strides = array<i32>} : memref<8x3136xf32, #tpu.memory_space<vmem>>, vector<16xf32>,
        tpu.vector_store %arg7[%swap3A_416, %swap3A_417], %select_n3A_412 {strides = array<i32>} : memref<8x3136xf32, #tpu.memory_space<vmem>>, vector<16xf32>,
        %scan3A_419 = arith.constant 1 : i32
        %scan3A_420 = arith.addi %scan3A_395, %scan3A_419 : i32
        %mul3A_421 = arith.constant 16 : i32
        %mul3A_422 = arith.muli %scan3A_420, %mul3A_421 : i32
        %get3A_423 = arith.constant 1 : i32
        %get3A_424 = arith.index_cast %get3A_423 : i32 to index
        %get3A_425 = arith.index_cast %mul3A_422 : i32 to index
        %get3A_426 = tpu.vector_load %arg4[%get3A_424, %get3A_425] {strides = array<i32>} : memref<8x3136xf32, #tpu.memory_space<vmem>>, vector<16xf32>,
        %mul3A_427 = arith.constant 16 : i32
        %mul3A_428 = arith.muli %scan3A_420, %mul3A_427 : i32
        %get3A_429 = arith.constant 1 : i32
        %get3A_430 = arith.index_cast %get3A_429 : i32 to index
        %get3A_431 = arith.index_cast %mul3A_428 : i32 to index
        %get3A_432 = tpu.vector_load %arg5[%get3A_430, %get3A_431] {strides = array<i32>} : memref<8x3136xf32, #tpu.memory_space<vmem>>, vector<16xf32>,
        %select_n3A_433 = arith.select %broadcast_in_dim3A_95, %get3A_426, %get3A_432 : vector<16xi1>, vector<16xf32>
        %mul3A_434 = arith.constant 16 : i32
        %mul3A_435 = arith.muli %scan3A_420, %mul3A_434 : i32
        %swap3A_436 = arith.constant 1 : i32
        %swap3A_437 = arith.index_cast %swap3A_436 : i32 to index
        %swap3A_438 = arith.index_cast %mul3A_435 : i32 to index
        %swap3A_439 = tpu.vector_load %arg6[%swap3A_437, %swap3A_438] {strides = array<i32>} : memref<8x3136xf32, #tpu.memory_space<vmem>>, vector<16xf32>,
        tpu.vector_store %arg6[%swap3A_437, %swap3A_438], %select_n3A_433 {strides = array<i32>} : memref<8x3136xf32, #tpu.memory_space<vmem>>, vector<16xf32>,
        %select_n3A_440 = arith.select %broadcast_in_dim3A_98, %get3A_432, %get3A_426 : vector<16xi1>, vector<16xf32>
        %mul3A_441 = arith.constant 16 : i32
        %mul3A_442 = arith.muli %scan3A_420, %mul3A_441 : i32
        %swap3A_443 = arith.constant 1 : i32
        %swap3A_444 = arith.index_cast %swap3A_443 : i32 to index
        %swap3A_445 = arith.index_cast %mul3A_442 : i32 to index
        %swap3A_446 = tpu.vector_load %arg7[%swap3A_444, %swap3A_445] {strides = array<i32>} : memref<8x3136xf32, #tpu.memory_space<vmem>>, vector<16xf32>,
        tpu.vector_store %arg7[%swap3A_444, %swap3A_445], %select_n3A_440 {strides = array<i32>} : memref<8x3136xf32, #tpu.memory_space<vmem>>, vector<16xf32>,
        %scan3A_447 = arith.constant 2 : i32
        %scan3A_448 = arith.addi %scan3A_395, %scan3A_447 : i32
        %mul3A_449 = arith.constant 16 : i32
        %mul3A_450 = arith.muli %scan3A_448, %mul3A_449 : i32
        %get3A_451 = arith.constant 1 : i32
        %get3A_452 = arith.index_cast %get3A_451 : i32 to index
        %get3A_453 = arith.index_cast %mul3A_450 : i32 to index
        %get3A_454 = tpu.vector_load %arg4[%get3A_452, %get3A_453] {strides = array<i32>} : memref<8x3136xf32, #tpu.memory_space<vmem>>, vector<16xf32>,
        %mul3A_455 = arith.constant 16 : i32
        %mul3A_456 = arith.muli %scan3A_448, %mul3A_455 : i32
        %get3A_457 = arith.constant 1 : i32
        %get3A_458 = arith.index_cast %get3A_457 : i32 to index
        %get3A_459 = arith.index_cast %mul3A_456 : i32 to index
        %get3A_460 = tpu.vector_load %arg5[%get3A_458, %get3A_459] {strides = array<i32>} : memref<8x3136xf32, #tpu.memory_space<vmem>>, vector<16xf32>,
        %select_n3A_461 = arith.select %broadcast_in_dim3A_95, %get3A_454, %get3A_460 : vector<16xi1>, vector<16xf32>
        %mul3A_462 = arith.constant 16 : i32
        %mul3A_463 = arith.muli %scan3A_448, %mul3A_462 : i32
        %swap3A_464 = arith.constant 1 : i32
        %swap3A_465 = arith.index_cast %swap3A_464 : i32 to index
        %swap3A_466 = arith.index_cast %mul3A_463 : i32 to index
        %swap3A_467 = tpu.vector_load %arg6[%swap3A_465, %swap3A_466] {strides = array<i32>} : memref<8x3136xf32, #tpu.memory_space<vmem>>, vector<16xf32>,
        tpu.vector_store %arg6[%swap3A_465, %swap3A_466], %select_n3A_461 {strides = array<i32>} : memref<8x3136xf32, #tpu.memory_space<vmem>>, vector<16xf32>,
        %select_n3A_468 = arith.select %broadcast_in_dim3A_98, %get3A_460, %get3A_454 : vector<16xi1>, vector<16xf32>
        %mul3A_469 = arith.constant 16 : i32
        %mul3A_470 = arith.muli %scan3A_448, %mul3A_469 : i32
        %swap3A_471 = arith.constant 1 : i32
        %swap3A_472 = arith.index_cast %swap3A_471 : i32 to index
        %swap3A_473 = arith.index_cast %mul3A_470 : i32 to index
        %swap3A_474 = tpu.vector_load %arg7[%swap3A_472, %swap3A_473] {strides = array<i32>} : memref<8x3136xf32, #tpu.memory_space<vmem>>, vector<16xf32>,
        tpu.vector_store %arg7[%swap3A_472, %swap3A_473], %select_n3A_468 {strides = array<i32>} : memref<8x3136xf32, #tpu.memory_space<vmem>>, vector<16xf32>,
        %scan3A_475 = arith.constant 3 : i32
        %scan3A_476 = arith.addi %scan3A_395, %scan3A_475 : i32
        %mul3A_477 = arith.constant 16 : i32
        %mul3A_478 = arith.muli %scan3A_476, %mul3A_477 : i32
        %get3A_479 = arith.constant 1 : i32
        %get3A_480 = arith.index_cast %get3A_479 : i32 to index
        %get3A_481 = arith.index_cast %mul3A_478 : i32 to index
        %get3A_482 = tpu.vector_load %arg4[%get3A_480, %get3A_481] {strides = array<i32>} : memref<8x3136xf32, #tpu.memory_space<vmem>>, vector<16xf32>,
        %mul3A_483 = arith.constant 16 : i32
        %mul3A_484 = arith.muli %scan3A_476, %mul3A_483 : i32
        %get3A_485 = arith.constant 1 : i32
        %get3A_486 = arith.index_cast %get3A_485 : i32 to index
        %get3A_487 = arith.index_cast %mul3A_484 : i32 to index
        %get3A_488 = tpu.vector_load %arg5[%get3A_486, %get3A_487] {strides = array<i32>} : memref<8x3136xf32, #tpu.memory_space<vmem>>, vector<16xf32>,
        %select_n3A_489 = arith.select %broadcast_in_dim3A_95, %get3A_482, %get3A_488 : vector<16xi1>, vector<16xf32>
        %mul3A_490 = arith.constant 16 : i32
        %mul3A_491 = arith.muli %scan3A_476, %mul3A_490 : i32
        %swap3A_492 = arith.constant 1 : i32
        %swap3A_493 = arith.index_cast %swap3A_492 : i32 to index
        %swap3A_494 = arith.index_cast %mul3A_491 : i32 to index
        %swap3A_495 = tpu.vector_load %arg6[%swap3A_493, %swap3A_494] {strides = array<i32>} : memref<8x3136xf32, #tpu.memory_space<vmem>>, vector<16xf32>,
        tpu.vector_store %arg6[%swap3A_493, %swap3A_494], %select_n3A_489 {strides = array<i32>} : memref<8x3136xf32, #tpu.memory_space<vmem>>, vector<16xf32>,
        %select_n3A_496 = arith.select %broadcast_in_dim3A_98, %get3A_488, %get3A_482 : vector<16xi1>, vector<16xf32>
        %mul3A_497 = arith.constant 16 : i32
        %mul3A_498 = arith.muli %scan3A_476, %mul3A_497 : i32
        %swap3A_499 = arith.constant 1 : i32
        %swap3A_500 = arith.index_cast %swap3A_499 : i32 to index
        %swap3A_501 = arith.index_cast %mul3A_498 : i32 to index
        %swap3A_502 = tpu.vector_load %arg7[%swap3A_500, %swap3A_501] {strides = array<i32>} : memref<8x3136xf32, #tpu.memory_space<vmem>>, vector<16xf32>,
        tpu.vector_store %arg7[%swap3A_500, %swap3A_501], %select_n3A_496 {strides = array<i32>} : memref<8x3136xf32, #tpu.memory_space<vmem>>, vector<16xf32>,
        %scan3A_503 = arith.constant 4 : i32
        %scan3A_504 = arith.addi %scan3A_395, %scan3A_503 : i32
        %mul3A_505 = arith.constant 16 : i32
        %mul3A_506 = arith.muli %scan3A_504, %mul3A_505 : i32
        %get3A_507 = arith.constant 1 : i32
        %get3A_508 = arith.index_cast %get3A_507 : i32 to index
        %get3A_509 = arith.index_cast %mul3A_506 : i32 to index
        %get3A_510 = tpu.vector_load %arg4[%get3A_508, %get3A_509] {strides = array<i32>} : memref<8x3136xf32, #tpu.memory_space<vmem>>, vector<16xf32>,
        %mul3A_511 = arith.constant 16 : i32
        %mul3A_512 = arith.muli %scan3A_504, %mul3A_511 : i32
        %get3A_513 = arith.constant 1 : i32
        %get3A_514 = arith.index_cast %get3A_513 : i32 to index
        %get3A_515 = arith.index_cast %mul3A_512 : i32 to index
        %get3A_516 = tpu.vector_load %arg5[%get3A_514, %get3A_515] {strides = array<i32>} : memref<8x3136xf32, #tpu.memory_space<vmem>>, vector<16xf32>,
        %select_n3A_517 = arith.select %broadcast_in_dim3A_95, %get3A_510, %get3A_516 : vector<16xi1>, vector<16xf32>
        %mul3A_518 = arith.constant 16 : i32
        %mul3A_519 = arith.muli %scan3A_504, %mul3A_518 : i32
        %swap3A_520 = arith.constant 1 : i32
        %swap3A_521 = arith.index_cast %swap3A_520 : i32 to index
        %swap3A_522 = arith.index_cast %mul3A_519 : i32 to index
        %swap3A_523 = tpu.vector_load %arg6[%swap3A_521, %swap3A_522] {strides = array<i32>} : memref<8x3136xf32, #tpu.memory_space<vmem>>, vector<16xf32>,
        tpu.vector_store %arg6[%swap3A_521, %swap3A_522], %select_n3A_517 {strides = array<i32>} : memref<8x3136xf32, #tpu.memory_space<vmem>>, vector<16xf32>,
        %select_n3A_524 = arith.select %broadcast_in_dim3A_98, %get3A_516, %get3A_510 : vector<16xi1>, vector<16xf32>
        %mul3A_525 = arith.constant 16 : i32
        %mul3A_526 = arith.muli %scan3A_504, %mul3A_525 : i32
        %swap3A_527 = arith.constant 1 : i32
        %swap3A_528 = arith.index_cast %swap3A_527 : i32 to index
        %swap3A_529 = arith.index_cast %mul3A_526 : i32 to index
        %swap3A_530 = tpu.vector_load %arg7[%swap3A_528, %swap3A_529] {strides = array<i32>} : memref<8x3136xf32, #tpu.memory_space<vmem>>, vector<16xf32>,
        tpu.vector_store %arg7[%swap3A_528, %swap3A_529], %select_n3A_524 {strides = array<i32>} : memref<8x3136xf32, #tpu.memory_space<vmem>>, vector<16xf32>,
        %scan3A_531 = arith.constant 5 : i32
        %scan3A_532 = arith.addi %scan3A_395, %scan3A_531 : i32
        %mul3A_533 = arith.constant 16 : i32
        %mul3A_534 = arith.muli %scan3A_532, %mul3A_533 : i32
        %get3A_535 = arith.constant 1 : i32
        %get3A_536 = arith.index_cast %get3A_535 : i32 to index
        %get3A_537 = arith.index_cast %mul3A_534 : i32 to index
        %get3A_538 = tpu.vector_load %arg4[%get3A_536, %get3A_537] {strides = array<i32>} : memref<8x3136xf32, #tpu.memory_space<vmem>>, vector<16xf32>,
        %mul3A_539 = arith.constant 16 : i32
        %mul3A_540 = arith.muli %scan3A_532, %mul3A_539 : i32
        %get3A_541 = arith.constant 1 : i32
        %get3A_542 = arith.index_cast %get3A_541 : i32 to index
        %get3A_543 = arith.index_cast %mul3A_540 : i32 to index
        %get3A_544 = tpu.vector_load %arg5[%get3A_542, %get3A_543] {strides = array<i32>} : memref<8x3136xf32, #tpu.memory_space<vmem>>, vector<16xf32>,
        %select_n3A_545 = arith.select %broadcast_in_dim3A_95, %get3A_538, %get3A_544 : vector<16xi1>, vector<16xf32>
        %mul3A_546 = arith.constant 16 : i32
        %mul3A_547 = arith.muli %scan3A_532, %mul3A_546 : i32
        %swap3A_548 = arith.constant 1 : i32
        %swap3A_549 = arith.index_cast %swap3A_548 : i32 to index
        %swap3A_550 = arith.index_cast %mul3A_547 : i32 to index
        %swap3A_551 = tpu.vector_load %arg6[%swap3A_549, %swap3A_550] {strides = array<i32>} : memref<8x3136xf32, #tpu.memory_space<vmem>>, vector<16xf32>,
        tpu.vector_store %arg6[%swap3A_549, %swap3A_550], %select_n3A_545 {strides = array<i32>} : memref<8x3136xf32, #tpu.memory_space<vmem>>, vector<16xf32>,
        %select_n3A_552 = arith.select %broadcast_in_dim3A_98, %get3A_544, %get3A_538 : vector<16xi1>, vector<16xf32>
        %mul3A_553 = arith.constant 16 : i32
        %mul3A_554 = arith.muli %scan3A_532, %mul3A_553 : i32
        %swap3A_555 = arith.constant 1 : i32
        %swap3A_556 = arith.index_cast %swap3A_555 : i32 to index
        %swap3A_557 = arith.index_cast %mul3A_554 : i32 to index
        %swap3A_558 = tpu.vector_load %arg7[%swap3A_556, %swap3A_557] {strides = array<i32>} : memref<8x3136xf32, #tpu.memory_space<vmem>>, vector<16xf32>,
        tpu.vector_store %arg7[%swap3A_556, %swap3A_557], %select_n3A_552 {strides = array<i32>} : memref<8x3136xf32, #tpu.memory_space<vmem>>, vector<16xf32>,
        %scan3A_559 = arith.constant 6 : i32
        %scan3A_560 = arith.addi %scan3A_395, %scan3A_559 : i32
        %mul3A_561 = arith.constant 16 : i32
        %mul3A_562 = arith.muli %scan3A_560, %mul3A_561 : i32
        %get3A_563 = arith.constant 1 : i32
        %get3A_564 = arith.index_cast %get3A_563 : i32 to index
        %get3A_565 = arith.index_cast %mul3A_562 : i32 to index
        %get3A_566 = tpu.vector_load %arg4[%get3A_564, %get3A_565] {strides = array<i32>} : memref<8x3136xf32, #tpu.memory_space<vmem>>, vector<16xf32>,
        %mul3A_567 = arith.constant 16 : i32
        %mul3A_568 = arith.muli %scan3A_560, %mul3A_567 : i32
        %get3A_569 = arith.constant 1 : i32
        %get3A_570 = arith.index_cast %get3A_569 : i32 to index
        %get3A_571 = arith.index_cast %mul3A_568 : i32 to index
        %get3A_572 = tpu.vector_load %arg5[%get3A_570, %get3A_571] {strides = array<i32>} : memref<8x3136xf32, #tpu.memory_space<vmem>>, vector<16xf32>,
        %select_n3A_573 = arith.select %broadcast_in_dim3A_95, %get3A_566, %get3A_572 : vector<16xi1>, vector<16xf32>
        %mul3A_574 = arith.constant 16 : i32
        %mul3A_575 = arith.muli %scan3A_560, %mul3A_574 : i32
        %swap3A_576 = arith.constant 1 : i32
        %swap3A_577 = arith.index_cast %swap3A_576 : i32 to index
        %swap3A_578 = arith.index_cast %mul3A_575 : i32 to index
        %swap3A_579 = tpu.vector_load %arg6[%swap3A_577, %swap3A_578] {strides = array<i32>} : memref<8x3136xf32, #tpu.memory_space<vmem>>, vector<16xf32>,
        tpu.vector_store %arg6[%swap3A_577, %swap3A_578], %select_n3A_573 {strides = array<i32>} : memref<8x3136xf32, #tpu.memory_space<vmem>>, vector<16xf32>,
        %select_n3A_580 = arith.select %broadcast_in_dim3A_98, %get3A_572, %get3A_566 : vector<16xi1>, vector<16xf32>
        %mul3A_581 = arith.constant 16 : i32
        %mul3A_582 = arith.muli %scan3A_560, %mul3A_581 : i32
        %swap3A_583 = arith.constant 1 : i32
        %swap3A_584 = arith.index_cast %swap3A_583 : i32 to index
        %swap3A_585 = arith.index_cast %mul3A_582 : i32 to index
        %swap3A_586 = tpu.vector_load %arg7[%swap3A_584, %swap3A_585] {strides = array<i32>} : memref<8x3136xf32, #tpu.memory_space<vmem>>, vector<16xf32>,
        tpu.vector_store %arg7[%swap3A_584, %swap3A_585], %select_n3A_580 {strides = array<i32>} : memref<8x3136xf32, #tpu.memory_space<vmem>>, vector<16xf32>,
      }
      %scan3A_104 = arith.constant 196 : i32
      %broadcast_in_dim3A_105 = arith.constant 0.000000e+00 : f32
      %broadcast_in_dim3A_106 = vector.broadcast %broadcast_in_dim3A_105 : f32 to vector<16xf32>
      %scan3A_107 = arith.constant 0 : i32
      %scan3A_108 = arith.constant 196 : i32
      %scan3A_109 = arith.addi %scan3A_107, %scan3A_108 : i32
      %scan3A_110 = arith.constant 7 : i32
      %scan3A_111:4 = scf.for %scan3A_395 = %scan3A_107 to %scan3A_109 step %scan3A_110 iter_args(%scan3A_396 = %broadcast_in_dim3A_106, %scan3A_397 = %broadcast_in_dim3A_106, %scan3A_398 = %broadcast_in_dim3A_106, %scan3A_399 = %broadcast_in_dim3A_106) -> (vector<16xf32>, vector<16xf32>, vector<16xf32>, vector<16xf32>)  : i32 {
        %mul3A_400 = arith.constant 16 : i32
        %mul3A_401 = arith.muli %scan3A_395, %mul3A_400 : i32
        %get3A = arith.constant 2 : i32
        %get3A_402 = arith.index_cast %get3A : i32 to index
        %get3A_403 = arith.index_cast %mul3A_401 : i32 to index
        %get3A_404 = tpu.vector_load %arg4[%get3A_402, %get3A_403] {strides = array<i32>} : memref<8x3136xf32, #tpu.memory_space<vmem>>, vector<16xf32>,
        %mul3A_405 = arith.constant 16 : i32
        %mul3A_406 = arith.muli %scan3A_395, %mul3A_405 : i32
        %get3A_407 = arith.constant 2 : i32
        %get3A_408 = arith.index_cast %get3A_407 : i32 to index
        %get3A_409 = arith.index_cast %mul3A_406 : i32 to index
        %get3A_410 = tpu.vector_load %arg5[%get3A_408, %get3A_409] {strides = array<i32>} : memref<8x3136xf32, #tpu.memory_space<vmem>>, vector<16xf32>,
        %add3A_411 = arith.addf %scan3A_396, %get3A_404 : vector<16xf32>
        %mul3A_412 = arith.mulf %get3A_404, %get3A_404 : vector<16xf32>
        %add3A_413 = arith.addf %scan3A_397, %mul3A_412 : vector<16xf32>
        %add3A_414 = arith.addf %scan3A_398, %get3A_410 : vector<16xf32>
        %mul3A_415 = arith.mulf %get3A_410, %get3A_410 : vector<16xf32>
        %add3A_416 = arith.addf %scan3A_399, %mul3A_415 : vector<16xf32>
        %scan3A_417 = arith.constant 1 : i32
        %scan3A_418 = arith.addi %scan3A_395, %scan3A_417 : i32
        %mul3A_419 = arith.constant 16 : i32
        %mul3A_420 = arith.muli %scan3A_418, %mul3A_419 : i32
        %get3A_421 = arith.constant 2 : i32
        %get3A_422 = arith.index_cast %get3A_421 : i32 to index
        %get3A_423 = arith.index_cast %mul3A_420 : i32 to index
        %get3A_424 = tpu.vector_load %arg4[%get3A_422, %get3A_423] {strides = array<i32>} : memref<8x3136xf32, #tpu.memory_space<vmem>>, vector<16xf32>,
        %mul3A_425 = arith.constant 16 : i32
        %mul3A_426 = arith.muli %scan3A_418, %mul3A_425 : i32
        %get3A_427 = arith.constant 2 : i32
        %get3A_428 = arith.index_cast %get3A_427 : i32 to index
        %get3A_429 = arith.index_cast %mul3A_426 : i32 to index
        %get3A_430 = tpu.vector_load %arg5[%get3A_428, %get3A_429] {strides = array<i32>} : memref<8x3136xf32, #tpu.memory_space<vmem>>, vector<16xf32>,
        %add3A_431 = arith.addf %add3A_411, %get3A_424 : vector<16xf32>
        %mul3A_432 = arith.mulf %get3A_424, %get3A_424 : vector<16xf32>
        %add3A_433 = arith.addf %add3A_413, %mul3A_432 : vector<16xf32>
        %add3A_434 = arith.addf %add3A_414, %get3A_430 : vector<16xf32>
        %mul3A_435 = arith.mulf %get3A_430, %get3A_430 : vector<16xf32>
        %add3A_436 = arith.addf %add3A_416, %mul3A_435 : vector<16xf32>
        %scan3A_437 = arith.constant 2 : i32
        %scan3A_438 = arith.addi %scan3A_395, %scan3A_437 : i32
        %mul3A_439 = arith.constant 16 : i32
        %mul3A_440 = arith.muli %scan3A_438, %mul3A_439 : i32
        %get3A_441 = arith.constant 2 : i32
        %get3A_442 = arith.index_cast %get3A_441 : i32 to index
        %get3A_443 = arith.index_cast %mul3A_440 : i32 to index
        %get3A_444 = tpu.vector_load %arg4[%get3A_442, %get3A_443] {strides = array<i32>} : memref<8x3136xf32, #tpu.memory_space<vmem>>, vector<16xf32>,
        %mul3A_445 = arith.constant 16 : i32
        %mul3A_446 = arith.muli %scan3A_438, %mul3A_445 : i32
        %get3A_447 = arith.constant 2 : i32
        %get3A_448 = arith.index_cast %get3A_447 : i32 to index
        %get3A_449 = arith.index_cast %mul3A_446 : i32 to index
        %get3A_450 = tpu.vector_load %arg5[%get3A_448, %get3A_449] {strides = array<i32>} : memref<8x3136xf32, #tpu.memory_space<vmem>>, vector<16xf32>,
        %add3A_451 = arith.addf %add3A_431, %get3A_444 : vector<16xf32>
        %mul3A_452 = arith.mulf %get3A_444, %get3A_444 : vector<16xf32>
        %add3A_453 = arith.addf %add3A_433, %mul3A_452 : vector<16xf32>
        %add3A_454 = arith.addf %add3A_434, %get3A_450 : vector<16xf32>
        %mul3A_455 = arith.mulf %get3A_450, %get3A_450 : vector<16xf32>
        %add3A_456 = arith.addf %add3A_436, %mul3A_455 : vector<16xf32>
        %scan3A_457 = arith.constant 3 : i32
        %scan3A_458 = arith.addi %scan3A_395, %scan3A_457 : i32
        %mul3A_459 = arith.constant 16 : i32
        %mul3A_460 = arith.muli %scan3A_458, %mul3A_459 : i32
        %get3A_461 = arith.constant 2 : i32
        %get3A_462 = arith.index_cast %get3A_461 : i32 to index
        %get3A_463 = arith.index_cast %mul3A_460 : i32 to index
        %get3A_464 = tpu.vector_load %arg4[%get3A_462, %get3A_463] {strides = array<i32>} : memref<8x3136xf32, #tpu.memory_space<vmem>>, vector<16xf32>,
        %mul3A_465 = arith.constant 16 : i32
        %mul3A_466 = arith.muli %scan3A_458, %mul3A_465 : i32
        %get3A_467 = arith.constant 2 : i32
        %get3A_468 = arith.index_cast %get3A_467 : i32 to index
        %get3A_469 = arith.index_cast %mul3A_466 : i32 to index
        %get3A_470 = tpu.vector_load %arg5[%get3A_468, %get3A_469] {strides = array<i32>} : memref<8x3136xf32, #tpu.memory_space<vmem>>, vector<16xf32>,
        %add3A_471 = arith.addf %add3A_451, %get3A_464 : vector<16xf32>
        %mul3A_472 = arith.mulf %get3A_464, %get3A_464 : vector<16xf32>
        %add3A_473 = arith.addf %add3A_453, %mul3A_472 : vector<16xf32>
        %add3A_474 = arith.addf %add3A_454, %get3A_470 : vector<16xf32>
        %mul3A_475 = arith.mulf %get3A_470, %get3A_470 : vector<16xf32>
        %add3A_476 = arith.addf %add3A_456, %mul3A_475 : vector<16xf32>
        %scan3A_477 = arith.constant 4 : i32
        %scan3A_478 = arith.addi %scan3A_395, %scan3A_477 : i32
        %mul3A_479 = arith.constant 16 : i32
        %mul3A_480 = arith.muli %scan3A_478, %mul3A_479 : i32
        %get3A_481 = arith.constant 2 : i32
        %get3A_482 = arith.index_cast %get3A_481 : i32 to index
        %get3A_483 = arith.index_cast %mul3A_480 : i32 to index
        %get3A_484 = tpu.vector_load %arg4[%get3A_482, %get3A_483] {strides = array<i32>} : memref<8x3136xf32, #tpu.memory_space<vmem>>, vector<16xf32>,
        %mul3A_485 = arith.constant 16 : i32
        %mul3A_486 = arith.muli %scan3A_478, %mul3A_485 : i32
        %get3A_487 = arith.constant 2 : i32
        %get3A_488 = arith.index_cast %get3A_487 : i32 to index
        %get3A_489 = arith.index_cast %mul3A_486 : i32 to index
        %get3A_490 = tpu.vector_load %arg5[%get3A_488, %get3A_489] {strides = array<i32>} : memref<8x3136xf32, #tpu.memory_space<vmem>>, vector<16xf32>,
        %add3A_491 = arith.addf %add3A_471, %get3A_484 : vector<16xf32>
        %mul3A_492 = arith.mulf %get3A_484, %get3A_484 : vector<16xf32>
        %add3A_493 = arith.addf %add3A_473, %mul3A_492 : vector<16xf32>
        %add3A_494 = arith.addf %add3A_474, %get3A_490 : vector<16xf32>
        %mul3A_495 = arith.mulf %get3A_490, %get3A_490 : vector<16xf32>
        %add3A_496 = arith.addf %add3A_476, %mul3A_495 : vector<16xf32>
        %scan3A_497 = arith.constant 5 : i32
        %scan3A_498 = arith.addi %scan3A_395, %scan3A_497 : i32
        %mul3A_499 = arith.constant 16 : i32
        %mul3A_500 = arith.muli %scan3A_498, %mul3A_499 : i32
        %get3A_501 = arith.constant 2 : i32
        %get3A_502 = arith.index_cast %get3A_501 : i32 to index
        %get3A_503 = arith.index_cast %mul3A_500 : i32 to index
        %get3A_504 = tpu.vector_load %arg4[%get3A_502, %get3A_503] {strides = array<i32>} : memref<8x3136xf32, #tpu.memory_space<vmem>>, vector<16xf32>,
        %mul3A_505 = arith.constant 16 : i32
        %mul3A_506 = arith.muli %scan3A_498, %mul3A_505 : i32
        %get3A_507 = arith.constant 2 : i32
        %get3A_508 = arith.index_cast %get3A_507 : i32 to index
        %get3A_509 = arith.index_cast %mul3A_506 : i32 to index
        %get3A_510 = tpu.vector_load %arg5[%get3A_508, %get3A_509] {strides = array<i32>} : memref<8x3136xf32, #tpu.memory_space<vmem>>, vector<16xf32>,
        %add3A_511 = arith.addf %add3A_491, %get3A_504 : vector<16xf32>
        %mul3A_512 = arith.mulf %get3A_504, %get3A_504 : vector<16xf32>
        %add3A_513 = arith.addf %add3A_493, %mul3A_512 : vector<16xf32>
        %add3A_514 = arith.addf %add3A_494, %get3A_510 : vector<16xf32>
        %mul3A_515 = arith.mulf %get3A_510, %get3A_510 : vector<16xf32>
        %add3A_516 = arith.addf %add3A_496, %mul3A_515 : vector<16xf32>
        %scan3A_517 = arith.constant 6 : i32
        %scan3A_518 = arith.addi %scan3A_395, %scan3A_517 : i32
        %mul3A_519 = arith.constant 16 : i32
        %mul3A_520 = arith.muli %scan3A_518, %mul3A_519 : i32
        %get3A_521 = arith.constant 2 : i32
        %get3A_522 = arith.index_cast %get3A_521 : i32 to index
        %get3A_523 = arith.index_cast %mul3A_520 : i32 to index
        %get3A_524 = tpu.vector_load %arg4[%get3A_522, %get3A_523] {strides = array<i32>} : memref<8x3136xf32, #tpu.memory_space<vmem>>, vector<16xf32>,
        %mul3A_525 = arith.constant 16 : i32
        %mul3A_526 = arith.muli %scan3A_518, %mul3A_525 : i32
        %get3A_527 = arith.constant 2 : i32
        %get3A_528 = arith.index_cast %get3A_527 : i32 to index
        %get3A_529 = arith.index_cast %mul3A_526 : i32 to index
        %get3A_530 = tpu.vector_load %arg5[%get3A_528, %get3A_529] {strides = array<i32>} : memref<8x3136xf32, #tpu.memory_space<vmem>>, vector<16xf32>,
        %add3A_531 = arith.addf %add3A_511, %get3A_524 : vector<16xf32>
        %mul3A_532 = arith.mulf %get3A_524, %get3A_524 : vector<16xf32>
        %add3A_533 = arith.addf %add3A_513, %mul3A_532 : vector<16xf32>
        %add3A_534 = arith.addf %add3A_514, %get3A_530 : vector<16xf32>
        %mul3A_535 = arith.mulf %get3A_530, %get3A_530 : vector<16xf32>
        %add3A_536 = arith.addf %add3A_516, %mul3A_535 : vector<16xf32>
        scf.yield %add3A_531, %add3A_533, %add3A_534, %add3A_536 : vector<16xf32>, vector<16xf32>, vector<16xf32>, vector<16xf32>
      }
      %scan3A_112 = arith.constant 196 : i32
      %reduce_sum3A_113 = arith.constant true
      %reduce_sum3A_114 = vector.broadcast %reduce_sum3A_113 : i1 to vector<16xi1>
      %reduce_sum3A_115 = tpu.scan <sum>, %scan3A_111#0 masked %reduce_sum3A_114 : vector<16xf32>, vector<16xi1> -> vector<16xf32>
      %reduce_sum3A_116 = vector.extract %reduce_sum3A_115[15] : f32 from vector<16xf32>
      %reduce_sum3A_117 = arith.constant true
      %reduce_sum3A_118 = vector.broadcast %reduce_sum3A_117 : i1 to vector<16xi1>
      %reduce_sum3A_119 = tpu.scan <sum>, %scan3A_111#1 masked %reduce_sum3A_118 : vector<16xf32>, vector<16xi1> -> vector<16xf32>
      %reduce_sum3A_120 = vector.extract %reduce_sum3A_119[15] : f32 from vector<16xf32>
      %reduce_sum3A_121 = arith.constant true
      %reduce_sum3A_122 = vector.broadcast %reduce_sum3A_121 : i1 to vector<16xi1>
      %reduce_sum3A_123 = tpu.scan <sum>, %scan3A_111#2 masked %reduce_sum3A_122 : vector<16xf32>, vector<16xi1> -> vector<16xf32>
      %reduce_sum3A_124 = vector.extract %reduce_sum3A_123[15] : f32 from vector<16xf32>
      %reduce_sum3A_125 = arith.constant true
      %reduce_sum3A_126 = vector.broadcast %reduce_sum3A_125 : i1 to vector<16xi1>
      %reduce_sum3A_127 = tpu.scan <sum>, %scan3A_111#3 masked %reduce_sum3A_126 : vector<16xf32>, vector<16xi1> -> vector<16xf32>
      %reduce_sum3A_128 = vector.extract %reduce_sum3A_127[15] : f32 from vector<16xf32>
      %mul3A_129 = arith.mulf %reduce_sum3A_116, %reduce_sum3A_116 : f32
      %mul3A_130 = arith.constant 3.18877544E-4 : f32
      %mul3A_131 = arith.mulf %mul3A_129, %mul3A_130 : f32
      %sub3A_132 = arith.subf %reduce_sum3A_120, %mul3A_131 : f32
      %mul3A_133 = arith.constant 3.18979262E-4 : f32
      %mul3A_134 = arith.mulf %sub3A_132, %mul3A_133 : f32
      %mul3A_135 = arith.mulf %reduce_sum3A_124, %reduce_sum3A_124 : f32
      %mul3A_136 = arith.constant 3.18877544E-4 : f32
      %mul3A_137 = arith.mulf %mul3A_135, %mul3A_136 : f32
      %sub3A_138 = arith.subf %reduce_sum3A_128, %mul3A_137 : f32
      %mul3A_139 = arith.constant 3.18979262E-4 : f32
      %mul3A_140 = arith.mulf %sub3A_138, %mul3A_139 : f32
      %ge3A_141 = arith.constant 0.00999999977 : f32
      %ge3A_142 = arith.cmpf oge, %mul3A_134, %ge3A_141 : f32
      %broadcast_in_dim3A_143 = vector.broadcast %ge3A_142 : i1 to vector<16xi1>
      %ge3A_144 = arith.constant 0.00999999977 : f32
      %ge3A_145 = arith.cmpf oge, %mul3A_140, %ge3A_144 : f32
      %broadcast_in_dim3A_146 = vector.broadcast %ge3A_145 : i1 to vector<16xi1>
      %scan3A_147 = arith.constant 0 : i32
      %scan3A_148 = arith.constant 0 : i32
      %scan3A_149 = arith.constant 196 : i32
      %scan3A_150 = arith.addi %scan3A_148, %scan3A_149 : i32
      %scan3A_151 = arith.constant 7 : i32
      scf.for %scan3A_395 = %scan3A_148 to %scan3A_150 step %scan3A_151  : i32 {
        %mul3A_396 = arith.constant 16 : i32
        %mul3A_397 = arith.muli %scan3A_395, %mul3A_396 : i32
        %get3A = arith.constant 2 : i32
        %get3A_398 = arith.index_cast %get3A : i32 to index
        %get3A_399 = arith.index_cast %mul3A_397 : i32 to index
        %get3A_400 = tpu.vector_load %arg4[%get3A_398, %get3A_399] {strides = array<i32>} : memref<8x3136xf32, #tpu.memory_space<vmem>>, vector<16xf32>,
        %mul3A_401 = arith.constant 16 : i32
        %mul3A_402 = arith.muli %scan3A_395, %mul3A_401 : i32
        %get3A_403 = arith.constant 2 : i32
        %get3A_404 = arith.index_cast %get3A_403 : i32 to index
        %get3A_405 = arith.index_cast %mul3A_402 : i32 to index
        %get3A_406 = tpu.vector_load %arg5[%get3A_404, %get3A_405] {strides = array<i32>} : memref<8x3136xf32, #tpu.memory_space<vmem>>, vector<16xf32>,
        %select_n3A = arith.select %broadcast_in_dim3A_143, %get3A_400, %get3A_406 : vector<16xi1>, vector<16xf32>
        %mul3A_407 = arith.constant 16 : i32
        %mul3A_408 = arith.muli %scan3A_395, %mul3A_407 : i32
        %swap3A = arith.constant 2 : i32
        %swap3A_409 = arith.index_cast %swap3A : i32 to index
        %swap3A_410 = arith.index_cast %mul3A_408 : i32 to index
        %swap3A_411 = tpu.vector_load %arg6[%swap3A_409, %swap3A_410] {strides = array<i32>} : memref<8x3136xf32, #tpu.memory_space<vmem>>, vector<16xf32>,
        tpu.vector_store %arg6[%swap3A_409, %swap3A_410], %select_n3A {strides = array<i32>} : memref<8x3136xf32, #tpu.memory_space<vmem>>, vector<16xf32>,
        %select_n3A_412 = arith.select %broadcast_in_dim3A_146, %get3A_406, %get3A_400 : vector<16xi1>, vector<16xf32>
        %mul3A_413 = arith.constant 16 : i32
        %mul3A_414 = arith.muli %scan3A_395, %mul3A_413 : i32
        %swap3A_415 = arith.constant 2 : i32
        %swap3A_416 = arith.index_cast %swap3A_415 : i32 to index
        %swap3A_417 = arith.index_cast %mul3A_414 : i32 to index
        %swap3A_418 = tpu.vector_load %arg7[%swap3A_416, %swap3A_417] {strides = array<i32>} : memref<8x3136xf32, #tpu.memory_space<vmem>>, vector<16xf32>,
        tpu.vector_store %arg7[%swap3A_416, %swap3A_417], %select_n3A_412 {strides = array<i32>} : memref<8x3136xf32, #tpu.memory_space<vmem>>, vector<16xf32>,
        %scan3A_419 = arith.constant 1 : i32
        %scan3A_420 = arith.addi %scan3A_395, %scan3A_419 : i32
        %mul3A_421 = arith.constant 16 : i32
        %mul3A_422 = arith.muli %scan3A_420, %mul3A_421 : i32
        %get3A_423 = arith.constant 2 : i32
        %get3A_424 = arith.index_cast %get3A_423 : i32 to index
        %get3A_425 = arith.index_cast %mul3A_422 : i32 to index
        %get3A_426 = tpu.vector_load %arg4[%get3A_424, %get3A_425] {strides = array<i32>} : memref<8x3136xf32, #tpu.memory_space<vmem>>, vector<16xf32>,
        %mul3A_427 = arith.constant 16 : i32
        %mul3A_428 = arith.muli %scan3A_420, %mul3A_427 : i32
        %get3A_429 = arith.constant 2 : i32
        %get3A_430 = arith.index_cast %get3A_429 : i32 to index
        %get3A_431 = arith.index_cast %mul3A_428 : i32 to index
        %get3A_432 = tpu.vector_load %arg5[%get3A_430, %get3A_431] {strides = array<i32>} : memref<8x3136xf32, #tpu.memory_space<vmem>>, vector<16xf32>,
        %select_n3A_433 = arith.select %broadcast_in_dim3A_143, %get3A_426, %get3A_432 : vector<16xi1>, vector<16xf32>
        %mul3A_434 = arith.constant 16 : i32
        %mul3A_435 = arith.muli %scan3A_420, %mul3A_434 : i32
        %swap3A_436 = arith.constant 2 : i32
        %swap3A_437 = arith.index_cast %swap3A_436 : i32 to index
        %swap3A_438 = arith.index_cast %mul3A_435 : i32 to index
        %swap3A_439 = tpu.vector_load %arg6[%swap3A_437, %swap3A_438] {strides = array<i32>} : memref<8x3136xf32, #tpu.memory_space<vmem>>, vector<16xf32>,
        tpu.vector_store %arg6[%swap3A_437, %swap3A_438], %select_n3A_433 {strides = array<i32>} : memref<8x3136xf32, #tpu.memory_space<vmem>>, vector<16xf32>,
        %select_n3A_440 = arith.select %broadcast_in_dim3A_146, %get3A_432, %get3A_426 : vector<16xi1>, vector<16xf32>
        %mul3A_441 = arith.constant 16 : i32
        %mul3A_442 = arith.muli %scan3A_420, %mul3A_441 : i32
        %swap3A_443 = arith.constant 2 : i32
        %swap3A_444 = arith.index_cast %swap3A_443 : i32 to index
        %swap3A_445 = arith.index_cast %mul3A_442 : i32 to index
        %swap3A_446 = tpu.vector_load %arg7[%swap3A_444, %swap3A_445] {strides = array<i32>} : memref<8x3136xf32, #tpu.memory_space<vmem>>, vector<16xf32>,
        tpu.vector_store %arg7[%swap3A_444, %swap3A_445], %select_n3A_440 {strides = array<i32>} : memref<8x3136xf32, #tpu.memory_space<vmem>>, vector<16xf32>,
        %scan3A_447 = arith.constant 2 : i32
        %scan3A_448 = arith.addi %scan3A_395, %scan3A_447 : i32
        %mul3A_449 = arith.constant 16 : i32
        %mul3A_450 = arith.muli %scan3A_448, %mul3A_449 : i32
        %get3A_451 = arith.constant 2 : i32
        %get3A_452 = arith.index_cast %get3A_451 : i32 to index
        %get3A_453 = arith.index_cast %mul3A_450 : i32 to index
        %get3A_454 = tpu.vector_load %arg4[%get3A_452, %get3A_453] {strides = array<i32>} : memref<8x3136xf32, #tpu.memory_space<vmem>>, vector<16xf32>,
        %mul3A_455 = arith.constant 16 : i32
        %mul3A_456 = arith.muli %scan3A_448, %mul3A_455 : i32
        %get3A_457 = arith.constant 2 : i32
        %get3A_458 = arith.index_cast %get3A_457 : i32 to index
        %get3A_459 = arith.index_cast %mul3A_456 : i32 to index
        %get3A_460 = tpu.vector_load %arg5[%get3A_458, %get3A_459] {strides = array<i32>} : memref<8x3136xf32, #tpu.memory_space<vmem>>, vector<16xf32>,
        %select_n3A_461 = arith.select %broadcast_in_dim3A_143, %get3A_454, %get3A_460 : vector<16xi1>, vector<16xf32>
        %mul3A_462 = arith.constant 16 : i32
        %mul3A_463 = arith.muli %scan3A_448, %mul3A_462 : i32
        %swap3A_464 = arith.constant 2 : i32
        %swap3A_465 = arith.index_cast %swap3A_464 : i32 to index
        %swap3A_466 = arith.index_cast %mul3A_463 : i32 to index
        %swap3A_467 = tpu.vector_load %arg6[%swap3A_465, %swap3A_466] {strides = array<i32>} : memref<8x3136xf32, #tpu.memory_space<vmem>>, vector<16xf32>,
        tpu.vector_store %arg6[%swap3A_465, %swap3A_466], %select_n3A_461 {strides = array<i32>} : memref<8x3136xf32, #tpu.memory_space<vmem>>, vector<16xf32>,
        %select_n3A_468 = arith.select %broadcast_in_dim3A_146, %get3A_460, %get3A_454 : vector<16xi1>, vector<16xf32>
        %mul3A_469 = arith.constant 16 : i32
        %mul3A_470 = arith.muli %scan3A_448, %mul3A_469 : i32
        %swap3A_471 = arith.constant 2 : i32
        %swap3A_472 = arith.index_cast %swap3A_471 : i32 to index
        %swap3A_473 = arith.index_cast %mul3A_470 : i32 to index
        %swap3A_474 = tpu.vector_load %arg7[%swap3A_472, %swap3A_473] {strides = array<i32>} : memref<8x3136xf32, #tpu.memory_space<vmem>>, vector<16xf32>,
        tpu.vector_store %arg7[%swap3A_472, %swap3A_473], %select_n3A_468 {strides = array<i32>} : memref<8x3136xf32, #tpu.memory_space<vmem>>, vector<16xf32>,
        %scan3A_475 = arith.constant 3 : i32
        %scan3A_476 = arith.addi %scan3A_395, %scan3A_475 : i32
        %mul3A_477 = arith.constant 16 : i32
        %mul3A_478 = arith.muli %scan3A_476, %mul3A_477 : i32
        %get3A_479 = arith.constant 2 : i32
        %get3A_480 = arith.index_cast %get3A_479 : i32 to index
        %get3A_481 = arith.index_cast %mul3A_478 : i32 to index
        %get3A_482 = tpu.vector_load %arg4[%get3A_480, %get3A_481] {strides = array<i32>} : memref<8x3136xf32, #tpu.memory_space<vmem>>, vector<16xf32>,
        %mul3A_483 = arith.constant 16 : i32
        %mul3A_484 = arith.muli %scan3A_476, %mul3A_483 : i32
        %get3A_485 = arith.constant 2 : i32
        %get3A_486 = arith.index_cast %get3A_485 : i32 to index
        %get3A_487 = arith.index_cast %mul3A_484 : i32 to index
        %get3A_488 = tpu.vector_load %arg5[%get3A_486, %get3A_487] {strides = array<i32>} : memref<8x3136xf32, #tpu.memory_space<vmem>>, vector<16xf32>,
        %select_n3A_489 = arith.select %broadcast_in_dim3A_143, %get3A_482, %get3A_488 : vector<16xi1>, vector<16xf32>
        %mul3A_490 = arith.constant 16 : i32
        %mul3A_491 = arith.muli %scan3A_476, %mul3A_490 : i32
        %swap3A_492 = arith.constant 2 : i32
        %swap3A_493 = arith.index_cast %swap3A_492 : i32 to index
        %swap3A_494 = arith.index_cast %mul3A_491 : i32 to index
        %swap3A_495 = tpu.vector_load %arg6[%swap3A_493, %swap3A_494] {strides = array<i32>} : memref<8x3136xf32, #tpu.memory_space<vmem>>, vector<16xf32>,
        tpu.vector_store %arg6[%swap3A_493, %swap3A_494], %select_n3A_489 {strides = array<i32>} : memref<8x3136xf32, #tpu.memory_space<vmem>>, vector<16xf32>,
        %select_n3A_496 = arith.select %broadcast_in_dim3A_146, %get3A_488, %get3A_482 : vector<16xi1>, vector<16xf32>
        %mul3A_497 = arith.constant 16 : i32
        %mul3A_498 = arith.muli %scan3A_476, %mul3A_497 : i32
        %swap3A_499 = arith.constant 2 : i32
        %swap3A_500 = arith.index_cast %swap3A_499 : i32 to index
        %swap3A_501 = arith.index_cast %mul3A_498 : i32 to index
        %swap3A_502 = tpu.vector_load %arg7[%swap3A_500, %swap3A_501] {strides = array<i32>} : memref<8x3136xf32, #tpu.memory_space<vmem>>, vector<16xf32>,
        tpu.vector_store %arg7[%swap3A_500, %swap3A_501], %select_n3A_496 {strides = array<i32>} : memref<8x3136xf32, #tpu.memory_space<vmem>>, vector<16xf32>,
        %scan3A_503 = arith.constant 4 : i32
        %scan3A_504 = arith.addi %scan3A_395, %scan3A_503 : i32
        %mul3A_505 = arith.constant 16 : i32
        %mul3A_506 = arith.muli %scan3A_504, %mul3A_505 : i32
        %get3A_507 = arith.constant 2 : i32
        %get3A_508 = arith.index_cast %get3A_507 : i32 to index
        %get3A_509 = arith.index_cast %mul3A_506 : i32 to index
        %get3A_510 = tpu.vector_load %arg4[%get3A_508, %get3A_509] {strides = array<i32>} : memref<8x3136xf32, #tpu.memory_space<vmem>>, vector<16xf32>,
        %mul3A_511 = arith.constant 16 : i32
        %mul3A_512 = arith.muli %scan3A_504, %mul3A_511 : i32
        %get3A_513 = arith.constant 2 : i32
        %get3A_514 = arith.index_cast %get3A_513 : i32 to index
        %get3A_515 = arith.index_cast %mul3A_512 : i32 to index
        %get3A_516 = tpu.vector_load %arg5[%get3A_514, %get3A_515] {strides = array<i32>} : memref<8x3136xf32, #tpu.memory_space<vmem>>, vector<16xf32>,
        %select_n3A_517 = arith.select %broadcast_in_dim3A_143, %get3A_510, %get3A_516 : vector<16xi1>, vector<16xf32>
        %mul3A_518 = arith.constant 16 : i32
        %mul3A_519 = arith.muli %scan3A_504, %mul3A_518 : i32
        %swap3A_520 = arith.constant 2 : i32
        %swap3A_521 = arith.index_cast %swap3A_520 : i32 to index
        %swap3A_522 = arith.index_cast %mul3A_519 : i32 to index
        %swap3A_523 = tpu.vector_load %arg6[%swap3A_521, %swap3A_522] {strides = array<i32>} : memref<8x3136xf32, #tpu.memory_space<vmem>>, vector<16xf32>,
        tpu.vector_store %arg6[%swap3A_521, %swap3A_522], %select_n3A_517 {strides = array<i32>} : memref<8x3136xf32, #tpu.memory_space<vmem>>, vector<16xf32>,
        %select_n3A_524 = arith.select %broadcast_in_dim3A_146, %get3A_516, %get3A_510 : vector<16xi1>, vector<16xf32>
        %mul3A_525 = arith.constant 16 : i32
        %mul3A_526 = arith.muli %scan3A_504, %mul3A_525 : i32
        %swap3A_527 = arith.constant 2 : i32
        %swap3A_528 = arith.index_cast %swap3A_527 : i32 to index
        %swap3A_529 = arith.index_cast %mul3A_526 : i32 to index
        %swap3A_530 = tpu.vector_load %arg7[%swap3A_528, %swap3A_529] {strides = array<i32>} : memref<8x3136xf32, #tpu.memory_space<vmem>>, vector<16xf32>,
        tpu.vector_store %arg7[%swap3A_528, %swap3A_529], %select_n3A_524 {strides = array<i32>} : memref<8x3136xf32, #tpu.memory_space<vmem>>, vector<16xf32>,
        %scan3A_531 = arith.constant 5 : i32
        %scan3A_532 = arith.addi %scan3A_395, %scan3A_531 : i32
        %mul3A_533 = arith.constant 16 : i32
        %mul3A_534 = arith.muli %scan3A_532, %mul3A_533 : i32
        %get3A_535 = arith.constant 2 : i32
        %get3A_536 = arith.index_cast %get3A_535 : i32 to index
        %get3A_537 = arith.index_cast %mul3A_534 : i32 to index
        %get3A_538 = tpu.vector_load %arg4[%get3A_536, %get3A_537] {strides = array<i32>} : memref<8x3136xf32, #tpu.memory_space<vmem>>, vector<16xf32>,
        %mul3A_539 = arith.constant 16 : i32
        %mul3A_540 = arith.muli %scan3A_532, %mul3A_539 : i32
        %get3A_541 = arith.constant 2 : i32
        %get3A_542 = arith.index_cast %get3A_541 : i32 to index
        %get3A_543 = arith.index_cast %mul3A_540 : i32 to index
        %get3A_544 = tpu.vector_load %arg5[%get3A_542, %get3A_543] {strides = array<i32>} : memref<8x3136xf32, #tpu.memory_space<vmem>>, vector<16xf32>,
        %select_n3A_545 = arith.select %broadcast_in_dim3A_143, %get3A_538, %get3A_544 : vector<16xi1>, vector<16xf32>
        %mul3A_546 = arith.constant 16 : i32
        %mul3A_547 = arith.muli %scan3A_532, %mul3A_546 : i32
        %swap3A_548 = arith.constant 2 : i32
        %swap3A_549 = arith.index_cast %swap3A_548 : i32 to index
        %swap3A_550 = arith.index_cast %mul3A_547 : i32 to index
        %swap3A_551 = tpu.vector_load %arg6[%swap3A_549, %swap3A_550] {strides = array<i32>} : memref<8x3136xf32, #tpu.memory_space<vmem>>, vector<16xf32>,
        tpu.vector_store %arg6[%swap3A_549, %swap3A_550], %select_n3A_545 {strides = array<i32>} : memref<8x3136xf32, #tpu.memory_space<vmem>>, vector<16xf32>,
        %select_n3A_552 = arith.select %broadcast_in_dim3A_146, %get3A_544, %get3A_538 : vector<16xi1>, vector<16xf32>
        %mul3A_553 = arith.constant 16 : i32
        %mul3A_554 = arith.muli %scan3A_532, %mul3A_553 : i32
        %swap3A_555 = arith.constant 2 : i32
        %swap3A_556 = arith.index_cast %swap3A_555 : i32 to index
        %swap3A_557 = arith.index_cast %mul3A_554 : i32 to index
        %swap3A_558 = tpu.vector_load %arg7[%swap3A_556, %swap3A_557] {strides = array<i32>} : memref<8x3136xf32, #tpu.memory_space<vmem>>, vector<16xf32>,
        tpu.vector_store %arg7[%swap3A_556, %swap3A_557], %select_n3A_552 {strides = array<i32>} : memref<8x3136xf32, #tpu.memory_space<vmem>>, vector<16xf32>,
        %scan3A_559 = arith.constant 6 : i32
        %scan3A_560 = arith.addi %scan3A_395, %scan3A_559 : i32
        %mul3A_561 = arith.constant 16 : i32
        %mul3A_562 = arith.muli %scan3A_560, %mul3A_561 : i32
        %get3A_563 = arith.constant 2 : i32
        %get3A_564 = arith.index_cast %get3A_563 : i32 to index
        %get3A_565 = arith.index_cast %mul3A_562 : i32 to index
        %get3A_566 = tpu.vector_load %arg4[%get3A_564, %get3A_565] {strides = array<i32>} : memref<8x3136xf32, #tpu.memory_space<vmem>>, vector<16xf32>,
        %mul3A_567 = arith.constant 16 : i32
        %mul3A_568 = arith.muli %scan3A_560, %mul3A_567 : i32
        %get3A_569 = arith.constant 2 : i32
        %get3A_570 = arith.index_cast %get3A_569 : i32 to index
        %get3A_571 = arith.index_cast %mul3A_568 : i32 to index
        %get3A_572 = tpu.vector_load %arg5[%get3A_570, %get3A_571] {strides = array<i32>} : memref<8x3136xf32, #tpu.memory_space<vmem>>, vector<16xf32>,
        %select_n3A_573 = arith.select %broadcast_in_dim3A_143, %get3A_566, %get3A_572 : vector<16xi1>, vector<16xf32>
        %mul3A_574 = arith.constant 16 : i32
        %mul3A_575 = arith.muli %scan3A_560, %mul3A_574 : i32
        %swap3A_576 = arith.constant 2 : i32
        %swap3A_577 = arith.index_cast %swap3A_576 : i32 to index
        %swap3A_578 = arith.index_cast %mul3A_575 : i32 to index
        %swap3A_579 = tpu.vector_load %arg6[%swap3A_577, %swap3A_578] {strides = array<i32>} : memref<8x3136xf32, #tpu.memory_space<vmem>>, vector<16xf32>,
        tpu.vector_store %arg6[%swap3A_577, %swap3A_578], %select_n3A_573 {strides = array<i32>} : memref<8x3136xf32, #tpu.memory_space<vmem>>, vector<16xf32>,
        %select_n3A_580 = arith.select %broadcast_in_dim3A_146, %get3A_572, %get3A_566 : vector<16xi1>, vector<16xf32>
        %mul3A_581 = arith.constant 16 : i32
        %mul3A_582 = arith.muli %scan3A_560, %mul3A_581 : i32
        %swap3A_583 = arith.constant 2 : i32
        %swap3A_584 = arith.index_cast %swap3A_583 : i32 to index
        %swap3A_585 = arith.index_cast %mul3A_582 : i32 to index
        %swap3A_586 = tpu.vector_load %arg7[%swap3A_584, %swap3A_585] {strides = array<i32>} : memref<8x3136xf32, #tpu.memory_space<vmem>>, vector<16xf32>,
        tpu.vector_store %arg7[%swap3A_584, %swap3A_585], %select_n3A_580 {strides = array<i32>} : memref<8x3136xf32, #tpu.memory_space<vmem>>, vector<16xf32>,
      }
      %scan3A_152 = arith.constant 196 : i32
      %broadcast_in_dim3A_153 = arith.constant 0.000000e+00 : f32
      %broadcast_in_dim3A_154 = vector.broadcast %broadcast_in_dim3A_153 : f32 to vector<16xf32>
      %scan3A_155 = arith.constant 0 : i32
      %scan3A_156 = arith.constant 196 : i32
      %scan3A_157 = arith.addi %scan3A_155, %scan3A_156 : i32
      %scan3A_158 = arith.constant 7 : i32
      %scan3A_159:4 = scf.for %scan3A_395 = %scan3A_155 to %scan3A_157 step %scan3A_158 iter_args(%scan3A_396 = %broadcast_in_dim3A_154, %scan3A_397 = %broadcast_in_dim3A_154, %scan3A_398 = %broadcast_in_dim3A_154, %scan3A_399 = %broadcast_in_dim3A_154) -> (vector<16xf32>, vector<16xf32>, vector<16xf32>, vector<16xf32>)  : i32 {
        %mul3A_400 = arith.constant 16 : i32
        %mul3A_401 = arith.muli %scan3A_395, %mul3A_400 : i32
        %get3A = arith.constant 3 : i32
        %get3A_402 = arith.index_cast %get3A : i32 to index
        %get3A_403 = arith.index_cast %mul3A_401 : i32 to index
        %get3A_404 = tpu.vector_load %arg4[%get3A_402, %get3A_403] {strides = array<i32>} : memref<8x3136xf32, #tpu.memory_space<vmem>>, vector<16xf32>,
        %mul3A_405 = arith.constant 16 : i32
        %mul3A_406 = arith.muli %scan3A_395, %mul3A_405 : i32
        %get3A_407 = arith.constant 3 : i32
        %get3A_408 = arith.index_cast %get3A_407 : i32 to index
        %get3A_409 = arith.index_cast %mul3A_406 : i32 to index
        %get3A_410 = tpu.vector_load %arg5[%get3A_408, %get3A_409] {strides = array<i32>} : memref<8x3136xf32, #tpu.memory_space<vmem>>, vector<16xf32>,
        %add3A_411 = arith.addf %scan3A_396, %get3A_404 : vector<16xf32>
        %mul3A_412 = arith.mulf %get3A_404, %get3A_404 : vector<16xf32>
        %add3A_413 = arith.addf %scan3A_397, %mul3A_412 : vector<16xf32>
        %add3A_414 = arith.addf %scan3A_398, %get3A_410 : vector<16xf32>
        %mul3A_415 = arith.mulf %get3A_410, %get3A_410 : vector<16xf32>
        %add3A_416 = arith.addf %scan3A_399, %mul3A_415 : vector<16xf32>
        %scan3A_417 = arith.constant 1 : i32
        %scan3A_418 = arith.addi %scan3A_395, %scan3A_417 : i32
        %mul3A_419 = arith.constant 16 : i32
        %mul3A_420 = arith.muli %scan3A_418, %mul3A_419 : i32
        %get3A_421 = arith.constant 3 : i32
        %get3A_422 = arith.index_cast %get3A_421 : i32 to index
        %get3A_423 = arith.index_cast %mul3A_420 : i32 to index
        %get3A_424 = tpu.vector_load %arg4[%get3A_422, %get3A_423] {strides = array<i32>} : memref<8x3136xf32, #tpu.memory_space<vmem>>, vector<16xf32>,
        %mul3A_425 = arith.constant 16 : i32
        %mul3A_426 = arith.muli %scan3A_418, %mul3A_425 : i32
        %get3A_427 = arith.constant 3 : i32
        %get3A_428 = arith.index_cast %get3A_427 : i32 to index
        %get3A_429 = arith.index_cast %mul3A_426 : i32 to index
        %get3A_430 = tpu.vector_load %arg5[%get3A_428, %get3A_429] {strides = array<i32>} : memref<8x3136xf32, #tpu.memory_space<vmem>>, vector<16xf32>,
        %add3A_431 = arith.addf %add3A_411, %get3A_424 : vector<16xf32>
        %mul3A_432 = arith.mulf %get3A_424, %get3A_424 : vector<16xf32>
        %add3A_433 = arith.addf %add3A_413, %mul3A_432 : vector<16xf32>
        %add3A_434 = arith.addf %add3A_414, %get3A_430 : vector<16xf32>
        %mul3A_435 = arith.mulf %get3A_430, %get3A_430 : vector<16xf32>
        %add3A_436 = arith.addf %add3A_416, %mul3A_435 : vector<16xf32>
        %scan3A_437 = arith.constant 2 : i32
        %scan3A_438 = arith.addi %scan3A_395, %scan3A_437 : i32
        %mul3A_439 = arith.constant 16 : i32
        %mul3A_440 = arith.muli %scan3A_438, %mul3A_439 : i32
        %get3A_441 = arith.constant 3 : i32
        %get3A_442 = arith.index_cast %get3A_441 : i32 to index
        %get3A_443 = arith.index_cast %mul3A_440 : i32 to index
        %get3A_444 = tpu.vector_load %arg4[%get3A_442, %get3A_443] {strides = array<i32>} : memref<8x3136xf32, #tpu.memory_space<vmem>>, vector<16xf32>,
        %mul3A_445 = arith.constant 16 : i32
        %mul3A_446 = arith.muli %scan3A_438, %mul3A_445 : i32
        %get3A_447 = arith.constant 3 : i32
        %get3A_448 = arith.index_cast %get3A_447 : i32 to index
        %get3A_449 = arith.index_cast %mul3A_446 : i32 to index
        %get3A_450 = tpu.vector_load %arg5[%get3A_448, %get3A_449] {strides = array<i32>} : memref<8x3136xf32, #tpu.memory_space<vmem>>, vector<16xf32>,
        %add3A_451 = arith.addf %add3A_431, %get3A_444 : vector<16xf32>
        %mul3A_452 = arith.mulf %get3A_444, %get3A_444 : vector<16xf32>
        %add3A_453 = arith.addf %add3A_433, %mul3A_452 : vector<16xf32>
        %add3A_454 = arith.addf %add3A_434, %get3A_450 : vector<16xf32>
        %mul3A_455 = arith.mulf %get3A_450, %get3A_450 : vector<16xf32>
        %add3A_456 = arith.addf %add3A_436, %mul3A_455 : vector<16xf32>
        %scan3A_457 = arith.constant 3 : i32
        %scan3A_458 = arith.addi %scan3A_395, %scan3A_457 : i32
        %mul3A_459 = arith.constant 16 : i32
        %mul3A_460 = arith.muli %scan3A_458, %mul3A_459 : i32
        %get3A_461 = arith.constant 3 : i32
        %get3A_462 = arith.index_cast %get3A_461 : i32 to index
        %get3A_463 = arith.index_cast %mul3A_460 : i32 to index
        %get3A_464 = tpu.vector_load %arg4[%get3A_462, %get3A_463] {strides = array<i32>} : memref<8x3136xf32, #tpu.memory_space<vmem>>, vector<16xf32>,
        %mul3A_465 = arith.constant 16 : i32
        %mul3A_466 = arith.muli %scan3A_458, %mul3A_465 : i32
        %get3A_467 = arith.constant 3 : i32
        %get3A_468 = arith.index_cast %get3A_467 : i32 to index
        %get3A_469 = arith.index_cast %mul3A_466 : i32 to index
        %get3A_470 = tpu.vector_load %arg5[%get3A_468, %get3A_469] {strides = array<i32>} : memref<8x3136xf32, #tpu.memory_space<vmem>>, vector<16xf32>,
        %add3A_471 = arith.addf %add3A_451, %get3A_464 : vector<16xf32>
        %mul3A_472 = arith.mulf %get3A_464, %get3A_464 : vector<16xf32>
        %add3A_473 = arith.addf %add3A_453, %mul3A_472 : vector<16xf32>
        %add3A_474 = arith.addf %add3A_454, %get3A_470 : vector<16xf32>
        %mul3A_475 = arith.mulf %get3A_470, %get3A_470 : vector<16xf32>
        %add3A_476 = arith.addf %add3A_456, %mul3A_475 : vector<16xf32>
        %scan3A_477 = arith.constant 4 : i32
        %scan3A_478 = arith.addi %scan3A_395, %scan3A_477 : i32
        %mul3A_479 = arith.constant 16 : i32
        %mul3A_480 = arith.muli %scan3A_478, %mul3A_479 : i32
        %get3A_481 = arith.constant 3 : i32
        %get3A_482 = arith.index_cast %get3A_481 : i32 to index
        %get3A_483 = arith.index_cast %mul3A_480 : i32 to index
        %get3A_484 = tpu.vector_load %arg4[%get3A_482, %get3A_483] {strides = array<i32>} : memref<8x3136xf32, #tpu.memory_space<vmem>>, vector<16xf32>,
        %mul3A_485 = arith.constant 16 : i32
        %mul3A_486 = arith.muli %scan3A_478, %mul3A_485 : i32
        %get3A_487 = arith.constant 3 : i32
        %get3A_488 = arith.index_cast %get3A_487 : i32 to index
        %get3A_489 = arith.index_cast %mul3A_486 : i32 to index
        %get3A_490 = tpu.vector_load %arg5[%get3A_488, %get3A_489] {strides = array<i32>} : memref<8x3136xf32, #tpu.memory_space<vmem>>, vector<16xf32>,
        %add3A_491 = arith.addf %add3A_471, %get3A_484 : vector<16xf32>
        %mul3A_492 = arith.mulf %get3A_484, %get3A_484 : vector<16xf32>
        %add3A_493 = arith.addf %add3A_473, %mul3A_492 : vector<16xf32>
        %add3A_494 = arith.addf %add3A_474, %get3A_490 : vector<16xf32>
        %mul3A_495 = arith.mulf %get3A_490, %get3A_490 : vector<16xf32>
        %add3A_496 = arith.addf %add3A_476, %mul3A_495 : vector<16xf32>
        %scan3A_497 = arith.constant 5 : i32
        %scan3A_498 = arith.addi %scan3A_395, %scan3A_497 : i32
        %mul3A_499 = arith.constant 16 : i32
        %mul3A_500 = arith.muli %scan3A_498, %mul3A_499 : i32
        %get3A_501 = arith.constant 3 : i32
        %get3A_502 = arith.index_cast %get3A_501 : i32 to index
        %get3A_503 = arith.index_cast %mul3A_500 : i32 to index
        %get3A_504 = tpu.vector_load %arg4[%get3A_502, %get3A_503] {strides = array<i32>} : memref<8x3136xf32, #tpu.memory_space<vmem>>, vector<16xf32>,
        %mul3A_505 = arith.constant 16 : i32
        %mul3A_506 = arith.muli %scan3A_498, %mul3A_505 : i32
        %get3A_507 = arith.constant 3 : i32
        %get3A_508 = arith.index_cast %get3A_507 : i32 to index
        %get3A_509 = arith.index_cast %mul3A_506 : i32 to index
        %get3A_510 = tpu.vector_load %arg5[%get3A_508, %get3A_509] {strides = array<i32>} : memref<8x3136xf32, #tpu.memory_space<vmem>>, vector<16xf32>,
        %add3A_511 = arith.addf %add3A_491, %get3A_504 : vector<16xf32>
        %mul3A_512 = arith.mulf %get3A_504, %get3A_504 : vector<16xf32>
        %add3A_513 = arith.addf %add3A_493, %mul3A_512 : vector<16xf32>
        %add3A_514 = arith.addf %add3A_494, %get3A_510 : vector<16xf32>
        %mul3A_515 = arith.mulf %get3A_510, %get3A_510 : vector<16xf32>
        %add3A_516 = arith.addf %add3A_496, %mul3A_515 : vector<16xf32>
        %scan3A_517 = arith.constant 6 : i32
        %scan3A_518 = arith.addi %scan3A_395, %scan3A_517 : i32
        %mul3A_519 = arith.constant 16 : i32
        %mul3A_520 = arith.muli %scan3A_518, %mul3A_519 : i32
        %get3A_521 = arith.constant 3 : i32
        %get3A_522 = arith.index_cast %get3A_521 : i32 to index
        %get3A_523 = arith.index_cast %mul3A_520 : i32 to index
        %get3A_524 = tpu.vector_load %arg4[%get3A_522, %get3A_523] {strides = array<i32>} : memref<8x3136xf32, #tpu.memory_space<vmem>>, vector<16xf32>,
        %mul3A_525 = arith.constant 16 : i32
        %mul3A_526 = arith.muli %scan3A_518, %mul3A_525 : i32
        %get3A_527 = arith.constant 3 : i32
        %get3A_528 = arith.index_cast %get3A_527 : i32 to index
        %get3A_529 = arith.index_cast %mul3A_526 : i32 to index
        %get3A_530 = tpu.vector_load %arg5[%get3A_528, %get3A_529] {strides = array<i32>} : memref<8x3136xf32, #tpu.memory_space<vmem>>, vector<16xf32>,
        %add3A_531 = arith.addf %add3A_511, %get3A_524 : vector<16xf32>
        %mul3A_532 = arith.mulf %get3A_524, %get3A_524 : vector<16xf32>
        %add3A_533 = arith.addf %add3A_513, %mul3A_532 : vector<16xf32>
        %add3A_534 = arith.addf %add3A_514, %get3A_530 : vector<16xf32>
        %mul3A_535 = arith.mulf %get3A_530, %get3A_530 : vector<16xf32>
        %add3A_536 = arith.addf %add3A_516, %mul3A_535 : vector<16xf32>
        scf.yield %add3A_531, %add3A_533, %add3A_534, %add3A_536 : vector<16xf32>, vector<16xf32>, vector<16xf32>, vector<16xf32>
      }
      %scan3A_160 = arith.constant 196 : i32
      %reduce_sum3A_161 = arith.constant true
      %reduce_sum3A_162 = vector.broadcast %reduce_sum3A_161 : i1 to vector<16xi1>
      %reduce_sum3A_163 = tpu.scan <sum>, %scan3A_159#0 masked %reduce_sum3A_162 : vector<16xf32>, vector<16xi1> -> vector<16xf32>
      %reduce_sum3A_164 = vector.extract %reduce_sum3A_163[15] : f32 from vector<16xf32>
      %reduce_sum3A_165 = arith.constant true
      %reduce_sum3A_166 = vector.broadcast %reduce_sum3A_165 : i1 to vector<16xi1>
      %reduce_sum3A_167 = tpu.scan <sum>, %scan3A_159#1 masked %reduce_sum3A_166 : vector<16xf32>, vector<16xi1> -> vector<16xf32>
      %reduce_sum3A_168 = vector.extract %reduce_sum3A_167[15] : f32 from vector<16xf32>
      %reduce_sum3A_169 = arith.constant true
      %reduce_sum3A_170 = vector.broadcast %reduce_sum3A_169 : i1 to vector<16xi1>
      %reduce_sum3A_171 = tpu.scan <sum>, %scan3A_159#2 masked %reduce_sum3A_170 : vector<16xf32>, vector<16xi1> -> vector<16xf32>
      %reduce_sum3A_172 = vector.extract %reduce_sum3A_171[15] : f32 from vector<16xf32>
      %reduce_sum3A_173 = arith.constant true
      %reduce_sum3A_174 = vector.broadcast %reduce_sum3A_173 : i1 to vector<16xi1>
      %reduce_sum3A_175 = tpu.scan <sum>, %scan3A_159#3 masked %reduce_sum3A_174 : vector<16xf32>, vector<16xi1> -> vector<16xf32>
      %reduce_sum3A_176 = vector.extract %reduce_sum3A_175[15] : f32 from vector<16xf32>
      %mul3A_177 = arith.mulf %reduce_sum3A_164, %reduce_sum3A_164 : f32
      %mul3A_178 = arith.constant 3.18877544E-4 : f32
      %mul3A_179 = arith.mulf %mul3A_177, %mul3A_178 : f32
      %sub3A_180 = arith.subf %reduce_sum3A_168, %mul3A_179 : f32
      %mul3A_181 = arith.constant 3.18979262E-4 : f32
      %mul3A_182 = arith.mulf %sub3A_180, %mul3A_181 : f32
      %mul3A_183 = arith.mulf %reduce_sum3A_172, %reduce_sum3A_172 : f32
      %mul3A_184 = arith.constant 3.18877544E-4 : f32
      %mul3A_185 = arith.mulf %mul3A_183, %mul3A_184 : f32
      %sub3A_186 = arith.subf %reduce_sum3A_176, %mul3A_185 : f32
      %mul3A_187 = arith.constant 3.18979262E-4 : f32
      %mul3A_188 = arith.mulf %sub3A_186, %mul3A_187 : f32
      %ge3A_189 = arith.constant 0.00999999977 : f32
      %ge3A_190 = arith.cmpf oge, %mul3A_182, %ge3A_189 : f32
      %broadcast_in_dim3A_191 = vector.broadcast %ge3A_190 : i1 to vector<16xi1>
      %ge3A_192 = arith.constant 0.00999999977 : f32
      %ge3A_193 = arith.cmpf oge, %mul3A_188, %ge3A_192 : f32
      %broadcast_in_dim3A_194 = vector.broadcast %ge3A_193 : i1 to vector<16xi1>
      %scan3A_195 = arith.constant 0 : i32
      %scan3A_196 = arith.constant 0 : i32
      %scan3A_197 = arith.constant 196 : i32
      %scan3A_198 = arith.addi %scan3A_196, %scan3A_197 : i32
      %scan3A_199 = arith.constant 7 : i32
      scf.for %scan3A_395 = %scan3A_196 to %scan3A_198 step %scan3A_199  : i32 {
        %mul3A_396 = arith.constant 16 : i32
        %mul3A_397 = arith.muli %scan3A_395, %mul3A_396 : i32
        %get3A = arith.constant 3 : i32
        %get3A_398 = arith.index_cast %get3A : i32 to index
        %get3A_399 = arith.index_cast %mul3A_397 : i32 to index
        %get3A_400 = tpu.vector_load %arg4[%get3A_398, %get3A_399] {strides = array<i32>} : memref<8x3136xf32, #tpu.memory_space<vmem>>, vector<16xf32>,
        %mul3A_401 = arith.constant 16 : i32
        %mul3A_402 = arith.muli %scan3A_395, %mul3A_401 : i32
        %get3A_403 = arith.constant 3 : i32
        %get3A_404 = arith.index_cast %get3A_403 : i32 to index
        %get3A_405 = arith.index_cast %mul3A_402 : i32 to index
        %get3A_406 = tpu.vector_load %arg5[%get3A_404, %get3A_405] {strides = array<i32>} : memref<8x3136xf32, #tpu.memory_space<vmem>>, vector<16xf32>,
        %select_n3A = arith.select %broadcast_in_dim3A_191, %get3A_400, %get3A_406 : vector<16xi1>, vector<16xf32>
        %mul3A_407 = arith.constant 16 : i32
        %mul3A_408 = arith.muli %scan3A_395, %mul3A_407 : i32
        %swap3A = arith.constant 3 : i32
        %swap3A_409 = arith.index_cast %swap3A : i32 to index
        %swap3A_410 = arith.index_cast %mul3A_408 : i32 to index
        %swap3A_411 = tpu.vector_load %arg6[%swap3A_409, %swap3A_410] {strides = array<i32>} : memref<8x3136xf32, #tpu.memory_space<vmem>>, vector<16xf32>,
        tpu.vector_store %arg6[%swap3A_409, %swap3A_410], %select_n3A {strides = array<i32>} : memref<8x3136xf32, #tpu.memory_space<vmem>>, vector<16xf32>,
        %select_n3A_412 = arith.select %broadcast_in_dim3A_194, %get3A_406, %get3A_400 : vector<16xi1>, vector<16xf32>
        %mul3A_413 = arith.constant 16 : i32
        %mul3A_414 = arith.muli %scan3A_395, %mul3A_413 : i32
        %swap3A_415 = arith.constant 3 : i32
        %swap3A_416 = arith.index_cast %swap3A_415 : i32 to index
        %swap3A_417 = arith.index_cast %mul3A_414 : i32 to index
        %swap3A_418 = tpu.vector_load %arg7[%swap3A_416, %swap3A_417] {strides = array<i32>} : memref<8x3136xf32, #tpu.memory_space<vmem>>, vector<16xf32>,
        tpu.vector_store %arg7[%swap3A_416, %swap3A_417], %select_n3A_412 {strides = array<i32>} : memref<8x3136xf32, #tpu.memory_space<vmem>>, vector<16xf32>,
        %scan3A_419 = arith.constant 1 : i32
        %scan3A_420 = arith.addi %scan3A_395, %scan3A_419 : i32
        %mul3A_421 = arith.constant 16 : i32
        %mul3A_422 = arith.muli %scan3A_420, %mul3A_421 : i32
        %get3A_423 = arith.constant 3 : i32
        %get3A_424 = arith.index_cast %get3A_423 : i32 to index
        %get3A_425 = arith.index_cast %mul3A_422 : i32 to index
        %get3A_426 = tpu.vector_load %arg4[%get3A_424, %get3A_425] {strides = array<i32>} : memref<8x3136xf32, #tpu.memory_space<vmem>>, vector<16xf32>,
        %mul3A_427 = arith.constant 16 : i32
        %mul3A_428 = arith.muli %scan3A_420, %mul3A_427 : i32
        %get3A_429 = arith.constant 3 : i32
        %get3A_430 = arith.index_cast %get3A_429 : i32 to index
        %get3A_431 = arith.index_cast %mul3A_428 : i32 to index
        %get3A_432 = tpu.vector_load %arg5[%get3A_430, %get3A_431] {strides = array<i32>} : memref<8x3136xf32, #tpu.memory_space<vmem>>, vector<16xf32>,
        %select_n3A_433 = arith.select %broadcast_in_dim3A_191, %get3A_426, %get3A_432 : vector<16xi1>, vector<16xf32>
        %mul3A_434 = arith.constant 16 : i32
        %mul3A_435 = arith.muli %scan3A_420, %mul3A_434 : i32
        %swap3A_436 = arith.constant 3 : i32
        %swap3A_437 = arith.index_cast %swap3A_436 : i32 to index
        %swap3A_438 = arith.index_cast %mul3A_435 : i32 to index
        %swap3A_439 = tpu.vector_load %arg6[%swap3A_437, %swap3A_438] {strides = array<i32>} : memref<8x3136xf32, #tpu.memory_space<vmem>>, vector<16xf32>,
        tpu.vector_store %arg6[%swap3A_437, %swap3A_438], %select_n3A_433 {strides = array<i32>} : memref<8x3136xf32, #tpu.memory_space<vmem>>, vector<16xf32>,
        %select_n3A_440 = arith.select %broadcast_in_dim3A_194, %get3A_432, %get3A_426 : vector<16xi1>, vector<16xf32>
        %mul3A_441 = arith.constant 16 : i32
        %mul3A_442 = arith.muli %scan3A_420, %mul3A_441 : i32
        %swap3A_443 = arith.constant 3 : i32
        %swap3A_444 = arith.index_cast %swap3A_443 : i32 to index
        %swap3A_445 = arith.index_cast %mul3A_442 : i32 to index
        %swap3A_446 = tpu.vector_load %arg7[%swap3A_444, %swap3A_445] {strides = array<i32>} : memref<8x3136xf32, #tpu.memory_space<vmem>>, vector<16xf32>,
        tpu.vector_store %arg7[%swap3A_444, %swap3A_445], %select_n3A_440 {strides = array<i32>} : memref<8x3136xf32, #tpu.memory_space<vmem>>, vector<16xf32>,
        %scan3A_447 = arith.constant 2 : i32
        %scan3A_448 = arith.addi %scan3A_395, %scan3A_447 : i32
        %mul3A_449 = arith.constant 16 : i32
        %mul3A_450 = arith.muli %scan3A_448, %mul3A_449 : i32
        %get3A_451 = arith.constant 3 : i32
        %get3A_452 = arith.index_cast %get3A_451 : i32 to index
        %get3A_453 = arith.index_cast %mul3A_450 : i32 to index
        %get3A_454 = tpu.vector_load %arg4[%get3A_452, %get3A_453] {strides = array<i32>} : memref<8x3136xf32, #tpu.memory_space<vmem>>, vector<16xf32>,
        %mul3A_455 = arith.constant 16 : i32
        %mul3A_456 = arith.muli %scan3A_448, %mul3A_455 : i32
        %get3A_457 = arith.constant 3 : i32
        %get3A_458 = arith.index_cast %get3A_457 : i32 to index
        %get3A_459 = arith.index_cast %mul3A_456 : i32 to index
        %get3A_460 = tpu.vector_load %arg5[%get3A_458, %get3A_459] {strides = array<i32>} : memref<8x3136xf32, #tpu.memory_space<vmem>>, vector<16xf32>,
        %select_n3A_461 = arith.select %broadcast_in_dim3A_191, %get3A_454, %get3A_460 : vector<16xi1>, vector<16xf32>
        %mul3A_462 = arith.constant 16 : i32
        %mul3A_463 = arith.muli %scan3A_448, %mul3A_462 : i32
        %swap3A_464 = arith.constant 3 : i32
        %swap3A_465 = arith.index_cast %swap3A_464 : i32 to index
        %swap3A_466 = arith.index_cast %mul3A_463 : i32 to index
        %swap3A_467 = tpu.vector_load %arg6[%swap3A_465, %swap3A_466] {strides = array<i32>} : memref<8x3136xf32, #tpu.memory_space<vmem>>, vector<16xf32>,
        tpu.vector_store %arg6[%swap3A_465, %swap3A_466], %select_n3A_461 {strides = array<i32>} : memref<8x3136xf32, #tpu.memory_space<vmem>>, vector<16xf32>,
        %select_n3A_468 = arith.select %broadcast_in_dim3A_194, %get3A_460, %get3A_454 : vector<16xi1>, vector<16xf32>
        %mul3A_469 = arith.constant 16 : i32
        %mul3A_470 = arith.muli %scan3A_448, %mul3A_469 : i32
        %swap3A_471 = arith.constant 3 : i32
        %swap3A_472 = arith.index_cast %swap3A_471 : i32 to index
        %swap3A_473 = arith.index_cast %mul3A_470 : i32 to index
        %swap3A_474 = tpu.vector_load %arg7[%swap3A_472, %swap3A_473] {strides = array<i32>} : memref<8x3136xf32, #tpu.memory_space<vmem>>, vector<16xf32>,
        tpu.vector_store %arg7[%swap3A_472, %swap3A_473], %select_n3A_468 {strides = array<i32>} : memref<8x3136xf32, #tpu.memory_space<vmem>>, vector<16xf32>,
        %scan3A_475 = arith.constant 3 : i32
        %scan3A_476 = arith.addi %scan3A_395, %scan3A_475 : i32
        %mul3A_477 = arith.constant 16 : i32
        %mul3A_478 = arith.muli %scan3A_476, %mul3A_477 : i32
        %get3A_479 = arith.constant 3 : i32
        %get3A_480 = arith.index_cast %get3A_479 : i32 to index
        %get3A_481 = arith.index_cast %mul3A_478 : i32 to index
        %get3A_482 = tpu.vector_load %arg4[%get3A_480, %get3A_481] {strides = array<i32>} : memref<8x3136xf32, #tpu.memory_space<vmem>>, vector<16xf32>,
        %mul3A_483 = arith.constant 16 : i32
        %mul3A_484 = arith.muli %scan3A_476, %mul3A_483 : i32
        %get3A_485 = arith.constant 3 : i32
        %get3A_486 = arith.index_cast %get3A_485 : i32 to index
        %get3A_487 = arith.index_cast %mul3A_484 : i32 to index
        %get3A_488 = tpu.vector_load %arg5[%get3A_486, %get3A_487] {strides = array<i32>} : memref<8x3136xf32, #tpu.memory_space<vmem>>, vector<16xf32>,
        %select_n3A_489 = arith.select %broadcast_in_dim3A_191, %get3A_482, %get3A_488 : vector<16xi1>, vector<16xf32>
        %mul3A_490 = arith.constant 16 : i32
        %mul3A_491 = arith.muli %scan3A_476, %mul3A_490 : i32
        %swap3A_492 = arith.constant 3 : i32
        %swap3A_493 = arith.index_cast %swap3A_492 : i32 to index
        %swap3A_494 = arith.index_cast %mul3A_491 : i32 to index
        %swap3A_495 = tpu.vector_load %arg6[%swap3A_493, %swap3A_494] {strides = array<i32>} : memref<8x3136xf32, #tpu.memory_space<vmem>>, vector<16xf32>,
        tpu.vector_store %arg6[%swap3A_493, %swap3A_494], %select_n3A_489 {strides = array<i32>} : memref<8x3136xf32, #tpu.memory_space<vmem>>, vector<16xf32>,
        %select_n3A_496 = arith.select %broadcast_in_dim3A_194, %get3A_488, %get3A_482 : vector<16xi1>, vector<16xf32>
        %mul3A_497 = arith.constant 16 : i32
        %mul3A_498 = arith.muli %scan3A_476, %mul3A_497 : i32
        %swap3A_499 = arith.constant 3 : i32
        %swap3A_500 = arith.index_cast %swap3A_499 : i32 to index
        %swap3A_501 = arith.index_cast %mul3A_498 : i32 to index
        %swap3A_502 = tpu.vector_load %arg7[%swap3A_500, %swap3A_501] {strides = array<i32>} : memref<8x3136xf32, #tpu.memory_space<vmem>>, vector<16xf32>,
        tpu.vector_store %arg7[%swap3A_500, %swap3A_501], %select_n3A_496 {strides = array<i32>} : memref<8x3136xf32, #tpu.memory_space<vmem>>, vector<16xf32>,
        %scan3A_503 = arith.constant 4 : i32
        %scan3A_504 = arith.addi %scan3A_395, %scan3A_503 : i32
        %mul3A_505 = arith.constant 16 : i32
        %mul3A_506 = arith.muli %scan3A_504, %mul3A_505 : i32
        %get3A_507 = arith.constant 3 : i32
        %get3A_508 = arith.index_cast %get3A_507 : i32 to index
        %get3A_509 = arith.index_cast %mul3A_506 : i32 to index
        %get3A_510 = tpu.vector_load %arg4[%get3A_508, %get3A_509] {strides = array<i32>} : memref<8x3136xf32, #tpu.memory_space<vmem>>, vector<16xf32>,
        %mul3A_511 = arith.constant 16 : i32
        %mul3A_512 = arith.muli %scan3A_504, %mul3A_511 : i32
        %get3A_513 = arith.constant 3 : i32
        %get3A_514 = arith.index_cast %get3A_513 : i32 to index
        %get3A_515 = arith.index_cast %mul3A_512 : i32 to index
        %get3A_516 = tpu.vector_load %arg5[%get3A_514, %get3A_515] {strides = array<i32>} : memref<8x3136xf32, #tpu.memory_space<vmem>>, vector<16xf32>,
        %select_n3A_517 = arith.select %broadcast_in_dim3A_191, %get3A_510, %get3A_516 : vector<16xi1>, vector<16xf32>
        %mul3A_518 = arith.constant 16 : i32
        %mul3A_519 = arith.muli %scan3A_504, %mul3A_518 : i32
        %swap3A_520 = arith.constant 3 : i32
        %swap3A_521 = arith.index_cast %swap3A_520 : i32 to index
        %swap3A_522 = arith.index_cast %mul3A_519 : i32 to index
        %swap3A_523 = tpu.vector_load %arg6[%swap3A_521, %swap3A_522] {strides = array<i32>} : memref<8x3136xf32, #tpu.memory_space<vmem>>, vector<16xf32>,
        tpu.vector_store %arg6[%swap3A_521, %swap3A_522], %select_n3A_517 {strides = array<i32>} : memref<8x3136xf32, #tpu.memory_space<vmem>>, vector<16xf32>,
        %select_n3A_524 = arith.select %broadcast_in_dim3A_194, %get3A_516, %get3A_510 : vector<16xi1>, vector<16xf32>
        %mul3A_525 = arith.constant 16 : i32
        %mul3A_526 = arith.muli %scan3A_504, %mul3A_525 : i32
        %swap3A_527 = arith.constant 3 : i32
        %swap3A_528 = arith.index_cast %swap3A_527 : i32 to index
        %swap3A_529 = arith.index_cast %mul3A_526 : i32 to index
        %swap3A_530 = tpu.vector_load %arg7[%swap3A_528, %swap3A_529] {strides = array<i32>} : memref<8x3136xf32, #tpu.memory_space<vmem>>, vector<16xf32>,
        tpu.vector_store %arg7[%swap3A_528, %swap3A_529], %select_n3A_524 {strides = array<i32>} : memref<8x3136xf32, #tpu.memory_space<vmem>>, vector<16xf32>,
        %scan3A_531 = arith.constant 5 : i32
        %scan3A_532 = arith.addi %scan3A_395, %scan3A_531 : i32
        %mul3A_533 = arith.constant 16 : i32
        %mul3A_534 = arith.muli %scan3A_532, %mul3A_533 : i32
        %get3A_535 = arith.constant 3 : i32
        %get3A_536 = arith.index_cast %get3A_535 : i32 to index
        %get3A_537 = arith.index_cast %mul3A_534 : i32 to index
        %get3A_538 = tpu.vector_load %arg4[%get3A_536, %get3A_537] {strides = array<i32>} : memref<8x3136xf32, #tpu.memory_space<vmem>>, vector<16xf32>,
        %mul3A_539 = arith.constant 16 : i32
        %mul3A_540 = arith.muli %scan3A_532, %mul3A_539 : i32
        %get3A_541 = arith.constant 3 : i32
        %get3A_542 = arith.index_cast %get3A_541 : i32 to index
        %get3A_543 = arith.index_cast %mul3A_540 : i32 to index
        %get3A_544 = tpu.vector_load %arg5[%get3A_542, %get3A_543] {strides = array<i32>} : memref<8x3136xf32, #tpu.memory_space<vmem>>, vector<16xf32>,
        %select_n3A_545 = arith.select %broadcast_in_dim3A_191, %get3A_538, %get3A_544 : vector<16xi1>, vector<16xf32>
        %mul3A_546 = arith.constant 16 : i32
        %mul3A_547 = arith.muli %scan3A_532, %mul3A_546 : i32
        %swap3A_548 = arith.constant 3 : i32
        %swap3A_549 = arith.index_cast %swap3A_548 : i32 to index
        %swap3A_550 = arith.index_cast %mul3A_547 : i32 to index
        %swap3A_551 = tpu.vector_load %arg6[%swap3A_549, %swap3A_550] {strides = array<i32>} : memref<8x3136xf32, #tpu.memory_space<vmem>>, vector<16xf32>,
        tpu.vector_store %arg6[%swap3A_549, %swap3A_550], %select_n3A_545 {strides = array<i32>} : memref<8x3136xf32, #tpu.memory_space<vmem>>, vector<16xf32>,
        %select_n3A_552 = arith.select %broadcast_in_dim3A_194, %get3A_544, %get3A_538 : vector<16xi1>, vector<16xf32>
        %mul3A_553 = arith.constant 16 : i32
        %mul3A_554 = arith.muli %scan3A_532, %mul3A_553 : i32
        %swap3A_555 = arith.constant 3 : i32
        %swap3A_556 = arith.index_cast %swap3A_555 : i32 to index
        %swap3A_557 = arith.index_cast %mul3A_554 : i32 to index
        %swap3A_558 = tpu.vector_load %arg7[%swap3A_556, %swap3A_557] {strides = array<i32>} : memref<8x3136xf32, #tpu.memory_space<vmem>>, vector<16xf32>,
        tpu.vector_store %arg7[%swap3A_556, %swap3A_557], %select_n3A_552 {strides = array<i32>} : memref<8x3136xf32, #tpu.memory_space<vmem>>, vector<16xf32>,
        %scan3A_559 = arith.constant 6 : i32
        %scan3A_560 = arith.addi %scan3A_395, %scan3A_559 : i32
        %mul3A_561 = arith.constant 16 : i32
        %mul3A_562 = arith.muli %scan3A_560, %mul3A_561 : i32
        %get3A_563 = arith.constant 3 : i32
        %get3A_564 = arith.index_cast %get3A_563 : i32 to index
        %get3A_565 = arith.index_cast %mul3A_562 : i32 to index
        %get3A_566 = tpu.vector_load %arg4[%get3A_564, %get3A_565] {strides = array<i32>} : memref<8x3136xf32, #tpu.memory_space<vmem>>, vector<16xf32>,
        %mul3A_567 = arith.constant 16 : i32
        %mul3A_568 = arith.muli %scan3A_560, %mul3A_567 : i32
        %get3A_569 = arith.constant 3 : i32
        %get3A_570 = arith.index_cast %get3A_569 : i32 to index
        %get3A_571 = arith.index_cast %mul3A_568 : i32 to index
        %get3A_572 = tpu.vector_load %arg5[%get3A_570, %get3A_571] {strides = array<i32>} : memref<8x3136xf32, #tpu.memory_space<vmem>>, vector<16xf32>,
        %select_n3A_573 = arith.select %broadcast_in_dim3A_191, %get3A_566, %get3A_572 : vector<16xi1>, vector<16xf32>
        %mul3A_574 = arith.constant 16 : i32
        %mul3A_575 = arith.muli %scan3A_560, %mul3A_574 : i32
        %swap3A_576 = arith.constant 3 : i32
        %swap3A_577 = arith.index_cast %swap3A_576 : i32 to index
        %swap3A_578 = arith.index_cast %mul3A_575 : i32 to index
        %swap3A_579 = tpu.vector_load %arg6[%swap3A_577, %swap3A_578] {strides = array<i32>} : memref<8x3136xf32, #tpu.memory_space<vmem>>, vector<16xf32>,
        tpu.vector_store %arg6[%swap3A_577, %swap3A_578], %select_n3A_573 {strides = array<i32>} : memref<8x3136xf32, #tpu.memory_space<vmem>>, vector<16xf32>,
        %select_n3A_580 = arith.select %broadcast_in_dim3A_194, %get3A_572, %get3A_566 : vector<16xi1>, vector<16xf32>
        %mul3A_581 = arith.constant 16 : i32
        %mul3A_582 = arith.muli %scan3A_560, %mul3A_581 : i32
        %swap3A_583 = arith.constant 3 : i32
        %swap3A_584 = arith.index_cast %swap3A_583 : i32 to index
        %swap3A_585 = arith.index_cast %mul3A_582 : i32 to index
        %swap3A_586 = tpu.vector_load %arg7[%swap3A_584, %swap3A_585] {strides = array<i32>} : memref<8x3136xf32, #tpu.memory_space<vmem>>, vector<16xf32>,
        tpu.vector_store %arg7[%swap3A_584, %swap3A_585], %select_n3A_580 {strides = array<i32>} : memref<8x3136xf32, #tpu.memory_space<vmem>>, vector<16xf32>,
      }
      %scan3A_200 = arith.constant 196 : i32
      %broadcast_in_dim3A_201 = arith.constant 0.000000e+00 : f32
      %broadcast_in_dim3A_202 = vector.broadcast %broadcast_in_dim3A_201 : f32 to vector<16xf32>
      %scan3A_203 = arith.constant 0 : i32
      %scan3A_204 = arith.constant 196 : i32
      %scan3A_205 = arith.addi %scan3A_203, %scan3A_204 : i32
      %scan3A_206 = arith.constant 7 : i32
      %scan3A_207:4 = scf.for %scan3A_395 = %scan3A_203 to %scan3A_205 step %scan3A_206 iter_args(%scan3A_396 = %broadcast_in_dim3A_202, %scan3A_397 = %broadcast_in_dim3A_202, %scan3A_398 = %broadcast_in_dim3A_202, %scan3A_399 = %broadcast_in_dim3A_202) -> (vector<16xf32>, vector<16xf32>, vector<16xf32>, vector<16xf32>)  : i32 {
        %mul3A_400 = arith.constant 16 : i32
        %mul3A_401 = arith.muli %scan3A_395, %mul3A_400 : i32
        %get3A = arith.constant 4 : i32
        %get3A_402 = arith.index_cast %get3A : i32 to index
        %get3A_403 = arith.index_cast %mul3A_401 : i32 to index
        %get3A_404 = tpu.vector_load %arg4[%get3A_402, %get3A_403] {strides = array<i32>} : memref<8x3136xf32, #tpu.memory_space<vmem>>, vector<16xf32>,
        %mul3A_405 = arith.constant 16 : i32
        %mul3A_406 = arith.muli %scan3A_395, %mul3A_405 : i32
        %get3A_407 = arith.constant 4 : i32
        %get3A_408 = arith.index_cast %get3A_407 : i32 to index
        %get3A_409 = arith.index_cast %mul3A_406 : i32 to index
        %get3A_410 = tpu.vector_load %arg5[%get3A_408, %get3A_409] {strides = array<i32>} : memref<8x3136xf32, #tpu.memory_space<vmem>>, vector<16xf32>,
        %add3A_411 = arith.addf %scan3A_396, %get3A_404 : vector<16xf32>
        %mul3A_412 = arith.mulf %get3A_404, %get3A_404 : vector<16xf32>
        %add3A_413 = arith.addf %scan3A_397, %mul3A_412 : vector<16xf32>
        %add3A_414 = arith.addf %scan3A_398, %get3A_410 : vector<16xf32>
        %mul3A_415 = arith.mulf %get3A_410, %get3A_410 : vector<16xf32>
        %add3A_416 = arith.addf %scan3A_399, %mul3A_415 : vector<16xf32>
        %scan3A_417 = arith.constant 1 : i32
        %scan3A_418 = arith.addi %scan3A_395, %scan3A_417 : i32
        %mul3A_419 = arith.constant 16 : i32
        %mul3A_420 = arith.muli %scan3A_418, %mul3A_419 : i32
        %get3A_421 = arith.constant 4 : i32
        %get3A_422 = arith.index_cast %get3A_421 : i32 to index
        %get3A_423 = arith.index_cast %mul3A_420 : i32 to index
        %get3A_424 = tpu.vector_load %arg4[%get3A_422, %get3A_423] {strides = array<i32>} : memref<8x3136xf32, #tpu.memory_space<vmem>>, vector<16xf32>,
        %mul3A_425 = arith.constant 16 : i32
        %mul3A_426 = arith.muli %scan3A_418, %mul3A_425 : i32
        %get3A_427 = arith.constant 4 : i32
        %get3A_428 = arith.index_cast %get3A_427 : i32 to index
        %get3A_429 = arith.index_cast %mul3A_426 : i32 to index
        %get3A_430 = tpu.vector_load %arg5[%get3A_428, %get3A_429] {strides = array<i32>} : memref<8x3136xf32, #tpu.memory_space<vmem>>, vector<16xf32>,
        %add3A_431 = arith.addf %add3A_411, %get3A_424 : vector<16xf32>
        %mul3A_432 = arith.mulf %get3A_424, %get3A_424 : vector<16xf32>
        %add3A_433 = arith.addf %add3A_413, %mul3A_432 : vector<16xf32>
        %add3A_434 = arith.addf %add3A_414, %get3A_430 : vector<16xf32>
        %mul3A_435 = arith.mulf %get3A_430, %get3A_430 : vector<16xf32>
        %add3A_436 = arith.addf %add3A_416, %mul3A_435 : vector<16xf32>
        %scan3A_437 = arith.constant 2 : i32
        %scan3A_438 = arith.addi %scan3A_395, %scan3A_437 : i32
        %mul3A_439 = arith.constant 16 : i32
        %mul3A_440 = arith.muli %scan3A_438, %mul3A_439 : i32
        %get3A_441 = arith.constant 4 : i32
        %get3A_442 = arith.index_cast %get3A_441 : i32 to index
        %get3A_443 = arith.index_cast %mul3A_440 : i32 to index
        %get3A_444 = tpu.vector_load %arg4[%get3A_442, %get3A_443] {strides = array<i32>} : memref<8x3136xf32, #tpu.memory_space<vmem>>, vector<16xf32>,
        %mul3A_445 = arith.constant 16 : i32
        %mul3A_446 = arith.muli %scan3A_438, %mul3A_445 : i32
        %get3A_447 = arith.constant 4 : i32
        %get3A_448 = arith.index_cast %get3A_447 : i32 to index
        %get3A_449 = arith.index_cast %mul3A_446 : i32 to index
        %get3A_450 = tpu.vector_load %arg5[%get3A_448, %get3A_449] {strides = array<i32>} : memref<8x3136xf32, #tpu.memory_space<vmem>>, vector<16xf32>,
        %add3A_451 = arith.addf %add3A_431, %get3A_444 : vector<16xf32>
        %mul3A_452 = arith.mulf %get3A_444, %get3A_444 : vector<16xf32>
        %add3A_453 = arith.addf %add3A_433, %mul3A_452 : vector<16xf32>
        %add3A_454 = arith.addf %add3A_434, %get3A_450 : vector<16xf32>
        %mul3A_455 = arith.mulf %get3A_450, %get3A_450 : vector<16xf32>
        %add3A_456 = arith.addf %add3A_436, %mul3A_455 : vector<16xf32>
        %scan3A_457 = arith.constant 3 : i32
        %scan3A_458 = arith.addi %scan3A_395, %scan3A_457 : i32
        %mul3A_459 = arith.constant 16 : i32
        %mul3A_460 = arith.muli %scan3A_458, %mul3A_459 : i32
        %get3A_461 = arith.constant 4 : i32
        %get3A_462 = arith.index_cast %get3A_461 : i32 to index
        %get3A_463 = arith.index_cast %mul3A_460 : i32 to index
        %get3A_464 = tpu.vector_load %arg4[%get3A_462, %get3A_463] {strides = array<i32>} : memref<8x3136xf32, #tpu.memory_space<vmem>>, vector<16xf32>,
        %mul3A_465 = arith.constant 16 : i32
        %mul3A_466 = arith.muli %scan3A_458, %mul3A_465 : i32
        %get3A_467 = arith.constant 4 : i32
        %get3A_468 = arith.index_cast %get3A_467 : i32 to index
        %get3A_469 = arith.index_cast %mul3A_466 : i32 to index
        %get3A_470 = tpu.vector_load %arg5[%get3A_468, %get3A_469] {strides = array<i32>} : memref<8x3136xf32, #tpu.memory_space<vmem>>, vector<16xf32>,
        %add3A_471 = arith.addf %add3A_451, %get3A_464 : vector<16xf32>
        %mul3A_472 = arith.mulf %get3A_464, %get3A_464 : vector<16xf32>
        %add3A_473 = arith.addf %add3A_453, %mul3A_472 : vector<16xf32>
        %add3A_474 = arith.addf %add3A_454, %get3A_470 : vector<16xf32>
        %mul3A_475 = arith.mulf %get3A_470, %get3A_470 : vector<16xf32>
        %add3A_476 = arith.addf %add3A_456, %mul3A_475 : vector<16xf32>
        %scan3A_477 = arith.constant 4 : i32
        %scan3A_478 = arith.addi %scan3A_395, %scan3A_477 : i32
        %mul3A_479 = arith.constant 16 : i32
        %mul3A_480 = arith.muli %scan3A_478, %mul3A_479 : i32
        %get3A_481 = arith.constant 4 : i32
        %get3A_482 = arith.index_cast %get3A_481 : i32 to index
        %get3A_483 = arith.index_cast %mul3A_480 : i32 to index
        %get3A_484 = tpu.vector_load %arg4[%get3A_482, %get3A_483] {strides = array<i32>} : memref<8x3136xf32, #tpu.memory_space<vmem>>, vector<16xf32>,
        %mul3A_485 = arith.constant 16 : i32
        %mul3A_486 = arith.muli %scan3A_478, %mul3A_485 : i32
        %get3A_487 = arith.constant 4 : i32
        %get3A_488 = arith.index_cast %get3A_487 : i32 to index
        %get3A_489 = arith.index_cast %mul3A_486 : i32 to index
        %get3A_490 = tpu.vector_load %arg5[%get3A_488, %get3A_489] {strides = array<i32>} : memref<8x3136xf32, #tpu.memory_space<vmem>>, vector<16xf32>,
        %add3A_491 = arith.addf %add3A_471, %get3A_484 : vector<16xf32>
        %mul3A_492 = arith.mulf %get3A_484, %get3A_484 : vector<16xf32>
        %add3A_493 = arith.addf %add3A_473, %mul3A_492 : vector<16xf32>
        %add3A_494 = arith.addf %add3A_474, %get3A_490 : vector<16xf32>
        %mul3A_495 = arith.mulf %get3A_490, %get3A_490 : vector<16xf32>
        %add3A_496 = arith.addf %add3A_476, %mul3A_495 : vector<16xf32>
        %scan3A_497 = arith.constant 5 : i32
        %scan3A_498 = arith.addi %scan3A_395, %scan3A_497 : i32
        %mul3A_499 = arith.constant 16 : i32
        %mul3A_500 = arith.muli %scan3A_498, %mul3A_499 : i32
        %get3A_501 = arith.constant 4 : i32
        %get3A_502 = arith.index_cast %get3A_501 : i32 to index
        %get3A_503 = arith.index_cast %mul3A_500 : i32 to index
        %get3A_504 = tpu.vector_load %arg4[%get3A_502, %get3A_503] {strides = array<i32>} : memref<8x3136xf32, #tpu.memory_space<vmem>>, vector<16xf32>,
        %mul3A_505 = arith.constant 16 : i32
        %mul3A_506 = arith.muli %scan3A_498, %mul3A_505 : i32
        %get3A_507 = arith.constant 4 : i32
        %get3A_508 = arith.index_cast %get3A_507 : i32 to index
        %get3A_509 = arith.index_cast %mul3A_506 : i32 to index
        %get3A_510 = tpu.vector_load %arg5[%get3A_508, %get3A_509] {strides = array<i32>} : memref<8x3136xf32, #tpu.memory_space<vmem>>, vector<16xf32>,
        %add3A_511 = arith.addf %add3A_491, %get3A_504 : vector<16xf32>
        %mul3A_512 = arith.mulf %get3A_504, %get3A_504 : vector<16xf32>
        %add3A_513 = arith.addf %add3A_493, %mul3A_512 : vector<16xf32>
        %add3A_514 = arith.addf %add3A_494, %get3A_510 : vector<16xf32>
        %mul3A_515 = arith.mulf %get3A_510, %get3A_510 : vector<16xf32>
        %add3A_516 = arith.addf %add3A_496, %mul3A_515 : vector<16xf32>
        %scan3A_517 = arith.constant 6 : i32
        %scan3A_518 = arith.addi %scan3A_395, %scan3A_517 : i32
        %mul3A_519 = arith.constant 16 : i32
        %mul3A_520 = arith.muli %scan3A_518, %mul3A_519 : i32
        %get3A_521 = arith.constant 4 : i32
        %get3A_522 = arith.index_cast %get3A_521 : i32 to index
        %get3A_523 = arith.index_cast %mul3A_520 : i32 to index
        %get3A_524 = tpu.vector_load %arg4[%get3A_522, %get3A_523] {strides = array<i32>} : memref<8x3136xf32, #tpu.memory_space<vmem>>, vector<16xf32>,
        %mul3A_525 = arith.constant 16 : i32
        %mul3A_526 = arith.muli %scan3A_518, %mul3A_525 : i32
        %get3A_527 = arith.constant 4 : i32
        %get3A_528 = arith.index_cast %get3A_527 : i32 to index
        %get3A_529 = arith.index_cast %mul3A_526 : i32 to index
        %get3A_530 = tpu.vector_load %arg5[%get3A_528, %get3A_529] {strides = array<i32>} : memref<8x3136xf32, #tpu.memory_space<vmem>>, vector<16xf32>,
        %add3A_531 = arith.addf %add3A_511, %get3A_524 : vector<16xf32>
        %mul3A_532 = arith.mulf %get3A_524, %get3A_524 : vector<16xf32>
        %add3A_533 = arith.addf %add3A_513, %mul3A_532 : vector<16xf32>
        %add3A_534 = arith.addf %add3A_514, %get3A_530 : vector<16xf32>
        %mul3A_535 = arith.mulf %get3A_530, %get3A_530 : vector<16xf32>
        %add3A_536 = arith.addf %add3A_516, %mul3A_535 : vector<16xf32>
        scf.yield %add3A_531, %add3A_533, %add3A_534, %add3A_536 : vector<16xf32>, vector<16xf32>, vector<16xf32>, vector<16xf32>
      }
      %scan3A_208 = arith.constant 196 : i32
      %reduce_sum3A_209 = arith.constant true
      %reduce_sum3A_210 = vector.broadcast %reduce_sum3A_209 : i1 to vector<16xi1>
      %reduce_sum3A_211 = tpu.scan <sum>, %scan3A_207#0 masked %reduce_sum3A_210 : vector<16xf32>, vector<16xi1> -> vector<16xf32>
      %reduce_sum3A_212 = vector.extract %reduce_sum3A_211[15] : f32 from vector<16xf32>
      %reduce_sum3A_213 = arith.constant true
      %reduce_sum3A_214 = vector.broadcast %reduce_sum3A_213 : i1 to vector<16xi1>
      %reduce_sum3A_215 = tpu.scan <sum>, %scan3A_207#1 masked %reduce_sum3A_214 : vector<16xf32>, vector<16xi1> -> vector<16xf32>
      %reduce_sum3A_216 = vector.extract %reduce_sum3A_215[15] : f32 from vector<16xf32>
      %reduce_sum3A_217 = arith.constant true
      %reduce_sum3A_218 = vector.broadcast %reduce_sum3A_217 : i1 to vector<16xi1>
      %reduce_sum3A_219 = tpu.scan <sum>, %scan3A_207#2 masked %reduce_sum3A_218 : vector<16xf32>, vector<16xi1> -> vector<16xf32>
      %reduce_sum3A_220 = vector.extract %reduce_sum3A_219[15] : f32 from vector<16xf32>
      %reduce_sum3A_221 = arith.constant true
      %reduce_sum3A_222 = vector.broadcast %reduce_sum3A_221 : i1 to vector<16xi1>
      %reduce_sum3A_223 = tpu.scan <sum>, %scan3A_207#3 masked %reduce_sum3A_222 : vector<16xf32>, vector<16xi1> -> vector<16xf32>
      %reduce_sum3A_224 = vector.extract %reduce_sum3A_223[15] : f32 from vector<16xf32>
      %mul3A_225 = arith.mulf %reduce_sum3A_212, %reduce_sum3A_212 : f32
      %mul3A_226 = arith.constant 3.18877544E-4 : f32
      %mul3A_227 = arith.mulf %mul3A_225, %mul3A_226 : f32
      %sub3A_228 = arith.subf %reduce_sum3A_216, %mul3A_227 : f32
      %mul3A_229 = arith.constant 3.18979262E-4 : f32
      %mul3A_230 = arith.mulf %sub3A_228, %mul3A_229 : f32
      %mul3A_231 = arith.mulf %reduce_sum3A_220, %reduce_sum3A_220 : f32
      %mul3A_232 = arith.constant 3.18877544E-4 : f32
      %mul3A_233 = arith.mulf %mul3A_231, %mul3A_232 : f32
      %sub3A_234 = arith.subf %reduce_sum3A_224, %mul3A_233 : f32
      %mul3A_235 = arith.constant 3.18979262E-4 : f32
      %mul3A_236 = arith.mulf %sub3A_234, %mul3A_235 : f32
      %ge3A_237 = arith.constant 0.00999999977 : f32
      %ge3A_238 = arith.cmpf oge, %mul3A_230, %ge3A_237 : f32
      %broadcast_in_dim3A_239 = vector.broadcast %ge3A_238 : i1 to vector<16xi1>
      %ge3A_240 = arith.constant 0.00999999977 : f32
      %ge3A_241 = arith.cmpf oge, %mul3A_236, %ge3A_240 : f32
      %broadcast_in_dim3A_242 = vector.broadcast %ge3A_241 : i1 to vector<16xi1>
      %scan3A_243 = arith.constant 0 : i32
      %scan3A_244 = arith.constant 0 : i32
      %scan3A_245 = arith.constant 196 : i32
      %scan3A_246 = arith.addi %scan3A_244, %scan3A_245 : i32
      %scan3A_247 = arith.constant 7 : i32
      scf.for %scan3A_395 = %scan3A_244 to %scan3A_246 step %scan3A_247  : i32 {
        %mul3A_396 = arith.constant 16 : i32
        %mul3A_397 = arith.muli %scan3A_395, %mul3A_396 : i32
        %get3A = arith.constant 4 : i32
        %get3A_398 = arith.index_cast %get3A : i32 to index
        %get3A_399 = arith.index_cast %mul3A_397 : i32 to index
        %get3A_400 = tpu.vector_load %arg4[%get3A_398, %get3A_399] {strides = array<i32>} : memref<8x3136xf32, #tpu.memory_space<vmem>>, vector<16xf32>,
        %mul3A_401 = arith.constant 16 : i32
        %mul3A_402 = arith.muli %scan3A_395, %mul3A_401 : i32
        %get3A_403 = arith.constant 4 : i32
        %get3A_404 = arith.index_cast %get3A_403 : i32 to index
        %get3A_405 = arith.index_cast %mul3A_402 : i32 to index
        %get3A_406 = tpu.vector_load %arg5[%get3A_404, %get3A_405] {strides = array<i32>} : memref<8x3136xf32, #tpu.memory_space<vmem>>, vector<16xf32>,
        %select_n3A = arith.select %broadcast_in_dim3A_239, %get3A_400, %get3A_406 : vector<16xi1>, vector<16xf32>
        %mul3A_407 = arith.constant 16 : i32
        %mul3A_408 = arith.muli %scan3A_395, %mul3A_407 : i32
        %swap3A = arith.constant 4 : i32
        %swap3A_409 = arith.index_cast %swap3A : i32 to index
        %swap3A_410 = arith.index_cast %mul3A_408 : i32 to index
        %swap3A_411 = tpu.vector_load %arg6[%swap3A_409, %swap3A_410] {strides = array<i32>} : memref<8x3136xf32, #tpu.memory_space<vmem>>, vector<16xf32>,
        tpu.vector_store %arg6[%swap3A_409, %swap3A_410], %select_n3A {strides = array<i32>} : memref<8x3136xf32, #tpu.memory_space<vmem>>, vector<16xf32>,
        %select_n3A_412 = arith.select %broadcast_in_dim3A_242, %get3A_406, %get3A_400 : vector<16xi1>, vector<16xf32>
        %mul3A_413 = arith.constant 16 : i32
        %mul3A_414 = arith.muli %scan3A_395, %mul3A_413 : i32
        %swap3A_415 = arith.constant 4 : i32
        %swap3A_416 = arith.index_cast %swap3A_415 : i32 to index
        %swap3A_417 = arith.index_cast %mul3A_414 : i32 to index
        %swap3A_418 = tpu.vector_load %arg7[%swap3A_416, %swap3A_417] {strides = array<i32>} : memref<8x3136xf32, #tpu.memory_space<vmem>>, vector<16xf32>,
        tpu.vector_store %arg7[%swap3A_416, %swap3A_417], %select_n3A_412 {strides = array<i32>} : memref<8x3136xf32, #tpu.memory_space<vmem>>, vector<16xf32>,
        %scan3A_419 = arith.constant 1 : i32
        %scan3A_420 = arith.addi %scan3A_395, %scan3A_419 : i32
        %mul3A_421 = arith.constant 16 : i32
        %mul3A_422 = arith.muli %scan3A_420, %mul3A_421 : i32
        %get3A_423 = arith.constant 4 : i32
        %get3A_424 = arith.index_cast %get3A_423 : i32 to index
        %get3A_425 = arith.index_cast %mul3A_422 : i32 to index
        %get3A_426 = tpu.vector_load %arg4[%get3A_424, %get3A_425] {strides = array<i32>} : memref<8x3136xf32, #tpu.memory_space<vmem>>, vector<16xf32>,
        %mul3A_427 = arith.constant 16 : i32
        %mul3A_428 = arith.muli %scan3A_420, %mul3A_427 : i32
        %get3A_429 = arith.constant 4 : i32
        %get3A_430 = arith.index_cast %get3A_429 : i32 to index
        %get3A_431 = arith.index_cast %mul3A_428 : i32 to index
        %get3A_432 = tpu.vector_load %arg5[%get3A_430, %get3A_431] {strides = array<i32>} : memref<8x3136xf32, #tpu.memory_space<vmem>>, vector<16xf32>,
        %select_n3A_433 = arith.select %broadcast_in_dim3A_239, %get3A_426, %get3A_432 : vector<16xi1>, vector<16xf32>
        %mul3A_434 = arith.constant 16 : i32
        %mul3A_435 = arith.muli %scan3A_420, %mul3A_434 : i32
        %swap3A_436 = arith.constant 4 : i32
        %swap3A_437 = arith.index_cast %swap3A_436 : i32 to index
        %swap3A_438 = arith.index_cast %mul3A_435 : i32 to index
        %swap3A_439 = tpu.vector_load %arg6[%swap3A_437, %swap3A_438] {strides = array<i32>} : memref<8x3136xf32, #tpu.memory_space<vmem>>, vector<16xf32>,
        tpu.vector_store %arg6[%swap3A_437, %swap3A_438], %select_n3A_433 {strides = array<i32>} : memref<8x3136xf32, #tpu.memory_space<vmem>>, vector<16xf32>,
        %select_n3A_440 = arith.select %broadcast_in_dim3A_242, %get3A_432, %get3A_426 : vector<16xi1>, vector<16xf32>
        %mul3A_441 = arith.constant 16 : i32
        %mul3A_442 = arith.muli %scan3A_420, %mul3A_441 : i32
        %swap3A_443 = arith.constant 4 : i32
        %swap3A_444 = arith.index_cast %swap3A_443 : i32 to index
        %swap3A_445 = arith.index_cast %mul3A_442 : i32 to index
        %swap3A_446 = tpu.vector_load %arg7[%swap3A_444, %swap3A_445] {strides = array<i32>} : memref<8x3136xf32, #tpu.memory_space<vmem>>, vector<16xf32>,
        tpu.vector_store %arg7[%swap3A_444, %swap3A_445], %select_n3A_440 {strides = array<i32>} : memref<8x3136xf32, #tpu.memory_space<vmem>>, vector<16xf32>,
        %scan3A_447 = arith.constant 2 : i32
        %scan3A_448 = arith.addi %scan3A_395, %scan3A_447 : i32
        %mul3A_449 = arith.constant 16 : i32
        %mul3A_450 = arith.muli %scan3A_448, %mul3A_449 : i32
        %get3A_451 = arith.constant 4 : i32
        %get3A_452 = arith.index_cast %get3A_451 : i32 to index
        %get3A_453 = arith.index_cast %mul3A_450 : i32 to index
        %get3A_454 = tpu.vector_load %arg4[%get3A_452, %get3A_453] {strides = array<i32>} : memref<8x3136xf32, #tpu.memory_space<vmem>>, vector<16xf32>,
        %mul3A_455 = arith.constant 16 : i32
        %mul3A_456 = arith.muli %scan3A_448, %mul3A_455 : i32
        %get3A_457 = arith.constant 4 : i32
        %get3A_458 = arith.index_cast %get3A_457 : i32 to index
        %get3A_459 = arith.index_cast %mul3A_456 : i32 to index
        %get3A_460 = tpu.vector_load %arg5[%get3A_458, %get3A_459] {strides = array<i32>} : memref<8x3136xf32, #tpu.memory_space<vmem>>, vector<16xf32>,
        %select_n3A_461 = arith.select %broadcast_in_dim3A_239, %get3A_454, %get3A_460 : vector<16xi1>, vector<16xf32>
        %mul3A_462 = arith.constant 16 : i32
        %mul3A_463 = arith.muli %scan3A_448, %mul3A_462 : i32
        %swap3A_464 = arith.constant 4 : i32
        %swap3A_465 = arith.index_cast %swap3A_464 : i32 to index
        %swap3A_466 = arith.index_cast %mul3A_463 : i32 to index
        %swap3A_467 = tpu.vector_load %arg6[%swap3A_465, %swap3A_466] {strides = array<i32>} : memref<8x3136xf32, #tpu.memory_space<vmem>>, vector<16xf32>,
        tpu.vector_store %arg6[%swap3A_465, %swap3A_466], %select_n3A_461 {strides = array<i32>} : memref<8x3136xf32, #tpu.memory_space<vmem>>, vector<16xf32>,
        %select_n3A_468 = arith.select %broadcast_in_dim3A_242, %get3A_460, %get3A_454 : vector<16xi1>, vector<16xf32>
        %mul3A_469 = arith.constant 16 : i32
        %mul3A_470 = arith.muli %scan3A_448, %mul3A_469 : i32
        %swap3A_471 = arith.constant 4 : i32
        %swap3A_472 = arith.index_cast %swap3A_471 : i32 to index
        %swap3A_473 = arith.index_cast %mul3A_470 : i32 to index
        %swap3A_474 = tpu.vector_load %arg7[%swap3A_472, %swap3A_473] {strides = array<i32>} : memref<8x3136xf32, #tpu.memory_space<vmem>>, vector<16xf32>,
        tpu.vector_store %arg7[%swap3A_472, %swap3A_473], %select_n3A_468 {strides = array<i32>} : memref<8x3136xf32, #tpu.memory_space<vmem>>, vector<16xf32>,
        %scan3A_475 = arith.constant 3 : i32
        %scan3A_476 = arith.addi %scan3A_395, %scan3A_475 : i32
        %mul3A_477 = arith.constant 16 : i32
        %mul3A_478 = arith.muli %scan3A_476, %mul3A_477 : i32
        %get3A_479 = arith.constant 4 : i32
        %get3A_480 = arith.index_cast %get3A_479 : i32 to index
        %get3A_481 = arith.index_cast %mul3A_478 : i32 to index
        %get3A_482 = tpu.vector_load %arg4[%get3A_480, %get3A_481] {strides = array<i32>} : memref<8x3136xf32, #tpu.memory_space<vmem>>, vector<16xf32>,
        %mul3A_483 = arith.constant 16 : i32
        %mul3A_484 = arith.muli %scan3A_476, %mul3A_483 : i32
        %get3A_485 = arith.constant 4 : i32
        %get3A_486 = arith.index_cast %get3A_485 : i32 to index
        %get3A_487 = arith.index_cast %mul3A_484 : i32 to index
        %get3A_488 = tpu.vector_load %arg5[%get3A_486, %get3A_487] {strides = array<i32>} : memref<8x3136xf32, #tpu.memory_space<vmem>>, vector<16xf32>,
        %select_n3A_489 = arith.select %broadcast_in_dim3A_239, %get3A_482, %get3A_488 : vector<16xi1>, vector<16xf32>
        %mul3A_490 = arith.constant 16 : i32
        %mul3A_491 = arith.muli %scan3A_476, %mul3A_490 : i32
        %swap3A_492 = arith.constant 4 : i32
        %swap3A_493 = arith.index_cast %swap3A_492 : i32 to index
        %swap3A_494 = arith.index_cast %mul3A_491 : i32 to index
        %swap3A_495 = tpu.vector_load %arg6[%swap3A_493, %swap3A_494] {strides = array<i32>} : memref<8x3136xf32, #tpu.memory_space<vmem>>, vector<16xf32>,
        tpu.vector_store %arg6[%swap3A_493, %swap3A_494], %select_n3A_489 {strides = array<i32>} : memref<8x3136xf32, #tpu.memory_space<vmem>>, vector<16xf32>,
        %select_n3A_496 = arith.select %broadcast_in_dim3A_242, %get3A_488, %get3A_482 : vector<16xi1>, vector<16xf32>
        %mul3A_497 = arith.constant 16 : i32
        %mul3A_498 = arith.muli %scan3A_476, %mul3A_497 : i32
        %swap3A_499 = arith.constant 4 : i32
        %swap3A_500 = arith.index_cast %swap3A_499 : i32 to index
        %swap3A_501 = arith.index_cast %mul3A_498 : i32 to index
        %swap3A_502 = tpu.vector_load %arg7[%swap3A_500, %swap3A_501] {strides = array<i32>} : memref<8x3136xf32, #tpu.memory_space<vmem>>, vector<16xf32>,
        tpu.vector_store %arg7[%swap3A_500, %swap3A_501], %select_n3A_496 {strides = array<i32>} : memref<8x3136xf32, #tpu.memory_space<vmem>>, vector<16xf32>,
        %scan3A_503 = arith.constant 4 : i32
        %scan3A_504 = arith.addi %scan3A_395, %scan3A_503 : i32
        %mul3A_505 = arith.constant 16 : i32
        %mul3A_506 = arith.muli %scan3A_504, %mul3A_505 : i32
        %get3A_507 = arith.constant 4 : i32
        %get3A_508 = arith.index_cast %get3A_507 : i32 to index
        %get3A_509 = arith.index_cast %mul3A_506 : i32 to index
        %get3A_510 = tpu.vector_load %arg4[%get3A_508, %get3A_509] {strides = array<i32>} : memref<8x3136xf32, #tpu.memory_space<vmem>>, vector<16xf32>,
        %mul3A_511 = arith.constant 16 : i32
        %mul3A_512 = arith.muli %scan3A_504, %mul3A_511 : i32
        %get3A_513 = arith.constant 4 : i32
        %get3A_514 = arith.index_cast %get3A_513 : i32 to index
        %get3A_515 = arith.index_cast %mul3A_512 : i32 to index
        %get3A_516 = tpu.vector_load %arg5[%get3A_514, %get3A_515] {strides = array<i32>} : memref<8x3136xf32, #tpu.memory_space<vmem>>, vector<16xf32>,
        %select_n3A_517 = arith.select %broadcast_in_dim3A_239, %get3A_510, %get3A_516 : vector<16xi1>, vector<16xf32>
        %mul3A_518 = arith.constant 16 : i32
        %mul3A_519 = arith.muli %scan3A_504, %mul3A_518 : i32
        %swap3A_520 = arith.constant 4 : i32
        %swap3A_521 = arith.index_cast %swap3A_520 : i32 to index
        %swap3A_522 = arith.index_cast %mul3A_519 : i32 to index
        %swap3A_523 = tpu.vector_load %arg6[%swap3A_521, %swap3A_522] {strides = array<i32>} : memref<8x3136xf32, #tpu.memory_space<vmem>>, vector<16xf32>,
        tpu.vector_store %arg6[%swap3A_521, %swap3A_522], %select_n3A_517 {strides = array<i32>} : memref<8x3136xf32, #tpu.memory_space<vmem>>, vector<16xf32>,
        %select_n3A_524 = arith.select %broadcast_in_dim3A_242, %get3A_516, %get3A_510 : vector<16xi1>, vector<16xf32>
        %mul3A_525 = arith.constant 16 : i32
        %mul3A_526 = arith.muli %scan3A_504, %mul3A_525 : i32
        %swap3A_527 = arith.constant 4 : i32
        %swap3A_528 = arith.index_cast %swap3A_527 : i32 to index
        %swap3A_529 = arith.index_cast %mul3A_526 : i32 to index
        %swap3A_530 = tpu.vector_load %arg7[%swap3A_528, %swap3A_529] {strides = array<i32>} : memref<8x3136xf32, #tpu.memory_space<vmem>>, vector<16xf32>,
        tpu.vector_store %arg7[%swap3A_528, %swap3A_529], %select_n3A_524 {strides = array<i32>} : memref<8x3136xf32, #tpu.memory_space<vmem>>, vector<16xf32>,
        %scan3A_531 = arith.constant 5 : i32
        %scan3A_532 = arith.addi %scan3A_395, %scan3A_531 : i32
        %mul3A_533 = arith.constant 16 : i32
        %mul3A_534 = arith.muli %scan3A_532, %mul3A_533 : i32
        %get3A_535 = arith.constant 4 : i32
        %get3A_536 = arith.index_cast %get3A_535 : i32 to index
        %get3A_537 = arith.index_cast %mul3A_534 : i32 to index
        %get3A_538 = tpu.vector_load %arg4[%get3A_536, %get3A_537] {strides = array<i32>} : memref<8x3136xf32, #tpu.memory_space<vmem>>, vector<16xf32>,
        %mul3A_539 = arith.constant 16 : i32
        %mul3A_540 = arith.muli %scan3A_532, %mul3A_539 : i32
        %get3A_541 = arith.constant 4 : i32
        %get3A_542 = arith.index_cast %get3A_541 : i32 to index
        %get3A_543 = arith.index_cast %mul3A_540 : i32 to index
        %get3A_544 = tpu.vector_load %arg5[%get3A_542, %get3A_543] {strides = array<i32>} : memref<8x3136xf32, #tpu.memory_space<vmem>>, vector<16xf32>,
        %select_n3A_545 = arith.select %broadcast_in_dim3A_239, %get3A_538, %get3A_544 : vector<16xi1>, vector<16xf32>
        %mul3A_546 = arith.constant 16 : i32
        %mul3A_547 = arith.muli %scan3A_532, %mul3A_546 : i32
        %swap3A_548 = arith.constant 4 : i32
        %swap3A_549 = arith.index_cast %swap3A_548 : i32 to index
        %swap3A_550 = arith.index_cast %mul3A_547 : i32 to index
        %swap3A_551 = tpu.vector_load %arg6[%swap3A_549, %swap3A_550] {strides = array<i32>} : memref<8x3136xf32, #tpu.memory_space<vmem>>, vector<16xf32>,
        tpu.vector_store %arg6[%swap3A_549, %swap3A_550], %select_n3A_545 {strides = array<i32>} : memref<8x3136xf32, #tpu.memory_space<vmem>>, vector<16xf32>,
        %select_n3A_552 = arith.select %broadcast_in_dim3A_242, %get3A_544, %get3A_538 : vector<16xi1>, vector<16xf32>
        %mul3A_553 = arith.constant 16 : i32
        %mul3A_554 = arith.muli %scan3A_532, %mul3A_553 : i32
        %swap3A_555 = arith.constant 4 : i32
        %swap3A_556 = arith.index_cast %swap3A_555 : i32 to index
        %swap3A_557 = arith.index_cast %mul3A_554 : i32 to index
        %swap3A_558 = tpu.vector_load %arg7[%swap3A_556, %swap3A_557] {strides = array<i32>} : memref<8x3136xf32, #tpu.memory_space<vmem>>, vector<16xf32>,
        tpu.vector_store %arg7[%swap3A_556, %swap3A_557], %select_n3A_552 {strides = array<i32>} : memref<8x3136xf32, #tpu.memory_space<vmem>>, vector<16xf32>,
        %scan3A_559 = arith.constant 6 : i32
        %scan3A_560 = arith.addi %scan3A_395, %scan3A_559 : i32
        %mul3A_561 = arith.constant 16 : i32
        %mul3A_562 = arith.muli %scan3A_560, %mul3A_561 : i32
        %get3A_563 = arith.constant 4 : i32
        %get3A_564 = arith.index_cast %get3A_563 : i32 to index
        %get3A_565 = arith.index_cast %mul3A_562 : i32 to index
        %get3A_566 = tpu.vector_load %arg4[%get3A_564, %get3A_565] {strides = array<i32>} : memref<8x3136xf32, #tpu.memory_space<vmem>>, vector<16xf32>,
        %mul3A_567 = arith.constant 16 : i32
        %mul3A_568 = arith.muli %scan3A_560, %mul3A_567 : i32
        %get3A_569 = arith.constant 4 : i32
        %get3A_570 = arith.index_cast %get3A_569 : i32 to index
        %get3A_571 = arith.index_cast %mul3A_568 : i32 to index
        %get3A_572 = tpu.vector_load %arg5[%get3A_570, %get3A_571] {strides = array<i32>} : memref<8x3136xf32, #tpu.memory_space<vmem>>, vector<16xf32>,
        %select_n3A_573 = arith.select %broadcast_in_dim3A_239, %get3A_566, %get3A_572 : vector<16xi1>, vector<16xf32>
        %mul3A_574 = arith.constant 16 : i32
        %mul3A_575 = arith.muli %scan3A_560, %mul3A_574 : i32
        %swap3A_576 = arith.constant 4 : i32
        %swap3A_577 = arith.index_cast %swap3A_576 : i32 to index
        %swap3A_578 = arith.index_cast %mul3A_575 : i32 to index
        %swap3A_579 = tpu.vector_load %arg6[%swap3A_577, %swap3A_578] {strides = array<i32>} : memref<8x3136xf32, #tpu.memory_space<vmem>>, vector<16xf32>,
        tpu.vector_store %arg6[%swap3A_577, %swap3A_578], %select_n3A_573 {strides = array<i32>} : memref<8x3136xf32, #tpu.memory_space<vmem>>, vector<16xf32>,
        %select_n3A_580 = arith.select %broadcast_in_dim3A_242, %get3A_572, %get3A_566 : vector<16xi1>, vector<16xf32>
        %mul3A_581 = arith.constant 16 : i32
        %mul3A_582 = arith.muli %scan3A_560, %mul3A_581 : i32
        %swap3A_583 = arith.constant 4 : i32
        %swap3A_584 = arith.index_cast %swap3A_583 : i32 to index
        %swap3A_585 = arith.index_cast %mul3A_582 : i32 to index
        %swap3A_586 = tpu.vector_load %arg7[%swap3A_584, %swap3A_585] {strides = array<i32>} : memref<8x3136xf32, #tpu.memory_space<vmem>>, vector<16xf32>,
        tpu.vector_store %arg7[%swap3A_584, %swap3A_585], %select_n3A_580 {strides = array<i32>} : memref<8x3136xf32, #tpu.memory_space<vmem>>, vector<16xf32>,
      }
      %scan3A_248 = arith.constant 196 : i32
      %broadcast_in_dim3A_249 = arith.constant 0.000000e+00 : f32
      %broadcast_in_dim3A_250 = vector.broadcast %broadcast_in_dim3A_249 : f32 to vector<16xf32>
      %scan3A_251 = arith.constant 0 : i32
      %scan3A_252 = arith.constant 196 : i32
      %scan3A_253 = arith.addi %scan3A_251, %scan3A_252 : i32
      %scan3A_254 = arith.constant 7 : i32
      %scan3A_255:4 = scf.for %scan3A_395 = %scan3A_251 to %scan3A_253 step %scan3A_254 iter_args(%scan3A_396 = %broadcast_in_dim3A_250, %scan3A_397 = %broadcast_in_dim3A_250, %scan3A_398 = %broadcast_in_dim3A_250, %scan3A_399 = %broadcast_in_dim3A_250) -> (vector<16xf32>, vector<16xf32>, vector<16xf32>, vector<16xf32>)  : i32 {
        %mul3A_400 = arith.constant 16 : i32
        %mul3A_401 = arith.muli %scan3A_395, %mul3A_400 : i32
        %get3A = arith.constant 5 : i32
        %get3A_402 = arith.index_cast %get3A : i32 to index
        %get3A_403 = arith.index_cast %mul3A_401 : i32 to index
        %get3A_404 = tpu.vector_load %arg4[%get3A_402, %get3A_403] {strides = array<i32>} : memref<8x3136xf32, #tpu.memory_space<vmem>>, vector<16xf32>,
        %mul3A_405 = arith.constant 16 : i32
        %mul3A_406 = arith.muli %scan3A_395, %mul3A_405 : i32
        %get3A_407 = arith.constant 5 : i32
        %get3A_408 = arith.index_cast %get3A_407 : i32 to index
        %get3A_409 = arith.index_cast %mul3A_406 : i32 to index
        %get3A_410 = tpu.vector_load %arg5[%get3A_408, %get3A_409] {strides = array<i32>} : memref<8x3136xf32, #tpu.memory_space<vmem>>, vector<16xf32>,
        %add3A_411 = arith.addf %scan3A_396, %get3A_404 : vector<16xf32>
        %mul3A_412 = arith.mulf %get3A_404, %get3A_404 : vector<16xf32>
        %add3A_413 = arith.addf %scan3A_397, %mul3A_412 : vector<16xf32>
        %add3A_414 = arith.addf %scan3A_398, %get3A_410 : vector<16xf32>
        %mul3A_415 = arith.mulf %get3A_410, %get3A_410 : vector<16xf32>
        %add3A_416 = arith.addf %scan3A_399, %mul3A_415 : vector<16xf32>
        %scan3A_417 = arith.constant 1 : i32
        %scan3A_418 = arith.addi %scan3A_395, %scan3A_417 : i32
        %mul3A_419 = arith.constant 16 : i32
        %mul3A_420 = arith.muli %scan3A_418, %mul3A_419 : i32
        %get3A_421 = arith.constant 5 : i32
        %get3A_422 = arith.index_cast %get3A_421 : i32 to index
        %get3A_423 = arith.index_cast %mul3A_420 : i32 to index
        %get3A_424 = tpu.vector_load %arg4[%get3A_422, %get3A_423] {strides = array<i32>} : memref<8x3136xf32, #tpu.memory_space<vmem>>, vector<16xf32>,
        %mul3A_425 = arith.constant 16 : i32
        %mul3A_426 = arith.muli %scan3A_418, %mul3A_425 : i32
        %get3A_427 = arith.constant 5 : i32
        %get3A_428 = arith.index_cast %get3A_427 : i32 to index
        %get3A_429 = arith.index_cast %mul3A_426 : i32 to index
        %get3A_430 = tpu.vector_load %arg5[%get3A_428, %get3A_429] {strides = array<i32>} : memref<8x3136xf32, #tpu.memory_space<vmem>>, vector<16xf32>,
        %add3A_431 = arith.addf %add3A_411, %get3A_424 : vector<16xf32>
        %mul3A_432 = arith.mulf %get3A_424, %get3A_424 : vector<16xf32>
        %add3A_433 = arith.addf %add3A_413, %mul3A_432 : vector<16xf32>
        %add3A_434 = arith.addf %add3A_414, %get3A_430 : vector<16xf32>
        %mul3A_435 = arith.mulf %get3A_430, %get3A_430 : vector<16xf32>
        %add3A_436 = arith.addf %add3A_416, %mul3A_435 : vector<16xf32>
        %scan3A_437 = arith.constant 2 : i32
        %scan3A_438 = arith.addi %scan3A_395, %scan3A_437 : i32
        %mul3A_439 = arith.constant 16 : i32
        %mul3A_440 = arith.muli %scan3A_438, %mul3A_439 : i32
        %get3A_441 = arith.constant 5 : i32
        %get3A_442 = arith.index_cast %get3A_441 : i32 to index
        %get3A_443 = arith.index_cast %mul3A_440 : i32 to index
        %get3A_444 = tpu.vector_load %arg4[%get3A_442, %get3A_443] {strides = array<i32>} : memref<8x3136xf32, #tpu.memory_space<vmem>>, vector<16xf32>,
        %mul3A_445 = arith.constant 16 : i32
        %mul3A_446 = arith.muli %scan3A_438, %mul3A_445 : i32
        %get3A_447 = arith.constant 5 : i32
        %get3A_448 = arith.index_cast %get3A_447 : i32 to index
        %get3A_449 = arith.index_cast %mul3A_446 : i32 to index
        %get3A_450 = tpu.vector_load %arg5[%get3A_448, %get3A_449] {strides = array<i32>} : memref<8x3136xf32, #tpu.memory_space<vmem>>, vector<16xf32>,
        %add3A_451 = arith.addf %add3A_431, %get3A_444 : vector<16xf32>
        %mul3A_452 = arith.mulf %get3A_444, %get3A_444 : vector<16xf32>
        %add3A_453 = arith.addf %add3A_433, %mul3A_452 : vector<16xf32>
        %add3A_454 = arith.addf %add3A_434, %get3A_450 : vector<16xf32>
        %mul3A_455 = arith.mulf %get3A_450, %get3A_450 : vector<16xf32>
        %add3A_456 = arith.addf %add3A_436, %mul3A_455 : vector<16xf32>
        %scan3A_457 = arith.constant 3 : i32
        %scan3A_458 = arith.addi %scan3A_395, %scan3A_457 : i32
        %mul3A_459 = arith.constant 16 : i32
        %mul3A_460 = arith.muli %scan3A_458, %mul3A_459 : i32
        %get3A_461 = arith.constant 5 : i32
        %get3A_462 = arith.index_cast %get3A_461 : i32 to index
        %get3A_463 = arith.index_cast %mul3A_460 : i32 to index
        %get3A_464 = tpu.vector_load %arg4[%get3A_462, %get3A_463] {strides = array<i32>} : memref<8x3136xf32, #tpu.memory_space<vmem>>, vector<16xf32>,
        %mul3A_465 = arith.constant 16 : i32
        %mul3A_466 = arith.muli %scan3A_458, %mul3A_465 : i32
        %get3A_467 = arith.constant 5 : i32
        %get3A_468 = arith.index_cast %get3A_467 : i32 to index
        %get3A_469 = arith.index_cast %mul3A_466 : i32 to index
        %get3A_470 = tpu.vector_load %arg5[%get3A_468, %get3A_469] {strides = array<i32>} : memref<8x3136xf32, #tpu.memory_space<vmem>>, vector<16xf32>,
        %add3A_471 = arith.addf %add3A_451, %get3A_464 : vector<16xf32>
        %mul3A_472 = arith.mulf %get3A_464, %get3A_464 : vector<16xf32>
        %add3A_473 = arith.addf %add3A_453, %mul3A_472 : vector<16xf32>
        %add3A_474 = arith.addf %add3A_454, %get3A_470 : vector<16xf32>
        %mul3A_475 = arith.mulf %get3A_470, %get3A_470 : vector<16xf32>
        %add3A_476 = arith.addf %add3A_456, %mul3A_475 : vector<16xf32>
        %scan3A_477 = arith.constant 4 : i32
        %scan3A_478 = arith.addi %scan3A_395, %scan3A_477 : i32
        %mul3A_479 = arith.constant 16 : i32
        %mul3A_480 = arith.muli %scan3A_478, %mul3A_479 : i32
        %get3A_481 = arith.constant 5 : i32
        %get3A_482 = arith.index_cast %get3A_481 : i32 to index
        %get3A_483 = arith.index_cast %mul3A_480 : i32 to index
        %get3A_484 = tpu.vector_load %arg4[%get3A_482, %get3A_483] {strides = array<i32>} : memref<8x3136xf32, #tpu.memory_space<vmem>>, vector<16xf32>,
        %mul3A_485 = arith.constant 16 : i32
        %mul3A_486 = arith.muli %scan3A_478, %mul3A_485 : i32
        %get3A_487 = arith.constant 5 : i32
        %get3A_488 = arith.index_cast %get3A_487 : i32 to index
        %get3A_489 = arith.index_cast %mul3A_486 : i32 to index
        %get3A_490 = tpu.vector_load %arg5[%get3A_488, %get3A_489] {strides = array<i32>} : memref<8x3136xf32, #tpu.memory_space<vmem>>, vector<16xf32>,
        %add3A_491 = arith.addf %add3A_471, %get3A_484 : vector<16xf32>
        %mul3A_492 = arith.mulf %get3A_484, %get3A_484 : vector<16xf32>
        %add3A_493 = arith.addf %add3A_473, %mul3A_492 : vector<16xf32>
        %add3A_494 = arith.addf %add3A_474, %get3A_490 : vector<16xf32>
        %mul3A_495 = arith.mulf %get3A_490, %get3A_490 : vector<16xf32>
        %add3A_496 = arith.addf %add3A_476, %mul3A_495 : vector<16xf32>
        %scan3A_497 = arith.constant 5 : i32
        %scan3A_498 = arith.addi %scan3A_395, %scan3A_497 : i32
        %mul3A_499 = arith.constant 16 : i32
        %mul3A_500 = arith.muli %scan3A_498, %mul3A_499 : i32
        %get3A_501 = arith.constant 5 : i32
        %get3A_502 = arith.index_cast %get3A_501 : i32 to index
        %get3A_503 = arith.index_cast %mul3A_500 : i32 to index
        %get3A_504 = tpu.vector_load %arg4[%get3A_502, %get3A_503] {strides = array<i32>} : memref<8x3136xf32, #tpu.memory_space<vmem>>, vector<16xf32>,
        %mul3A_505 = arith.constant 16 : i32
        %mul3A_506 = arith.muli %scan3A_498, %mul3A_505 : i32
        %get3A_507 = arith.constant 5 : i32
        %get3A_508 = arith.index_cast %get3A_507 : i32 to index
        %get3A_509 = arith.index_cast %mul3A_506 : i32 to index
        %get3A_510 = tpu.vector_load %arg5[%get3A_508, %get3A_509] {strides = array<i32>} : memref<8x3136xf32, #tpu.memory_space<vmem>>, vector<16xf32>,
        %add3A_511 = arith.addf %add3A_491, %get3A_504 : vector<16xf32>
        %mul3A_512 = arith.mulf %get3A_504, %get3A_504 : vector<16xf32>
        %add3A_513 = arith.addf %add3A_493, %mul3A_512 : vector<16xf32>
        %add3A_514 = arith.addf %add3A_494, %get3A_510 : vector<16xf32>
        %mul3A_515 = arith.mulf %get3A_510, %get3A_510 : vector<16xf32>
        %add3A_516 = arith.addf %add3A_496, %mul3A_515 : vector<16xf32>
        %scan3A_517 = arith.constant 6 : i32
        %scan3A_518 = arith.addi %scan3A_395, %scan3A_517 : i32
        %mul3A_519 = arith.constant 16 : i32
        %mul3A_520 = arith.muli %scan3A_518, %mul3A_519 : i32
        %get3A_521 = arith.constant 5 : i32
        %get3A_522 = arith.index_cast %get3A_521 : i32 to index
        %get3A_523 = arith.index_cast %mul3A_520 : i32 to index
        %get3A_524 = tpu.vector_load %arg4[%get3A_522, %get3A_523] {strides = array<i32>} : memref<8x3136xf32, #tpu.memory_space<vmem>>, vector<16xf32>,
        %mul3A_525 = arith.constant 16 : i32
        %mul3A_526 = arith.muli %scan3A_518, %mul3A_525 : i32
        %get3A_527 = arith.constant 5 : i32
        %get3A_528 = arith.index_cast %get3A_527 : i32 to index
        %get3A_529 = arith.index_cast %mul3A_526 : i32 to index
        %get3A_530 = tpu.vector_load %arg5[%get3A_528, %get3A_529] {strides = array<i32>} : memref<8x3136xf32, #tpu.memory_space<vmem>>, vector<16xf32>,
        %add3A_531 = arith.addf %add3A_511, %get3A_524 : vector<16xf32>
        %mul3A_532 = arith.mulf %get3A_524, %get3A_524 : vector<16xf32>
        %add3A_533 = arith.addf %add3A_513, %mul3A_532 : vector<16xf32>
        %add3A_534 = arith.addf %add3A_514, %get3A_530 : vector<16xf32>
        %mul3A_535 = arith.mulf %get3A_530, %get3A_530 : vector<16xf32>
        %add3A_536 = arith.addf %add3A_516, %mul3A_535 : vector<16xf32>
        scf.yield %add3A_531, %add3A_533, %add3A_534, %add3A_536 : vector<16xf32>, vector<16xf32>, vector<16xf32>, vector<16xf32>
      }
      %scan3A_256 = arith.constant 196 : i32
      %reduce_sum3A_257 = arith.constant true
      %reduce_sum3A_258 = vector.broadcast %reduce_sum3A_257 : i1 to vector<16xi1>
      %reduce_sum3A_259 = tpu.scan <sum>, %scan3A_255#0 masked %reduce_sum3A_258 : vector<16xf32>, vector<16xi1> -> vector<16xf32>
      %reduce_sum3A_260 = vector.extract %reduce_sum3A_259[15] : f32 from vector<16xf32>
      %reduce_sum3A_261 = arith.constant true
      %reduce_sum3A_262 = vector.broadcast %reduce_sum3A_261 : i1 to vector<16xi1>
      %reduce_sum3A_263 = tpu.scan <sum>, %scan3A_255#1 masked %reduce_sum3A_262 : vector<16xf32>, vector<16xi1> -> vector<16xf32>
      %reduce_sum3A_264 = vector.extract %reduce_sum3A_263[15] : f32 from vector<16xf32>
      %reduce_sum3A_265 = arith.constant true
      %reduce_sum3A_266 = vector.broadcast %reduce_sum3A_265 : i1 to vector<16xi1>
      %reduce_sum3A_267 = tpu.scan <sum>, %scan3A_255#2 masked %reduce_sum3A_266 : vector<16xf32>, vector<16xi1> -> vector<16xf32>
      %reduce_sum3A_268 = vector.extract %reduce_sum3A_267[15] : f32 from vector<16xf32>
      %reduce_sum3A_269 = arith.constant true
      %reduce_sum3A_270 = vector.broadcast %reduce_sum3A_269 : i1 to vector<16xi1>
      %reduce_sum3A_271 = tpu.scan <sum>, %scan3A_255#3 masked %reduce_sum3A_270 : vector<16xf32>, vector<16xi1> -> vector<16xf32>
      %reduce_sum3A_272 = vector.extract %reduce_sum3A_271[15] : f32 from vector<16xf32>
      %mul3A_273 = arith.mulf %reduce_sum3A_260, %reduce_sum3A_260 : f32
      %mul3A_274 = arith.constant 3.18877544E-4 : f32
      %mul3A_275 = arith.mulf %mul3A_273, %mul3A_274 : f32
      %sub3A_276 = arith.subf %reduce_sum3A_264, %mul3A_275 : f32
      %mul3A_277 = arith.constant 3.18979262E-4 : f32
      %mul3A_278 = arith.mulf %sub3A_276, %mul3A_277 : f32
      %mul3A_279 = arith.mulf %reduce_sum3A_268, %reduce_sum3A_268 : f32
      %mul3A_280 = arith.constant 3.18877544E-4 : f32
      %mul3A_281 = arith.mulf %mul3A_279, %mul3A_280 : f32
      %sub3A_282 = arith.subf %reduce_sum3A_272, %mul3A_281 : f32
      %mul3A_283 = arith.constant 3.18979262E-4 : f32
      %mul3A_284 = arith.mulf %sub3A_282, %mul3A_283 : f32
      %ge3A_285 = arith.constant 0.00999999977 : f32
      %ge3A_286 = arith.cmpf oge, %mul3A_278, %ge3A_285 : f32
      %broadcast_in_dim3A_287 = vector.broadcast %ge3A_286 : i1 to vector<16xi1>
      %ge3A_288 = arith.constant 0.00999999977 : f32
      %ge3A_289 = arith.cmpf oge, %mul3A_284, %ge3A_288 : f32
      %broadcast_in_dim3A_290 = vector.broadcast %ge3A_289 : i1 to vector<16xi1>
      %scan3A_291 = arith.constant 0 : i32
      %scan3A_292 = arith.constant 0 : i32
      %scan3A_293 = arith.constant 196 : i32
      %scan3A_294 = arith.addi %scan3A_292, %scan3A_293 : i32
      %scan3A_295 = arith.constant 7 : i32
      scf.for %scan3A_395 = %scan3A_292 to %scan3A_294 step %scan3A_295  : i32 {
        %mul3A_396 = arith.constant 16 : i32
        %mul3A_397 = arith.muli %scan3A_395, %mul3A_396 : i32
        %get3A = arith.constant 5 : i32
        %get3A_398 = arith.index_cast %get3A : i32 to index
        %get3A_399 = arith.index_cast %mul3A_397 : i32 to index
        %get3A_400 = tpu.vector_load %arg4[%get3A_398, %get3A_399] {strides = array<i32>} : memref<8x3136xf32, #tpu.memory_space<vmem>>, vector<16xf32>,
        %mul3A_401 = arith.constant 16 : i32
        %mul3A_402 = arith.muli %scan3A_395, %mul3A_401 : i32
        %get3A_403 = arith.constant 5 : i32
        %get3A_404 = arith.index_cast %get3A_403 : i32 to index
        %get3A_405 = arith.index_cast %mul3A_402 : i32 to index
        %get3A_406 = tpu.vector_load %arg5[%get3A_404, %get3A_405] {strides = array<i32>} : memref<8x3136xf32, #tpu.memory_space<vmem>>, vector<16xf32>,
        %select_n3A = arith.select %broadcast_in_dim3A_287, %get3A_400, %get3A_406 : vector<16xi1>, vector<16xf32>
        %mul3A_407 = arith.constant 16 : i32
        %mul3A_408 = arith.muli %scan3A_395, %mul3A_407 : i32
        %swap3A = arith.constant 5 : i32
        %swap3A_409 = arith.index_cast %swap3A : i32 to index
        %swap3A_410 = arith.index_cast %mul3A_408 : i32 to index
        %swap3A_411 = tpu.vector_load %arg6[%swap3A_409, %swap3A_410] {strides = array<i32>} : memref<8x3136xf32, #tpu.memory_space<vmem>>, vector<16xf32>,
        tpu.vector_store %arg6[%swap3A_409, %swap3A_410], %select_n3A {strides = array<i32>} : memref<8x3136xf32, #tpu.memory_space<vmem>>, vector<16xf32>,
        %select_n3A_412 = arith.select %broadcast_in_dim3A_290, %get3A_406, %get3A_400 : vector<16xi1>, vector<16xf32>
        %mul3A_413 = arith.constant 16 : i32
        %mul3A_414 = arith.muli %scan3A_395, %mul3A_413 : i32
        %swap3A_415 = arith.constant 5 : i32
        %swap3A_416 = arith.index_cast %swap3A_415 : i32 to index
        %swap3A_417 = arith.index_cast %mul3A_414 : i32 to index
        %swap3A_418 = tpu.vector_load %arg7[%swap3A_416, %swap3A_417] {strides = array<i32>} : memref<8x3136xf32, #tpu.memory_space<vmem>>, vector<16xf32>,
        tpu.vector_store %arg7[%swap3A_416, %swap3A_417], %select_n3A_412 {strides = array<i32>} : memref<8x3136xf32, #tpu.memory_space<vmem>>, vector<16xf32>,
        %scan3A_419 = arith.constant 1 : i32
        %scan3A_420 = arith.addi %scan3A_395, %scan3A_419 : i32
        %mul3A_421 = arith.constant 16 : i32
        %mul3A_422 = arith.muli %scan3A_420, %mul3A_421 : i32
        %get3A_423 = arith.constant 5 : i32
        %get3A_424 = arith.index_cast %get3A_423 : i32 to index
        %get3A_425 = arith.index_cast %mul3A_422 : i32 to index
        %get3A_426 = tpu.vector_load %arg4[%get3A_424, %get3A_425] {strides = array<i32>} : memref<8x3136xf32, #tpu.memory_space<vmem>>, vector<16xf32>,
        %mul3A_427 = arith.constant 16 : i32
        %mul3A_428 = arith.muli %scan3A_420, %mul3A_427 : i32
        %get3A_429 = arith.constant 5 : i32
        %get3A_430 = arith.index_cast %get3A_429 : i32 to index
        %get3A_431 = arith.index_cast %mul3A_428 : i32 to index
        %get3A_432 = tpu.vector_load %arg5[%get3A_430, %get3A_431] {strides = array<i32>} : memref<8x3136xf32, #tpu.memory_space<vmem>>, vector<16xf32>,
        %select_n3A_433 = arith.select %broadcast_in_dim3A_287, %get3A_426, %get3A_432 : vector<16xi1>, vector<16xf32>
        %mul3A_434 = arith.constant 16 : i32
        %mul3A_435 = arith.muli %scan3A_420, %mul3A_434 : i32
        %swap3A_436 = arith.constant 5 : i32
        %swap3A_437 = arith.index_cast %swap3A_436 : i32 to index
        %swap3A_438 = arith.index_cast %mul3A_435 : i32 to index
        %swap3A_439 = tpu.vector_load %arg6[%swap3A_437, %swap3A_438] {strides = array<i32>} : memref<8x3136xf32, #tpu.memory_space<vmem>>, vector<16xf32>,
        tpu.vector_store %arg6[%swap3A_437, %swap3A_438], %select_n3A_433 {strides = array<i32>} : memref<8x3136xf32, #tpu.memory_space<vmem>>, vector<16xf32>,
        %select_n3A_440 = arith.select %broadcast_in_dim3A_290, %get3A_432, %get3A_426 : vector<16xi1>, vector<16xf32>
        %mul3A_441 = arith.constant 16 : i32
        %mul3A_442 = arith.muli %scan3A_420, %mul3A_441 : i32
        %swap3A_443 = arith.constant 5 : i32
        %swap3A_444 = arith.index_cast %swap3A_443 : i32 to index
        %swap3A_445 = arith.index_cast %mul3A_442 : i32 to index
        %swap3A_446 = tpu.vector_load %arg7[%swap3A_444, %swap3A_445] {strides = array<i32>} : memref<8x3136xf32, #tpu.memory_space<vmem>>, vector<16xf32>,
        tpu.vector_store %arg7[%swap3A_444, %swap3A_445], %select_n3A_440 {strides = array<i32>} : memref<8x3136xf32, #tpu.memory_space<vmem>>, vector<16xf32>,
        %scan3A_447 = arith.constant 2 : i32
        %scan3A_448 = arith.addi %scan3A_395, %scan3A_447 : i32
        %mul3A_449 = arith.constant 16 : i32
        %mul3A_450 = arith.muli %scan3A_448, %mul3A_449 : i32
        %get3A_451 = arith.constant 5 : i32
        %get3A_452 = arith.index_cast %get3A_451 : i32 to index
        %get3A_453 = arith.index_cast %mul3A_450 : i32 to index
        %get3A_454 = tpu.vector_load %arg4[%get3A_452, %get3A_453] {strides = array<i32>} : memref<8x3136xf32, #tpu.memory_space<vmem>>, vector<16xf32>,
        %mul3A_455 = arith.constant 16 : i32
        %mul3A_456 = arith.muli %scan3A_448, %mul3A_455 : i32
        %get3A_457 = arith.constant 5 : i32
        %get3A_458 = arith.index_cast %get3A_457 : i32 to index
        %get3A_459 = arith.index_cast %mul3A_456 : i32 to index
        %get3A_460 = tpu.vector_load %arg5[%get3A_458, %get3A_459] {strides = array<i32>} : memref<8x3136xf32, #tpu.memory_space<vmem>>, vector<16xf32>,
        %select_n3A_461 = arith.select %broadcast_in_dim3A_287, %get3A_454, %get3A_460 : vector<16xi1>, vector<16xf32>
        %mul3A_462 = arith.constant 16 : i32
        %mul3A_463 = arith.muli %scan3A_448, %mul3A_462 : i32
        %swap3A_464 = arith.constant 5 : i32
        %swap3A_465 = arith.index_cast %swap3A_464 : i32 to index
        %swap3A_466 = arith.index_cast %mul3A_463 : i32 to index
        %swap3A_467 = tpu.vector_load %arg6[%swap3A_465, %swap3A_466] {strides = array<i32>} : memref<8x3136xf32, #tpu.memory_space<vmem>>, vector<16xf32>,
        tpu.vector_store %arg6[%swap3A_465, %swap3A_466], %select_n3A_461 {strides = array<i32>} : memref<8x3136xf32, #tpu.memory_space<vmem>>, vector<16xf32>,
        %select_n3A_468 = arith.select %broadcast_in_dim3A_290, %get3A_460, %get3A_454 : vector<16xi1>, vector<16xf32>
        %mul3A_469 = arith.constant 16 : i32
        %mul3A_470 = arith.muli %scan3A_448, %mul3A_469 : i32
        %swap3A_471 = arith.constant 5 : i32
        %swap3A_472 = arith.index_cast %swap3A_471 : i32 to index
        %swap3A_473 = arith.index_cast %mul3A_470 : i32 to index
        %swap3A_474 = tpu.vector_load %arg7[%swap3A_472, %swap3A_473] {strides = array<i32>} : memref<8x3136xf32, #tpu.memory_space<vmem>>, vector<16xf32>,
        tpu.vector_store %arg7[%swap3A_472, %swap3A_473], %select_n3A_468 {strides = array<i32>} : memref<8x3136xf32, #tpu.memory_space<vmem>>, vector<16xf32>,
        %scan3A_475 = arith.constant 3 : i32
        %scan3A_476 = arith.addi %scan3A_395, %scan3A_475 : i32
        %mul3A_477 = arith.constant 16 : i32
        %mul3A_478 = arith.muli %scan3A_476, %mul3A_477 : i32
        %get3A_479 = arith.constant 5 : i32
        %get3A_480 = arith.index_cast %get3A_479 : i32 to index
        %get3A_481 = arith.index_cast %mul3A_478 : i32 to index
        %get3A_482 = tpu.vector_load %arg4[%get3A_480, %get3A_481] {strides = array<i32>} : memref<8x3136xf32, #tpu.memory_space<vmem>>, vector<16xf32>,
        %mul3A_483 = arith.constant 16 : i32
        %mul3A_484 = arith.muli %scan3A_476, %mul3A_483 : i32
        %get3A_485 = arith.constant 5 : i32
        %get3A_486 = arith.index_cast %get3A_485 : i32 to index
        %get3A_487 = arith.index_cast %mul3A_484 : i32 to index
        %get3A_488 = tpu.vector_load %arg5[%get3A_486, %get3A_487] {strides = array<i32>} : memref<8x3136xf32, #tpu.memory_space<vmem>>, vector<16xf32>,
        %select_n3A_489 = arith.select %broadcast_in_dim3A_287, %get3A_482, %get3A_488 : vector<16xi1>, vector<16xf32>
        %mul3A_490 = arith.constant 16 : i32
        %mul3A_491 = arith.muli %scan3A_476, %mul3A_490 : i32
        %swap3A_492 = arith.constant 5 : i32
        %swap3A_493 = arith.index_cast %swap3A_492 : i32 to index
        %swap3A_494 = arith.index_cast %mul3A_491 : i32 to index
        %swap3A_495 = tpu.vector_load %arg6[%swap3A_493, %swap3A_494] {strides = array<i32>} : memref<8x3136xf32, #tpu.memory_space<vmem>>, vector<16xf32>,
        tpu.vector_store %arg6[%swap3A_493, %swap3A_494], %select_n3A_489 {strides = array<i32>} : memref<8x3136xf32, #tpu.memory_space<vmem>>, vector<16xf32>,
        %select_n3A_496 = arith.select %broadcast_in_dim3A_290, %get3A_488, %get3A_482 : vector<16xi1>, vector<16xf32>
        %mul3A_497 = arith.constant 16 : i32
        %mul3A_498 = arith.muli %scan3A_476, %mul3A_497 : i32
        %swap3A_499 = arith.constant 5 : i32
        %swap3A_500 = arith.index_cast %swap3A_499 : i32 to index
        %swap3A_501 = arith.index_cast %mul3A_498 : i32 to index
        %swap3A_502 = tpu.vector_load %arg7[%swap3A_500, %swap3A_501] {strides = array<i32>} : memref<8x3136xf32, #tpu.memory_space<vmem>>, vector<16xf32>,
        tpu.vector_store %arg7[%swap3A_500, %swap3A_501], %select_n3A_496 {strides = array<i32>} : memref<8x3136xf32, #tpu.memory_space<vmem>>, vector<16xf32>,
        %scan3A_503 = arith.constant 4 : i32
        %scan3A_504 = arith.addi %scan3A_395, %scan3A_503 : i32
        %mul3A_505 = arith.constant 16 : i32
        %mul3A_506 = arith.muli %scan3A_504, %mul3A_505 : i32
        %get3A_507 = arith.constant 5 : i32
        %get3A_508 = arith.index_cast %get3A_507 : i32 to index
        %get3A_509 = arith.index_cast %mul3A_506 : i32 to index
        %get3A_510 = tpu.vector_load %arg4[%get3A_508, %get3A_509] {strides = array<i32>} : memref<8x3136xf32, #tpu.memory_space<vmem>>, vector<16xf32>,
        %mul3A_511 = arith.constant 16 : i32
        %mul3A_512 = arith.muli %scan3A_504, %mul3A_511 : i32
        %get3A_513 = arith.constant 5 : i32
        %get3A_514 = arith.index_cast %get3A_513 : i32 to index
        %get3A_515 = arith.index_cast %mul3A_512 : i32 to index
        %get3A_516 = tpu.vector_load %arg5[%get3A_514, %get3A_515] {strides = array<i32>} : memref<8x3136xf32, #tpu.memory_space<vmem>>, vector<16xf32>,
        %select_n3A_517 = arith.select %broadcast_in_dim3A_287, %get3A_510, %get3A_516 : vector<16xi1>, vector<16xf32>
        %mul3A_518 = arith.constant 16 : i32
        %mul3A_519 = arith.muli %scan3A_504, %mul3A_518 : i32
        %swap3A_520 = arith.constant 5 : i32
        %swap3A_521 = arith.index_cast %swap3A_520 : i32 to index
        %swap3A_522 = arith.index_cast %mul3A_519 : i32 to index
        %swap3A_523 = tpu.vector_load %arg6[%swap3A_521, %swap3A_522] {strides = array<i32>} : memref<8x3136xf32, #tpu.memory_space<vmem>>, vector<16xf32>,
        tpu.vector_store %arg6[%swap3A_521, %swap3A_522], %select_n3A_517 {strides = array<i32>} : memref<8x3136xf32, #tpu.memory_space<vmem>>, vector<16xf32>,
        %select_n3A_524 = arith.select %broadcast_in_dim3A_290, %get3A_516, %get3A_510 : vector<16xi1>, vector<16xf32>
        %mul3A_525 = arith.constant 16 : i32
        %mul3A_526 = arith.muli %scan3A_504, %mul3A_525 : i32
        %swap3A_527 = arith.constant 5 : i32
        %swap3A_528 = arith.index_cast %swap3A_527 : i32 to index
        %swap3A_529 = arith.index_cast %mul3A_526 : i32 to index
        %swap3A_530 = tpu.vector_load %arg7[%swap3A_528, %swap3A_529] {strides = array<i32>} : memref<8x3136xf32, #tpu.memory_space<vmem>>, vector<16xf32>,
        tpu.vector_store %arg7[%swap3A_528, %swap3A_529], %select_n3A_524 {strides = array<i32>} : memref<8x3136xf32, #tpu.memory_space<vmem>>, vector<16xf32>,
        %scan3A_531 = arith.constant 5 : i32
        %scan3A_532 = arith.addi %scan3A_395, %scan3A_531 : i32
        %mul3A_533 = arith.constant 16 : i32
        %mul3A_534 = arith.muli %scan3A_532, %mul3A_533 : i32
        %get3A_535 = arith.constant 5 : i32
        %get3A_536 = arith.index_cast %get3A_535 : i32 to index
        %get3A_537 = arith.index_cast %mul3A_534 : i32 to index
        %get3A_538 = tpu.vector_load %arg4[%get3A_536, %get3A_537] {strides = array<i32>} : memref<8x3136xf32, #tpu.memory_space<vmem>>, vector<16xf32>,
        %mul3A_539 = arith.constant 16 : i32
        %mul3A_540 = arith.muli %scan3A_532, %mul3A_539 : i32
        %get3A_541 = arith.constant 5 : i32
        %get3A_542 = arith.index_cast %get3A_541 : i32 to index
        %get3A_543 = arith.index_cast %mul3A_540 : i32 to index
        %get3A_544 = tpu.vector_load %arg5[%get3A_542, %get3A_543] {strides = array<i32>} : memref<8x3136xf32, #tpu.memory_space<vmem>>, vector<16xf32>,
        %select_n3A_545 = arith.select %broadcast_in_dim3A_287, %get3A_538, %get3A_544 : vector<16xi1>, vector<16xf32>
        %mul3A_546 = arith.constant 16 : i32
        %mul3A_547 = arith.muli %scan3A_532, %mul3A_546 : i32
        %swap3A_548 = arith.constant 5 : i32
        %swap3A_549 = arith.index_cast %swap3A_548 : i32 to index
        %swap3A_550 = arith.index_cast %mul3A_547 : i32 to index
        %swap3A_551 = tpu.vector_load %arg6[%swap3A_549, %swap3A_550] {strides = array<i32>} : memref<8x3136xf32, #tpu.memory_space<vmem>>, vector<16xf32>,
        tpu.vector_store %arg6[%swap3A_549, %swap3A_550], %select_n3A_545 {strides = array<i32>} : memref<8x3136xf32, #tpu.memory_space<vmem>>, vector<16xf32>,
        %select_n3A_552 = arith.select %broadcast_in_dim3A_290, %get3A_544, %get3A_538 : vector<16xi1>, vector<16xf32>
        %mul3A_553 = arith.constant 16 : i32
        %mul3A_554 = arith.muli %scan3A_532, %mul3A_553 : i32
        %swap3A_555 = arith.constant 5 : i32
        %swap3A_556 = arith.index_cast %swap3A_555 : i32 to index
        %swap3A_557 = arith.index_cast %mul3A_554 : i32 to index
        %swap3A_558 = tpu.vector_load %arg7[%swap3A_556, %swap3A_557] {strides = array<i32>} : memref<8x3136xf32, #tpu.memory_space<vmem>>, vector<16xf32>,
        tpu.vector_store %arg7[%swap3A_556, %swap3A_557], %select_n3A_552 {strides = array<i32>} : memref<8x3136xf32, #tpu.memory_space<vmem>>, vector<16xf32>,
        %scan3A_559 = arith.constant 6 : i32
        %scan3A_560 = arith.addi %scan3A_395, %scan3A_559 : i32
        %mul3A_561 = arith.constant 16 : i32
        %mul3A_562 = arith.muli %scan3A_560, %mul3A_561 : i32
        %get3A_563 = arith.constant 5 : i32
        %get3A_564 = arith.index_cast %get3A_563 : i32 to index
        %get3A_565 = arith.index_cast %mul3A_562 : i32 to index
        %get3A_566 = tpu.vector_load %arg4[%get3A_564, %get3A_565] {strides = array<i32>} : memref<8x3136xf32, #tpu.memory_space<vmem>>, vector<16xf32>,
        %mul3A_567 = arith.constant 16 : i32
        %mul3A_568 = arith.muli %scan3A_560, %mul3A_567 : i32
        %get3A_569 = arith.constant 5 : i32
        %get3A_570 = arith.index_cast %get3A_569 : i32 to index
        %get3A_571 = arith.index_cast %mul3A_568 : i32 to index
        %get3A_572 = tpu.vector_load %arg5[%get3A_570, %get3A_571] {strides = array<i32>} : memref<8x3136xf32, #tpu.memory_space<vmem>>, vector<16xf32>,
        %select_n3A_573 = arith.select %broadcast_in_dim3A_287, %get3A_566, %get3A_572 : vector<16xi1>, vector<16xf32>
        %mul3A_574 = arith.constant 16 : i32
        %mul3A_575 = arith.muli %scan3A_560, %mul3A_574 : i32
        %swap3A_576 = arith.constant 5 : i32
        %swap3A_577 = arith.index_cast %swap3A_576 : i32 to index
        %swap3A_578 = arith.index_cast %mul3A_575 : i32 to index
        %swap3A_579 = tpu.vector_load %arg6[%swap3A_577, %swap3A_578] {strides = array<i32>} : memref<8x3136xf32, #tpu.memory_space<vmem>>, vector<16xf32>,
        tpu.vector_store %arg6[%swap3A_577, %swap3A_578], %select_n3A_573 {strides = array<i32>} : memref<8x3136xf32, #tpu.memory_space<vmem>>, vector<16xf32>,
        %select_n3A_580 = arith.select %broadcast_in_dim3A_290, %get3A_572, %get3A_566 : vector<16xi1>, vector<16xf32>
        %mul3A_581 = arith.constant 16 : i32
        %mul3A_582 = arith.muli %scan3A_560, %mul3A_581 : i32
        %swap3A_583 = arith.constant 5 : i32
        %swap3A_584 = arith.index_cast %swap3A_583 : i32 to index
        %swap3A_585 = arith.index_cast %mul3A_582 : i32 to index
        %swap3A_586 = tpu.vector_load %arg7[%swap3A_584, %swap3A_585] {strides = array<i32>} : memref<8x3136xf32, #tpu.memory_space<vmem>>, vector<16xf32>,
        tpu.vector_store %arg7[%swap3A_584, %swap3A_585], %select_n3A_580 {strides = array<i32>} : memref<8x3136xf32, #tpu.memory_space<vmem>>, vector<16xf32>,
      }
      %scan3A_296 = arith.constant 196 : i32
      %broadcast_in_dim3A_297 = arith.constant 0.000000e+00 : f32
      %broadcast_in_dim3A_298 = vector.broadcast %broadcast_in_dim3A_297 : f32 to vector<16xf32>
      %scan3A_299 = arith.constant 0 : i32
      %scan3A_300 = arith.constant 196 : i32
      %scan3A_301 = arith.addi %scan3A_299, %scan3A_300 : i32
      %scan3A_302 = arith.constant 7 : i32
      %scan3A_303:4 = scf.for %scan3A_395 = %scan3A_299 to %scan3A_301 step %scan3A_302 iter_args(%scan3A_396 = %broadcast_in_dim3A_298, %scan3A_397 = %broadcast_in_dim3A_298, %scan3A_398 = %broadcast_in_dim3A_298, %scan3A_399 = %broadcast_in_dim3A_298) -> (vector<16xf32>, vector<16xf32>, vector<16xf32>, vector<16xf32>)  : i32 {
        %mul3A_400 = arith.constant 16 : i32
        %mul3A_401 = arith.muli %scan3A_395, %mul3A_400 : i32
        %get3A = arith.constant 6 : i32
        %get3A_402 = arith.index_cast %get3A : i32 to index
        %get3A_403 = arith.index_cast %mul3A_401 : i32 to index
        %get3A_404 = tpu.vector_load %arg4[%get3A_402, %get3A_403] {strides = array<i32>} : memref<8x3136xf32, #tpu.memory_space<vmem>>, vector<16xf32>,
        %mul3A_405 = arith.constant 16 : i32
        %mul3A_406 = arith.muli %scan3A_395, %mul3A_405 : i32
        %get3A_407 = arith.constant 6 : i32
        %get3A_408 = arith.index_cast %get3A_407 : i32 to index
        %get3A_409 = arith.index_cast %mul3A_406 : i32 to index
        %get3A_410 = tpu.vector_load %arg5[%get3A_408, %get3A_409] {strides = array<i32>} : memref<8x3136xf32, #tpu.memory_space<vmem>>, vector<16xf32>,
        %add3A_411 = arith.addf %scan3A_396, %get3A_404 : vector<16xf32>
        %mul3A_412 = arith.mulf %get3A_404, %get3A_404 : vector<16xf32>
        %add3A_413 = arith.addf %scan3A_397, %mul3A_412 : vector<16xf32>
        %add3A_414 = arith.addf %scan3A_398, %get3A_410 : vector<16xf32>
        %mul3A_415 = arith.mulf %get3A_410, %get3A_410 : vector<16xf32>
        %add3A_416 = arith.addf %scan3A_399, %mul3A_415 : vector<16xf32>
        %scan3A_417 = arith.constant 1 : i32
        %scan3A_418 = arith.addi %scan3A_395, %scan3A_417 : i32
        %mul3A_419 = arith.constant 16 : i32
        %mul3A_420 = arith.muli %scan3A_418, %mul3A_419 : i32
        %get3A_421 = arith.constant 6 : i32
        %get3A_422 = arith.index_cast %get3A_421 : i32 to index
        %get3A_423 = arith.index_cast %mul3A_420 : i32 to index
        %get3A_424 = tpu.vector_load %arg4[%get3A_422, %get3A_423] {strides = array<i32>} : memref<8x3136xf32, #tpu.memory_space<vmem>>, vector<16xf32>,
        %mul3A_425 = arith.constant 16 : i32
        %mul3A_426 = arith.muli %scan3A_418, %mul3A_425 : i32
        %get3A_427 = arith.constant 6 : i32
        %get3A_428 = arith.index_cast %get3A_427 : i32 to index
        %get3A_429 = arith.index_cast %mul3A_426 : i32 to index
        %get3A_430 = tpu.vector_load %arg5[%get3A_428, %get3A_429] {strides = array<i32>} : memref<8x3136xf32, #tpu.memory_space<vmem>>, vector<16xf32>,
        %add3A_431 = arith.addf %add3A_411, %get3A_424 : vector<16xf32>
        %mul3A_432 = arith.mulf %get3A_424, %get3A_424 : vector<16xf32>
        %add3A_433 = arith.addf %add3A_413, %mul3A_432 : vector<16xf32>
        %add3A_434 = arith.addf %add3A_414, %get3A_430 : vector<16xf32>
        %mul3A_435 = arith.mulf %get3A_430, %get3A_430 : vector<16xf32>
        %add3A_436 = arith.addf %add3A_416, %mul3A_435 : vector<16xf32>
        %scan3A_437 = arith.constant 2 : i32
        %scan3A_438 = arith.addi %scan3A_395, %scan3A_437 : i32
        %mul3A_439 = arith.constant 16 : i32
        %mul3A_440 = arith.muli %scan3A_438, %mul3A_439 : i32
        %get3A_441 = arith.constant 6 : i32
        %get3A_442 = arith.index_cast %get3A_441 : i32 to index
        %get3A_443 = arith.index_cast %mul3A_440 : i32 to index
        %get3A_444 = tpu.vector_load %arg4[%get3A_442, %get3A_443] {strides = array<i32>} : memref<8x3136xf32, #tpu.memory_space<vmem>>, vector<16xf32>,
        %mul3A_445 = arith.constant 16 : i32
        %mul3A_446 = arith.muli %scan3A_438, %mul3A_445 : i32
        %get3A_447 = arith.constant 6 : i32
        %get3A_448 = arith.index_cast %get3A_447 : i32 to index
        %get3A_449 = arith.index_cast %mul3A_446 : i32 to index
        %get3A_450 = tpu.vector_load %arg5[%get3A_448, %get3A_449] {strides = array<i32>} : memref<8x3136xf32, #tpu.memory_space<vmem>>, vector<16xf32>,
        %add3A_451 = arith.addf %add3A_431, %get3A_444 : vector<16xf32>
        %mul3A_452 = arith.mulf %get3A_444, %get3A_444 : vector<16xf32>
        %add3A_453 = arith.addf %add3A_433, %mul3A_452 : vector<16xf32>
        %add3A_454 = arith.addf %add3A_434, %get3A_450 : vector<16xf32>
        %mul3A_455 = arith.mulf %get3A_450, %get3A_450 : vector<16xf32>
        %add3A_456 = arith.addf %add3A_436, %mul3A_455 : vector<16xf32>
        %scan3A_457 = arith.constant 3 : i32
        %scan3A_458 = arith.addi %scan3A_395, %scan3A_457 : i32
        %mul3A_459 = arith.constant 16 : i32
        %mul3A_460 = arith.muli %scan3A_458, %mul3A_459 : i32
        %get3A_461 = arith.constant 6 : i32
        %get3A_462 = arith.index_cast %get3A_461 : i32 to index
        %get3A_463 = arith.index_cast %mul3A_460 : i32 to index
        %get3A_464 = tpu.vector_load %arg4[%get3A_462, %get3A_463] {strides = array<i32>} : memref<8x3136xf32, #tpu.memory_space<vmem>>, vector<16xf32>,
        %mul3A_465 = arith.constant 16 : i32
        %mul3A_466 = arith.muli %scan3A_458, %mul3A_465 : i32
        %get3A_467 = arith.constant 6 : i32
        %get3A_468 = arith.index_cast %get3A_467 : i32 to index
        %get3A_469 = arith.index_cast %mul3A_466 : i32 to index
        %get3A_470 = tpu.vector_load %arg5[%get3A_468, %get3A_469] {strides = array<i32>} : memref<8x3136xf32, #tpu.memory_space<vmem>>, vector<16xf32>,
        %add3A_471 = arith.addf %add3A_451, %get3A_464 : vector<16xf32>
        %mul3A_472 = arith.mulf %get3A_464, %get3A_464 : vector<16xf32>
        %add3A_473 = arith.addf %add3A_453, %mul3A_472 : vector<16xf32>
        %add3A_474 = arith.addf %add3A_454, %get3A_470 : vector<16xf32>
        %mul3A_475 = arith.mulf %get3A_470, %get3A_470 : vector<16xf32>
        %add3A_476 = arith.addf %add3A_456, %mul3A_475 : vector<16xf32>
        %scan3A_477 = arith.constant 4 : i32
        %scan3A_478 = arith.addi %scan3A_395, %scan3A_477 : i32
        %mul3A_479 = arith.constant 16 : i32
        %mul3A_480 = arith.muli %scan3A_478, %mul3A_479 : i32
        %get3A_481 = arith.constant 6 : i32
        %get3A_482 = arith.index_cast %get3A_481 : i32 to index
        %get3A_483 = arith.index_cast %mul3A_480 : i32 to index
        %get3A_484 = tpu.vector_load %arg4[%get3A_482, %get3A_483] {strides = array<i32>} : memref<8x3136xf32, #tpu.memory_space<vmem>>, vector<16xf32>,
        %mul3A_485 = arith.constant 16 : i32
        %mul3A_486 = arith.muli %scan3A_478, %mul3A_485 : i32
        %get3A_487 = arith.constant 6 : i32
        %get3A_488 = arith.index_cast %get3A_487 : i32 to index
        %get3A_489 = arith.index_cast %mul3A_486 : i32 to index
        %get3A_490 = tpu.vector_load %arg5[%get3A_488, %get3A_489] {strides = array<i32>} : memref<8x3136xf32, #tpu.memory_space<vmem>>, vector<16xf32>,
        %add3A_491 = arith.addf %add3A_471, %get3A_484 : vector<16xf32>
        %mul3A_492 = arith.mulf %get3A_484, %get3A_484 : vector<16xf32>
        %add3A_493 = arith.addf %add3A_473, %mul3A_492 : vector<16xf32>
        %add3A_494 = arith.addf %add3A_474, %get3A_490 : vector<16xf32>
        %mul3A_495 = arith.mulf %get3A_490, %get3A_490 : vector<16xf32>
        %add3A_496 = arith.addf %add3A_476, %mul3A_495 : vector<16xf32>
        %scan3A_497 = arith.constant 5 : i32
        %scan3A_498 = arith.addi %scan3A_395, %scan3A_497 : i32
        %mul3A_499 = arith.constant 16 : i32
        %mul3A_500 = arith.muli %scan3A_498, %mul3A_499 : i32
        %get3A_501 = arith.constant 6 : i32
        %get3A_502 = arith.index_cast %get3A_501 : i32 to index
        %get3A_503 = arith.index_cast %mul3A_500 : i32 to index
        %get3A_504 = tpu.vector_load %arg4[%get3A_502, %get3A_503] {strides = array<i32>} : memref<8x3136xf32, #tpu.memory_space<vmem>>, vector<16xf32>,
        %mul3A_505 = arith.constant 16 : i32
        %mul3A_506 = arith.muli %scan3A_498, %mul3A_505 : i32
        %get3A_507 = arith.constant 6 : i32
        %get3A_508 = arith.index_cast %get3A_507 : i32 to index
        %get3A_509 = arith.index_cast %mul3A_506 : i32 to index
        %get3A_510 = tpu.vector_load %arg5[%get3A_508, %get3A_509] {strides = array<i32>} : memref<8x3136xf32, #tpu.memory_space<vmem>>, vector<16xf32>,
        %add3A_511 = arith.addf %add3A_491, %get3A_504 : vector<16xf32>
        %mul3A_512 = arith.mulf %get3A_504, %get3A_504 : vector<16xf32>
        %add3A_513 = arith.addf %add3A_493, %mul3A_512 : vector<16xf32>
        %add3A_514 = arith.addf %add3A_494, %get3A_510 : vector<16xf32>
        %mul3A_515 = arith.mulf %get3A_510, %get3A_510 : vector<16xf32>
        %add3A_516 = arith.addf %add3A_496, %mul3A_515 : vector<16xf32>
        %scan3A_517 = arith.constant 6 : i32
        %scan3A_518 = arith.addi %scan3A_395, %scan3A_517 : i32
        %mul3A_519 = arith.constant 16 : i32
        %mul3A_520 = arith.muli %scan3A_518, %mul3A_519 : i32
        %get3A_521 = arith.constant 6 : i32
        %get3A_522 = arith.index_cast %get3A_521 : i32 to index
        %get3A_523 = arith.index_cast %mul3A_520 : i32 to index
        %get3A_524 = tpu.vector_load %arg4[%get3A_522, %get3A_523] {strides = array<i32>} : memref<8x3136xf32, #tpu.memory_space<vmem>>, vector<16xf32>,
        %mul3A_525 = arith.constant 16 : i32
        %mul3A_526 = arith.muli %scan3A_518, %mul3A_525 : i32
        %get3A_527 = arith.constant 6 : i32
        %get3A_528 = arith.index_cast %get3A_527 : i32 to index
        %get3A_529 = arith.index_cast %mul3A_526 : i32 to index
        %get3A_530 = tpu.vector_load %arg5[%get3A_528, %get3A_529] {strides = array<i32>} : memref<8x3136xf32, #tpu.memory_space<vmem>>, vector<16xf32>,
        %add3A_531 = arith.addf %add3A_511, %get3A_524 : vector<16xf32>
        %mul3A_532 = arith.mulf %get3A_524, %get3A_524 : vector<16xf32>
        %add3A_533 = arith.addf %add3A_513, %mul3A_532 : vector<16xf32>
        %add3A_534 = arith.addf %add3A_514, %get3A_530 : vector<16xf32>
        %mul3A_535 = arith.mulf %get3A_530, %get3A_530 : vector<16xf32>
        %add3A_536 = arith.addf %add3A_516, %mul3A_535 : vector<16xf32>
        scf.yield %add3A_531, %add3A_533, %add3A_534, %add3A_536 : vector<16xf32>, vector<16xf32>, vector<16xf32>, vector<16xf32>
      }
      %scan3A_304 = arith.constant 196 : i32
      %reduce_sum3A_305 = arith.constant true
      %reduce_sum3A_306 = vector.broadcast %reduce_sum3A_305 : i1 to vector<16xi1>
      %reduce_sum3A_307 = tpu.scan <sum>, %scan3A_303#0 masked %reduce_sum3A_306 : vector<16xf32>, vector<16xi1> -> vector<16xf32>
      %reduce_sum3A_308 = vector.extract %reduce_sum3A_307[15] : f32 from vector<16xf32>
      %reduce_sum3A_309 = arith.constant true
      %reduce_sum3A_310 = vector.broadcast %reduce_sum3A_309 : i1 to vector<16xi1>
      %reduce_sum3A_311 = tpu.scan <sum>, %scan3A_303#1 masked %reduce_sum3A_310 : vector<16xf32>, vector<16xi1> -> vector<16xf32>
      %reduce_sum3A_312 = vector.extract %reduce_sum3A_311[15] : f32 from vector<16xf32>
      %reduce_sum3A_313 = arith.constant true
      %reduce_sum3A_314 = vector.broadcast %reduce_sum3A_313 : i1 to vector<16xi1>
      %reduce_sum3A_315 = tpu.scan <sum>, %scan3A_303#2 masked %reduce_sum3A_314 : vector<16xf32>, vector<16xi1> -> vector<16xf32>
      %reduce_sum3A_316 = vector.extract %reduce_sum3A_315[15] : f32 from vector<16xf32>
      %reduce_sum3A_317 = arith.constant true
      %reduce_sum3A_318 = vector.broadcast %reduce_sum3A_317 : i1 to vector<16xi1>
      %reduce_sum3A_319 = tpu.scan <sum>, %scan3A_303#3 masked %reduce_sum3A_318 : vector<16xf32>, vector<16xi1> -> vector<16xf32>
      %reduce_sum3A_320 = vector.extract %reduce_sum3A_319[15] : f32 from vector<16xf32>
      %mul3A_321 = arith.mulf %reduce_sum3A_308, %reduce_sum3A_308 : f32
      %mul3A_322 = arith.constant 3.18877544E-4 : f32
      %mul3A_323 = arith.mulf %mul3A_321, %mul3A_322 : f32
      %sub3A_324 = arith.subf %reduce_sum3A_312, %mul3A_323 : f32
      %mul3A_325 = arith.constant 3.18979262E-4 : f32
      %mul3A_326 = arith.mulf %sub3A_324, %mul3A_325 : f32
      %mul3A_327 = arith.mulf %reduce_sum3A_316, %reduce_sum3A_316 : f32
      %mul3A_328 = arith.constant 3.18877544E-4 : f32
      %mul3A_329 = arith.mulf %mul3A_327, %mul3A_328 : f32
      %sub3A_330 = arith.subf %reduce_sum3A_320, %mul3A_329 : f32
      %mul3A_331 = arith.constant 3.18979262E-4 : f32
      %mul3A_332 = arith.mulf %sub3A_330, %mul3A_331 : f32
      %ge3A_333 = arith.constant 0.00999999977 : f32
      %ge3A_334 = arith.cmpf oge, %mul3A_326, %ge3A_333 : f32
      %broadcast_in_dim3A_335 = vector.broadcast %ge3A_334 : i1 to vector<16xi1>
      %ge3A_336 = arith.constant 0.00999999977 : f32
      %ge3A_337 = arith.cmpf oge, %mul3A_332, %ge3A_336 : f32
      %broadcast_in_dim3A_338 = vector.broadcast %ge3A_337 : i1 to vector<16xi1>
      %scan3A_339 = arith.constant 0 : i32
      %scan3A_340 = arith.constant 0 : i32
      %scan3A_341 = arith.constant 196 : i32
      %scan3A_342 = arith.addi %scan3A_340, %scan3A_341 : i32
      %scan3A_343 = arith.constant 7 : i32
      scf.for %scan3A_395 = %scan3A_340 to %scan3A_342 step %scan3A_343  : i32 {
        %mul3A_396 = arith.constant 16 : i32
        %mul3A_397 = arith.muli %scan3A_395, %mul3A_396 : i32
        %get3A = arith.constant 6 : i32
        %get3A_398 = arith.index_cast %get3A : i32 to index
        %get3A_399 = arith.index_cast %mul3A_397 : i32 to index
        %get3A_400 = tpu.vector_load %arg4[%get3A_398, %get3A_399] {strides = array<i32>} : memref<8x3136xf32, #tpu.memory_space<vmem>>, vector<16xf32>,
        %mul3A_401 = arith.constant 16 : i32
        %mul3A_402 = arith.muli %scan3A_395, %mul3A_401 : i32
        %get3A_403 = arith.constant 6 : i32
        %get3A_404 = arith.index_cast %get3A_403 : i32 to index
        %get3A_405 = arith.index_cast %mul3A_402 : i32 to index
        %get3A_406 = tpu.vector_load %arg5[%get3A_404, %get3A_405] {strides = array<i32>} : memref<8x3136xf32, #tpu.memory_space<vmem>>, vector<16xf32>,
        %select_n3A = arith.select %broadcast_in_dim3A_335, %get3A_400, %get3A_406 : vector<16xi1>, vector<16xf32>
        %mul3A_407 = arith.constant 16 : i32
        %mul3A_408 = arith.muli %scan3A_395, %mul3A_407 : i32
        %swap3A = arith.constant 6 : i32
        %swap3A_409 = arith.index_cast %swap3A : i32 to index
        %swap3A_410 = arith.index_cast %mul3A_408 : i32 to index
        %swap3A_411 = tpu.vector_load %arg6[%swap3A_409, %swap3A_410] {strides = array<i32>} : memref<8x3136xf32, #tpu.memory_space<vmem>>, vector<16xf32>,
        tpu.vector_store %arg6[%swap3A_409, %swap3A_410], %select_n3A {strides = array<i32>} : memref<8x3136xf32, #tpu.memory_space<vmem>>, vector<16xf32>,
        %select_n3A_412 = arith.select %broadcast_in_dim3A_338, %get3A_406, %get3A_400 : vector<16xi1>, vector<16xf32>
        %mul3A_413 = arith.constant 16 : i32
        %mul3A_414 = arith.muli %scan3A_395, %mul3A_413 : i32
        %swap3A_415 = arith.constant 6 : i32
        %swap3A_416 = arith.index_cast %swap3A_415 : i32 to index
        %swap3A_417 = arith.index_cast %mul3A_414 : i32 to index
        %swap3A_418 = tpu.vector_load %arg7[%swap3A_416, %swap3A_417] {strides = array<i32>} : memref<8x3136xf32, #tpu.memory_space<vmem>>, vector<16xf32>,
        tpu.vector_store %arg7[%swap3A_416, %swap3A_417], %select_n3A_412 {strides = array<i32>} : memref<8x3136xf32, #tpu.memory_space<vmem>>, vector<16xf32>,
        %scan3A_419 = arith.constant 1 : i32
        %scan3A_420 = arith.addi %scan3A_395, %scan3A_419 : i32
        %mul3A_421 = arith.constant 16 : i32
        %mul3A_422 = arith.muli %scan3A_420, %mul3A_421 : i32
        %get3A_423 = arith.constant 6 : i32
        %get3A_424 = arith.index_cast %get3A_423 : i32 to index
        %get3A_425 = arith.index_cast %mul3A_422 : i32 to index
        %get3A_426 = tpu.vector_load %arg4[%get3A_424, %get3A_425] {strides = array<i32>} : memref<8x3136xf32, #tpu.memory_space<vmem>>, vector<16xf32>,
        %mul3A_427 = arith.constant 16 : i32
        %mul3A_428 = arith.muli %scan3A_420, %mul3A_427 : i32
        %get3A_429 = arith.constant 6 : i32
        %get3A_430 = arith.index_cast %get3A_429 : i32 to index
        %get3A_431 = arith.index_cast %mul3A_428 : i32 to index
        %get3A_432 = tpu.vector_load %arg5[%get3A_430, %get3A_431] {strides = array<i32>} : memref<8x3136xf32, #tpu.memory_space<vmem>>, vector<16xf32>,
        %select_n3A_433 = arith.select %broadcast_in_dim3A_335, %get3A_426, %get3A_432 : vector<16xi1>, vector<16xf32>
        %mul3A_434 = arith.constant 16 : i32
        %mul3A_435 = arith.muli %scan3A_420, %mul3A_434 : i32
        %swap3A_436 = arith.constant 6 : i32
        %swap3A_437 = arith.index_cast %swap3A_436 : i32 to index
        %swap3A_438 = arith.index_cast %mul3A_435 : i32 to index
        %swap3A_439 = tpu.vector_load %arg6[%swap3A_437, %swap3A_438] {strides = array<i32>} : memref<8x3136xf32, #tpu.memory_space<vmem>>, vector<16xf32>,
        tpu.vector_store %arg6[%swap3A_437, %swap3A_438], %select_n3A_433 {strides = array<i32>} : memref<8x3136xf32, #tpu.memory_space<vmem>>, vector<16xf32>,
        %select_n3A_440 = arith.select %broadcast_in_dim3A_338, %get3A_432, %get3A_426 : vector<16xi1>, vector<16xf32>
        %mul3A_441 = arith.constant 16 : i32
        %mul3A_442 = arith.muli %scan3A_420, %mul3A_441 : i32
        %swap3A_443 = arith.constant 6 : i32
        %swap3A_444 = arith.index_cast %swap3A_443 : i32 to index
        %swap3A_445 = arith.index_cast %mul3A_442 : i32 to index
        %swap3A_446 = tpu.vector_load %arg7[%swap3A_444, %swap3A_445] {strides = array<i32>} : memref<8x3136xf32, #tpu.memory_space<vmem>>, vector<16xf32>,
        tpu.vector_store %arg7[%swap3A_444, %swap3A_445], %select_n3A_440 {strides = array<i32>} : memref<8x3136xf32, #tpu.memory_space<vmem>>, vector<16xf32>,
        %scan3A_447 = arith.constant 2 : i32
        %scan3A_448 = arith.addi %scan3A_395, %scan3A_447 : i32
        %mul3A_449 = arith.constant 16 : i32
        %mul3A_450 = arith.muli %scan3A_448, %mul3A_449 : i32
        %get3A_451 = arith.constant 6 : i32
        %get3A_452 = arith.index_cast %get3A_451 : i32 to index
        %get3A_453 = arith.index_cast %mul3A_450 : i32 to index
        %get3A_454 = tpu.vector_load %arg4[%get3A_452, %get3A_453] {strides = array<i32>} : memref<8x3136xf32, #tpu.memory_space<vmem>>, vector<16xf32>,
        %mul3A_455 = arith.constant 16 : i32
        %mul3A_456 = arith.muli %scan3A_448, %mul3A_455 : i32
        %get3A_457 = arith.constant 6 : i32
        %get3A_458 = arith.index_cast %get3A_457 : i32 to index
        %get3A_459 = arith.index_cast %mul3A_456 : i32 to index
        %get3A_460 = tpu.vector_load %arg5[%get3A_458, %get3A_459] {strides = array<i32>} : memref<8x3136xf32, #tpu.memory_space<vmem>>, vector<16xf32>,
        %select_n3A_461 = arith.select %broadcast_in_dim3A_335, %get3A_454, %get3A_460 : vector<16xi1>, vector<16xf32>
        %mul3A_462 = arith.constant 16 : i32
        %mul3A_463 = arith.muli %scan3A_448, %mul3A_462 : i32
        %swap3A_464 = arith.constant 6 : i32
        %swap3A_465 = arith.index_cast %swap3A_464 : i32 to index
        %swap3A_466 = arith.index_cast %mul3A_463 : i32 to index
        %swap3A_467 = tpu.vector_load %arg6[%swap3A_465, %swap3A_466] {strides = array<i32>} : memref<8x3136xf32, #tpu.memory_space<vmem>>, vector<16xf32>,
        tpu.vector_store %arg6[%swap3A_465, %swap3A_466], %select_n3A_461 {strides = array<i32>} : memref<8x3136xf32, #tpu.memory_space<vmem>>, vector<16xf32>,
        %select_n3A_468 = arith.select %broadcast_in_dim3A_338, %get3A_460, %get3A_454 : vector<16xi1>, vector<16xf32>
        %mul3A_469 = arith.constant 16 : i32
        %mul3A_470 = arith.muli %scan3A_448, %mul3A_469 : i32
        %swap3A_471 = arith.constant 6 : i32
        %swap3A_472 = arith.index_cast %swap3A_471 : i32 to index
        %swap3A_473 = arith.index_cast %mul3A_470 : i32 to index
        %swap3A_474 = tpu.vector_load %arg7[%swap3A_472, %swap3A_473] {strides = array<i32>} : memref<8x3136xf32, #tpu.memory_space<vmem>>, vector<16xf32>,
        tpu.vector_store %arg7[%swap3A_472, %swap3A_473], %select_n3A_468 {strides = array<i32>} : memref<8x3136xf32, #tpu.memory_space<vmem>>, vector<16xf32>,
        %scan3A_475 = arith.constant 3 : i32
        %scan3A_476 = arith.addi %scan3A_395, %scan3A_475 : i32
        %mul3A_477 = arith.constant 16 : i32
        %mul3A_478 = arith.muli %scan3A_476, %mul3A_477 : i32
        %get3A_479 = arith.constant 6 : i32
        %get3A_480 = arith.index_cast %get3A_479 : i32 to index
        %get3A_481 = arith.index_cast %mul3A_478 : i32 to index
        %get3A_482 = tpu.vector_load %arg4[%get3A_480, %get3A_481] {strides = array<i32>} : memref<8x3136xf32, #tpu.memory_space<vmem>>, vector<16xf32>,
        %mul3A_483 = arith.constant 16 : i32
        %mul3A_484 = arith.muli %scan3A_476, %mul3A_483 : i32
        %get3A_485 = arith.constant 6 : i32
        %get3A_486 = arith.index_cast %get3A_485 : i32 to index
        %get3A_487 = arith.index_cast %mul3A_484 : i32 to index
        %get3A_488 = tpu.vector_load %arg5[%get3A_486, %get3A_487] {strides = array<i32>} : memref<8x3136xf32, #tpu.memory_space<vmem>>, vector<16xf32>,
        %select_n3A_489 = arith.select %broadcast_in_dim3A_335, %get3A_482, %get3A_488 : vector<16xi1>, vector<16xf32>
        %mul3A_490 = arith.constant 16 : i32
        %mul3A_491 = arith.muli %scan3A_476, %mul3A_490 : i32
        %swap3A_492 = arith.constant 6 : i32
        %swap3A_493 = arith.index_cast %swap3A_492 : i32 to index
        %swap3A_494 = arith.index_cast %mul3A_491 : i32 to index
        %swap3A_495 = tpu.vector_load %arg6[%swap3A_493, %swap3A_494] {strides = array<i32>} : memref<8x3136xf32, #tpu.memory_space<vmem>>, vector<16xf32>,
        tpu.vector_store %arg6[%swap3A_493, %swap3A_494], %select_n3A_489 {strides = array<i32>} : memref<8x3136xf32, #tpu.memory_space<vmem>>, vector<16xf32>,
        %select_n3A_496 = arith.select %broadcast_in_dim3A_338, %get3A_488, %get3A_482 : vector<16xi1>, vector<16xf32>
        %mul3A_497 = arith.constant 16 : i32
        %mul3A_498 = arith.muli %scan3A_476, %mul3A_497 : i32
        %swap3A_499 = arith.constant 6 : i32
        %swap3A_500 = arith.index_cast %swap3A_499 : i32 to index
        %swap3A_501 = arith.index_cast %mul3A_498 : i32 to index
        %swap3A_502 = tpu.vector_load %arg7[%swap3A_500, %swap3A_501] {strides = array<i32>} : memref<8x3136xf32, #tpu.memory_space<vmem>>, vector<16xf32>,
        tpu.vector_store %arg7[%swap3A_500, %swap3A_501], %select_n3A_496 {strides = array<i32>} : memref<8x3136xf32, #tpu.memory_space<vmem>>, vector<16xf32>,
        %scan3A_503 = arith.constant 4 : i32
        %scan3A_504 = arith.addi %scan3A_395, %scan3A_503 : i32
        %mul3A_505 = arith.constant 16 : i32
        %mul3A_506 = arith.muli %scan3A_504, %mul3A_505 : i32
        %get3A_507 = arith.constant 6 : i32
        %get3A_508 = arith.index_cast %get3A_507 : i32 to index
        %get3A_509 = arith.index_cast %mul3A_506 : i32 to index
        %get3A_510 = tpu.vector_load %arg4[%get3A_508, %get3A_509] {strides = array<i32>} : memref<8x3136xf32, #tpu.memory_space<vmem>>, vector<16xf32>,
        %mul3A_511 = arith.constant 16 : i32
        %mul3A_512 = arith.muli %scan3A_504, %mul3A_511 : i32
        %get3A_513 = arith.constant 6 : i32
        %get3A_514 = arith.index_cast %get3A_513 : i32 to index
        %get3A_515 = arith.index_cast %mul3A_512 : i32 to index
        %get3A_516 = tpu.vector_load %arg5[%get3A_514, %get3A_515] {strides = array<i32>} : memref<8x3136xf32, #tpu.memory_space<vmem>>, vector<16xf32>,
        %select_n3A_517 = arith.select %broadcast_in_dim3A_335, %get3A_510, %get3A_516 : vector<16xi1>, vector<16xf32>
        %mul3A_518 = arith.constant 16 : i32
        %mul3A_519 = arith.muli %scan3A_504, %mul3A_518 : i32
        %swap3A_520 = arith.constant 6 : i32
        %swap3A_521 = arith.index_cast %swap3A_520 : i32 to index
        %swap3A_522 = arith.index_cast %mul3A_519 : i32 to index
        %swap3A_523 = tpu.vector_load %arg6[%swap3A_521, %swap3A_522] {strides = array<i32>} : memref<8x3136xf32, #tpu.memory_space<vmem>>, vector<16xf32>,
        tpu.vector_store %arg6[%swap3A_521, %swap3A_522], %select_n3A_517 {strides = array<i32>} : memref<8x3136xf32, #tpu.memory_space<vmem>>, vector<16xf32>,
        %select_n3A_524 = arith.select %broadcast_in_dim3A_338, %get3A_516, %get3A_510 : vector<16xi1>, vector<16xf32>
        %mul3A_525 = arith.constant 16 : i32
        %mul3A_526 = arith.muli %scan3A_504, %mul3A_525 : i32
        %swap3A_527 = arith.constant 6 : i32
        %swap3A_528 = arith.index_cast %swap3A_527 : i32 to index
        %swap3A_529 = arith.index_cast %mul3A_526 : i32 to index
        %swap3A_530 = tpu.vector_load %arg7[%swap3A_528, %swap3A_529] {strides = array<i32>} : memref<8x3136xf32, #tpu.memory_space<vmem>>, vector<16xf32>,
        tpu.vector_store %arg7[%swap3A_528, %swap3A_529], %select_n3A_524 {strides = array<i32>} : memref<8x3136xf32, #tpu.memory_space<vmem>>, vector<16xf32>,
        %scan3A_531 = arith.constant 5 : i32
        %scan3A_532 = arith.addi %scan3A_395, %scan3A_531 : i32
        %mul3A_533 = arith.constant 16 : i32
        %mul3A_534 = arith.muli %scan3A_532, %mul3A_533 : i32
        %get3A_535 = arith.constant 6 : i32
        %get3A_536 = arith.index_cast %get3A_535 : i32 to index
        %get3A_537 = arith.index_cast %mul3A_534 : i32 to index
        %get3A_538 = tpu.vector_load %arg4[%get3A_536, %get3A_537] {strides = array<i32>} : memref<8x3136xf32, #tpu.memory_space<vmem>>, vector<16xf32>,
        %mul3A_539 = arith.constant 16 : i32
        %mul3A_540 = arith.muli %scan3A_532, %mul3A_539 : i32
        %get3A_541 = arith.constant 6 : i32
        %get3A_542 = arith.index_cast %get3A_541 : i32 to index
        %get3A_543 = arith.index_cast %mul3A_540 : i32 to index
        %get3A_544 = tpu.vector_load %arg5[%get3A_542, %get3A_543] {strides = array<i32>} : memref<8x3136xf32, #tpu.memory_space<vmem>>, vector<16xf32>,
        %select_n3A_545 = arith.select %broadcast_in_dim3A_335, %get3A_538, %get3A_544 : vector<16xi1>, vector<16xf32>
        %mul3A_546 = arith.constant 16 : i32
        %mul3A_547 = arith.muli %scan3A_532, %mul3A_546 : i32
        %swap3A_548 = arith.constant 6 : i32
        %swap3A_549 = arith.index_cast %swap3A_548 : i32 to index
        %swap3A_550 = arith.index_cast %mul3A_547 : i32 to index
        %swap3A_551 = tpu.vector_load %arg6[%swap3A_549, %swap3A_550] {strides = array<i32>} : memref<8x3136xf32, #tpu.memory_space<vmem>>, vector<16xf32>,
        tpu.vector_store %arg6[%swap3A_549, %swap3A_550], %select_n3A_545 {strides = array<i32>} : memref<8x3136xf32, #tpu.memory_space<vmem>>, vector<16xf32>,
        %select_n3A_552 = arith.select %broadcast_in_dim3A_338, %get3A_544, %get3A_538 : vector<16xi1>, vector<16xf32>
        %mul3A_553 = arith.constant 16 : i32
        %mul3A_554 = arith.muli %scan3A_532, %mul3A_553 : i32
        %swap3A_555 = arith.constant 6 : i32
        %swap3A_556 = arith.index_cast %swap3A_555 : i32 to index
        %swap3A_557 = arith.index_cast %mul3A_554 : i32 to index
        %swap3A_558 = tpu.vector_load %arg7[%swap3A_556, %swap3A_557] {strides = array<i32>} : memref<8x3136xf32, #tpu.memory_space<vmem>>, vector<16xf32>,
        tpu.vector_store %arg7[%swap3A_556, %swap3A_557], %select_n3A_552 {strides = array<i32>} : memref<8x3136xf32, #tpu.memory_space<vmem>>, vector<16xf32>,
        %scan3A_559 = arith.constant 6 : i32
        %scan3A_560 = arith.addi %scan3A_395, %scan3A_559 : i32
        %mul3A_561 = arith.constant 16 : i32
        %mul3A_562 = arith.muli %scan3A_560, %mul3A_561 : i32
        %get3A_563 = arith.constant 6 : i32
        %get3A_564 = arith.index_cast %get3A_563 : i32 to index
        %get3A_565 = arith.index_cast %mul3A_562 : i32 to index
        %get3A_566 = tpu.vector_load %arg4[%get3A_564, %get3A_565] {strides = array<i32>} : memref<8x3136xf32, #tpu.memory_space<vmem>>, vector<16xf32>,
        %mul3A_567 = arith.constant 16 : i32
        %mul3A_568 = arith.muli %scan3A_560, %mul3A_567 : i32
        %get3A_569 = arith.constant 6 : i32
        %get3A_570 = arith.index_cast %get3A_569 : i32 to index
        %get3A_571 = arith.index_cast %mul3A_568 : i32 to index
        %get3A_572 = tpu.vector_load %arg5[%get3A_570, %get3A_571] {strides = array<i32>} : memref<8x3136xf32, #tpu.memory_space<vmem>>, vector<16xf32>,
        %select_n3A_573 = arith.select %broadcast_in_dim3A_335, %get3A_566, %get3A_572 : vector<16xi1>, vector<16xf32>
        %mul3A_574 = arith.constant 16 : i32
        %mul3A_575 = arith.muli %scan3A_560, %mul3A_574 : i32
        %swap3A_576 = arith.constant 6 : i32
        %swap3A_577 = arith.index_cast %swap3A_576 : i32 to index
        %swap3A_578 = arith.index_cast %mul3A_575 : i32 to index
        %swap3A_579 = tpu.vector_load %arg6[%swap3A_577, %swap3A_578] {strides = array<i32>} : memref<8x3136xf32, #tpu.memory_space<vmem>>, vector<16xf32>,
        tpu.vector_store %arg6[%swap3A_577, %swap3A_578], %select_n3A_573 {strides = array<i32>} : memref<8x3136xf32, #tpu.memory_space<vmem>>, vector<16xf32>,
        %select_n3A_580 = arith.select %broadcast_in_dim3A_338, %get3A_572, %get3A_566 : vector<16xi1>, vector<16xf32>
        %mul3A_581 = arith.constant 16 : i32
        %mul3A_582 = arith.muli %scan3A_560, %mul3A_581 : i32
        %swap3A_583 = arith.constant 6 : i32
        %swap3A_584 = arith.index_cast %swap3A_583 : i32 to index
        %swap3A_585 = arith.index_cast %mul3A_582 : i32 to index
        %swap3A_586 = tpu.vector_load %arg7[%swap3A_584, %swap3A_585] {strides = array<i32>} : memref<8x3136xf32, #tpu.memory_space<vmem>>, vector<16xf32>,
        tpu.vector_store %arg7[%swap3A_584, %swap3A_585], %select_n3A_580 {strides = array<i32>} : memref<8x3136xf32, #tpu.memory_space<vmem>>, vector<16xf32>,
      }
      %scan3A_344 = arith.constant 196 : i32
      %broadcast_in_dim3A_345 = arith.constant 0.000000e+00 : f32
      %broadcast_in_dim3A_346 = vector.broadcast %broadcast_in_dim3A_345 : f32 to vector<16xf32>
      %scan3A_347 = arith.constant 0 : i32
      %scan3A_348 = arith.constant 196 : i32
      %scan3A_349 = arith.addi %scan3A_347, %scan3A_348 : i32
      %scan3A_350 = arith.constant 7 : i32
      %scan3A_351:4 = scf.for %scan3A_395 = %scan3A_347 to %scan3A_349 step %scan3A_350 iter_args(%scan3A_396 = %broadcast_in_dim3A_346, %scan3A_397 = %broadcast_in_dim3A_346, %scan3A_398 = %broadcast_in_dim3A_346, %scan3A_399 = %broadcast_in_dim3A_346) -> (vector<16xf32>, vector<16xf32>, vector<16xf32>, vector<16xf32>)  : i32 {
        %mul3A_400 = arith.constant 16 : i32
        %mul3A_401 = arith.muli %scan3A_395, %mul3A_400 : i32
        %get3A = arith.constant 7 : i32
        %get3A_402 = arith.index_cast %get3A : i32 to index
        %get3A_403 = arith.index_cast %mul3A_401 : i32 to index
        %get3A_404 = tpu.vector_load %arg4[%get3A_402, %get3A_403] {strides = array<i32>} : memref<8x3136xf32, #tpu.memory_space<vmem>>, vector<16xf32>,
        %mul3A_405 = arith.constant 16 : i32
        %mul3A_406 = arith.muli %scan3A_395, %mul3A_405 : i32
        %get3A_407 = arith.constant 7 : i32
        %get3A_408 = arith.index_cast %get3A_407 : i32 to index
        %get3A_409 = arith.index_cast %mul3A_406 : i32 to index
        %get3A_410 = tpu.vector_load %arg5[%get3A_408, %get3A_409] {strides = array<i32>} : memref<8x3136xf32, #tpu.memory_space<vmem>>, vector<16xf32>,
        %add3A_411 = arith.addf %scan3A_396, %get3A_404 : vector<16xf32>
        %mul3A_412 = arith.mulf %get3A_404, %get3A_404 : vector<16xf32>
        %add3A_413 = arith.addf %scan3A_397, %mul3A_412 : vector<16xf32>
        %add3A_414 = arith.addf %scan3A_398, %get3A_410 : vector<16xf32>
        %mul3A_415 = arith.mulf %get3A_410, %get3A_410 : vector<16xf32>
        %add3A_416 = arith.addf %scan3A_399, %mul3A_415 : vector<16xf32>
        %scan3A_417 = arith.constant 1 : i32
        %scan3A_418 = arith.addi %scan3A_395, %scan3A_417 : i32
        %mul3A_419 = arith.constant 16 : i32
        %mul3A_420 = arith.muli %scan3A_418, %mul3A_419 : i32
        %get3A_421 = arith.constant 7 : i32
        %get3A_422 = arith.index_cast %get3A_421 : i32 to index
        %get3A_423 = arith.index_cast %mul3A_420 : i32 to index
        %get3A_424 = tpu.vector_load %arg4[%get3A_422, %get3A_423] {strides = array<i32>} : memref<8x3136xf32, #tpu.memory_space<vmem>>, vector<16xf32>,
        %mul3A_425 = arith.constant 16 : i32
        %mul3A_426 = arith.muli %scan3A_418, %mul3A_425 : i32
        %get3A_427 = arith.constant 7 : i32
        %get3A_428 = arith.index_cast %get3A_427 : i32 to index
        %get3A_429 = arith.index_cast %mul3A_426 : i32 to index
        %get3A_430 = tpu.vector_load %arg5[%get3A_428, %get3A_429] {strides = array<i32>} : memref<8x3136xf32, #tpu.memory_space<vmem>>, vector<16xf32>,
        %add3A_431 = arith.addf %add3A_411, %get3A_424 : vector<16xf32>
        %mul3A_432 = arith.mulf %get3A_424, %get3A_424 : vector<16xf32>
        %add3A_433 = arith.addf %add3A_413, %mul3A_432 : vector<16xf32>
        %add3A_434 = arith.addf %add3A_414, %get3A_430 : vector<16xf32>
        %mul3A_435 = arith.mulf %get3A_430, %get3A_430 : vector<16xf32>
        %add3A_436 = arith.addf %add3A_416, %mul3A_435 : vector<16xf32>
        %scan3A_437 = arith.constant 2 : i32
        %scan3A_438 = arith.addi %scan3A_395, %scan3A_437 : i32
        %mul3A_439 = arith.constant 16 : i32
        %mul3A_440 = arith.muli %scan3A_438, %mul3A_439 : i32
        %get3A_441 = arith.constant 7 : i32
        %get3A_442 = arith.index_cast %get3A_441 : i32 to index
        %get3A_443 = arith.index_cast %mul3A_440 : i32 to index
        %get3A_444 = tpu.vector_load %arg4[%get3A_442, %get3A_443] {strides = array<i32>} : memref<8x3136xf32, #tpu.memory_space<vmem>>, vector<16xf32>,
        %mul3A_445 = arith.constant 16 : i32
        %mul3A_446 = arith.muli %scan3A_438, %mul3A_445 : i32
        %get3A_447 = arith.constant 7 : i32
        %get3A_448 = arith.index_cast %get3A_447 : i32 to index
        %get3A_449 = arith.index_cast %mul3A_446 : i32 to index
        %get3A_450 = tpu.vector_load %arg5[%get3A_448, %get3A_449] {strides = array<i32>} : memref<8x3136xf32, #tpu.memory_space<vmem>>, vector<16xf32>,
        %add3A_451 = arith.addf %add3A_431, %get3A_444 : vector<16xf32>
        %mul3A_452 = arith.mulf %get3A_444, %get3A_444 : vector<16xf32>
        %add3A_453 = arith.addf %add3A_433, %mul3A_452 : vector<16xf32>
        %add3A_454 = arith.addf %add3A_434, %get3A_450 : vector<16xf32>
        %mul3A_455 = arith.mulf %get3A_450, %get3A_450 : vector<16xf32>
        %add3A_456 = arith.addf %add3A_436, %mul3A_455 : vector<16xf32>
        %scan3A_457 = arith.constant 3 : i32
        %scan3A_458 = arith.addi %scan3A_395, %scan3A_457 : i32
        %mul3A_459 = arith.constant 16 : i32
        %mul3A_460 = arith.muli %scan3A_458, %mul3A_459 : i32
        %get3A_461 = arith.constant 7 : i32
        %get3A_462 = arith.index_cast %get3A_461 : i32 to index
        %get3A_463 = arith.index_cast %mul3A_460 : i32 to index
        %get3A_464 = tpu.vector_load %arg4[%get3A_462, %get3A_463] {strides = array<i32>} : memref<8x3136xf32, #tpu.memory_space<vmem>>, vector<16xf32>,
        %mul3A_465 = arith.constant 16 : i32
        %mul3A_466 = arith.muli %scan3A_458, %mul3A_465 : i32
        %get3A_467 = arith.constant 7 : i32
        %get3A_468 = arith.index_cast %get3A_467 : i32 to index
        %get3A_469 = arith.index_cast %mul3A_466 : i32 to index
        %get3A_470 = tpu.vector_load %arg5[%get3A_468, %get3A_469] {strides = array<i32>} : memref<8x3136xf32, #tpu.memory_space<vmem>>, vector<16xf32>,
        %add3A_471 = arith.addf %add3A_451, %get3A_464 : vector<16xf32>
        %mul3A_472 = arith.mulf %get3A_464, %get3A_464 : vector<16xf32>
        %add3A_473 = arith.addf %add3A_453, %mul3A_472 : vector<16xf32>
        %add3A_474 = arith.addf %add3A_454, %get3A_470 : vector<16xf32>
        %mul3A_475 = arith.mulf %get3A_470, %get3A_470 : vector<16xf32>
        %add3A_476 = arith.addf %add3A_456, %mul3A_475 : vector<16xf32>
        %scan3A_477 = arith.constant 4 : i32
        %scan3A_478 = arith.addi %scan3A_395, %scan3A_477 : i32
        %mul3A_479 = arith.constant 16 : i32
        %mul3A_480 = arith.muli %scan3A_478, %mul3A_479 : i32
        %get3A_481 = arith.constant 7 : i32
        %get3A_482 = arith.index_cast %get3A_481 : i32 to index
        %get3A_483 = arith.index_cast %mul3A_480 : i32 to index
        %get3A_484 = tpu.vector_load %arg4[%get3A_482, %get3A_483] {strides = array<i32>} : memref<8x3136xf32, #tpu.memory_space<vmem>>, vector<16xf32>,
        %mul3A_485 = arith.constant 16 : i32
        %mul3A_486 = arith.muli %scan3A_478, %mul3A_485 : i32
        %get3A_487 = arith.constant 7 : i32
        %get3A_488 = arith.index_cast %get3A_487 : i32 to index
        %get3A_489 = arith.index_cast %mul3A_486 : i32 to index
        %get3A_490 = tpu.vector_load %arg5[%get3A_488, %get3A_489] {strides = array<i32>} : memref<8x3136xf32, #tpu.memory_space<vmem>>, vector<16xf32>,
        %add3A_491 = arith.addf %add3A_471, %get3A_484 : vector<16xf32>
        %mul3A_492 = arith.mulf %get3A_484, %get3A_484 : vector<16xf32>
        %add3A_493 = arith.addf %add3A_473, %mul3A_492 : vector<16xf32>
        %add3A_494 = arith.addf %add3A_474, %get3A_490 : vector<16xf32>
        %mul3A_495 = arith.mulf %get3A_490, %get3A_490 : vector<16xf32>
        %add3A_496 = arith.addf %add3A_476, %mul3A_495 : vector<16xf32>
        %scan3A_497 = arith.constant 5 : i32
        %scan3A_498 = arith.addi %scan3A_395, %scan3A_497 : i32
        %mul3A_499 = arith.constant 16 : i32
        %mul3A_500 = arith.muli %scan3A_498, %mul3A_499 : i32
        %get3A_501 = arith.constant 7 : i32
        %get3A_502 = arith.index_cast %get3A_501 : i32 to index
        %get3A_503 = arith.index_cast %mul3A_500 : i32 to index
        %get3A_504 = tpu.vector_load %arg4[%get3A_502, %get3A_503] {strides = array<i32>} : memref<8x3136xf32, #tpu.memory_space<vmem>>, vector<16xf32>,
        %mul3A_505 = arith.constant 16 : i32
        %mul3A_506 = arith.muli %scan3A_498, %mul3A_505 : i32
        %get3A_507 = arith.constant 7 : i32
        %get3A_508 = arith.index_cast %get3A_507 : i32 to index
        %get3A_509 = arith.index_cast %mul3A_506 : i32 to index
        %get3A_510 = tpu.vector_load %arg5[%get3A_508, %get3A_509] {strides = array<i32>} : memref<8x3136xf32, #tpu.memory_space<vmem>>, vector<16xf32>,
        %add3A_511 = arith.addf %add3A_491, %get3A_504 : vector<16xf32>
        %mul3A_512 = arith.mulf %get3A_504, %get3A_504 : vector<16xf32>
        %add3A_513 = arith.addf %add3A_493, %mul3A_512 : vector<16xf32>
        %add3A_514 = arith.addf %add3A_494, %get3A_510 : vector<16xf32>
        %mul3A_515 = arith.mulf %get3A_510, %get3A_510 : vector<16xf32>
        %add3A_516 = arith.addf %add3A_496, %mul3A_515 : vector<16xf32>
        %scan3A_517 = arith.constant 6 : i32
        %scan3A_518 = arith.addi %scan3A_395, %scan3A_517 : i32
        %mul3A_519 = arith.constant 16 : i32
        %mul3A_520 = arith.muli %scan3A_518, %mul3A_519 : i32
        %get3A_521 = arith.constant 7 : i32
        %get3A_522 = arith.index_cast %get3A_521 : i32 to index
        %get3A_523 = arith.index_cast %mul3A_520 : i32 to index
        %get3A_524 = tpu.vector_load %arg4[%get3A_522, %get3A_523] {strides = array<i32>} : memref<8x3136xf32, #tpu.memory_space<vmem>>, vector<16xf32>,
        %mul3A_525 = arith.constant 16 : i32
        %mul3A_526 = arith.muli %scan3A_518, %mul3A_525 : i32
        %get3A_527 = arith.constant 7 : i32
        %get3A_528 = arith.index_cast %get3A_527 : i32 to index
        %get3A_529 = arith.index_cast %mul3A_526 : i32 to index
        %get3A_530 = tpu.vector_load %arg5[%get3A_528, %get3A_529] {strides = array<i32>} : memref<8x3136xf32, #tpu.memory_space<vmem>>, vector<16xf32>,
        %add3A_531 = arith.addf %add3A_511, %get3A_524 : vector<16xf32>
        %mul3A_532 = arith.mulf %get3A_524, %get3A_524 : vector<16xf32>
        %add3A_533 = arith.addf %add3A_513, %mul3A_532 : vector<16xf32>
        %add3A_534 = arith.addf %add3A_514, %get3A_530 : vector<16xf32>
        %mul3A_535 = arith.mulf %get3A_530, %get3A_530 : vector<16xf32>
        %add3A_536 = arith.addf %add3A_516, %mul3A_535 : vector<16xf32>
        scf.yield %add3A_531, %add3A_533, %add3A_534, %add3A_536 : vector<16xf32>, vector<16xf32>, vector<16xf32>, vector<16xf32>
      }
      %scan3A_352 = arith.constant 196 : i32
      %reduce_sum3A_353 = arith.constant true
      %reduce_sum3A_354 = vector.broadcast %reduce_sum3A_353 : i1 to vector<16xi1>
      %reduce_sum3A_355 = tpu.scan <sum>, %scan3A_351#0 masked %reduce_sum3A_354 : vector<16xf32>, vector<16xi1> -> vector<16xf32>
      %reduce_sum3A_356 = vector.extract %reduce_sum3A_355[15] : f32 from vector<16xf32>
      %reduce_sum3A_357 = arith.constant true
      %reduce_sum3A_358 = vector.broadcast %reduce_sum3A_357 : i1 to vector<16xi1>
      %reduce_sum3A_359 = tpu.scan <sum>, %scan3A_351#1 masked %reduce_sum3A_358 : vector<16xf32>, vector<16xi1> -> vector<16xf32>
      %reduce_sum3A_360 = vector.extract %reduce_sum3A_359[15] : f32 from vector<16xf32>
      %reduce_sum3A_361 = arith.constant true
      %reduce_sum3A_362 = vector.broadcast %reduce_sum3A_361 : i1 to vector<16xi1>
      %reduce_sum3A_363 = tpu.scan <sum>, %scan3A_351#2 masked %reduce_sum3A_362 : vector<16xf32>, vector<16xi1> -> vector<16xf32>
      %reduce_sum3A_364 = vector.extract %reduce_sum3A_363[15] : f32 from vector<16xf32>
      %reduce_sum3A_365 = arith.constant true
      %reduce_sum3A_366 = vector.broadcast %reduce_sum3A_365 : i1 to vector<16xi1>
      %reduce_sum3A_367 = tpu.scan <sum>, %scan3A_351#3 masked %reduce_sum3A_366 : vector<16xf32>, vector<16xi1> -> vector<16xf32>
      %reduce_sum3A_368 = vector.extract %reduce_sum3A_367[15] : f32 from vector<16xf32>
      %mul3A_369 = arith.mulf %reduce_sum3A_356, %reduce_sum3A_356 : f32
      %mul3A_370 = arith.constant 3.18877544E-4 : f32
      %mul3A_371 = arith.mulf %mul3A_369, %mul3A_370 : f32
      %sub3A_372 = arith.subf %reduce_sum3A_360, %mul3A_371 : f32
      %mul3A_373 = arith.constant 3.18979262E-4 : f32
      %mul3A_374 = arith.mulf %sub3A_372, %mul3A_373 : f32
      %mul3A_375 = arith.mulf %reduce_sum3A_364, %reduce_sum3A_364 : f32
      %mul3A_376 = arith.constant 3.18877544E-4 : f32
      %mul3A_377 = arith.mulf %mul3A_375, %mul3A_376 : f32
      %sub3A_378 = arith.subf %reduce_sum3A_368, %mul3A_377 : f32
      %mul3A_379 = arith.constant 3.18979262E-4 : f32
      %mul3A_380 = arith.mulf %sub3A_378, %mul3A_379 : f32
      %ge3A_381 = arith.constant 0.00999999977 : f32
      %ge3A_382 = arith.cmpf oge, %mul3A_374, %ge3A_381 : f32
      %broadcast_in_dim3A_383 = vector.broadcast %ge3A_382 : i1 to vector<16xi1>
      %ge3A_384 = arith.constant 0.00999999977 : f32
      %ge3A_385 = arith.cmpf oge, %mul3A_380, %ge3A_384 : f32
      %broadcast_in_dim3A_386 = vector.broadcast %ge3A_385 : i1 to vector<16xi1>
      %scan3A_387 = arith.constant 0 : i32
      %scan3A_388 = arith.constant 0 : i32
      %scan3A_389 = arith.constant 196 : i32
      %scan3A_390 = arith.addi %scan3A_388, %scan3A_389 : i32
      %scan3A_391 = arith.constant 7 : i32
      scf.for %scan3A_395 = %scan3A_388 to %scan3A_390 step %scan3A_391  : i32 {
        %mul3A_396 = arith.constant 16 : i32
        %mul3A_397 = arith.muli %scan3A_395, %mul3A_396 : i32
        %get3A = arith.constant 7 : i32
        %get3A_398 = arith.index_cast %get3A : i32 to index
        %get3A_399 = arith.index_cast %mul3A_397 : i32 to index
        %get3A_400 = tpu.vector_load %arg4[%get3A_398, %get3A_399] {strides = array<i32>} : memref<8x3136xf32, #tpu.memory_space<vmem>>, vector<16xf32>,
        %mul3A_401 = arith.constant 16 : i32
        %mul3A_402 = arith.muli %scan3A_395, %mul3A_401 : i32
        %get3A_403 = arith.constant 7 : i32
        %get3A_404 = arith.index_cast %get3A_403 : i32 to index
        %get3A_405 = arith.index_cast %mul3A_402 : i32 to index
        %get3A_406 = tpu.vector_load %arg5[%get3A_404, %get3A_405] {strides = array<i32>} : memref<8x3136xf32, #tpu.memory_space<vmem>>, vector<16xf32>,
        %select_n3A = arith.select %broadcast_in_dim3A_383, %get3A_400, %get3A_406 : vector<16xi1>, vector<16xf32>
        %mul3A_407 = arith.constant 16 : i32
        %mul3A_408 = arith.muli %scan3A_395, %mul3A_407 : i32
        %swap3A = arith.constant 7 : i32
        %swap3A_409 = arith.index_cast %swap3A : i32 to index
        %swap3A_410 = arith.index_cast %mul3A_408 : i32 to index
        %swap3A_411 = tpu.vector_load %arg6[%swap3A_409, %swap3A_410] {strides = array<i32>} : memref<8x3136xf32, #tpu.memory_space<vmem>>, vector<16xf32>,
        tpu.vector_store %arg6[%swap3A_409, %swap3A_410], %select_n3A {strides = array<i32>} : memref<8x3136xf32, #tpu.memory_space<vmem>>, vector<16xf32>,
        %select_n3A_412 = arith.select %broadcast_in_dim3A_386, %get3A_406, %get3A_400 : vector<16xi1>, vector<16xf32>
        %mul3A_413 = arith.constant 16 : i32
        %mul3A_414 = arith.muli %scan3A_395, %mul3A_413 : i32
        %swap3A_415 = arith.constant 7 : i32
        %swap3A_416 = arith.index_cast %swap3A_415 : i32 to index
        %swap3A_417 = arith.index_cast %mul3A_414 : i32 to index
        %swap3A_418 = tpu.vector_load %arg7[%swap3A_416, %swap3A_417] {strides = array<i32>} : memref<8x3136xf32, #tpu.memory_space<vmem>>, vector<16xf32>,
        tpu.vector_store %arg7[%swap3A_416, %swap3A_417], %select_n3A_412 {strides = array<i32>} : memref<8x3136xf32, #tpu.memory_space<vmem>>, vector<16xf32>,
        %scan3A_419 = arith.constant 1 : i32
        %scan3A_420 = arith.addi %scan3A_395, %scan3A_419 : i32
        %mul3A_421 = arith.constant 16 : i32
        %mul3A_422 = arith.muli %scan3A_420, %mul3A_421 : i32
        %get3A_423 = arith.constant 7 : i32
        %get3A_424 = arith.index_cast %get3A_423 : i32 to index
        %get3A_425 = arith.index_cast %mul3A_422 : i32 to index
        %get3A_426 = tpu.vector_load %arg4[%get3A_424, %get3A_425] {strides = array<i32>} : memref<8x3136xf32, #tpu.memory_space<vmem>>, vector<16xf32>,
        %mul3A_427 = arith.constant 16 : i32
        %mul3A_428 = arith.muli %scan3A_420, %mul3A_427 : i32
        %get3A_429 = arith.constant 7 : i32
        %get3A_430 = arith.index_cast %get3A_429 : i32 to index
        %get3A_431 = arith.index_cast %mul3A_428 : i32 to index
        %get3A_432 = tpu.vector_load %arg5[%get3A_430, %get3A_431] {strides = array<i32>} : memref<8x3136xf32, #tpu.memory_space<vmem>>, vector<16xf32>,
        %select_n3A_433 = arith.select %broadcast_in_dim3A_383, %get3A_426, %get3A_432 : vector<16xi1>, vector<16xf32>
        %mul3A_434 = arith.constant 16 : i32
        %mul3A_435 = arith.muli %scan3A_420, %mul3A_434 : i32
        %swap3A_436 = arith.constant 7 : i32
        %swap3A_437 = arith.index_cast %swap3A_436 : i32 to index
        %swap3A_438 = arith.index_cast %mul3A_435 : i32 to index
        %swap3A_439 = tpu.vector_load %arg6[%swap3A_437, %swap3A_438] {strides = array<i32>} : memref<8x3136xf32, #tpu.memory_space<vmem>>, vector<16xf32>,
        tpu.vector_store %arg6[%swap3A_437, %swap3A_438], %select_n3A_433 {strides = array<i32>} : memref<8x3136xf32, #tpu.memory_space<vmem>>, vector<16xf32>,
        %select_n3A_440 = arith.select %broadcast_in_dim3A_386, %get3A_432, %get3A_426 : vector<16xi1>, vector<16xf32>
        %mul3A_441 = arith.constant 16 : i32
        %mul3A_442 = arith.muli %scan3A_420, %mul3A_441 : i32
        %swap3A_443 = arith.constant 7 : i32
        %swap3A_444 = arith.index_cast %swap3A_443 : i32 to index
        %swap3A_445 = arith.index_cast %mul3A_442 : i32 to index
        %swap3A_446 = tpu.vector_load %arg7[%swap3A_444, %swap3A_445] {strides = array<i32>} : memref<8x3136xf32, #tpu.memory_space<vmem>>, vector<16xf32>,
        tpu.vector_store %arg7[%swap3A_444, %swap3A_445], %select_n3A_440 {strides = array<i32>} : memref<8x3136xf32, #tpu.memory_space<vmem>>, vector<16xf32>,
        %scan3A_447 = arith.constant 2 : i32
        %scan3A_448 = arith.addi %scan3A_395, %scan3A_447 : i32
        %mul3A_449 = arith.constant 16 : i32
        %mul3A_450 = arith.muli %scan3A_448, %mul3A_449 : i32
        %get3A_451 = arith.constant 7 : i32
        %get3A_452 = arith.index_cast %get3A_451 : i32 to index
        %get3A_453 = arith.index_cast %mul3A_450 : i32 to index
        %get3A_454 = tpu.vector_load %arg4[%get3A_452, %get3A_453] {strides = array<i32>} : memref<8x3136xf32, #tpu.memory_space<vmem>>, vector<16xf32>,
        %mul3A_455 = arith.constant 16 : i32
        %mul3A_456 = arith.muli %scan3A_448, %mul3A_455 : i32
        %get3A_457 = arith.constant 7 : i32
        %get3A_458 = arith.index_cast %get3A_457 : i32 to index
        %get3A_459 = arith.index_cast %mul3A_456 : i32 to index
        %get3A_460 = tpu.vector_load %arg5[%get3A_458, %get3A_459] {strides = array<i32>} : memref<8x3136xf32, #tpu.memory_space<vmem>>, vector<16xf32>,
        %select_n3A_461 = arith.select %broadcast_in_dim3A_383, %get3A_454, %get3A_460 : vector<16xi1>, vector<16xf32>
        %mul3A_462 = arith.constant 16 : i32
        %mul3A_463 = arith.muli %scan3A_448, %mul3A_462 : i32
        %swap3A_464 = arith.constant 7 : i32
        %swap3A_465 = arith.index_cast %swap3A_464 : i32 to index
        %swap3A_466 = arith.index_cast %mul3A_463 : i32 to index
        %swap3A_467 = tpu.vector_load %arg6[%swap3A_465, %swap3A_466] {strides = array<i32>} : memref<8x3136xf32, #tpu.memory_space<vmem>>, vector<16xf32>,
        tpu.vector_store %arg6[%swap3A_465, %swap3A_466], %select_n3A_461 {strides = array<i32>} : memref<8x3136xf32, #tpu.memory_space<vmem>>, vector<16xf32>,
        %select_n3A_468 = arith.select %broadcast_in_dim3A_386, %get3A_460, %get3A_454 : vector<16xi1>, vector<16xf32>
        %mul3A_469 = arith.constant 16 : i32
        %mul3A_470 = arith.muli %scan3A_448, %mul3A_469 : i32
        %swap3A_471 = arith.constant 7 : i32
        %swap3A_472 = arith.index_cast %swap3A_471 : i32 to index
        %swap3A_473 = arith.index_cast %mul3A_470 : i32 to index
        %swap3A_474 = tpu.vector_load %arg7[%swap3A_472, %swap3A_473] {strides = array<i32>} : memref<8x3136xf32, #tpu.memory_space<vmem>>, vector<16xf32>,
        tpu.vector_store %arg7[%swap3A_472, %swap3A_473], %select_n3A_468 {strides = array<i32>} : memref<8x3136xf32, #tpu.memory_space<vmem>>, vector<16xf32>,
        %scan3A_475 = arith.constant 3 : i32
        %scan3A_476 = arith.addi %scan3A_395, %scan3A_475 : i32
        %mul3A_477 = arith.constant 16 : i32
        %mul3A_478 = arith.muli %scan3A_476, %mul3A_477 : i32
        %get3A_479 = arith.constant 7 : i32
        %get3A_480 = arith.index_cast %get3A_479 : i32 to index
        %get3A_481 = arith.index_cast %mul3A_478 : i32 to index
        %get3A_482 = tpu.vector_load %arg4[%get3A_480, %get3A_481] {strides = array<i32>} : memref<8x3136xf32, #tpu.memory_space<vmem>>, vector<16xf32>,
        %mul3A_483 = arith.constant 16 : i32
        %mul3A_484 = arith.muli %scan3A_476, %mul3A_483 : i32
        %get3A_485 = arith.constant 7 : i32
        %get3A_486 = arith.index_cast %get3A_485 : i32 to index
        %get3A_487 = arith.index_cast %mul3A_484 : i32 to index
        %get3A_488 = tpu.vector_load %arg5[%get3A_486, %get3A_487] {strides = array<i32>} : memref<8x3136xf32, #tpu.memory_space<vmem>>, vector<16xf32>,
        %select_n3A_489 = arith.select %broadcast_in_dim3A_383, %get3A_482, %get3A_488 : vector<16xi1>, vector<16xf32>
        %mul3A_490 = arith.constant 16 : i32
        %mul3A_491 = arith.muli %scan3A_476, %mul3A_490 : i32
        %swap3A_492 = arith.constant 7 : i32
        %swap3A_493 = arith.index_cast %swap3A_492 : i32 to index
        %swap3A_494 = arith.index_cast %mul3A_491 : i32 to index
        %swap3A_495 = tpu.vector_load %arg6[%swap3A_493, %swap3A_494] {strides = array<i32>} : memref<8x3136xf32, #tpu.memory_space<vmem>>, vector<16xf32>,
        tpu.vector_store %arg6[%swap3A_493, %swap3A_494], %select_n3A_489 {strides = array<i32>} : memref<8x3136xf32, #tpu.memory_space<vmem>>, vector<16xf32>,
        %select_n3A_496 = arith.select %broadcast_in_dim3A_386, %get3A_488, %get3A_482 : vector<16xi1>, vector<16xf32>
        %mul3A_497 = arith.constant 16 : i32
        %mul3A_498 = arith.muli %scan3A_476, %mul3A_497 : i32
        %swap3A_499 = arith.constant 7 : i32
        %swap3A_500 = arith.index_cast %swap3A_499 : i32 to index
        %swap3A_501 = arith.index_cast %mul3A_498 : i32 to index
        %swap3A_502 = tpu.vector_load %arg7[%swap3A_500, %swap3A_501] {strides = array<i32>} : memref<8x3136xf32, #tpu.memory_space<vmem>>, vector<16xf32>,
        tpu.vector_store %arg7[%swap3A_500, %swap3A_501], %select_n3A_496 {strides = array<i32>} : memref<8x3136xf32, #tpu.memory_space<vmem>>, vector<16xf32>,
        %scan3A_503 = arith.constant 4 : i32
        %scan3A_504 = arith.addi %scan3A_395, %scan3A_503 : i32
        %mul3A_505 = arith.constant 16 : i32
        %mul3A_506 = arith.muli %scan3A_504, %mul3A_505 : i32
        %get3A_507 = arith.constant 7 : i32
        %get3A_508 = arith.index_cast %get3A_507 : i32 to index
        %get3A_509 = arith.index_cast %mul3A_506 : i32 to index
        %get3A_510 = tpu.vector_load %arg4[%get3A_508, %get3A_509] {strides = array<i32>} : memref<8x3136xf32, #tpu.memory_space<vmem>>, vector<16xf32>,
        %mul3A_511 = arith.constant 16 : i32
        %mul3A_512 = arith.muli %scan3A_504, %mul3A_511 : i32
        %get3A_513 = arith.constant 7 : i32
        %get3A_514 = arith.index_cast %get3A_513 : i32 to index
        %get3A_515 = arith.index_cast %mul3A_512 : i32 to index
        %get3A_516 = tpu.vector_load %arg5[%get3A_514, %get3A_515] {strides = array<i32>} : memref<8x3136xf32, #tpu.memory_space<vmem>>, vector<16xf32>,
        %select_n3A_517 = arith.select %broadcast_in_dim3A_383, %get3A_510, %get3A_516 : vector<16xi1>, vector<16xf32>
        %mul3A_518 = arith.constant 16 : i32
        %mul3A_519 = arith.muli %scan3A_504, %mul3A_518 : i32
        %swap3A_520 = arith.constant 7 : i32
        %swap3A_521 = arith.index_cast %swap3A_520 : i32 to index
        %swap3A_522 = arith.index_cast %mul3A_519 : i32 to index
        %swap3A_523 = tpu.vector_load %arg6[%swap3A_521, %swap3A_522] {strides = array<i32>} : memref<8x3136xf32, #tpu.memory_space<vmem>>, vector<16xf32>,
        tpu.vector_store %arg6[%swap3A_521, %swap3A_522], %select_n3A_517 {strides = array<i32>} : memref<8x3136xf32, #tpu.memory_space<vmem>>, vector<16xf32>,
        %select_n3A_524 = arith.select %broadcast_in_dim3A_386, %get3A_516, %get3A_510 : vector<16xi1>, vector<16xf32>
        %mul3A_525 = arith.constant 16 : i32
        %mul3A_526 = arith.muli %scan3A_504, %mul3A_525 : i32
        %swap3A_527 = arith.constant 7 : i32
        %swap3A_528 = arith.index_cast %swap3A_527 : i32 to index
        %swap3A_529 = arith.index_cast %mul3A_526 : i32 to index
        %swap3A_530 = tpu.vector_load %arg7[%swap3A_528, %swap3A_529] {strides = array<i32>} : memref<8x3136xf32, #tpu.memory_space<vmem>>, vector<16xf32>,
        tpu.vector_store %arg7[%swap3A_528, %swap3A_529], %select_n3A_524 {strides = array<i32>} : memref<8x3136xf32, #tpu.memory_space<vmem>>, vector<16xf32>,
        %scan3A_531 = arith.constant 5 : i32
        %scan3A_532 = arith.addi %scan3A_395, %scan3A_531 : i32
        %mul3A_533 = arith.constant 16 : i32
        %mul3A_534 = arith.muli %scan3A_532, %mul3A_533 : i32
        %get3A_535 = arith.constant 7 : i32
        %get3A_536 = arith.index_cast %get3A_535 : i32 to index
        %get3A_537 = arith.index_cast %mul3A_534 : i32 to index
        %get3A_538 = tpu.vector_load %arg4[%get3A_536, %get3A_537] {strides = array<i32>} : memref<8x3136xf32, #tpu.memory_space<vmem>>, vector<16xf32>,
        %mul3A_539 = arith.constant 16 : i32
        %mul3A_540 = arith.muli %scan3A_532, %mul3A_539 : i32
        %get3A_541 = arith.constant 7 : i32
        %get3A_542 = arith.index_cast %get3A_541 : i32 to index
        %get3A_543 = arith.index_cast %mul3A_540 : i32 to index
        %get3A_544 = tpu.vector_load %arg5[%get3A_542, %get3A_543] {strides = array<i32>} : memref<8x3136xf32, #tpu.memory_space<vmem>>, vector<16xf32>,
        %select_n3A_545 = arith.select %broadcast_in_dim3A_383, %get3A_538, %get3A_544 : vector<16xi1>, vector<16xf32>
        %mul3A_546 = arith.constant 16 : i32
        %mul3A_547 = arith.muli %scan3A_532, %mul3A_546 : i32
        %swap3A_548 = arith.constant 7 : i32
        %swap3A_549 = arith.index_cast %swap3A_548 : i32 to index
        %swap3A_550 = arith.index_cast %mul3A_547 : i32 to index
        %swap3A_551 = tpu.vector_load %arg6[%swap3A_549, %swap3A_550] {strides = array<i32>} : memref<8x3136xf32, #tpu.memory_space<vmem>>, vector<16xf32>,
        tpu.vector_store %arg6[%swap3A_549, %swap3A_550], %select_n3A_545 {strides = array<i32>} : memref<8x3136xf32, #tpu.memory_space<vmem>>, vector<16xf32>,
        %select_n3A_552 = arith.select %broadcast_in_dim3A_386, %get3A_544, %get3A_538 : vector<16xi1>, vector<16xf32>
        %mul3A_553 = arith.constant 16 : i32
        %mul3A_554 = arith.muli %scan3A_532, %mul3A_553 : i32
        %swap3A_555 = arith.constant 7 : i32
        %swap3A_556 = arith.index_cast %swap3A_555 : i32 to index
        %swap3A_557 = arith.index_cast %mul3A_554 : i32 to index
        %swap3A_558 = tpu.vector_load %arg7[%swap3A_556, %swap3A_557] {strides = array<i32>} : memref<8x3136xf32, #tpu.memory_space<vmem>>, vector<16xf32>,
        tpu.vector_store %arg7[%swap3A_556, %swap3A_557], %select_n3A_552 {strides = array<i32>} : memref<8x3136xf32, #tpu.memory_space<vmem>>, vector<16xf32>,
        %scan3A_559 = arith.constant 6 : i32
        %scan3A_560 = arith.addi %scan3A_395, %scan3A_559 : i32
        %mul3A_561 = arith.constant 16 : i32
        %mul3A_562 = arith.muli %scan3A_560, %mul3A_561 : i32
        %get3A_563 = arith.constant 7 : i32
        %get3A_564 = arith.index_cast %get3A_563 : i32 to index
        %get3A_565 = arith.index_cast %mul3A_562 : i32 to index
        %get3A_566 = tpu.vector_load %arg4[%get3A_564, %get3A_565] {strides = array<i32>} : memref<8x3136xf32, #tpu.memory_space<vmem>>, vector<16xf32>,
        %mul3A_567 = arith.constant 16 : i32
        %mul3A_568 = arith.muli %scan3A_560, %mul3A_567 : i32
        %get3A_569 = arith.constant 7 : i32
        %get3A_570 = arith.index_cast %get3A_569 : i32 to index
        %get3A_571 = arith.index_cast %mul3A_568 : i32 to index
        %get3A_572 = tpu.vector_load %arg5[%get3A_570, %get3A_571] {strides = array<i32>} : memref<8x3136xf32, #tpu.memory_space<vmem>>, vector<16xf32>,
        %select_n3A_573 = arith.select %broadcast_in_dim3A_383, %get3A_566, %get3A_572 : vector<16xi1>, vector<16xf32>
        %mul3A_574 = arith.constant 16 : i32
        %mul3A_575 = arith.muli %scan3A_560, %mul3A_574 : i32
        %swap3A_576 = arith.constant 7 : i32
        %swap3A_577 = arith.index_cast %swap3A_576 : i32 to index
        %swap3A_578 = arith.index_cast %mul3A_575 : i32 to index
        %swap3A_579 = tpu.vector_load %arg6[%swap3A_577, %swap3A_578] {strides = array<i32>} : memref<8x3136xf32, #tpu.memory_space<vmem>>, vector<16xf32>,
        tpu.vector_store %arg6[%swap3A_577, %swap3A_578], %select_n3A_573 {strides = array<i32>} : memref<8x3136xf32, #tpu.memory_space<vmem>>, vector<16xf32>,
        %select_n3A_580 = arith.select %broadcast_in_dim3A_386, %get3A_572, %get3A_566 : vector<16xi1>, vector<16xf32>
        %mul3A_581 = arith.constant 16 : i32
        %mul3A_582 = arith.muli %scan3A_560, %mul3A_581 : i32
        %swap3A_583 = arith.constant 7 : i32
        %swap3A_584 = arith.index_cast %swap3A_583 : i32 to index
        %swap3A_585 = arith.index_cast %mul3A_582 : i32 to index
        %swap3A_586 = tpu.vector_load %arg7[%swap3A_584, %swap3A_585] {strides = array<i32>} : memref<8x3136xf32, #tpu.memory_space<vmem>>, vector<16xf32>,
        tpu.vector_store %arg7[%swap3A_584, %swap3A_585], %select_n3A_580 {strides = array<i32>} : memref<8x3136xf32, #tpu.memory_space<vmem>>, vector<16xf32>,
      }
      %scan3A_392 = arith.constant 196 : i32
      %run_scoped3A_393 = arith.constant 0 : i32
      "tpu.region"() ({
        %run_scoped3A_395 = tpu.sem_alloc : memref<!tpu.dma_semaphore, #tpu.memory_space<semaphore_mem>>
        %dma_start3A = arith.constant 0 : i32
        %dma_start3A_396 = tpu.memref_slice %arg3[%run_scoped3A_393, %add3A_11, %dma_start3A] : memref<2x3072x3136xf32, #tpu.memory_space<hbm>> -> memref<1x8x3136xf32, #tpu.memory_space<hbm>>
        %dma_start3A_397 = tpu.memref_squeeze %dma_start3A_396 : memref<1x8x3136xf32, #tpu.memory_space<hbm>> -> memref<8x3136xf32, #tpu.memory_space<hbm>>
        %dma_start3A_398 = arith.constant 0 : i32
        %dma_start3A_399 = tpu.memref_slice %arg3[%run_scoped3A_393, %add3A_11, %dma_start3A_398] : memref<2x3072x3136xf32, #tpu.memory_space<hbm>> -> memref<1x8x3136xf32, #tpu.memory_space<hbm>>
        %dma_start3A_400 = tpu.memref_squeeze %dma_start3A_399 : memref<1x8x3136xf32, #tpu.memory_space<hbm>> -> memref<8x3136xf32, #tpu.memory_space<hbm>>
        tpu.enqueue_dma source(%arg6 : memref<8x3136xf32, #tpu.memory_space<vmem>>) target(%dma_start3A_400 : memref<8x3136xf32, #tpu.memory_space<hbm>>) target_semaphore(%run_scoped3A_395 : memref<!tpu.dma_semaphore, #tpu.memory_space<semaphore_mem>>)
        %dma_wait3A = arith.constant 0 : i32
        %dma_wait3A_401 = tpu.memref_slice %arg3[%run_scoped3A_393, %add3A_11, %dma_wait3A] : memref<2x3072x3136xf32, #tpu.memory_space<hbm>> -> memref<1x8x3136xf32, #tpu.memory_space<hbm>>
        %dma_wait3A_402 = tpu.memref_squeeze %dma_wait3A_401 : memref<1x8x3136xf32, #tpu.memory_space<hbm>> -> memref<8x3136xf32, #tpu.memory_space<hbm>>
        %dma_wait3A_403 = arith.constant 0 : i32
        %dma_wait3A_404 = tpu.memref_slice %arg3[%run_scoped3A_393, %add3A_11, %dma_wait3A_403] : memref<2x3072x3136xf32, #tpu.memory_space<hbm>> -> memref<1x8x3136xf32, #tpu.memory_space<hbm>>
        %dma_wait3A_405 = tpu.memref_squeeze %dma_wait3A_404 : memref<1x8x3136xf32, #tpu.memory_space<hbm>> -> memref<8x3136xf32, #tpu.memory_space<hbm>>
        tpu.wait_dma2 semaphore(%run_scoped3A_395 : memref<!tpu.dma_semaphore, #tpu.memory_space<semaphore_mem>>) src(%arg6 : memref<8x3136xf32, #tpu.memory_space<vmem>>) dst(%dma_wait3A_405 : memref<8x3136xf32, #tpu.memory_space<hbm>>)
        tpu.yield
      }) : () -> ()
      %run_scoped3A_394 = arith.constant 1 : i32
      "tpu.region"() ({
        %run_scoped3A_395 = tpu.sem_alloc : memref<!tpu.dma_semaphore, #tpu.memory_space<semaphore_mem>>
        %dma_start3A = arith.constant 0 : i32
        %dma_start3A_396 = tpu.memref_slice %arg3[%run_scoped3A_394, %add3A_11, %dma_start3A] : memref<2x3072x3136xf32, #tpu.memory_space<hbm>> -> memref<1x8x3136xf32, #tpu.memory_space<hbm>>
        %dma_start3A_397 = tpu.memref_squeeze %dma_start3A_396 : memref<1x8x3136xf32, #tpu.memory_space<hbm>> -> memref<8x3136xf32, #tpu.memory_space<hbm>>
        %dma_start3A_398 = arith.constant 0 : i32
        %dma_start3A_399 = tpu.memref_slice %arg3[%run_scoped3A_394, %add3A_11, %dma_start3A_398] : memref<2x3072x3136xf32, #tpu.memory_space<hbm>> -> memref<1x8x3136xf32, #tpu.memory_space<hbm>>
        %dma_start3A_400 = tpu.memref_squeeze %dma_start3A_399 : memref<1x8x3136xf32, #tpu.memory_space<hbm>> -> memref<8x3136xf32, #tpu.memory_space<hbm>>
        tpu.enqueue_dma source(%arg7 : memref<8x3136xf32, #tpu.memory_space<vmem>>) target(%dma_start3A_400 : memref<8x3136xf32, #tpu.memory_space<hbm>>) target_semaphore(%run_scoped3A_395 : memref<!tpu.dma_semaphore, #tpu.memory_space<semaphore_mem>>)
        %dma_wait3A = arith.constant 0 : i32
        %dma_wait3A_401 = tpu.memref_slice %arg3[%run_scoped3A_394, %add3A_11, %dma_wait3A] : memref<2x3072x3136xf32, #tpu.memory_space<hbm>> -> memref<1x8x3136xf32, #tpu.memory_space<hbm>>
        %dma_wait3A_402 = tpu.memref_squeeze %dma_wait3A_401 : memref<1x8x3136xf32, #tpu.memory_space<hbm>> -> memref<8x3136xf32, #tpu.memory_space<hbm>>
        %dma_wait3A_403 = arith.constant 0 : i32
        %dma_wait3A_404 = tpu.memref_slice %arg3[%run_scoped3A_394, %add3A_11, %dma_wait3A_403] : memref<2x3072x3136xf32, #tpu.memory_space<hbm>> -> memref<1x8x3136xf32, #tpu.memory_space<hbm>>
        %dma_wait3A_405 = tpu.memref_squeeze %dma_wait3A_404 : memref<1x8x3136xf32, #tpu.memory_space<hbm>> -> memref<8x3136xf32, #tpu.memory_space<hbm>>
        tpu.wait_dma2 semaphore(%run_scoped3A_395 : memref<!tpu.dma_semaphore, #tpu.memory_space<semaphore_mem>>) src(%arg7 : memref<8x3136xf32, #tpu.memory_space<vmem>>) dst(%dma_wait3A_405 : memref<8x3136xf32, #tpu.memory_space<hbm>>)
        tpu.yield
      }) : () -> ()
    }
    %scan3A_7 = arith.constant 12 : i32
    return
  }
}

</mosaic_0001>

<sc_bundles>
// kernel: kernel.3.cloned.1.call-start
scs
__scs_entry_jumppad:
0x0: {  	(pc) =	sbr.rel $0x88, $3  }
0x1: {  	(tag) =	ssettag $0x0;
	lr =	simm.s32 $0x1  }
0x2: {  	[smem:$0x3FA0] =	sst lr;
	_ =	strace $0xD0000000  }
0x3: {  	_ = 	snop  }
0x4: {  	_ = 	snop  }
0x5: {  	_ = 	snop  }
0x6: {  	_ = 	snop  }
0x7: {  	_ = 	snop  }
__scs_overlays_trampoline_lowered:
0x8: {  	[smem:$0x3FAF] =	sst s0  }
0x9: {  	[smem:$0x3FB0] =	sst s1  }
0xa: {  	[smem:$0x3FB1] =	sst s2  }
0xb: {  	[smem:$0x3FB2] =	sst s3  }
0xc: {  	[smem:$0x3FB3] =	sst s4  }
0xd: {  	[smem:$0x3FB4] =	sst s5  }
0xe: {  	[smem:$0x3FB5] =	sst s6  }
0xf: {  	[smem:$0x3FB6] =	sst s7  }
0x10: {  	[smem:$0x3FB7] =	sst s8  }
0x11: {  	[smem:$0x3FB8] =	sst s9;
	s0 =	simm.s32 @!p0 $0x0  }
0x12: {  	s1 =	sld [smem:$0x3F9E];
	s0 =	simm.s32 @p0 $0x1  }
0x13: {  	[smem:$0x3FB9] =	sst s0;
	s0 =	simm.s32 @!p1 $0x0  }
0x14: {  	s2 =	sld [smem:$0x3F9D];
	s0 =	simm.s32 @p1 $0x1  }
0x15: {  	[smem:$0x3FBA] =	sst s0;
	s0 =	simm.s32 @!p2 $0x0  }
0x16: {  	s3 =	sld [smem:$0x3FDB];
	s0 =	simm.s32 @p2 $0x1  }
0x17: {  	s4 =	simm.s32 $0x1BF5;
	[smem:$0x3FBC] =	sst s0  }
0x18: {  	s0 =	sld [smem:$0x3F9F];
	_ =	swait.ge [sflag:s4], $0x0  }
0x19: {  	s7 =	sld [smem:$0x3FA0]  }
0x1a: {  	s8 =	sadd.s32 $0xFFFFE003, lr  }
0x1b: {  	s9 =	sadd.s32 $0xFFFFFEF7, lr;
	s5 =	simm.s32 $0xFFFFFFFF;
	p2 =	slt.u32 s8, $0xFFFFF086  }
0x1c: {  	p1 =	slt.u32 s9, $0xF7A;
	s5 =	simm.s32 @!p2 $0x0  }
0x1d: {  	s5 =	simm.s32 @p1 $0x1;
	p0 =	seq.s32 s7, s2  }
0x1e: {  	s7 =	smul.u32 @!p0 $0xF7A, s2;
	p2 =	seq.s32 @!p0 s5, $0x0  }
0x1f: {  	s9 =	smul.u32 $0xF7A, s1;
	s8 =	simm.s32 @!p0 $0x1BF5;
	p2 =	por !p2, p0  }
0x20: {  	[sflag:s8] =	ssyncset.s32 @!p0 $0xFFFFF086;
	s6 =	sadd.s32 @!p0 s3, s7;
	s7 =	simm.s32 @!p0 $0x108  }
0x21: {  	s3 =	sadd.s32 s3, s9;
	s6 =	sadd.s32 @!p0 $0x88, s6;
	s7 =	simm.s32 @p2 $0x1082  }
0x22: {  	[simem:s7], [sflag:s8] =	dma.local @!p0 [hbm:s6], $0xF7A  }
0x23: {  	s9 =	sor.u32 $0xD0000000, s2;
	s6 =	simm.s32 $0x108;
	_ =	swait.ge @!p0 [sflag:s8], $0x0  }
0x24: {  	s3 =	sadd.s32 $0x88, s3;
	s6 =	simm.s32 @!p1 $0x1082;
	[sflag:s4] =	ssyncset.s32 $0xFFFFF086  }
0x25: {  	[simem:s6], [sflag:s4] =	dma.local [hbm:s3], $0xF7A  }
0x26: {  	[smem:$0x3FA0] =	sst s1;
	(tag) =	ssettag s2;
	_ =	strace s9  }
0x27: {  	s1 =	sld [smem:$0x3FB0]  }
0x28: {  	s2 =	sld [smem:$0x3FB1]  }
0x29: {  	s4 =	sld [smem:$0x3FB3]  }
0x2a: {  	p0 =	seq.s32 s5, $0x0;
	s5 =	sld [smem:$0x3FB4]  }
0x2b: {  	s6 =	sld [smem:$0x3FB5]  }
0x2c: {  	s7 =	sld [smem:$0x3FB6]  }
0x2d: {  	s3 =	simm.s32 $0x108;
	s8 =	sld [smem:$0x3FB7]  }
0x2e: {  	s3 =	simm.s32 @!p0 $0x1082;
	s9 =	sld [smem:$0x3FB8]  }
0x2f: {  	lr =	sadd.s32 s0, s3;
	s0 =	sld [smem:$0x3FAF]  }
0x30: {  	s3 =	sld [smem:$0x3FB2]  }
0x31: {  	[smem:$0x3FBB] =	sst s10  }
0x32: {  	s10 =	sld [smem:$0x3FB9];
	_ =	sdelay $0x3  }
0x33: {  	p0 =	seq.s32 s10, $0x1;
	s10 =	sld [smem:$0x3FBB];
	_ =	sdelay $0x3  }
0x34: {  	[smem:$0x3FBB] =	sst s10  }
0x35: {  	s10 =	sld [smem:$0x3FBA];
	_ =	sdelay $0x3  }
0x36: {  	p1 =	seq.s32 s10, $0x1;
	s10 =	sld [smem:$0x3FBB];
	_ =	sdelay $0x3  }
0x37: {  	[smem:$0x3FBB] =	sst s10  }
0x38: {  	s10 =	sld [smem:$0x3FBC]  }
0x39: {  	_ = 	snop;
	(pc) =	sbr.ind lr, $3  }
0x3a: {  	_ = 	snop  }
0x3b: {  	_ = 	snop  }
0x3c: {  	p2 =	seq.s32 s10, $0x1;
	s10 =	sld [smem:$0x3FBB]  }
0x3d: {  	_ =	shalt  }
0x3e: {  	_ =	shalt  }
0x3f: {  	_ =	shalt  }
0x40: {  	_ =	shalt  }
0x41: {  	_ =	shalt  }
0x42: {  	_ =	shalt  }
0x43: {  	_ =	shalt  }
0x44: {  	_ =	shalt  }
0x45: {  	_ =	shalt  }
0x46: {  	_ =	shalt  }
0x47: {  	_ =	shalt  }
0x48: {  	_ =	shalt  }
0x49: {  	_ =	shalt  }
0x4a: {  	_ =	shalt  }
0x4b: {  	_ =	shalt  }
0x4c: {  	_ =	shalt  }
0x4d: {  	_ =	shalt  }
0x4e: {  	_ =	shalt  }
0x4f: {  	_ =	shalt  }
0x50: {  	_ =	shalt  }
0x51: {  	_ =	shalt  }
0x52: {  	_ =	shalt  }
0x53: {  	_ =	shalt  }
0x54: {  	_ =	shalt  }
0x55: {  	_ =	shalt  }
0x56: {  	_ =	shalt  }
0x57: {  	_ =	shalt  }
0x58: {  	_ =	shalt  }
0x59: {  	_ =	shalt  }
0x5a: {  	_ =	shalt  }
0x5b: {  	_ =	shalt  }
0x5c: {  	_ =	shalt  }
0x5d: {  	_ =	shalt  }
0x5e: {  	_ =	shalt  }
0x5f: {  	_ =	shalt  }
0x60: {  	_ =	shalt  }
0x61: {  	_ =	shalt  }
0x62: {  	_ =	shalt  }
0x63: {  	_ =	shalt  }
0x64: {  	_ =	shalt  }
0x65: {  	_ =	shalt  }
0x66: {  	_ =	shalt  }
0x67: {  	_ =	shalt  }
0x68: {  	_ =	shalt  }
0x69: {  	_ =	shalt  }
0x6a: {  	_ =	shalt  }
0x6b: {  	_ =	shalt  }
0x6c: {  	_ =	shalt  }
0x6d: {  	_ =	shalt  }
0x6e: {  	_ =	shalt  }
0x6f: {  	_ =	shalt  }
0x70: {  	_ =	shalt  }
0x71: {  	_ =	shalt  }
0x72: {  	_ =	shalt  }
0x73: {  	_ =	shalt  }
0x74: {  	_ =	shalt  }
0x75: {  	_ =	shalt  }
0x76: {  	_ =	shalt  }
0x77: {  	_ =	shalt  }
0x78: {  	_ =	shalt  }
0x79: {  	_ =	shalt  }
0x7a: {  	_ =	shalt  }
0x7b: {  	_ =	shalt  }
0x7c: {  	_ =	shalt  }
0x7d: {  	_ =	shalt  }
0x7e: {  	_ =	shalt  }
0x7f: {  	_ =	shalt  }
0x80: {  	_ =	shalt  }
0x81: {  	_ =	shalt  }
0x82: {  	_ =	shalt  }
0x83: {  	_ =	shalt  }
0x84: {  	_ =	shalt  }
0x85: {  	_ =	shalt  }
0x86: {  	_ =	shalt  }
0x87: {  	_ =	shalt  }
.Lfunc_end0:
.L_simem_size_0:
called_computation.2_lowered:
.L_overlay_start_0:
0x88: {  	s2 =	sld [smem:$0x3FD9]  }
0x89: {  	s3 =	sld [smem:$0x3FFE];
	_ =	sdelay $0x1  }
0x8a: {  	s1 =	srdreg.scid  }
0x8b: {  	s0 =	sand.u32 $0x1, s1  }
0x8c: {  	s16 =	sshll.u32 s0, $0xA;
	s2 =	sadd.s32 s3, s2  }
0x8d: {  	s2 =	sadd.s32 s2, s16  }
0x8e: {  	[smem:$0x3FC7] =	sst s2  }
0x8f: {  	_ = 	snop  }
0x90: {  	(tm) =	ssettm $0x1  }
0x91: {  	s17 =	sld [smem:$0x3FFB];
	_ =	sdelay $0x3  }
0x92: {  	_ =	strace s17  }
0x93: {  	s2 =	sld [smem:$0x3FFC];
	_ =	sdelay $0x3  }
0x94: {  	_ =	strace s2  }
0x95: {  	s2 =	sld [smem:$0x3FFD];
	_ =	sdelay $0x3  }
0x96: {  	_ =	strace s2  }
0x97: {  	_ =	strace $0x8FFFFFFF  }
0x98: {  	s18 =	sld [smem:$0x3FDB];
	_ =	sdelay $0x1  }
0x99: {  	s19 =	simm.s32 $_scs_section_size  }
0x9a: {  	s4 =	simm.s32 $_size__tile_overlayer_lowered;
	s5 =	simm.s32 $_tile_overlayer_lowered  }
0x9b: {  	s22 =	simm.s32 $0x1BFF;
	s21 =	sshll.u32 s5, $0x1;
	s2 =	sadd.s32 s19, s18  }
0x9c: {  	s6 =	simm.s32 $0x0;
	s20 =	sshll.u32 s4, $0x1;
	s4 =	sadd.s32 s21, s2  }
0x9d: {  	[timem:s6], [sflag:s22] =	dma.local [hbm:s4], s20  }
0x9e: {  	_ =	swait.ge [sflag:s22], s20  }
0x9f: {  	s3 =	ssub.s32 $0x0, s20;
	[sflag:s22] =	ssyncset.done $0x0  }
0xa0: {  	[sflag:s22] =	ssyncadd.s32 s3;
	_ =	sdelay $0x1  }
0xa1: {  	s23 =	simm.s32 $0x1B8B  }
0xa2: {  	_ =	swait.ge [sflag:s23], $0x1  }
0xa3: {  	[sflag:s23] =	ssyncset.done $0x0  }
0xa4: {  	s25 =	simm.s32 $0x1B8E;
	s24 =	sld [smem:$0x3FFE];
	[sflag:s23] =	ssyncadd.s32 $0xFFFFFFFF  }
0xa5: {  	s26 =	simm.s32 $execute0_lowered;
	[smem:$0x3FD2] =	sst s25  }
0xa6: {  	s4 =	sshll.u32 s26, $0x1;
	_ =	strace $0x80000049;
	[dreg:$0x1] =	wrdreg $0xFFFFFFFF  }
0xa7: {  	s28 =	simm.s32 $_size_execute0_lowered;
	s2 =	sadd.s32 s2, s4;
	[dreg:$0x0] =	wrdreg $0x0  }
0xa8: {  	s4 =	sshll.u32 s28, $0x1;
	[dreg:$0x2] =	wrdreg s2  }
0xa9: {  	[dreg:$0x3] =	wrdreg s4  }
0xaa: {  	[dreg:$0x4] =	wrdreg $0xC0  }
0xab: {  	_ =	task [dreg:s6], $0x5FFFF  }
0xac: {  	[dreg:$0x1] =	wrdreg $0xFFFFFFFF  }
0xad: {  	[dreg:$0x0] =	wrdreg $0x60  }
0xae: {  	[dreg:$0x2] =	wrdreg s24  }
0xaf: {  	[dreg:$0x3] =	wrdreg $0x9  }
0xb0: {  	_ =	task.clear_ibuf [dreg:s6], $0x4FFFF;
	_ =	strace $0x90000049  }
0xb1: {  	s29 =	simm.s32 $0x9;
	_ =	strace $0x8000004B  }
0xb2: {  	_ =	swait.ge [sflag:s29], $0x1  }
0xb3: {  	[sflag:s29] =	ssyncadd.s32 $0xFFFFFFFF  }
0xb4: {  	_ =	strace $0x9000004B  }
0xb5: {  	_ =	sfence  }
0xb6: {  	s30 =	sld [smem:$0x0];
	_ =	sdelay $0x2  }
0xb7: {  	s31 =	sshll.u32 s1, $0xD;
	s1 =	sshrl.u32 s1, $0x2  }
0xb8: {  	s3 =	sand.u32 $0x4000, s31;
	s1 =	sadd.s32 s1, s30  }
0xb9: {  	s0 =	sor.u32 s3, s0;
	s1 =	sshll.u32 s1, $0x11  }
0xba: {  	s0 =	sor.u32 s1, s0  }
0xbb: {  	s0 =	sadd.s32 $0x8F2B, s0  }
0xbc: {  	[sflag:s0] =	ssyncadd.remote.s32 $0x1  }
0xbd: {  	_ =	sfence.sel $0xFFFF  }
0xbe: {  	[dreg:$0x0] =	wrdreg $0xFFFFFFFF;
	(pc) =	sbr.abs _section_cstart, $3  }
0xbf: {  	[dreg:$0x1] =	wrdreg $0xFFFFFFFF  }
0xc0: {  	_ =	task.clear_ibuf [dreg:s6], $0x2FFFF;
	_ =	strace $0x9FFFFFFF  }
0xc1: {  	(tm) =	ssettm $0x7FFFFFFF  }
tec
execute0_lowered:
.L_overlay_start_1:
0x0: {  	(tag) =	ssettag $0x1  }
0x1: {  	s0 =	rddreg [dreg:$0x0];
	s1 =	srdreg.scid  }
0x2: {  	s2 =	simm.s32 $0x0;
	s3 =	stileid.u32;
	s1 =	sand.u32 $0x1, s1  }
0x3: {  	s7 =	simm.s32 $0x1;
	s10 =	simm.s32 $0x12C00;
	s5 =	ssub.s32 $0x2, s1  }
0x4: {  	[smem:$0x7FF] =	sst s2;
	s4 =	sshll.u32 s3, $0x1;
	s6 =	sshrl.u32 s5, $0x1  }
0x5: {  	s3 =	sadd.s32 $0x540C00, s0;
	_ =	strace $0x8000004A;
	s31 =	ssub.s32 s5, s6  }
0x6: {  	s1 =	sor.u32 s1, s4;
	s4 =	sadd.s32 $0xC00, s0;
	s0 =	smax.u32 s31, $0x1  }
0x7: {  	s5 =	smul.u32 $0xC, s1;
	s1 =	simm.s32 $0x0;
	[dreg:$0x2] =	wrdreg s0  }
.LBB2_1:
0x8: {  	[dreg:$0x3] =	wrdreg s1;
	s12 =	simm.s32 $0x0  }
.LBB2_2:
0x9: {  	s0 =	sadd.s32 s5, s12  }
0xa: {  	s0 =	smul.u32 $0x6400, s0;
	_ =	sdelay $0x1  }
0xb: {  	s13 =	sshrl.u32 s0, $0x3  }
0xc: {  	s1 =	simm.s32 $0x0;
	s0 =	sadd.s32 s3, s13  }
0xd: {  	[tilespmem:s1], [sflag:$0x1] =	stream.linear.gather [hbm4b:s0+s1], $0x6400, $0x38;
	[tilespmem:$0x19000] =	vst v63  }
0xe: {  	_ =	swait.ge [sflag:s7], $0x6400  }
0xf: {  	s14 =	sadd.s32 $0x12C000, s13;
	[sflag:s7] =	ssyncset.done $0x0  }
0x10: {  	s6 =	simm.s32 $0x6400;
	s16 =	sadd.s32 s3, s14;
	[sflag:s7] =	ssyncadd.s32 $0xFFFF9C00  }
0x11: {  	[tilespmem:s6], [sflag:$0x1] =	stream.linear.gather [hbm4b:s16+s1], $0x6400, $0x38;
	[tilespmem:$0x19000] =	vst v63  }
0x12: {  	s17 =	simm.s32 $0x0;
	s18 =	simm.s32 $0x10;
	_ =	swait.ge [sflag:s7], $0x6400  }
0x13: {  	s0 =	sand.u32 $0x70, s17;
	s1 =	sand.u32 $0x7C00, s1;
	[sflag:s7] =	ssyncset.done $0x0  }
0x14: {  	s19 =	simm.s32 $0x80;
	s0 =	sor.u32 s0, s1;
	[sflag:s7] =	ssyncadd.s32 $0xFFFF9C00  }
0x15: {  	s6 =	sand.u32 $0x70, s18;
	s1 =	sand.u32 $0xFC00, s19;
	v3 =	vld [tilespmem:s0+$0x0]  }
0x16: {  	s21 =	simm.s32 $0x20;
	s22 =	simm.s32 $0x100;
	s20 =	sor.u32 s6, s1;
	v4 =	vld [tilespmem:s0+$0x6400]  }
0x17: {  	s1 =	sand.u32 $0x70, s21;
	s6 =	sand.u32 $0xFC00, s22;
	v6 =	vld [tilespmem:s20+$0x0]  }
0x18: {  	s24 =	simm.s32 $0x30;
	s25 =	simm.s32 $0x180;
	s23 =	sor.u32 s1, s6;
	v7 =	vld [tilespmem:s20+$0x6400]  }
0x19: {  	s1 =	sand.u32 $0x70, s24;
	s6 =	sand.u32 $0xFC00, s25;
	v1 =	vld [tilespmem:s23+$0x0]  }
0x1a: {  	s28 =	simm.s32 $0x40;
	s29 =	simm.s32 $0x200;
	v0 =	vld [tilespmem:s23+$0x6400];
	s26 =	sor.u32 s1, s6;
	v5 =	vmul.f32 v3, v3  }
0x1b: {  	v8 =	vimm.f32 $0.0e+00;
	s15 =	simm.s32 $0x60;
	s1 =	sand.u32 $0x70, s28;
	s6 =	sand.u32 $0xFC00, s29;
	v2 =	vld [tilespmem:s26+$0x0];
	v9 =	vmul.f32 v4, v4  }
0x1c: {  	s30 =	simm.s32 $0x50;
	s11 =	simm.s32 $0x280;
	s1 =	sor.u32 s1, s6;
	v10 =	vadd.f32 v3, v8;
	v12 =	vmul.f32 v6, v6;
	v3 =	vld [tilespmem:s26+$0x6400];
	v11 =	vadd.f32 v5, v8  }
0x1d: {  	s31 =	simm.s32 $0x300;
	s11 =	sand.u32 $0xFC00, s11;
	s6 =	sand.u32 $0x70, s30;
	v13 =	vadd.f32 v4, v8;
	v15 =	vmul.f32 v7, v7;
	v14 =	vadd.f32 v9, v8;
	v5 =	vld [tilespmem:s1+$0x0]  }
0x1e: {  	s15 =	sand.u32 $0x70, s15;
	s16 =	sand.u32 $0xFC00, s31;
	s11 =	sor.u32 s6, s11;
	v4 =	vld [tilespmem:s1+$0x6400];
	v8 =	vadd.f32 v6, v10;
	v9 =	vadd.f32 v12, v11;
	v11 =	vmul.f32 v1, v1  }
0x1f: {  	s0 =	simm.s32 $0x0;
	s6 =	simm.s32 $0xD0;
	s1 =	simm.s32 $0x380;
	v10 =	vmul.f32 v0, v0;
	v6 =	vld [tilespmem:s11+$0x0];
	v12 =	vadd.f32 v7, v13;
	v7 =	vadd.f32 v15, v14  }
.LBB2_3:
0x20: {  	s17 =	sadd.s32 $0xFFFFFFA0, s6;
	s18 =	sadd.s32 $0xFFFFFFB0, s6;
	v1 =	vadd.f32 v1, v8;
	v8 =	vadd.f32 v11, v9;
	v9 =	vmul.f32 v2, v2;
	v11 =	vld [tilespmem:s11+$0x6400];
	s11 =	sor.u32 s15, s16  }
0x21: {  	s16 =	sand.u32 $0x7C00, s1;
	s0 =	sadd.s32 $0x7, s0;
	s15 =	sand.u32 $0x70, s17;
	v0 =	vadd.f32 v0, v12;
	v7 =	vadd.f32 v10, v7;
	v10 =	vmul.f32 v3, v3;
	v12 =	vld [tilespmem:s11+$0x0]  }
0x22: {  	p0 =	slt.u32 s0, $0xBD;
	s15 =	sor.u32 s15, s16;
	s16 =	sadd.s32 $0x80, s1;
	v1 =	vadd.f32 v2, v1;
	v2 =	vadd.f32 v9, v8;
	v8 =	vmul.f32 v5, v5;
	v9 =	vld [tilespmem:s11+$0x6400]  }
0x23: {  	s11 =	sand.u32 $0x70, s18;
	v13 =	vld [tilespmem:s15+$0x0];
	s16 =	sand.u32 $0xFC00, s16;
	v0 =	vadd.f32 v3, v0;
	v3 =	vadd.f32 v10, v7;
	v7 =	vmul.f32 v4, v4  }
0x24: {  	v10 =	vld [tilespmem:s15+$0x6400];
	s11 =	sor.u32 s11, s16;
	s15 =	sadd.s32 $0xFFFFFFC0, s6;
	s16 =	sadd.s32 $0x100, s1;
	v1 =	vadd.f32 v5, v1;
	v2 =	vadd.f32 v8, v2;
	v5 =	vmul.f32 v6, v6  }
0x25: {  	v8 =	vld [tilespmem:s11+$0x0];
	s15 =	sand.u32 $0x70, s15;
	s16 =	sand.u32 $0xFC00, s16;
	v0 =	vadd.f32 v4, v0;
	v3 =	vadd.f32 v7, v3;
	v4 =	vmul.f32 v11, v11  }
0x26: {  	v7 =	vld [tilespmem:s11+$0x6400];
	s11 =	sor.u32 s15, s16;
	s15 =	sadd.s32 $0xFFFFFFD0, s6;
	s16 =	sadd.s32 $0x180, s1;
	v6 =	vadd.f32 v6, v1;
	v2 =	vadd.f32 v5, v2;
	v5 =	vmul.f32 v12, v12  }
0x27: {  	v1 =	vld [tilespmem:s11+$0x0];
	s15 =	sand.u32 $0x70, s15;
	s16 =	sand.u32 $0xFC00, s16;
	v11 =	vadd.f32 v11, v0;
	v3 =	vadd.f32 v4, v3;
	v4 =	vmul.f32 v9, v9  }
0x28: {  	v14 =	vmul.f32 v13, v13;
	v0 =	vld [tilespmem:s11+$0x6400];
	s11 =	sor.u32 s15, s16;
	s15 =	sadd.s32 $0xFFFFFFE0, s6;
	s16 =	sadd.s32 $0x200, s1;
	v6 =	vadd.f32 v12, v6;
	v5 =	vadd.f32 v5, v2  }
.Ltmp0:
0x29: {  	v12 =	vmul.f32 v10, v10;
	v2 =	vld [tilespmem:s11+$0x0];
	s15 =	sand.u32 $0x70, s15;
	s16 =	sand.u32 $0xFC00, s16;
	v9 =	vadd.f32 v9, v11;
	v4 =	vadd.f32 v4, v3;
	(pc) =	sbr.rel @p0 .LBB2_3-.Ltmp0, $4  }
0x2a: {  	v6 =	vadd.f32 v13, v6;
	v11 =	vadd.f32 v14, v5;
	v13 =	vmul.f32 v8, v8;
	v3 =	vld [tilespmem:s11+$0x6400];
	s11 =	sor.u32 s15, s16;
	s15 =	sadd.s32 $0xFFFFFFF0, s6;
	s16 =	sadd.s32 $0x280, s1  }
0x2b: {  	v10 =	vadd.f32 v10, v9;
	v14 =	vadd.f32 v12, v4;
	v15 =	vmul.f32 v7, v7;
	v5 =	vld [tilespmem:s11+$0x0];
	s15 =	sand.u32 $0x70, s15;
	s16 =	sand.u32 $0xFC00, s16  }
0x2c: {  	v8 =	vadd.f32 v8, v6;
	v9 =	vadd.f32 v13, v11;
	v11 =	vmul.f32 v1, v1;
	v4 =	vld [tilespmem:s11+$0x6400];
	s11 =	sor.u32 s15, s16;
	s16 =	sadd.s32 $0x300, s1;
	s1 =	sadd.s32 $0x380, s1  }
0x2d: {  	s15 =	sand.u32 $0x70, s6;
	s6 =	sadd.s32 $0x70, s6;
	v12 =	vadd.f32 v7, v10;
	v7 =	vadd.f32 v15, v14;
	v10 =	vmul.f32 v0, v0;
	v6 =	vld [tilespmem:s11+$0x0];
	s16 =	sand.u32 $0xFC00, s16  }
0x2e: {  	v1 =	vadd.f32 v1, v8  }
0x2f: {  	v55 =	vadd.f32 v11, v9;
	v56 =	vmul.f32 v2, v2;
	s0 =	sor.u32 s15, s16  }
0x30: {  	v0 =	vadd.f32 v0, v12;
	v57 =	vld [tilespmem:s0+$0x0];
	v1 =	vadd.f32 v2, v1  }
0x31: {  	v7 =	vadd.f32 v10, v7;
	v2 =	vld [tilespmem:s11+$0x6400];
	v8 =	vadd.f32 v56, v55;
	v58 =	vmul.f32 v5, v5  }
0x32: {  	v0 =	vadd.f32 v3, v0;
	v1 =	vadd.f32 v5, v1  }
0x33: {  	v59 =	vld [tilespmem:s0+$0x6400];
	v3 =	vmul.f32 v3, v3;
	v8 =	vadd.f32 v58, v8;
	v60 =	vmul.f32 v6, v6  }
0x34: {  	v0 =	vadd.f32 v4, v0;
	v1 =	vadd.f32 v6, v1  }
0x35: {  	v3 =	vadd.f32 v3, v7;
	v61 =	vadd.f32 v60, v8;
	v62 =	vmul.f32 v57, v57  }
0x36: {  	v63 =	vmul.f32 v4, v4;
	v0 =	vadd.f32 v2, v0;
	v1 =	vadd.f32 v57, v1  }
0x37: {  	v6 =	vadd.f32 v62, v61  }
0x38: {  	v3 =	vadd.f32 v63, v3;
	v2 =	vmul.f32 v2, v2;
	v0 =	vadd.f32 v59, v0;
	(xrf2) =	vadd.scan.msk.f32 $0xffff, v1  }
0x39: {  	(xrf2) =	vadd.scan.msk.f32 $0xffff, v6  }
0x3a: {  	v1 =	vadd.f32 v2, v3;
	v2 =	vmul.f32 v59, v59;
	(xrf2) =	vadd.scan.msk.f32 $0xffff, v0;
	_ =	sdelay $0x1  }
0x3b: {  	v0 =	vadd.f32 v2, v1;
	_ =	sdelay $0x1  }
0x3c: {  	(xrf2) =	vadd.scan.msk.f32 $0xffff, v0;
	_ =	sdelay $0x3  }
0x3d: {  	v0, _, _ =	vpop (xrf2)  }
0x3e: {  	v1, _, _ =	vpop (xrf2);
	(v2sf) =	vpush v0, $0xF  }
0x3f: {  	v0, _, _ =	vpop (xrf2);
	(v2sf) =	vpush v1, $0xF  }
0x40: {  	(v2sf) =	vpush v0, $0xF;
	_ =	sdelay $0x2  }
0x41: {  	v0, _, _ =	vpop (xrf2)  }
0x42: {  	(v2sf) =	vpush v0, $0xF;
	_ =	sdelay $0x8  }
0x43: {  	s19 =	spop (v2sf)  }
0x44: {  	s1 =	spop (v2sf)  }
0x45: {  	s0 =	smul.f32 s19, s19;
	s6 =	spop (v2sf)  }
0x46: {  	s17 =	simm.s32 $0x0;
	s20 =	simm.s32 $0x0;
	s6 =	smul.f32 s6, s6  }
0x47: {  	s15 =	sand.u32 $0x70, s20;
	s16 =	sand.u32 $0x7C00, s17;
	s0 =	smul.f32 $3.188775440e-04, s0  }
0x48: {  	s11 =	sor.u32 s15, s16;
	s6 =	smul.f32 $3.188775440e-04, s6  }
0x49: {  	v1 =	vld [tilespmem:s11+$0x6400];
	s18 =	spop (v2sf);
	s0 =	ssub.f32 s1, s0  }
0x4a: {  	v0 =	vld [tilespmem:s11+$0x0];
	s21 =	ssub.f32 s18, s6  }
0x4b: {  	s0 =	smul.f32 $3.189792620e-04, s0  }
0x4c: {  	s1 =	smul.f32 $3.189792620e-04, s21  }
0x4d: {  	p0 =	sge.f32 s0, $9.999999770e-03  }
0x4e: {  	p1 =	sge.f32 s1, $9.999999770e-03  }
0x4f: {  	s22 =	simm.s32 $0x10;
	s23 =	simm.s32 $0x80;
	v2 =	vpsel p0, v0, v1  }
0x50: {  	s19 =	sand.u32 $0xFC00, s23;
	s18 =	sand.u32 $0x70, s22;
	[tilespmem:s11+$0xC800] =	vst v2;
	v0 =	vpsel p1, v1, v0  }
0x51: {  	s0 =	sor.u32 s18, s19;
	[tilespmem:s11+$0x12C00] =	vst v0  }
0x52: {  	v0 =	vld [tilespmem:s0+$0x0]  }
0x53: {  	v1 =	vld [tilespmem:s0+$0x6400];
	_ =	sdelay $0x4  }
0x54: {  	s24 =	simm.s32 $0x20;
	s25 =	simm.s32 $0x100;
	v2 =	vpsel p0, v0, v1  }
0x55: {  	s22 =	sand.u32 $0xFC00, s25;
	s21 =	sand.u32 $0x70, s24;
	v0 =	vpsel p1, v1, v0;
	[tilespmem:s0+$0xC800] =	vst v2  }
0x56: {  	s26 =	sor.u32 s21, s22;
	[tilespmem:s0+$0x12C00] =	vst v0  }
0x57: {  	v0 =	vld [tilespmem:s26+$0x0]  }
0x58: {  	v1 =	vld [tilespmem:s26+$0x6400];
	_ =	sdelay $0x4  }
0x59: {  	s8 =	simm.s32 $0x30;
	s9 =	simm.s32 $0x180;
	v2 =	vpsel p0, v0, v1  }
0x5a: {  	s23 =	sand.u32 $0x70, s8;
	s24 =	sand.u32 $0xFC00, s9;
	v0 =	vpsel p1, v1, v0;
	[tilespmem:s26+$0xC800] =	vst v2  }
0x5b: {  	s11 =	sor.u32 s23, s24;
	[tilespmem:s26+$0x12C00] =	vst v0  }
0x5c: {  	v0 =	vld [tilespmem:s11+$0x0]  }
0x5d: {  	v1 =	vld [tilespmem:s11+$0x6400];
	_ =	sdelay $0x4  }
0x5e: {  	s20 =	simm.s32 $0x40;
	s25 =	simm.s32 $0x200;
	v2 =	vpsel p0, v0, v1  }
0x5f: {  	s28 =	sand.u32 $0xFC00, s25;
	s26 =	sand.u32 $0x70, s20;
	v0 =	vpsel p1, v1, v0;
	[tilespmem:s11+$0xC800] =	vst v2  }
0x60: {  	s8 =	sor.u32 s26, s28;
	[tilespmem:s11+$0x12C00] =	vst v0  }
0x61: {  	v0 =	vld [tilespmem:s8+$0x0]  }
0x62: {  	v1 =	vld [tilespmem:s8+$0x6400];
	_ =	sdelay $0x4  }
0x63: {  	s9 =	simm.s32 $0x50;
	s11 =	simm.s32 $0x280;
	v2 =	vpsel p0, v0, v1  }
0x64: {  	s29 =	sand.u32 $0x70, s9;
	s30 =	sand.u32 $0xFC00, s11;
	v0 =	vpsel p1, v1, v0;
	[tilespmem:s8+$0xC800] =	vst v2  }
0x65: {  	s20 =	simm.s32 $0x300;
	s11 =	sor.u32 s29, s30;
	[tilespmem:s8+$0x12C00] =	vst v0  }
0x66: {  	s31 =	simm.s32 $0x60;
	s6 =	simm.s32 $0x60;
	s20 =	sand.u32 $0xFC00, s20;
	v0 =	vld [tilespmem:s11+$0x0]  }
0x67: {  	s25 =	simm.s32 $0x60;
	s1 =	simm.s32 $0x0;
	s0 =	smov.u32 s20;
	v1 =	vld [tilespmem:s11+$0x6400]  }
.LBB2_5:
0x68: {  	_ = 	snop  }
0x69: {  	s1 =	sadd.s32 $0x7, s1;
	s17 =	sadd.s32 $0x380, s17;
	s6 =	sadd.s32 $0x70, s6  }
0x6a: {  	s8 =	sadd.s32 $0x300, s17;
	p2 =	slt.u32 s1, $0xBD  }
0x6b: {  	s8 =	sand.u32 $0xFC00, s8  }
0x6c: {  	v2 =	vpsel p0, v0, v1;
	v0 =	vpsel p1, v1, v0  }
0x6d: {  	s9 =	sand.u32 $0x70, s31;
	s31 =	smov.u32 s6;
	[tilespmem:s11+$0xC800] =	vst v2  }
0x6e: {  	s9 =	sor.u32 s9, s0;
	s0 =	smov.u32 s8;
	[tilespmem:s11+$0x12C00] =	vst v0  }
0x6f: {  	v0 =	vld [tilespmem:s9+$0x0]  }
0x70: {  	v1 =	vld [tilespmem:s9+$0x6400];
	_ =	sdelay $0x4  }
0x71: {  	s8 =	sadd.s32 $0xFFFFFFA0, s6;
	v2 =	vpsel p0, v0, v1;
	v0 =	vpsel p1, v1, v0  }
0x72: {  	s8 =	sand.u32 $0x70, s8;
	s11 =	sand.u32 $0x7C00, s17;
	[tilespmem:s9+$0xC800] =	vst v2  }
0x73: {  	s8 =	sor.u32 s8, s11;
	[tilespmem:s9+$0x12C00] =	vst v0  }
0x74: {  	v0 =	vld [tilespmem:s8+$0x0]  }
0x75: {  	v1 =	vld [tilespmem:s8+$0x6400];
	_ =	sdelay $0x4  }
0x76: {  	s11 =	sadd.s32 $0x80, s17;
	s9 =	sadd.s32 $0xFFFFFFB0, s6;
	v2 =	vpsel p0, v0, v1;
	v0 =	vpsel p1, v1, v0  }
0x77: {  	s11 =	sand.u32 $0xFC00, s11;
	s9 =	sand.u32 $0x70, s9;
	[tilespmem:s8+$0xC800] =	vst v2  }
0x78: {  	[tilespmem:s8+$0x12C00] =	vst v0;
	s8 =	sor.u32 s9, s11  }
0x79: {  	v0 =	vld [tilespmem:s8+$0x0]  }
0x7a: {  	v1 =	vld [tilespmem:s8+$0x6400];
	_ =	sdelay $0x4  }
0x7b: {  	s9 =	sadd.s32 $0xFFFFFFC0, s6;
	s11 =	sadd.s32 $0x100, s17;
	v2 =	vpsel p0, v0, v1;
	v0 =	vpsel p1, v1, v0  }
0x7c: {  	s9 =	sand.u32 $0x70, s9;
	s11 =	sand.u32 $0xFC00, s11;
	[tilespmem:s8+$0xC800] =	vst v2  }
0x7d: {  	[tilespmem:s8+$0x12C00] =	vst v0;
	s8 =	sor.u32 s9, s11  }
0x7e: {  	v0 =	vld [tilespmem:s8+$0x0]  }
0x7f: {  	v1 =	vld [tilespmem:s8+$0x6400];
	_ =	sdelay $0x4  }
0x80: {  	s9 =	sadd.s32 $0xFFFFFFD0, s6;
	s11 =	sadd.s32 $0x180, s17;
	v2 =	vpsel p0, v0, v1;
	v0 =	vpsel p1, v1, v0  }
0x81: {  	s9 =	sand.u32 $0x70, s9;
	s11 =	sand.u32 $0xFC00, s11;
	[tilespmem:s8+$0xC800] =	vst v2  }
0x82: {  	[tilespmem:s8+$0x12C00] =	vst v0;
	s8 =	sor.u32 s9, s11  }
0x83: {  	v0 =	vld [tilespmem:s8+$0x0]  }
0x84: {  	v1 =	vld [tilespmem:s8+$0x6400];
	_ =	sdelay $0x4  }
0x85: {  	s9 =	sadd.s32 $0xFFFFFFE0, s6;
	s11 =	sadd.s32 $0x200, s17;
	v2 =	vpsel p0, v0, v1;
	v0 =	vpsel p1, v1, v0  }
0x86: {  	s9 =	sand.u32 $0x70, s9;
	s11 =	sand.u32 $0xFC00, s11;
	[tilespmem:s8+$0xC800] =	vst v2  }
0x87: {  	[tilespmem:s8+$0x12C00] =	vst v0;
	s8 =	sor.u32 s9, s11  }
0x88: {  	v0 =	vld [tilespmem:s8+$0x0]  }
0x89: {  	v1 =	vld [tilespmem:s8+$0x6400];
	_ =	sdelay $0x4  }
.Ltmp1:
0x8a: {  	s9 =	sadd.s32 $0xFFFFFFF0, s6;
	s11 =	sadd.s32 $0x280, s17;
	v2 =	vpsel p0, v0, v1;
	v0 =	vpsel p1, v1, v0;
	(pc) =	sbr.rel @p2 .LBB2_5-.Ltmp1, $4  }
0x8b: {  	s9 =	sand.u32 $0x70, s9;
	s11 =	sand.u32 $0xFC00, s11;
	[tilespmem:s8+$0xC800] =	vst v2  }
0x8c: {  	s11 =	sor.u32 s9, s11;
	[tilespmem:s8+$0x12C00] =	vst v0  }
0x8d: {  	v0 =	vld [tilespmem:s11+$0x0]  }
0x8e: {  	v1 =	vld [tilespmem:s11+$0x6400]  }
0x8f: {  	_ =	sdelay $0x3  }
0x90: {  	v2 =	vpsel p0, v0, v1  }
0x91: {  	s1 =	sand.u32 $0x70, s31;
	v0 =	vpsel p1, v1, v0;
	[tilespmem:s11+$0xC800] =	vst v2  }
0x92: {  	s0 =	sor.u32 s1, s0;
	[tilespmem:s11+$0x12C00] =	vst v0  }
0x93: {  	v0 =	vld [tilespmem:s0+$0x0]  }
0x94: {  	v1 =	vld [tilespmem:s0+$0x6400];
	_ =	sdelay $0x4  }
0x95: {  	v2 =	vpsel p0, v0, v1  }
0x96: {  	v0 =	vpsel p1, v1, v0;
	[tilespmem:s0+$0xC800] =	vst v2  }
0x97: {  	s17 =	sor.u32 s16, s15;
	[tilespmem:s0+$0x12C00] =	vst v0  }
0x98: {  	v1 =	vld [tilespmem:s17+$0x80]  }
0x99: {  	s19 =	sor.u32 s19, s18;
	v2 =	vld [tilespmem:s17+$0x6480]  }
0x9a: {  	v6 =	vld [tilespmem:s19+$0x80]  }
0x9b: {  	s22 =	sor.u32 s22, s21;
	v7 =	vld [tilespmem:s19+$0x6480]  }
0x9c: {  	v4 =	vld [tilespmem:s22+$0x80]  }
0x9d: {  	s24 =	sor.u32 s24, s23;
	v0 =	vld [tilespmem:s22+$0x6480];
	v5 =	vmul.f32 v1, v1  }
0x9e: {  	v8 =	vimm.f32 $0.0e+00;
	v3 =	vld [tilespmem:s24+$0x80];
	v9 =	vmul.f32 v2, v2  }
0x9f: {  	s31 =	sor.u32 s28, s26;
	v10 =	vadd.f32 v1, v8;
	v12 =	vmul.f32 v6, v6;
	v1 =	vld [tilespmem:s24+$0x6480];
	v11 =	vadd.f32 v5, v8  }
0xa0: {  	v13 =	vadd.f32 v2, v8;
	v15 =	vmul.f32 v7, v7;
	v14 =	vadd.f32 v9, v8;
	v5 =	vld [tilespmem:s31+$0x80]  }
0xa1: {  	s15 =	sand.u32 $0x70, s25;
	s11 =	sor.u32 s30, s29;
	v2 =	vld [tilespmem:s31+$0x6480];
	v8 =	vadd.f32 v6, v10;
	v9 =	vadd.f32 v12, v11;
	v12 =	vmul.f32 v4, v4  }
0xa2: {  	s6 =	simm.s32 $0xD0;
	s1 =	simm.s32 $0x380;
	s0 =	simm.s32 $0x0;
	v10 =	vmul.f32 v0, v0;
	v6 =	vld [tilespmem:s11+$0x80];
	v11 =	vadd.f32 v7, v13;
	v7 =	vadd.f32 v15, v14  }
.LBB2_7:
0xa3: {  	s8 =	sadd.s32 $0xFFFFFFA0, s6;
	s9 =	sadd.s32 $0xFFFFFFB0, s6;
	v4 =	vadd.f32 v4, v8;
	v8 =	vadd.f32 v12, v9;
	v9 =	vmul.f32 v3, v3;
	v12 =	vld [tilespmem:s11+$0x6480];
	s11 =	sor.u32 s20, s15  }
0xa4: {  	s15 =	sand.u32 $0x7C00, s1;
	s0 =	sadd.s32 $0x7, s0;
	s8 =	sand.u32 $0x70, s8;
	v0 =	vadd.f32 v0, v11;
	v7 =	vadd.f32 v10, v7;
	v10 =	vmul.f32 v1, v1;
	v11 =	vld [tilespmem:s11+$0x80]  }
0xa5: {  	p0 =	slt.u32 s0, $0xBD;
	s8 =	sor.u32 s15, s8;
	s15 =	sadd.s32 $0x80, s1;
	v3 =	vadd.f32 v3, v4;
	v4 =	vadd.f32 v9, v8;
	v8 =	vmul.f32 v5, v5;
	v9 =	vld [tilespmem:s11+$0x6480]  }
0xa6: {  	s9 =	sand.u32 $0x70, s9;
	v13 =	vld [tilespmem:s8+$0x80];
	s11 =	sand.u32 $0xFC00, s15;
	v0 =	vadd.f32 v1, v0;
	v1 =	vadd.f32 v10, v7;
	v7 =	vmul.f32 v2, v2  }
0xa7: {  	v10 =	vld [tilespmem:s8+$0x6480];
	s8 =	sor.u32 s11, s9;
	s9 =	sadd.s32 $0xFFFFFFC0, s6;
	s11 =	sadd.s32 $0x100, s1;
	v3 =	vadd.f32 v5, v3;
	v4 =	vadd.f32 v8, v4;
	v5 =	vmul.f32 v6, v6  }
0xa8: {  	v8 =	vld [tilespmem:s8+$0x80];
	s9 =	sand.u32 $0x70, s9;
	s11 =	sand.u32 $0xFC00, s11;
	v0 =	vadd.f32 v2, v0;
	v1 =	vadd.f32 v7, v1;
	v2 =	vmul.f32 v12, v12  }
0xa9: {  	v7 =	vld [tilespmem:s8+$0x6480];
	s8 =	sor.u32 s11, s9;
	s9 =	sadd.s32 $0xFFFFFFD0, s6;
	s11 =	sadd.s32 $0x180, s1;
	v3 =	vadd.f32 v6, v3;
	v5 =	vadd.f32 v5, v4;
	v6 =	vmul.f32 v11, v11  }
0xaa: {  	v4 =	vld [tilespmem:s8+$0x80];
	s9 =	sand.u32 $0x70, s9;
	s11 =	sand.u32 $0xFC00, s11;
	v12 =	vadd.f32 v12, v0;
	v1 =	vadd.f32 v2, v1;
	v2 =	vmul.f32 v9, v9  }
0xab: {  	v14 =	vmul.f32 v13, v13;
	v0 =	vld [tilespmem:s8+$0x6480];
	s8 =	sor.u32 s11, s9;
	s9 =	sadd.s32 $0xFFFFFFE0, s6;
	s11 =	sadd.s32 $0x200, s1;
	v11 =	vadd.f32 v11, v3;
	v5 =	vadd.f32 v6, v5  }
.Ltmp2:
0xac: {  	v6 =	vmul.f32 v10, v10;
	v3 =	vld [tilespmem:s8+$0x80];
	s9 =	sand.u32 $0x70, s9;
	s11 =	sand.u32 $0xFC00, s11;
	v9 =	vadd.f32 v9, v12;
	v2 =	vadd.f32 v2, v1;
	(pc) =	sbr.rel @p0 .LBB2_7-.Ltmp2, $4  }
0xad: {  	v11 =	vadd.f32 v13, v11;
	v12 =	vadd.f32 v14, v5;
	v13 =	vmul.f32 v8, v8;
	v1 =	vld [tilespmem:s8+$0x6480];
	s8 =	sor.u32 s11, s9;
	s9 =	sadd.s32 $0xFFFFFFF0, s6;
	s11 =	sadd.s32 $0x280, s1  }
0xae: {  	v10 =	vadd.f32 v10, v9;
	v6 =	vadd.f32 v6, v2;
	v14 =	vmul.f32 v7, v7;
	v5 =	vld [tilespmem:s8+$0x80];
	s9 =	sand.u32 $0x70, s9;
	s11 =	sand.u32 $0xFC00, s11  }
0xaf: {  	v8 =	vadd.f32 v8, v11;
	v9 =	vadd.f32 v13, v12;
	v12 =	vmul.f32 v4, v4;
	v2 =	vld [tilespmem:s8+$0x6480];
	s11 =	sor.u32 s11, s9;
	s8 =	sadd.s32 $0x300, s1;
	s1 =	sadd.s32 $0x380, s1  }
0xb0: {  	s15 =	sand.u32 $0x70, s6;
	s6 =	sadd.s32 $0x70, s6;
	v11 =	vadd.f32 v7, v10;
	v7 =	vadd.f32 v14, v6;
	v10 =	vmul.f32 v0, v0;
	v6 =	vld [tilespmem:s11+$0x80];
	s20 =	sand.u32 $0xFC00, s8  }
0xb1: {  	v4 =	vadd.f32 v4, v8  }
0xb2: {  	v55 =	vadd.f32 v12, v9;
	v56 =	vmul.f32 v3, v3;
	s0 =	sor.u32 s20, s15  }
0xb3: {  	v0 =	vadd.f32 v0, v11;
	v57 =	vld [tilespmem:s0+$0x80];
	v3 =	vadd.f32 v3, v4  }
0xb4: {  	v58 =	vld [tilespmem:s11+$0x6480];
	v7 =	vadd.f32 v10, v7;
	v8 =	vadd.f32 v56, v55;
	v59 =	vmul.f32 v5, v5  }
0xb5: {  	v0 =	vadd.f32 v1, v0;
	v3 =	vadd.f32 v5, v3  }
0xb6: {  	v60 =	vld [tilespmem:s0+$0x6480];
	v1 =	vmul.f32 v1, v1;
	v8 =	vadd.f32 v59, v8;
	v61 =	vmul.f32 v6, v6  }
0xb7: {  	v0 =	vadd.f32 v2, v0;
	v3 =	vadd.f32 v6, v3  }
0xb8: {  	v1 =	vadd.f32 v1, v7;
	v62 =	vadd.f32 v61, v8;
	v63 =	vmul.f32 v57, v57  }
0xb9: {  	v2 =	vmul.f32 v2, v2;
	v0 =	vadd.f32 v58, v0;
	v3 =	vadd.f32 v57, v3  }
0xba: {  	v6 =	vadd.f32 v63, v62  }
0xbb: {  	v1 =	vadd.f32 v2, v1;
	v2 =	vmul.f32 v58, v58;
	v0 =	vadd.f32 v60, v0;
	(xrf2) =	vadd.scan.msk.f32 $0xffff, v3  }
0xbc: {  	(xrf2) =	vadd.scan.msk.f32 $0xffff, v6  }
0xbd: {  	v1 =	vadd.f32 v2, v1;
	v2 =	vmul.f32 v60, v60;
	(xrf2) =	vadd.scan.msk.f32 $0xffff, v0;
	_ =	sdelay $0x1  }
0xbe: {  	v0 =	vadd.f32 v2, v1;
	_ =	sdelay $0x1  }
0xbf: {  	(xrf2) =	vadd.scan.msk.f32 $0xffff, v0;
	_ =	sdelay $0x3  }
0xc0: {  	v0, _, _ =	vpop (xrf2)  }
0xc1: {  	v1, _, _ =	vpop (xrf2);
	(v2sf) =	vpush v0, $0xF  }
0xc2: {  	v0, _, _ =	vpop (xrf2);
	(v2sf) =	vpush v1, $0xF  }
0xc3: {  	(v2sf) =	vpush v0, $0xF;
	_ =	sdelay $0x2  }
0xc4: {  	v0, _, _ =	vpop (xrf2)  }
0xc5: {  	(v2sf) =	vpush v0, $0xF;
	_ =	sdelay $0x8  }
0xc6: {  	s17 =	spop (v2sf)  }
0xc7: {  	s1 =	spop (v2sf)  }
0xc8: {  	s0 =	smul.f32 s17, s17;
	s6 =	spop (v2sf)  }
0xc9: {  	s16 =	simm.s32 $0x0;
	s8 =	simm.s32 $0x0;
	s6 =	smul.f32 s6, s6  }
0xca: {  	s8 =	sand.u32 $0x70, s8;
	s9 =	sand.u32 $0x7C00, s16;
	s0 =	smul.f32 $3.188775440e-04, s0  }
0xcb: {  	s15 =	sor.u32 s9, s8;
	s6 =	smul.f32 $3.188775440e-04, s6  }
0xcc: {  	v1 =	vld [tilespmem:s15+$0x6480];
	s18 =	spop (v2sf);
	s0 =	ssub.f32 s1, s0  }
0xcd: {  	v0 =	vld [tilespmem:s15+$0x80];
	s19 =	ssub.f32 s18, s6  }
0xce: {  	s0 =	smul.f32 $3.189792620e-04, s0  }
0xcf: {  	s1 =	smul.f32 $3.189792620e-04, s19  }
0xd0: {  	p0 =	sge.f32 s0, $9.999999770e-03  }
0xd1: {  	p1 =	sge.f32 s1, $9.999999770e-03  }
0xd2: {  	s20 =	simm.s32 $0x10;
	s21 =	simm.s32 $0x80;
	v2 =	vpsel p0, v0, v1  }
0xd3: {  	s0 =	sand.u32 $0x70, s20;
	s1 =	sand.u32 $0xFC00, s21;
	[tilespmem:s15+$0xC880] =	vst v2;
	v0 =	vpsel p1, v1, v0  }
0xd4: {  	s17 =	sor.u32 s1, s0;
	[tilespmem:s15+$0x12C80] =	vst v0  }
0xd5: {  	v0 =	vld [tilespmem:s17+$0x80]  }
0xd6: {  	v1 =	vld [tilespmem:s17+$0x6480];
	_ =	sdelay $0x4  }
0xd7: {  	s22 =	simm.s32 $0x20;
	s23 =	simm.s32 $0x100;
	v2 =	vpsel p0, v0, v1  }
0xd8: {  	s0 =	sand.u32 $0x70, s22;
	s1 =	sand.u32 $0xFC00, s23;
	v0 =	vpsel p1, v1, v0;
	[tilespmem:s17+$0xC880] =	vst v2  }
0xd9: {  	s19 =	sor.u32 s1, s0;
	[tilespmem:s17+$0x12C80] =	vst v0  }
0xda: {  	v0 =	vld [tilespmem:s19+$0x80]  }
0xdb: {  	v1 =	vld [tilespmem:s19+$0x6480];
	_ =	sdelay $0x4  }
0xdc: {  	s24 =	simm.s32 $0x30;
	s25 =	simm.s32 $0x180;
	v2 =	vpsel p0, v0, v1  }
0xdd: {  	s0 =	sand.u32 $0x70, s24;
	s1 =	sand.u32 $0xFC00, s25;
	v0 =	vpsel p1, v1, v0;
	[tilespmem:s19+$0xC880] =	vst v2  }
0xde: {  	s20 =	sor.u32 s1, s0;
	[tilespmem:s19+$0x12C80] =	vst v0  }
0xdf: {  	v0 =	vld [tilespmem:s20+$0x80]  }
0xe0: {  	v1 =	vld [tilespmem:s20+$0x6480];
	_ =	sdelay $0x4  }
0xe1: {  	s26 =	simm.s32 $0x40;
	s28 =	simm.s32 $0x200;
	v2 =	vpsel p0, v0, v1  }
0xe2: {  	s0 =	sand.u32 $0x70, s26;
	s1 =	sand.u32 $0xFC00, s28;
	v0 =	vpsel p1, v1, v0;
	[tilespmem:s20+$0xC880] =	vst v2  }
0xe3: {  	s21 =	sor.u32 s1, s0;
	[tilespmem:s20+$0x12C80] =	vst v0  }
0xe4: {  	v0 =	vld [tilespmem:s21+$0x80]  }
0xe5: {  	v1 =	vld [tilespmem:s21+$0x6480];
	_ =	sdelay $0x4  }
0xe6: {  	s29 =	simm.s32 $0x50;
	s30 =	simm.s32 $0x280;
	v2 =	vpsel p0, v0, v1  }
0xe7: {  	s23 =	sand.u32 $0x70, s29;
	s24 =	sand.u32 $0xFC00, s30;
	v0 =	vpsel p1, v1, v0;
	[tilespmem:s21+$0xC880] =	vst v2  }
0xe8: {  	s31 =	simm.s32 $0x300;
	s11 =	sor.u32 s24, s23;
	[tilespmem:s21+$0x12C80] =	vst v0  }
0xe9: {  	s18 =	sand.u32 $0xFC00, s31;
	s6 =	simm.s32 $0x60;
	s22 =	simm.s32 $0x60;
	v0 =	vld [tilespmem:s11+$0x80]  }
0xea: {  	s25 =	simm.s32 $0x60;
	s1 =	simm.s32 $0x0;
	s0 =	smov.u32 s18;
	v1 =	vld [tilespmem:s11+$0x6480]  }
.LBB2_9:
0xeb: {  	_ = 	snop  }
0xec: {  	s1 =	sadd.s32 $0x7, s1;
	s16 =	sadd.s32 $0x380, s16;
	s6 =	sadd.s32 $0x70, s6  }
0xed: {  	s8 =	sadd.s32 $0x300, s16;
	p2 =	slt.u32 s1, $0xBD  }
0xee: {  	s8 =	sand.u32 $0xFC00, s8  }
0xef: {  	v2 =	vpsel p0, v0, v1;
	v0 =	vpsel p1, v1, v0  }
0xf0: {  	s9 =	sand.u32 $0x70, s25;
	s25 =	smov.u32 s6;
	[tilespmem:s11+$0xC880] =	vst v2  }
0xf1: {  	s9 =	sor.u32 s0, s9;
	s0 =	smov.u32 s8;
	[tilespmem:s11+$0x12C80] =	vst v0  }
0xf2: {  	v0 =	vld [tilespmem:s9+$0x80]  }
0xf3: {  	v1 =	vld [tilespmem:s9+$0x6480];
	_ =	sdelay $0x4  }
0xf4: {  	s8 =	sadd.s32 $0xFFFFFFA0, s6;
	v2 =	vpsel p0, v0, v1;
	v0 =	vpsel p1, v1, v0  }
0xf5: {  	s8 =	sand.u32 $0x70, s8;
	s11 =	sand.u32 $0x7C00, s16;
	[tilespmem:s9+$0xC880] =	vst v2  }
0xf6: {  	s8 =	sor.u32 s11, s8;
	[tilespmem:s9+$0x12C80] =	vst v0  }
0xf7: {  	v0 =	vld [tilespmem:s8+$0x80]  }
0xf8: {  	v1 =	vld [tilespmem:s8+$0x6480];
	_ =	sdelay $0x4  }
0xf9: {  	s11 =	sadd.s32 $0x80, s16;
	s9 =	sadd.s32 $0xFFFFFFB0, s6;
	v2 =	vpsel p0, v0, v1;
	v0 =	vpsel p1, v1, v0  }
0xfa: {  	s11 =	sand.u32 $0xFC00, s11;
	s9 =	sand.u32 $0x70, s9;
	[tilespmem:s8+$0xC880] =	vst v2  }
0xfb: {  	[tilespmem:s8+$0x12C80] =	vst v0;
	s8 =	sor.u32 s11, s9  }
0xfc: {  	v0 =	vld [tilespmem:s8+$0x80]  }
0xfd: {  	v1 =	vld [tilespmem:s8+$0x6480];
	_ =	sdelay $0x4  }
0xfe: {  	s9 =	sadd.s32 $0xFFFFFFC0, s6;
	s11 =	sadd.s32 $0x100, s16;
	v2 =	vpsel p0, v0, v1;
	v0 =	vpsel p1, v1, v0  }
0xff: {  	s9 =	sand.u32 $0x70, s9;
	s11 =	sand.u32 $0xFC00, s11;
	[tilespmem:s8+$0xC880] =	vst v2  }
0x100: {  	[tilespmem:s8+$0x12C80] =	vst v0;
	s8 =	sor.u32 s11, s9  }
0x101: {  	v0 =	vld [tilespmem:s8+$0x80]  }
0x102: {  	v1 =	vld [tilespmem:s8+$0x6480];
	_ =	sdelay $0x4  }
0x103: {  	s9 =	sadd.s32 $0xFFFFFFD0, s6;
	s11 =	sadd.s32 $0x180, s16;
	v2 =	vpsel p0, v0, v1;
	v0 =	vpsel p1, v1, v0  }
0x104: {  	s9 =	sand.u32 $0x70, s9;
	s11 =	sand.u32 $0xFC00, s11;
	[tilespmem:s8+$0xC880] =	vst v2  }
0x105: {  	[tilespmem:s8+$0x12C80] =	vst v0;
	s8 =	sor.u32 s11, s9  }
0x106: {  	v0 =	vld [tilespmem:s8+$0x80]  }
0x107: {  	v1 =	vld [tilespmem:s8+$0x6480];
	_ =	sdelay $0x4  }
0x108: {  	s9 =	sadd.s32 $0xFFFFFFE0, s6;
	s11 =	sadd.s32 $0x200, s16;
	v2 =	vpsel p0, v0, v1;
	v0 =	vpsel p1, v1, v0  }
0x109: {  	s9 =	sand.u32 $0x70, s9;
	s11 =	sand.u32 $0xFC00, s11;
	[tilespmem:s8+$0xC880] =	vst v2  }
0x10a: {  	[tilespmem:s8+$0x12C80] =	vst v0;
	s8 =	sor.u32 s11, s9  }
0x10b: {  	v0 =	vld [tilespmem:s8+$0x80]  }
0x10c: {  	v1 =	vld [tilespmem:s8+$0x6480];
	_ =	sdelay $0x4  }
.Ltmp3:
0x10d: {  	s9 =	sadd.s32 $0xFFFFFFF0, s6;
	s11 =	sadd.s32 $0x280, s16;
	v2 =	vpsel p0, v0, v1;
	v0 =	vpsel p1, v1, v0;
	(pc) =	sbr.rel @p2 .LBB2_9-.Ltmp3, $4  }
0x10e: {  	s9 =	sand.u32 $0x70, s9;
	s11 =	sand.u32 $0xFC00, s11;
	[tilespmem:s8+$0xC880] =	vst v2  }
0x10f: {  	s11 =	sor.u32 s11, s9;
	[tilespmem:s8+$0x12C80] =	vst v0  }
0x110: {  	v0 =	vld [tilespmem:s11+$0x80]  }
0x111: {  	v1 =	vld [tilespmem:s11+$0x6480]  }
0x112: {  	_ =	sdelay $0x3  }
0x113: {  	v2 =	vpsel p0, v0, v1  }
0x114: {  	s1 =	sand.u32 $0x70, s25;
	v0 =	vpsel p1, v1, v0;
	[tilespmem:s11+$0xC880] =	vst v2  }
0x115: {  	s0 =	sor.u32 s0, s1;
	[tilespmem:s11+$0x12C80] =	vst v0  }
0x116: {  	v0 =	vld [tilespmem:s0+$0x80]  }
0x117: {  	v1 =	vld [tilespmem:s0+$0x6480];
	_ =	sdelay $0x4  }
0x118: {  	v2 =	vpsel p0, v0, v1  }
0x119: {  	v0 =	vpsel p1, v1, v0;
	[tilespmem:s0+$0xC880] =	vst v2  }
0x11a: {  	[tilespmem:s0+$0x12C80] =	vst v0  }
0x11b: {  	v0 =	vld [tilespmem:s15+$0x100]  }
0x11c: {  	v1 =	vld [tilespmem:s15+$0x6500]  }
0x11d: {  	v6 =	vld [tilespmem:s17+$0x100]  }
0x11e: {  	v7 =	vld [tilespmem:s17+$0x6500]  }
0x11f: {  	v4 =	vld [tilespmem:s19+$0x100]  }
0x120: {  	v2 =	vld [tilespmem:s19+$0x6500];
	v5 =	vmul.f32 v0, v0  }
0x121: {  	v8 =	vimm.f32 $0.0e+00;
	v3 =	vld [tilespmem:s20+$0x100];
	v9 =	vmul.f32 v1, v1  }
0x122: {  	v10 =	vadd.f32 v0, v8;
	v12 =	vmul.f32 v6, v6;
	v0 =	vld [tilespmem:s20+$0x6500];
	v11 =	vadd.f32 v5, v8  }
0x123: {  	v13 =	vadd.f32 v1, v8;
	v15 =	vmul.f32 v7, v7;
	v14 =	vadd.f32 v9, v8;
	v5 =	vld [tilespmem:s21+$0x100]  }
0x124: {  	s6 =	simm.s32 $0xD0;
	s11 =	sor.u32 s24, s23;
	v1 =	vld [tilespmem:s21+$0x6500];
	v8 =	vadd.f32 v6, v10;
	v9 =	vadd.f32 v12, v11;
	v12 =	vmul.f32 v4, v4  }
0x125: {  	s1 =	simm.s32 $0x380;
	s0 =	simm.s32 $0x0;
	s15 =	sand.u32 $0x70, s22;
	v10 =	vmul.f32 v2, v2;
	v6 =	vld [tilespmem:s11+$0x100];
	v11 =	vadd.f32 v7, v13;
	v7 =	vadd.f32 v15, v14  }
.LBB2_11:
0x126: {  	s8 =	sadd.s32 $0xFFFFFFA0, s6;
	s9 =	sadd.s32 $0xFFFFFFB0, s6;
	v4 =	vadd.f32 v4, v8;
	v8 =	vadd.f32 v12, v9;
	v9 =	vmul.f32 v3, v3;
	v12 =	vld [tilespmem:s11+$0x6500];
	s11 =	sor.u32 s18, s15  }
0x127: {  	s15 =	sand.u32 $0x7C00, s1;
	s0 =	sadd.s32 $0x7, s0;
	s8 =	sand.u32 $0x70, s8;
	v2 =	vadd.f32 v2, v11;
	v7 =	vadd.f32 v10, v7;
	v10 =	vmul.f32 v0, v0;
	v11 =	vld [tilespmem:s11+$0x100]  }
0x128: {  	p0 =	slt.u32 s0, $0xBD;
	s8 =	sor.u32 s15, s8;
	s15 =	sadd.s32 $0x80, s1;
	v3 =	vadd.f32 v3, v4;
	v4 =	vadd.f32 v9, v8;
	v8 =	vmul.f32 v5, v5;
	v9 =	vld [tilespmem:s11+$0x6500]  }
0x129: {  	s9 =	sand.u32 $0x70, s9;
	v13 =	vld [tilespmem:s8+$0x100];
	s11 =	sand.u32 $0xFC00, s15;
	v0 =	vadd.f32 v0, v2;
	v2 =	vadd.f32 v10, v7;
	v7 =	vmul.f32 v1, v1  }
0x12a: {  	v10 =	vld [tilespmem:s8+$0x6500];
	s8 =	sor.u32 s11, s9;
	s9 =	sadd.s32 $0xFFFFFFC0, s6;
	s11 =	sadd.s32 $0x100, s1;
	v3 =	vadd.f32 v5, v3;
	v4 =	vadd.f32 v8, v4;
	v5 =	vmul.f32 v6, v6  }
0x12b: {  	v8 =	vld [tilespmem:s8+$0x100];
	s9 =	sand.u32 $0x70, s9;
	s11 =	sand.u32 $0xFC00, s11;
	v0 =	vadd.f32 v1, v0;
	v1 =	vadd.f32 v7, v2;
	v2 =	vmul.f32 v12, v12  }
0x12c: {  	v7 =	vld [tilespmem:s8+$0x6500];
	s8 =	sor.u32 s11, s9;
	s9 =	sadd.s32 $0xFFFFFFD0, s6;
	s11 =	sadd.s32 $0x180, s1;
	v3 =	vadd.f32 v6, v3;
	v5 =	vadd.f32 v5, v4;
	v6 =	vmul.f32 v11, v11  }
0x12d: {  	v4 =	vld [tilespmem:s8+$0x100];
	s9 =	sand.u32 $0x70, s9;
	s11 =	sand.u32 $0xFC00, s11;
	v0 =	vadd.f32 v12, v0;
	v1 =	vadd.f32 v2, v1;
	v12 =	vmul.f32 v9, v9  }
0x12e: {  	v14 =	vmul.f32 v13, v13;
	v2 =	vld [tilespmem:s8+$0x6500];
	s8 =	sor.u32 s11, s9;
	s9 =	sadd.s32 $0xFFFFFFE0, s6;
	s11 =	sadd.s32 $0x200, s1;
	v11 =	vadd.f32 v11, v3;
	v5 =	vadd.f32 v6, v5  }
.Ltmp4:
0x12f: {  	v6 =	vmul.f32 v10, v10;
	v3 =	vld [tilespmem:s8+$0x100];
	s9 =	sand.u32 $0x70, s9;
	s11 =	sand.u32 $0xFC00, s11;
	v9 =	vadd.f32 v9, v0;
	v1 =	vadd.f32 v12, v1;
	(pc) =	sbr.rel @p0 .LBB2_11-.Ltmp4, $4  }
0x130: {  	v11 =	vadd.f32 v13, v11;
	v12 =	vadd.f32 v14, v5;
	v13 =	vmul.f32 v8, v8;
	v0 =	vld [tilespmem:s8+$0x6500];
	s8 =	sor.u32 s11, s9;
	s9 =	sadd.s32 $0xFFFFFFF0, s6;
	s11 =	sadd.s32 $0x280, s1  }
0x131: {  	v10 =	vadd.f32 v10, v9;
	v6 =	vadd.f32 v6, v1;
	v14 =	vmul.f32 v7, v7;
	v5 =	vld [tilespmem:s8+$0x100];
	s9 =	sand.u32 $0x70, s9;
	s11 =	sand.u32 $0xFC00, s11  }
0x132: {  	v8 =	vadd.f32 v8, v11;
	v9 =	vadd.f32 v13, v12;
	v12 =	vmul.f32 v4, v4;
	v1 =	vld [tilespmem:s8+$0x6500];
	s11 =	sor.u32 s11, s9;
	s8 =	sadd.s32 $0x300, s1;
	s1 =	sadd.s32 $0x380, s1  }
0x133: {  	s15 =	sand.u32 $0x70, s6;
	s6 =	sadd.s32 $0x70, s6;
	v11 =	vadd.f32 v7, v10;
	v7 =	vadd.f32 v14, v6;
	v10 =	vmul.f32 v2, v2;
	v6 =	vld [tilespmem:s11+$0x100];
	s18 =	sand.u32 $0xFC00, s8  }
0x134: {  	v4 =	vadd.f32 v4, v8  }
0x135: {  	v55 =	vadd.f32 v12, v9;
	v56 =	vmul.f32 v3, v3;
	s0 =	sor.u32 s18, s15  }
0x136: {  	v2 =	vadd.f32 v2, v11;
	v57 =	vld [tilespmem:s0+$0x100];
	v3 =	vadd.f32 v3, v4  }
0x137: {  	v58 =	vld [tilespmem:s11+$0x6500];
	v7 =	vadd.f32 v10, v7;
	v8 =	vadd.f32 v56, v55;
	v59 =	vmul.f32 v5, v5  }
0x138: {  	v2 =	vadd.f32 v0, v2;
	v3 =	vadd.f32 v5, v3  }
0x139: {  	v60 =	vld [tilespmem:s0+$0x6500];
	v0 =	vmul.f32 v0, v0;
	v8 =	vadd.f32 v59, v8;
	v61 =	vmul.f32 v6, v6  }
0x13a: {  	v2 =	vadd.f32 v1, v2;
	v3 =	vadd.f32 v6, v3  }
0x13b: {  	v0 =	vadd.f32 v0, v7;
	v62 =	vadd.f32 v61, v8;
	v63 =	vmul.f32 v57, v57  }
0x13c: {  	v1 =	vmul.f32 v1, v1;
	v2 =	vadd.f32 v58, v2;
	v3 =	vadd.f32 v57, v3  }
0x13d: {  	v6 =	vadd.f32 v63, v62  }
0x13e: {  	v0 =	vadd.f32 v1, v0;
	v1 =	vmul.f32 v58, v58;
	v2 =	vadd.f32 v60, v2;
	(xrf2) =	vadd.scan.msk.f32 $0xffff, v3  }
0x13f: {  	(xrf2) =	vadd.scan.msk.f32 $0xffff, v6  }
0x140: {  	v0 =	vadd.f32 v1, v0;
	v1 =	vmul.f32 v60, v60;
	(xrf2) =	vadd.scan.msk.f32 $0xffff, v2;
	_ =	sdelay $0x1  }
0x141: {  	v0 =	vadd.f32 v1, v0;
	_ =	sdelay $0x1  }
0x142: {  	(xrf2) =	vadd.scan.msk.f32 $0xffff, v0;
	_ =	sdelay $0x3  }
0x143: {  	v0, _, _ =	vpop (xrf2)  }
0x144: {  	v1, _, _ =	vpop (xrf2);
	(v2sf) =	vpush v0, $0xF  }
0x145: {  	v0, _, _ =	vpop (xrf2);
	(v2sf) =	vpush v1, $0xF  }
0x146: {  	(v2sf) =	vpush v0, $0xF;
	_ =	sdelay $0x2  }
0x147: {  	v0, _, _ =	vpop (xrf2)  }
0x148: {  	(v2sf) =	vpush v0, $0xF;
	_ =	sdelay $0x8  }
0x149: {  	s17 =	spop (v2sf)  }
0x14a: {  	s1 =	spop (v2sf)  }
0x14b: {  	s0 =	smul.f32 s17, s17;
	s6 =	spop (v2sf)  }
0x14c: {  	s16 =	simm.s32 $0x0;
	s8 =	simm.s32 $0x0;
	s6 =	smul.f32 s6, s6  }
0x14d: {  	s8 =	sand.u32 $0x70, s8;
	s9 =	sand.u32 $0x7C00, s16;
	s0 =	smul.f32 $3.188775440e-04, s0  }
0x14e: {  	s15 =	sor.u32 s9, s8;
	s6 =	smul.f32 $3.188775440e-04, s6  }
0x14f: {  	v1 =	vld [tilespmem:s15+$0x6500];
	s18 =	spop (v2sf);
	s0 =	ssub.f32 s1, s0  }
0x150: {  	v0 =	vld [tilespmem:s15+$0x100];
	s19 =	ssub.f32 s18, s6  }
0x151: {  	s0 =	smul.f32 $3.189792620e-04, s0  }
0x152: {  	s1 =	smul.f32 $3.189792620e-04, s19  }
0x153: {  	p0 =	sge.f32 s0, $9.999999770e-03  }
0x154: {  	p1 =	sge.f32 s1, $9.999999770e-03  }
0x155: {  	s20 =	simm.s32 $0x10;
	s21 =	simm.s32 $0x80;
	v2 =	vpsel p0, v0, v1  }
0x156: {  	s0 =	sand.u32 $0x70, s20;
	s1 =	sand.u32 $0xFC00, s21;
	[tilespmem:s15+$0xC900] =	vst v2;
	v0 =	vpsel p1, v1, v0  }
0x157: {  	s17 =	sor.u32 s1, s0;
	[tilespmem:s15+$0x12D00] =	vst v0  }
0x158: {  	v0 =	vld [tilespmem:s17+$0x100]  }
0x159: {  	v1 =	vld [tilespmem:s17+$0x6500];
	_ =	sdelay $0x4  }
0x15a: {  	s22 =	simm.s32 $0x20;
	s23 =	simm.s32 $0x100;
	v2 =	vpsel p0, v0, v1  }
0x15b: {  	s0 =	sand.u32 $0x70, s22;
	s1 =	sand.u32 $0xFC00, s23;
	v0 =	vpsel p1, v1, v0;
	[tilespmem:s17+$0xC900] =	vst v2  }
0x15c: {  	s19 =	sor.u32 s1, s0;
	[tilespmem:s17+$0x12D00] =	vst v0  }
0x15d: {  	v0 =	vld [tilespmem:s19+$0x100]  }
0x15e: {  	v1 =	vld [tilespmem:s19+$0x6500];
	_ =	sdelay $0x4  }
0x15f: {  	s24 =	simm.s32 $0x30;
	s25 =	simm.s32 $0x180;
	v2 =	vpsel p0, v0, v1  }
0x160: {  	s0 =	sand.u32 $0x70, s24;
	s1 =	sand.u32 $0xFC00, s25;
	v0 =	vpsel p1, v1, v0;
	[tilespmem:s19+$0xC900] =	vst v2  }
0x161: {  	s20 =	sor.u32 s1, s0;
	[tilespmem:s19+$0x12D00] =	vst v0  }
0x162: {  	v0 =	vld [tilespmem:s20+$0x100]  }
0x163: {  	v1 =	vld [tilespmem:s20+$0x6500];
	_ =	sdelay $0x4  }
0x164: {  	s26 =	simm.s32 $0x40;
	s28 =	simm.s32 $0x200;
	v2 =	vpsel p0, v0, v1  }
0x165: {  	s0 =	sand.u32 $0x70, s26;
	s1 =	sand.u32 $0xFC00, s28;
	v0 =	vpsel p1, v1, v0;
	[tilespmem:s20+$0xC900] =	vst v2  }
0x166: {  	s21 =	sor.u32 s1, s0;
	[tilespmem:s20+$0x12D00] =	vst v0  }
0x167: {  	v0 =	vld [tilespmem:s21+$0x100]  }
0x168: {  	v1 =	vld [tilespmem:s21+$0x6500];
	_ =	sdelay $0x4  }
0x169: {  	s29 =	simm.s32 $0x50;
	s30 =	simm.s32 $0x280;
	v2 =	vpsel p0, v0, v1  }
0x16a: {  	s23 =	sand.u32 $0x70, s29;
	s24 =	sand.u32 $0xFC00, s30;
	v0 =	vpsel p1, v1, v0;
	[tilespmem:s21+$0xC900] =	vst v2  }
0x16b: {  	s31 =	simm.s32 $0x300;
	s11 =	sor.u32 s24, s23;
	[tilespmem:s21+$0x12D00] =	vst v0  }
0x16c: {  	s18 =	sand.u32 $0xFC00, s31;
	s6 =	simm.s32 $0x60;
	s22 =	simm.s32 $0x60;
	v0 =	vld [tilespmem:s11+$0x100]  }
0x16d: {  	s25 =	simm.s32 $0x60;
	s1 =	simm.s32 $0x0;
	s0 =	smov.u32 s18;
	v1 =	vld [tilespmem:s11+$0x6500]  }
.LBB2_13:
0x16e: {  	_ = 	snop  }
0x16f: {  	s1 =	sadd.s32 $0x7, s1;
	s16 =	sadd.s32 $0x380, s16;
	s6 =	sadd.s32 $0x70, s6  }
0x170: {  	s8 =	sadd.s32 $0x300, s16;
	p2 =	slt.u32 s1, $0xBD  }
0x171: {  	s8 =	sand.u32 $0xFC00, s8  }
0x172: {  	v2 =	vpsel p0, v0, v1;
	v0 =	vpsel p1, v1, v0  }
0x173: {  	s9 =	sand.u32 $0x70, s25;
	s25 =	smov.u32 s6;
	[tilespmem:s11+$0xC900] =	vst v2  }
0x174: {  	s9 =	sor.u32 s0, s9;
	s0 =	smov.u32 s8;
	[tilespmem:s11+$0x12D00] =	vst v0  }
0x175: {  	v0 =	vld [tilespmem:s9+$0x100]  }
0x176: {  	v1 =	vld [tilespmem:s9+$0x6500];
	_ =	sdelay $0x4  }
0x177: {  	s8 =	sadd.s32 $0xFFFFFFA0, s6;
	v2 =	vpsel p0, v0, v1;
	v0 =	vpsel p1, v1, v0  }
0x178: {  	s8 =	sand.u32 $0x70, s8;
	s11 =	sand.u32 $0x7C00, s16;
	[tilespmem:s9+$0xC900] =	vst v2  }
0x179: {  	s8 =	sor.u32 s11, s8;
	[tilespmem:s9+$0x12D00] =	vst v0  }
0x17a: {  	v0 =	vld [tilespmem:s8+$0x100]  }
0x17b: {  	v1 =	vld [tilespmem:s8+$0x6500];
	_ =	sdelay $0x4  }
0x17c: {  	s11 =	sadd.s32 $0x80, s16;
	s9 =	sadd.s32 $0xFFFFFFB0, s6;
	v2 =	vpsel p0, v0, v1;
	v0 =	vpsel p1, v1, v0  }
0x17d: {  	s11 =	sand.u32 $0xFC00, s11;
	s9 =	sand.u32 $0x70, s9;
	[tilespmem:s8+$0xC900] =	vst v2  }
0x17e: {  	[tilespmem:s8+$0x12D00] =	vst v0;
	s8 =	sor.u32 s11, s9  }
0x17f: {  	v0 =	vld [tilespmem:s8+$0x100]  }
0x180: {  	v1 =	vld [tilespmem:s8+$0x6500];
	_ =	sdelay $0x4  }
0x181: {  	s9 =	sadd.s32 $0xFFFFFFC0, s6;
	s11 =	sadd.s32 $0x100, s16;
	v2 =	vpsel p0, v0, v1;
	v0 =	vpsel p1, v1, v0  }
0x182: {  	s9 =	sand.u32 $0x70, s9;
	s11 =	sand.u32 $0xFC00, s11;
	[tilespmem:s8+$0xC900] =	vst v2  }
0x183: {  	[tilespmem:s8+$0x12D00] =	vst v0;
	s8 =	sor.u32 s11, s9  }
0x184: {  	v0 =	vld [tilespmem:s8+$0x100]  }
0x185: {  	v1 =	vld [tilespmem:s8+$0x6500];
	_ =	sdelay $0x4  }
0x186: {  	s9 =	sadd.s32 $0xFFFFFFD0, s6;
	s11 =	sadd.s32 $0x180, s16;
	v2 =	vpsel p0, v0, v1;
	v0 =	vpsel p1, v1, v0  }
0x187: {  	s9 =	sand.u32 $0x70, s9;
	s11 =	sand.u32 $0xFC00, s11;
	[tilespmem:s8+$0xC900] =	vst v2  }
0x188: {  	[tilespmem:s8+$0x12D00] =	vst v0;
	s8 =	sor.u32 s11, s9  }
0x189: {  	v0 =	vld [tilespmem:s8+$0x100]  }
0x18a: {  	v1 =	vld [tilespmem:s8+$0x6500];
	_ =	sdelay $0x4  }
0x18b: {  	s9 =	sadd.s32 $0xFFFFFFE0, s6;
	s11 =	sadd.s32 $0x200, s16;
	v2 =	vpsel p0, v0, v1;
	v0 =	vpsel p1, v1, v0  }
0x18c: {  	s9 =	sand.u32 $0x70, s9;
	s11 =	sand.u32 $0xFC00, s11;
	[tilespmem:s8+$0xC900] =	vst v2  }
0x18d: {  	[tilespmem:s8+$0x12D00] =	vst v0;
	s8 =	sor.u32 s11, s9  }
0x18e: {  	v0 =	vld [tilespmem:s8+$0x100]  }
0x18f: {  	v1 =	vld [tilespmem:s8+$0x6500];
	_ =	sdelay $0x4  }
.Ltmp5:
0x190: {  	s9 =	sadd.s32 $0xFFFFFFF0, s6;
	s11 =	sadd.s32 $0x280, s16;
	v2 =	vpsel p0, v0, v1;
	v0 =	vpsel p1, v1, v0;
	(pc) =	sbr.rel @p2 .LBB2_13-.Ltmp5, $4  }
0x191: {  	s9 =	sand.u32 $0x70, s9;
	s11 =	sand.u32 $0xFC00, s11;
	[tilespmem:s8+$0xC900] =	vst v2  }
0x192: {  	s11 =	sor.u32 s11, s9;
	[tilespmem:s8+$0x12D00] =	vst v0  }
0x193: {  	v0 =	vld [tilespmem:s11+$0x100]  }
0x194: {  	v1 =	vld [tilespmem:s11+$0x6500]  }
0x195: {  	_ =	sdelay $0x3  }
0x196: {  	v2 =	vpsel p0, v0, v1  }
0x197: {  	s1 =	sand.u32 $0x70, s25;
	v0 =	vpsel p1, v1, v0;
	[tilespmem:s11+$0xC900] =	vst v2  }
0x198: {  	s0 =	sor.u32 s0, s1;
	[tilespmem:s11+$0x12D00] =	vst v0  }
0x199: {  	v0 =	vld [tilespmem:s0+$0x100]  }
0x19a: {  	v1 =	vld [tilespmem:s0+$0x6500];
	_ =	sdelay $0x4  }
0x19b: {  	v2 =	vpsel p0, v0, v1  }
0x19c: {  	v0 =	vpsel p1, v1, v0;
	[tilespmem:s0+$0xC900] =	vst v2  }
0x19d: {  	[tilespmem:s0+$0x12D00] =	vst v0  }
0x19e: {  	v0 =	vld [tilespmem:s15+$0x180]  }
0x19f: {  	v1 =	vld [tilespmem:s15+$0x6580]  }
0x1a0: {  	v6 =	vld [tilespmem:s17+$0x180]  }
0x1a1: {  	v7 =	vld [tilespmem:s17+$0x6580]  }
0x1a2: {  	v4 =	vld [tilespmem:s19+$0x180]  }
0x1a3: {  	v2 =	vld [tilespmem:s19+$0x6580];
	v5 =	vmul.f32 v0, v0  }
0x1a4: {  	v8 =	vimm.f32 $0.0e+00;
	v3 =	vld [tilespmem:s20+$0x180];
	v9 =	vmul.f32 v1, v1  }
0x1a5: {  	v10 =	vadd.f32 v0, v8;
	v12 =	vmul.f32 v6, v6;
	v0 =	vld [tilespmem:s20+$0x6580];
	v11 =	vadd.f32 v5, v8  }
0x1a6: {  	v13 =	vadd.f32 v1, v8;
	v15 =	vmul.f32 v7, v7;
	v14 =	vadd.f32 v9, v8;
	v5 =	vld [tilespmem:s21+$0x180]  }
0x1a7: {  	s6 =	simm.s32 $0xD0;
	s11 =	sor.u32 s24, s23;
	v1 =	vld [tilespmem:s21+$0x6580];
	v8 =	vadd.f32 v6, v10;
	v9 =	vadd.f32 v12, v11;
	v12 =	vmul.f32 v4, v4  }
0x1a8: {  	s1 =	simm.s32 $0x380;
	s0 =	simm.s32 $0x0;
	s15 =	sand.u32 $0x70, s22;
	v10 =	vmul.f32 v2, v2;
	v6 =	vld [tilespmem:s11+$0x180];
	v11 =	vadd.f32 v7, v13;
	v7 =	vadd.f32 v15, v14  }
.LBB2_15:
0x1a9: {  	s8 =	sadd.s32 $0xFFFFFFA0, s6;
	s9 =	sadd.s32 $0xFFFFFFB0, s6;
	v4 =	vadd.f32 v4, v8;
	v8 =	vadd.f32 v12, v9;
	v9 =	vmul.f32 v3, v3;
	v12 =	vld [tilespmem:s11+$0x6580];
	s11 =	sor.u32 s18, s15  }
0x1aa: {  	s15 =	sand.u32 $0x7C00, s1;
	s0 =	sadd.s32 $0x7, s0;
	s8 =	sand.u32 $0x70, s8;
	v2 =	vadd.f32 v2, v11;
	v7 =	vadd.f32 v10, v7;
	v10 =	vmul.f32 v0, v0;
	v11 =	vld [tilespmem:s11+$0x180]  }
0x1ab: {  	p0 =	slt.u32 s0, $0xBD;
	s8 =	sor.u32 s15, s8;
	s15 =	sadd.s32 $0x80, s1;
	v3 =	vadd.f32 v3, v4;
	v4 =	vadd.f32 v9, v8;
	v8 =	vmul.f32 v5, v5;
	v9 =	vld [tilespmem:s11+$0x6580]  }
0x1ac: {  	s9 =	sand.u32 $0x70, s9;
	v13 =	vld [tilespmem:s8+$0x180];
	s11 =	sand.u32 $0xFC00, s15;
	v0 =	vadd.f32 v0, v2;
	v2 =	vadd.f32 v10, v7;
	v7 =	vmul.f32 v1, v1  }
0x1ad: {  	v10 =	vld [tilespmem:s8+$0x6580];
	s8 =	sor.u32 s11, s9;
	s9 =	sadd.s32 $0xFFFFFFC0, s6;
	s11 =	sadd.s32 $0x100, s1;
	v3 =	vadd.f32 v5, v3;
	v4 =	vadd.f32 v8, v4;
	v5 =	vmul.f32 v6, v6  }
0x1ae: {  	v8 =	vld [tilespmem:s8+$0x180];
	s9 =	sand.u32 $0x70, s9;
	s11 =	sand.u32 $0xFC00, s11;
	v0 =	vadd.f32 v1, v0;
	v1 =	vadd.f32 v7, v2;
	v2 =	vmul.f32 v12, v12  }
0x1af: {  	v7 =	vld [tilespmem:s8+$0x6580];
	s8 =	sor.u32 s11, s9;
	s9 =	sadd.s32 $0xFFFFFFD0, s6;
	s11 =	sadd.s32 $0x180, s1;
	v3 =	vadd.f32 v6, v3;
	v5 =	vadd.f32 v5, v4;
	v6 =	vmul.f32 v11, v11  }
0x1b0: {  	v4 =	vld [tilespmem:s8+$0x180];
	s9 =	sand.u32 $0x70, s9;
	s11 =	sand.u32 $0xFC00, s11;
	v0 =	vadd.f32 v12, v0;
	v1 =	vadd.f32 v2, v1;
	v12 =	vmul.f32 v9, v9  }
0x1b1: {  	v14 =	vmul.f32 v13, v13;
	v2 =	vld [tilespmem:s8+$0x6580];
	s8 =	sor.u32 s11, s9;
	s9 =	sadd.s32 $0xFFFFFFE0, s6;
	s11 =	sadd.s32 $0x200, s1;
	v11 =	vadd.f32 v11, v3;
	v5 =	vadd.f32 v6, v5  }
.Ltmp6:
0x1b2: {  	v6 =	vmul.f32 v10, v10;
	v3 =	vld [tilespmem:s8+$0x180];
	s9 =	sand.u32 $0x70, s9;
	s11 =	sand.u32 $0xFC00, s11;
	v9 =	vadd.f32 v9, v0;
	v1 =	vadd.f32 v12, v1;
	(pc) =	sbr.rel @p0 .LBB2_15-.Ltmp6, $4  }
0x1b3: {  	v11 =	vadd.f32 v13, v11;
	v12 =	vadd.f32 v14, v5;
	v13 =	vmul.f32 v8, v8;
	v0 =	vld [tilespmem:s8+$0x6580];
	s8 =	sor.u32 s11, s9;
	s9 =	sadd.s32 $0xFFFFFFF0, s6;
	s11 =	sadd.s32 $0x280, s1  }
0x1b4: {  	v10 =	vadd.f32 v10, v9;
	v6 =	vadd.f32 v6, v1;
	v14 =	vmul.f32 v7, v7;
	v5 =	vld [tilespmem:s8+$0x180];
	s9 =	sand.u32 $0x70, s9;
	s11 =	sand.u32 $0xFC00, s11  }
0x1b5: {  	v8 =	vadd.f32 v8, v11;
	v9 =	vadd.f32 v13, v12;
	v12 =	vmul.f32 v4, v4;
	v1 =	vld [tilespmem:s8+$0x6580];
	s11 =	sor.u32 s11, s9;
	s8 =	sadd.s32 $0x300, s1;
	s1 =	sadd.s32 $0x380, s1  }
0x1b6: {  	s15 =	sand.u32 $0x70, s6;
	s6 =	sadd.s32 $0x70, s6;
	v11 =	vadd.f32 v7, v10;
	v7 =	vadd.f32 v14, v6;
	v10 =	vmul.f32 v2, v2;
	v6 =	vld [tilespmem:s11+$0x180];
	s18 =	sand.u32 $0xFC00, s8  }
0x1b7: {  	v4 =	vadd.f32 v4, v8  }
0x1b8: {  	v55 =	vadd.f32 v12, v9;
	v56 =	vmul.f32 v3, v3;
	s0 =	sor.u32 s18, s15  }
0x1b9: {  	v2 =	vadd.f32 v2, v11;
	v57 =	vld [tilespmem:s0+$0x180];
	v3 =	vadd.f32 v3, v4  }
0x1ba: {  	v58 =	vld [tilespmem:s11+$0x6580];
	v7 =	vadd.f32 v10, v7;
	v8 =	vadd.f32 v56, v55;
	v59 =	vmul.f32 v5, v5  }
0x1bb: {  	v2 =	vadd.f32 v0, v2;
	v3 =	vadd.f32 v5, v3  }
0x1bc: {  	v60 =	vld [tilespmem:s0+$0x6580];
	v0 =	vmul.f32 v0, v0;
	v8 =	vadd.f32 v59, v8;
	v61 =	vmul.f32 v6, v6  }
0x1bd: {  	v2 =	vadd.f32 v1, v2;
	v3 =	vadd.f32 v6, v3  }
0x1be: {  	v0 =	vadd.f32 v0, v7;
	v62 =	vadd.f32 v61, v8;
	v63 =	vmul.f32 v57, v57  }
0x1bf: {  	v1 =	vmul.f32 v1, v1;
	v2 =	vadd.f32 v58, v2;
	v3 =	vadd.f32 v57, v3  }
0x1c0: {  	v6 =	vadd.f32 v63, v62  }
0x1c1: {  	v0 =	vadd.f32 v1, v0;
	v1 =	vmul.f32 v58, v58;
	v2 =	vadd.f32 v60, v2;
	(xrf2) =	vadd.scan.msk.f32 $0xffff, v3  }
0x1c2: {  	(xrf2) =	vadd.scan.msk.f32 $0xffff, v6  }
0x1c3: {  	v0 =	vadd.f32 v1, v0;
	v1 =	vmul.f32 v60, v60;
	(xrf2) =	vadd.scan.msk.f32 $0xffff, v2;
	_ =	sdelay $0x1  }
0x1c4: {  	v0 =	vadd.f32 v1, v0;
	_ =	sdelay $0x1  }
0x1c5: {  	(xrf2) =	vadd.scan.msk.f32 $0xffff, v0;
	_ =	sdelay $0x3  }
0x1c6: {  	v0, _, _ =	vpop (xrf2)  }
0x1c7: {  	v1, _, _ =	vpop (xrf2);
	(v2sf) =	vpush v0, $0xF  }
0x1c8: {  	v0, _, _ =	vpop (xrf2);
	(v2sf) =	vpush v1, $0xF  }
0x1c9: {  	(v2sf) =	vpush v0, $0xF;
	_ =	sdelay $0x2  }
0x1ca: {  	v0, _, _ =	vpop (xrf2)  }
0x1cb: {  	(v2sf) =	vpush v0, $0xF;
	_ =	sdelay $0x8  }
0x1cc: {  	s17 =	spop (v2sf)  }
0x1cd: {  	s1 =	spop (v2sf)  }
0x1ce: {  	s0 =	smul.f32 s17, s17;
	s6 =	spop (v2sf)  }
0x1cf: {  	s16 =	simm.s32 $0x0;
	s8 =	simm.s32 $0x0;
	s6 =	smul.f32 s6, s6  }
0x1d0: {  	s8 =	sand.u32 $0x70, s8;
	s9 =	sand.u32 $0x7C00, s16;
	s0 =	smul.f32 $3.188775440e-04, s0  }
0x1d1: {  	s15 =	sor.u32 s9, s8;
	s6 =	smul.f32 $3.188775440e-04, s6  }
0x1d2: {  	v1 =	vld [tilespmem:s15+$0x6580];
	s18 =	spop (v2sf);
	s0 =	ssub.f32 s1, s0  }
0x1d3: {  	v0 =	vld [tilespmem:s15+$0x180];
	s19 =	ssub.f32 s18, s6  }
0x1d4: {  	s0 =	smul.f32 $3.189792620e-04, s0  }
0x1d5: {  	s1 =	smul.f32 $3.189792620e-04, s19  }
0x1d6: {  	p0 =	sge.f32 s0, $9.999999770e-03  }
0x1d7: {  	p1 =	sge.f32 s1, $9.999999770e-03  }
0x1d8: {  	s20 =	simm.s32 $0x10;
	s21 =	simm.s32 $0x80;
	v2 =	vpsel p0, v0, v1  }
0x1d9: {  	s0 =	sand.u32 $0x70, s20;
	s1 =	sand.u32 $0xFC00, s21;
	[tilespmem:s15+$0xC980] =	vst v2;
	v0 =	vpsel p1, v1, v0  }
0x1da: {  	s17 =	sor.u32 s1, s0;
	[tilespmem:s15+$0x12D80] =	vst v0  }
0x1db: {  	v0 =	vld [tilespmem:s17+$0x180]  }
0x1dc: {  	v1 =	vld [tilespmem:s17+$0x6580];
	_ =	sdelay $0x4  }
0x1dd: {  	s22 =	simm.s32 $0x20;
	s23 =	simm.s32 $0x100;
	v2 =	vpsel p0, v0, v1  }
0x1de: {  	s0 =	sand.u32 $0x70, s22;
	s1 =	sand.u32 $0xFC00, s23;
	v0 =	vpsel p1, v1, v0;
	[tilespmem:s17+$0xC980] =	vst v2  }
0x1df: {  	s19 =	sor.u32 s1, s0;
	[tilespmem:s17+$0x12D80] =	vst v0  }
0x1e0: {  	v0 =	vld [tilespmem:s19+$0x180]  }
0x1e1: {  	v1 =	vld [tilespmem:s19+$0x6580];
	_ =	sdelay $0x4  }
0x1e2: {  	s24 =	simm.s32 $0x30;
	s25 =	simm.s32 $0x180;
	v2 =	vpsel p0, v0, v1  }
0x1e3: {  	s0 =	sand.u32 $0x70, s24;
	s1 =	sand.u32 $0xFC00, s25;
	v0 =	vpsel p1, v1, v0;
	[tilespmem:s19+$0xC980] =	vst v2  }
0x1e4: {  	s20 =	sor.u32 s1, s0;
	[tilespmem:s19+$0x12D80] =	vst v0  }
0x1e5: {  	v0 =	vld [tilespmem:s20+$0x180]  }
0x1e6: {  	v1 =	vld [tilespmem:s20+$0x6580];
	_ =	sdelay $0x4  }
0x1e7: {  	s26 =	simm.s32 $0x40;
	s28 =	simm.s32 $0x200;
	v2 =	vpsel p0, v0, v1  }
0x1e8: {  	s0 =	sand.u32 $0x70, s26;
	s1 =	sand.u32 $0xFC00, s28;
	v0 =	vpsel p1, v1, v0;
	[tilespmem:s20+$0xC980] =	vst v2  }
0x1e9: {  	s21 =	sor.u32 s1, s0;
	[tilespmem:s20+$0x12D80] =	vst v0  }
0x1ea: {  	v0 =	vld [tilespmem:s21+$0x180]  }
0x1eb: {  	v1 =	vld [tilespmem:s21+$0x6580];
	_ =	sdelay $0x4  }
0x1ec: {  	s29 =	simm.s32 $0x50;
	s30 =	simm.s32 $0x280;
	v2 =	vpsel p0, v0, v1  }
0x1ed: {  	s23 =	sand.u32 $0x70, s29;
	s24 =	sand.u32 $0xFC00, s30;
	v0 =	vpsel p1, v1, v0;
	[tilespmem:s21+$0xC980] =	vst v2  }
0x1ee: {  	s31 =	simm.s32 $0x300;
	s11 =	sor.u32 s24, s23;
	[tilespmem:s21+$0x12D80] =	vst v0  }
0x1ef: {  	s18 =	sand.u32 $0xFC00, s31;
	s6 =	simm.s32 $0x60;
	s22 =	simm.s32 $0x60;
	v0 =	vld [tilespmem:s11+$0x180]  }
0x1f0: {  	s25 =	simm.s32 $0x60;
	s1 =	simm.s32 $0x0;
	s0 =	smov.u32 s18;
	v1 =	vld [tilespmem:s11+$0x6580]  }
.LBB2_17:
0x1f1: {  	_ = 	snop  }
0x1f2: {  	s1 =	sadd.s32 $0x7, s1;
	s16 =	sadd.s32 $0x380, s16;
	s6 =	sadd.s32 $0x70, s6  }
0x1f3: {  	s8 =	sadd.s32 $0x300, s16;
	p2 =	slt.u32 s1, $0xBD  }
0x1f4: {  	s8 =	sand.u32 $0xFC00, s8  }
0x1f5: {  	v2 =	vpsel p0, v0, v1;
	v0 =	vpsel p1, v1, v0  }
0x1f6: {  	s9 =	sand.u32 $0x70, s25;
	s25 =	smov.u32 s6;
	[tilespmem:s11+$0xC980] =	vst v2  }
0x1f7: {  	s9 =	sor.u32 s0, s9;
	s0 =	smov.u32 s8;
	[tilespmem:s11+$0x12D80] =	vst v0  }
0x1f8: {  	v0 =	vld [tilespmem:s9+$0x180]  }
0x1f9: {  	v1 =	vld [tilespmem:s9+$0x6580];
	_ =	sdelay $0x4  }
0x1fa: {  	s8 =	sadd.s32 $0xFFFFFFA0, s6;
	v2 =	vpsel p0, v0, v1;
	v0 =	vpsel p1, v1, v0  }
0x1fb: {  	s8 =	sand.u32 $0x70, s8;
	s11 =	sand.u32 $0x7C00, s16;
	[tilespmem:s9+$0xC980] =	vst v2  }
0x1fc: {  	s8 =	sor.u32 s11, s8;
	[tilespmem:s9+$0x12D80] =	vst v0  }
0x1fd: {  	v0 =	vld [tilespmem:s8+$0x180]  }
0x1fe: {  	v1 =	vld [tilespmem:s8+$0x6580];
	_ =	sdelay $0x4  }
0x1ff: {  	s11 =	sadd.s32 $0x80, s16;
	s9 =	sadd.s32 $0xFFFFFFB0, s6;
	v2 =	vpsel p0, v0, v1;
	v0 =	vpsel p1, v1, v0  }
0x200: {  	s11 =	sand.u32 $0xFC00, s11;
	s9 =	sand.u32 $0x70, s9;
	[tilespmem:s8+$0xC980] =	vst v2  }
0x201: {  	[tilespmem:s8+$0x12D80] =	vst v0;
	s8 =	sor.u32 s11, s9  }
0x202: {  	v0 =	vld [tilespmem:s8+$0x180]  }
0x203: {  	v1 =	vld [tilespmem:s8+$0x6580];
	_ =	sdelay $0x4  }
0x204: {  	s9 =	sadd.s32 $0xFFFFFFC0, s6;
	s11 =	sadd.s32 $0x100, s16;
	v2 =	vpsel p0, v0, v1;
	v0 =	vpsel p1, v1, v0  }
0x205: {  	s9 =	sand.u32 $0x70, s9;
	s11 =	sand.u32 $0xFC00, s11;
	[tilespmem:s8+$0xC980] =	vst v2  }
0x206: {  	[tilespmem:s8+$0x12D80] =	vst v0;
	s8 =	sor.u32 s11, s9  }
0x207: {  	v0 =	vld [tilespmem:s8+$0x180]  }
0x208: {  	v1 =	vld [tilespmem:s8+$0x6580];
	_ =	sdelay $0x4  }
0x209: {  	s9 =	sadd.s32 $0xFFFFFFD0, s6;
	s11 =	sadd.s32 $0x180, s16;
	v2 =	vpsel p0, v0, v1;
	v0 =	vpsel p1, v1, v0  }
0x20a: {  	s9 =	sand.u32 $0x70, s9;
	s11 =	sand.u32 $0xFC00, s11;
	[tilespmem:s8+$0xC980] =	vst v2  }
0x20b: {  	[tilespmem:s8+$0x12D80] =	vst v0;
	s8 =	sor.u32 s11, s9  }
0x20c: {  	v0 =	vld [tilespmem:s8+$0x180]  }
0x20d: {  	v1 =	vld [tilespmem:s8+$0x6580];
	_ =	sdelay $0x4  }
0x20e: {  	s9 =	sadd.s32 $0xFFFFFFE0, s6;
	s11 =	sadd.s32 $0x200, s16;
	v2 =	vpsel p0, v0, v1;
	v0 =	vpsel p1, v1, v0  }
0x20f: {  	s9 =	sand.u32 $0x70, s9;
	s11 =	sand.u32 $0xFC00, s11;
	[tilespmem:s8+$0xC980] =	vst v2  }
0x210: {  	[tilespmem:s8+$0x12D80] =	vst v0;
	s8 =	sor.u32 s11, s9  }
0x211: {  	v0 =	vld [tilespmem:s8+$0x180]  }
0x212: {  	v1 =	vld [tilespmem:s8+$0x6580];
	_ =	sdelay $0x4  }
.Ltmp7:
0x213: {  	s9 =	sadd.s32 $0xFFFFFFF0, s6;
	s11 =	sadd.s32 $0x280, s16;
	v2 =	vpsel p0, v0, v1;
	v0 =	vpsel p1, v1, v0;
	(pc) =	sbr.rel @p2 .LBB2_17-.Ltmp7, $4  }
0x214: {  	s9 =	sand.u32 $0x70, s9;
	s11 =	sand.u32 $0xFC00, s11;
	[tilespmem:s8+$0xC980] =	vst v2  }
0x215: {  	s11 =	sor.u32 s11, s9;
	[tilespmem:s8+$0x12D80] =	vst v0  }
0x216: {  	v0 =	vld [tilespmem:s11+$0x180]  }
0x217: {  	v1 =	vld [tilespmem:s11+$0x6580]  }
0x218: {  	_ =	sdelay $0x3  }
0x219: {  	v2 =	vpsel p0, v0, v1  }
0x21a: {  	s1 =	sand.u32 $0x70, s25;
	v0 =	vpsel p1, v1, v0;
	[tilespmem:s11+$0xC980] =	vst v2  }
0x21b: {  	s0 =	sor.u32 s0, s1;
	[tilespmem:s11+$0x12D80] =	vst v0  }
0x21c: {  	v0 =	vld [tilespmem:s0+$0x180]  }
0x21d: {  	v1 =	vld [tilespmem:s0+$0x6580];
	_ =	sdelay $0x4  }
0x21e: {  	v2 =	vpsel p0, v0, v1  }
0x21f: {  	v0 =	vpsel p1, v1, v0;
	[tilespmem:s0+$0xC980] =	vst v2  }
0x220: {  	[tilespmem:s0+$0x12D80] =	vst v0  }
0x221: {  	v0 =	vld [tilespmem:s15+$0x200]  }
0x222: {  	v1 =	vld [tilespmem:s15+$0x6600]  }
0x223: {  	v6 =	vld [tilespmem:s17+$0x200]  }
0x224: {  	v7 =	vld [tilespmem:s17+$0x6600]  }
0x225: {  	v4 =	vld [tilespmem:s19+$0x200]  }
0x226: {  	v2 =	vld [tilespmem:s19+$0x6600];
	v5 =	vmul.f32 v0, v0  }
0x227: {  	v8 =	vimm.f32 $0.0e+00;
	v3 =	vld [tilespmem:s20+$0x200];
	v9 =	vmul.f32 v1, v1  }
0x228: {  	v10 =	vadd.f32 v0, v8;
	v12 =	vmul.f32 v6, v6;
	v0 =	vld [tilespmem:s20+$0x6600];
	v11 =	vadd.f32 v5, v8  }
0x229: {  	v13 =	vadd.f32 v1, v8;
	v15 =	vmul.f32 v7, v7;
	v14 =	vadd.f32 v9, v8;
	v5 =	vld [tilespmem:s21+$0x200]  }
0x22a: {  	s6 =	simm.s32 $0xD0;
	s11 =	sor.u32 s24, s23;
	v1 =	vld [tilespmem:s21+$0x6600];
	v8 =	vadd.f32 v6, v10;
	v9 =	vadd.f32 v12, v11;
	v12 =	vmul.f32 v4, v4  }
0x22b: {  	s1 =	simm.s32 $0x380;
	s0 =	simm.s32 $0x0;
	s15 =	sand.u32 $0x70, s22;
	v10 =	vmul.f32 v2, v2;
	v6 =	vld [tilespmem:s11+$0x200];
	v11 =	vadd.f32 v7, v13;
	v7 =	vadd.f32 v15, v14  }
.LBB2_19:
0x22c: {  	s8 =	sadd.s32 $0xFFFFFFA0, s6;
	s9 =	sadd.s32 $0xFFFFFFB0, s6;
	v4 =	vadd.f32 v4, v8;
	v8 =	vadd.f32 v12, v9;
	v9 =	vmul.f32 v3, v3;
	v12 =	vld [tilespmem:s11+$0x6600];
	s11 =	sor.u32 s18, s15  }
0x22d: {  	s15 =	sand.u32 $0x7C00, s1;
	s0 =	sadd.s32 $0x7, s0;
	s8 =	sand.u32 $0x70, s8;
	v2 =	vadd.f32 v2, v11;
	v7 =	vadd.f32 v10, v7;
	v10 =	vmul.f32 v0, v0;
	v11 =	vld [tilespmem:s11+$0x200]  }
0x22e: {  	p0 =	slt.u32 s0, $0xBD;
	s8 =	sor.u32 s15, s8;
	s15 =	sadd.s32 $0x80, s1;
	v3 =	vadd.f32 v3, v4;
	v4 =	vadd.f32 v9, v8;
	v8 =	vmul.f32 v5, v5;
	v9 =	vld [tilespmem:s11+$0x6600]  }
0x22f: {  	s9 =	sand.u32 $0x70, s9;
	v13 =	vld [tilespmem:s8+$0x200];
	s11 =	sand.u32 $0xFC00, s15;
	v0 =	vadd.f32 v0, v2;
	v2 =	vadd.f32 v10, v7;
	v7 =	vmul.f32 v1, v1  }
0x230: {  	v10 =	vld [tilespmem:s8+$0x6600];
	s8 =	sor.u32 s11, s9;
	s9 =	sadd.s32 $0xFFFFFFC0, s6;
	s11 =	sadd.s32 $0x100, s1;
	v3 =	vadd.f32 v5, v3;
	v4 =	vadd.f32 v8, v4;
	v5 =	vmul.f32 v6, v6  }
0x231: {  	v8 =	vld [tilespmem:s8+$0x200];
	s9 =	sand.u32 $0x70, s9;
	s11 =	sand.u32 $0xFC00, s11;
	v0 =	vadd.f32 v1, v0;
	v1 =	vadd.f32 v7, v2;
	v2 =	vmul.f32 v12, v12  }
0x232: {  	v7 =	vld [tilespmem:s8+$0x6600];
	s8 =	sor.u32 s11, s9;
	s9 =	sadd.s32 $0xFFFFFFD0, s6;
	s11 =	sadd.s32 $0x180, s1;
	v3 =	vadd.f32 v6, v3;
	v5 =	vadd.f32 v5, v4;
	v6 =	vmul.f32 v11, v11  }
0x233: {  	v4 =	vld [tilespmem:s8+$0x200];
	s9 =	sand.u32 $0x70, s9;
	s11 =	sand.u32 $0xFC00, s11;
	v0 =	vadd.f32 v12, v0;
	v1 =	vadd.f32 v2, v1;
	v12 =	vmul.f32 v9, v9  }
0x234: {  	v14 =	vmul.f32 v13, v13;
	v2 =	vld [tilespmem:s8+$0x6600];
	s8 =	sor.u32 s11, s9;
	s9 =	sadd.s32 $0xFFFFFFE0, s6;
	s11 =	sadd.s32 $0x200, s1;
	v11 =	vadd.f32 v11, v3;
	v5 =	vadd.f32 v6, v5  }
.Ltmp8:
0x235: {  	v6 =	vmul.f32 v10, v10;
	v3 =	vld [tilespmem:s8+$0x200];
	s9 =	sand.u32 $0x70, s9;
	s11 =	sand.u32 $0xFC00, s11;
	v9 =	vadd.f32 v9, v0;
	v1 =	vadd.f32 v12, v1;
	(pc) =	sbr.rel @p0 .LBB2_19-.Ltmp8, $4  }
0x236: {  	v11 =	vadd.f32 v13, v11;
	v12 =	vadd.f32 v14, v5;
	v13 =	vmul.f32 v8, v8;
	v0 =	vld [tilespmem:s8+$0x6600];
	s8 =	sor.u32 s11, s9;
	s9 =	sadd.s32 $0xFFFFFFF0, s6;
	s11 =	sadd.s32 $0x280, s1  }
0x237: {  	v10 =	vadd.f32 v10, v9;
	v6 =	vadd.f32 v6, v1;
	v14 =	vmul.f32 v7, v7;
	v5 =	vld [tilespmem:s8+$0x200];
	s9 =	sand.u32 $0x70, s9;
	s11 =	sand.u32 $0xFC00, s11  }
0x238: {  	v8 =	vadd.f32 v8, v11;
	v9 =	vadd.f32 v13, v12;
	v12 =	vmul.f32 v4, v4;
	v1 =	vld [tilespmem:s8+$0x6600];
	s11 =	sor.u32 s11, s9;
	s8 =	sadd.s32 $0x300, s1;
	s1 =	sadd.s32 $0x380, s1  }
0x239: {  	s15 =	sand.u32 $0x70, s6;
	s6 =	sadd.s32 $0x70, s6;
	v11 =	vadd.f32 v7, v10;
	v7 =	vadd.f32 v14, v6;
	v10 =	vmul.f32 v2, v2;
	v6 =	vld [tilespmem:s11+$0x200];
	s18 =	sand.u32 $0xFC00, s8  }
0x23a: {  	v4 =	vadd.f32 v4, v8  }
0x23b: {  	v55 =	vadd.f32 v12, v9;
	v56 =	vmul.f32 v3, v3;
	s0 =	sor.u32 s18, s15  }
0x23c: {  	v2 =	vadd.f32 v2, v11;
	v57 =	vld [tilespmem:s0+$0x200];
	v3 =	vadd.f32 v3, v4  }
0x23d: {  	v58 =	vld [tilespmem:s11+$0x6600];
	v7 =	vadd.f32 v10, v7;
	v8 =	vadd.f32 v56, v55;
	v59 =	vmul.f32 v5, v5  }
0x23e: {  	v2 =	vadd.f32 v0, v2;
	v3 =	vadd.f32 v5, v3  }
0x23f: {  	v60 =	vld [tilespmem:s0+$0x6600];
	v0 =	vmul.f32 v0, v0;
	v8 =	vadd.f32 v59, v8;
	v61 =	vmul.f32 v6, v6  }
0x240: {  	v2 =	vadd.f32 v1, v2;
	v3 =	vadd.f32 v6, v3  }
0x241: {  	v0 =	vadd.f32 v0, v7;
	v62 =	vadd.f32 v61, v8;
	v63 =	vmul.f32 v57, v57  }
0x242: {  	v1 =	vmul.f32 v1, v1;
	v2 =	vadd.f32 v58, v2;
	v3 =	vadd.f32 v57, v3  }
0x243: {  	v6 =	vadd.f32 v63, v62  }
0x244: {  	v0 =	vadd.f32 v1, v0;
	v1 =	vmul.f32 v58, v58;
	v2 =	vadd.f32 v60, v2;
	(xrf2) =	vadd.scan.msk.f32 $0xffff, v3  }
0x245: {  	(xrf2) =	vadd.scan.msk.f32 $0xffff, v6  }
0x246: {  	v0 =	vadd.f32 v1, v0;
	v1 =	vmul.f32 v60, v60;
	(xrf2) =	vadd.scan.msk.f32 $0xffff, v2;
	_ =	sdelay $0x1  }
0x247: {  	v0 =	vadd.f32 v1, v0;
	_ =	sdelay $0x1  }
0x248: {  	(xrf2) =	vadd.scan.msk.f32 $0xffff, v0;
	_ =	sdelay $0x3  }
0x249: {  	v0, _, _ =	vpop (xrf2)  }
0x24a: {  	v1, _, _ =	vpop (xrf2);
	(v2sf) =	vpush v0, $0xF  }
0x24b: {  	v0, _, _ =	vpop (xrf2);
	(v2sf) =	vpush v1, $0xF  }
0x24c: {  	(v2sf) =	vpush v0, $0xF;
	_ =	sdelay $0x2  }
0x24d: {  	v0, _, _ =	vpop (xrf2)  }
0x24e: {  	(v2sf) =	vpush v0, $0xF;
	_ =	sdelay $0x8  }
0x24f: {  	s17 =	spop (v2sf)  }
0x250: {  	s1 =	spop (v2sf)  }
0x251: {  	s0 =	smul.f32 s17, s17;
	s6 =	spop (v2sf)  }
0x252: {  	s16 =	simm.s32 $0x0;
	s8 =	simm.s32 $0x0;
	s6 =	smul.f32 s6, s6  }
0x253: {  	s8 =	sand.u32 $0x70, s8;
	s9 =	sand.u32 $0x7C00, s16;
	s0 =	smul.f32 $3.188775440e-04, s0  }
0x254: {  	s15 =	sor.u32 s9, s8;
	s6 =	smul.f32 $3.188775440e-04, s6  }
0x255: {  	v1 =	vld [tilespmem:s15+$0x6600];
	s18 =	spop (v2sf);
	s0 =	ssub.f32 s1, s0  }
0x256: {  	v0 =	vld [tilespmem:s15+$0x200];
	s19 =	ssub.f32 s18, s6  }
0x257: {  	s0 =	smul.f32 $3.189792620e-04, s0  }
0x258: {  	s1 =	smul.f32 $3.189792620e-04, s19  }
0x259: {  	p0 =	sge.f32 s0, $9.999999770e-03  }
0x25a: {  	p1 =	sge.f32 s1, $9.999999770e-03  }
0x25b: {  	s20 =	simm.s32 $0x10;
	s21 =	simm.s32 $0x80;
	v2 =	vpsel p0, v0, v1  }
0x25c: {  	s0 =	sand.u32 $0x70, s20;
	s1 =	sand.u32 $0xFC00, s21;
	[tilespmem:s15+$0xCA00] =	vst v2;
	v0 =	vpsel p1, v1, v0  }
0x25d: {  	s17 =	sor.u32 s1, s0;
	[tilespmem:s15+$0x12E00] =	vst v0  }
0x25e: {  	v0 =	vld [tilespmem:s17+$0x200]  }
0x25f: {  	v1 =	vld [tilespmem:s17+$0x6600];
	_ =	sdelay $0x4  }
0x260: {  	s22 =	simm.s32 $0x20;
	s23 =	simm.s32 $0x100;
	v2 =	vpsel p0, v0, v1  }
0x261: {  	s0 =	sand.u32 $0x70, s22;
	s1 =	sand.u32 $0xFC00, s23;
	v0 =	vpsel p1, v1, v0;
	[tilespmem:s17+$0xCA00] =	vst v2  }
0x262: {  	s19 =	sor.u32 s1, s0;
	[tilespmem:s17+$0x12E00] =	vst v0  }
0x263: {  	v0 =	vld [tilespmem:s19+$0x200]  }
0x264: {  	v1 =	vld [tilespmem:s19+$0x6600];
	_ =	sdelay $0x4  }
0x265: {  	s24 =	simm.s32 $0x30;
	s25 =	simm.s32 $0x180;
	v2 =	vpsel p0, v0, v1  }
0x266: {  	s0 =	sand.u32 $0x70, s24;
	s1 =	sand.u32 $0xFC00, s25;
	v0 =	vpsel p1, v1, v0;
	[tilespmem:s19+$0xCA00] =	vst v2  }
0x267: {  	s20 =	sor.u32 s1, s0;
	[tilespmem:s19+$0x12E00] =	vst v0  }
0x268: {  	v0 =	vld [tilespmem:s20+$0x200]  }
0x269: {  	v1 =	vld [tilespmem:s20+$0x6600];
	_ =	sdelay $0x4  }
0x26a: {  	s26 =	simm.s32 $0x40;
	s28 =	simm.s32 $0x200;
	v2 =	vpsel p0, v0, v1  }
0x26b: {  	s0 =	sand.u32 $0x70, s26;
	s1 =	sand.u32 $0xFC00, s28;
	v0 =	vpsel p1, v1, v0;
	[tilespmem:s20+$0xCA00] =	vst v2  }
0x26c: {  	s21 =	sor.u32 s1, s0;
	[tilespmem:s20+$0x12E00] =	vst v0  }
0x26d: {  	v0 =	vld [tilespmem:s21+$0x200]  }
0x26e: {  	v1 =	vld [tilespmem:s21+$0x6600];
	_ =	sdelay $0x4  }
0x26f: {  	s29 =	simm.s32 $0x50;
	s30 =	simm.s32 $0x280;
	v2 =	vpsel p0, v0, v1  }
0x270: {  	s23 =	sand.u32 $0x70, s29;
	s24 =	sand.u32 $0xFC00, s30;
	v0 =	vpsel p1, v1, v0;
	[tilespmem:s21+$0xCA00] =	vst v2  }
0x271: {  	s31 =	simm.s32 $0x300;
	s11 =	sor.u32 s24, s23;
	[tilespmem:s21+$0x12E00] =	vst v0  }
0x272: {  	s18 =	sand.u32 $0xFC00, s31;
	s6 =	simm.s32 $0x60;
	s22 =	simm.s32 $0x60;
	v0 =	vld [tilespmem:s11+$0x200]  }
0x273: {  	s25 =	simm.s32 $0x60;
	s1 =	simm.s32 $0x0;
	s0 =	smov.u32 s18;
	v1 =	vld [tilespmem:s11+$0x6600]  }
.LBB2_21:
0x274: {  	_ = 	snop  }
0x275: {  	s1 =	sadd.s32 $0x7, s1;
	s16 =	sadd.s32 $0x380, s16;
	s6 =	sadd.s32 $0x70, s6  }
0x276: {  	s8 =	sadd.s32 $0x300, s16;
	p2 =	slt.u32 s1, $0xBD  }
0x277: {  	s8 =	sand.u32 $0xFC00, s8  }
0x278: {  	v2 =	vpsel p0, v0, v1;
	v0 =	vpsel p1, v1, v0  }
0x279: {  	s9 =	sand.u32 $0x70, s25;
	s25 =	smov.u32 s6;
	[tilespmem:s11+$0xCA00] =	vst v2  }
0x27a: {  	s9 =	sor.u32 s0, s9;
	s0 =	smov.u32 s8;
	[tilespmem:s11+$0x12E00] =	vst v0  }
0x27b: {  	v0 =	vld [tilespmem:s9+$0x200]  }
0x27c: {  	v1 =	vld [tilespmem:s9+$0x6600];
	_ =	sdelay $0x4  }
0x27d: {  	s8 =	sadd.s32 $0xFFFFFFA0, s6;
	v2 =	vpsel p0, v0, v1;
	v0 =	vpsel p1, v1, v0  }
0x27e: {  	s8 =	sand.u32 $0x70, s8;
	s11 =	sand.u32 $0x7C00, s16;
	[tilespmem:s9+$0xCA00] =	vst v2  }
0x27f: {  	s8 =	sor.u32 s11, s8;
	[tilespmem:s9+$0x12E00] =	vst v0  }
0x280: {  	v0 =	vld [tilespmem:s8+$0x200]  }
0x281: {  	v1 =	vld [tilespmem:s8+$0x6600];
	_ =	sdelay $0x4  }
0x282: {  	s11 =	sadd.s32 $0x80, s16;
	s9 =	sadd.s32 $0xFFFFFFB0, s6;
	v2 =	vpsel p0, v0, v1;
	v0 =	vpsel p1, v1, v0  }
0x283: {  	s11 =	sand.u32 $0xFC00, s11;
	s9 =	sand.u32 $0x70, s9;
	[tilespmem:s8+$0xCA00] =	vst v2  }
0x284: {  	[tilespmem:s8+$0x12E00] =	vst v0;
	s8 =	sor.u32 s11, s9  }
0x285: {  	v0 =	vld [tilespmem:s8+$0x200]  }
0x286: {  	v1 =	vld [tilespmem:s8+$0x6600];
	_ =	sdelay $0x4  }
0x287: {  	s9 =	sadd.s32 $0xFFFFFFC0, s6;
	s11 =	sadd.s32 $0x100, s16;
	v2 =	vpsel p0, v0, v1;
	v0 =	vpsel p1, v1, v0  }
0x288: {  	s9 =	sand.u32 $0x70, s9;
	s11 =	sand.u32 $0xFC00, s11;
	[tilespmem:s8+$0xCA00] =	vst v2  }
0x289: {  	[tilespmem:s8+$0x12E00] =	vst v0;
	s8 =	sor.u32 s11, s9  }
0x28a: {  	v0 =	vld [tilespmem:s8+$0x200]  }
0x28b: {  	v1 =	vld [tilespmem:s8+$0x6600];
	_ =	sdelay $0x4  }
0x28c: {  	s9 =	sadd.s32 $0xFFFFFFD0, s6;
	s11 =	sadd.s32 $0x180, s16;
	v2 =	vpsel p0, v0, v1;
	v0 =	vpsel p1, v1, v0  }
0x28d: {  	s9 =	sand.u32 $0x70, s9;
	s11 =	sand.u32 $0xFC00, s11;
	[tilespmem:s8+$0xCA00] =	vst v2  }
0x28e: {  	[tilespmem:s8+$0x12E00] =	vst v0;
	s8 =	sor.u32 s11, s9  }
0x28f: {  	v0 =	vld [tilespmem:s8+$0x200]  }
0x290: {  	v1 =	vld [tilespmem:s8+$0x6600];
	_ =	sdelay $0x4  }
0x291: {  	s9 =	sadd.s32 $0xFFFFFFE0, s6;
	s11 =	sadd.s32 $0x200, s16;
	v2 =	vpsel p0, v0, v1;
	v0 =	vpsel p1, v1, v0  }
0x292: {  	s9 =	sand.u32 $0x70, s9;
	s11 =	sand.u32 $0xFC00, s11;
	[tilespmem:s8+$0xCA00] =	vst v2  }
0x293: {  	[tilespmem:s8+$0x12E00] =	vst v0;
	s8 =	sor.u32 s11, s9  }
0x294: {  	v0 =	vld [tilespmem:s8+$0x200]  }
0x295: {  	v1 =	vld [tilespmem:s8+$0x6600];
	_ =	sdelay $0x4  }
.Ltmp9:
0x296: {  	s9 =	sadd.s32 $0xFFFFFFF0, s6;
	s11 =	sadd.s32 $0x280, s16;
	v2 =	vpsel p0, v0, v1;
	v0 =	vpsel p1, v1, v0;
	(pc) =	sbr.rel @p2 .LBB2_21-.Ltmp9, $4  }
0x297: {  	s9 =	sand.u32 $0x70, s9;
	s11 =	sand.u32 $0xFC00, s11;
	[tilespmem:s8+$0xCA00] =	vst v2  }
0x298: {  	s11 =	sor.u32 s11, s9;
	[tilespmem:s8+$0x12E00] =	vst v0  }
0x299: {  	v0 =	vld [tilespmem:s11+$0x200]  }
0x29a: {  	v1 =	vld [tilespmem:s11+$0x6600]  }
0x29b: {  	_ =	sdelay $0x3  }
0x29c: {  	v2 =	vpsel p0, v0, v1  }
0x29d: {  	s1 =	sand.u32 $0x70, s25;
	v0 =	vpsel p1, v1, v0;
	[tilespmem:s11+$0xCA00] =	vst v2  }
0x29e: {  	s0 =	sor.u32 s0, s1;
	[tilespmem:s11+$0x12E00] =	vst v0  }
0x29f: {  	v0 =	vld [tilespmem:s0+$0x200]  }
0x2a0: {  	v1 =	vld [tilespmem:s0+$0x6600];
	_ =	sdelay $0x4  }
0x2a1: {  	v2 =	vpsel p0, v0, v1  }
0x2a2: {  	v0 =	vpsel p1, v1, v0;
	[tilespmem:s0+$0xCA00] =	vst v2  }
0x2a3: {  	[tilespmem:s0+$0x12E00] =	vst v0  }
0x2a4: {  	v0 =	vld [tilespmem:s15+$0x280]  }
0x2a5: {  	v1 =	vld [tilespmem:s15+$0x6680]  }
0x2a6: {  	v6 =	vld [tilespmem:s17+$0x280]  }
0x2a7: {  	v7 =	vld [tilespmem:s17+$0x6680]  }
0x2a8: {  	v4 =	vld [tilespmem:s19+$0x280]  }
0x2a9: {  	v2 =	vld [tilespmem:s19+$0x6680];
	v5 =	vmul.f32 v0, v0  }
0x2aa: {  	v8 =	vimm.f32 $0.0e+00;
	v3 =	vld [tilespmem:s20+$0x280];
	v9 =	vmul.f32 v1, v1  }
0x2ab: {  	v10 =	vadd.f32 v0, v8;
	v12 =	vmul.f32 v6, v6;
	v0 =	vld [tilespmem:s20+$0x6680];
	v11 =	vadd.f32 v5, v8  }
0x2ac: {  	v13 =	vadd.f32 v1, v8;
	v15 =	vmul.f32 v7, v7;
	v14 =	vadd.f32 v9, v8;
	v5 =	vld [tilespmem:s21+$0x280]  }
0x2ad: {  	s6 =	simm.s32 $0xD0;
	s11 =	sor.u32 s24, s23;
	v1 =	vld [tilespmem:s21+$0x6680];
	v8 =	vadd.f32 v6, v10;
	v9 =	vadd.f32 v12, v11;
	v12 =	vmul.f32 v4, v4  }
0x2ae: {  	s1 =	simm.s32 $0x380;
	s0 =	simm.s32 $0x0;
	s15 =	sand.u32 $0x70, s22;
	v10 =	vmul.f32 v2, v2;
	v6 =	vld [tilespmem:s11+$0x280];
	v11 =	vadd.f32 v7, v13;
	v7 =	vadd.f32 v15, v14  }
.LBB2_23:
0x2af: {  	s8 =	sadd.s32 $0xFFFFFFA0, s6;
	s9 =	sadd.s32 $0xFFFFFFB0, s6;
	v4 =	vadd.f32 v4, v8;
	v8 =	vadd.f32 v12, v9;
	v9 =	vmul.f32 v3, v3;
	v12 =	vld [tilespmem:s11+$0x6680];
	s11 =	sor.u32 s18, s15  }
0x2b0: {  	s15 =	sand.u32 $0x7C00, s1;
	s0 =	sadd.s32 $0x7, s0;
	s8 =	sand.u32 $0x70, s8;
	v2 =	vadd.f32 v2, v11;
	v7 =	vadd.f32 v10, v7;
	v10 =	vmul.f32 v0, v0;
	v11 =	vld [tilespmem:s11+$0x280]  }
0x2b1: {  	p0 =	slt.u32 s0, $0xBD;
	s8 =	sor.u32 s15, s8;
	s15 =	sadd.s32 $0x80, s1;
	v3 =	vadd.f32 v3, v4;
	v4 =	vadd.f32 v9, v8;
	v8 =	vmul.f32 v5, v5;
	v9 =	vld [tilespmem:s11+$0x6680]  }
0x2b2: {  	s9 =	sand.u32 $0x70, s9;
	v13 =	vld [tilespmem:s8+$0x280];
	s11 =	sand.u32 $0xFC00, s15;
	v0 =	vadd.f32 v0, v2;
	v2 =	vadd.f32 v10, v7;
	v7 =	vmul.f32 v1, v1  }
0x2b3: {  	v10 =	vld [tilespmem:s8+$0x6680];
	s8 =	sor.u32 s11, s9;
	s9 =	sadd.s32 $0xFFFFFFC0, s6;
	s11 =	sadd.s32 $0x100, s1;
	v3 =	vadd.f32 v5, v3;
	v4 =	vadd.f32 v8, v4;
	v5 =	vmul.f32 v6, v6  }
0x2b4: {  	v8 =	vld [tilespmem:s8+$0x280];
	s9 =	sand.u32 $0x70, s9;
	s11 =	sand.u32 $0xFC00, s11;
	v0 =	vadd.f32 v1, v0;
	v1 =	vadd.f32 v7, v2;
	v2 =	vmul.f32 v12, v12  }
0x2b5: {  	v7 =	vld [tilespmem:s8+$0x6680];
	s8 =	sor.u32 s11, s9;
	s9 =	sadd.s32 $0xFFFFFFD0, s6;
	s11 =	sadd.s32 $0x180, s1;
	v3 =	vadd.f32 v6, v3;
	v5 =	vadd.f32 v5, v4;
	v6 =	vmul.f32 v11, v11  }
0x2b6: {  	v4 =	vld [tilespmem:s8+$0x280];
	s9 =	sand.u32 $0x70, s9;
	s11 =	sand.u32 $0xFC00, s11;
	v0 =	vadd.f32 v12, v0;
	v1 =	vadd.f32 v2, v1;
	v12 =	vmul.f32 v9, v9  }
0x2b7: {  	v14 =	vmul.f32 v13, v13;
	v2 =	vld [tilespmem:s8+$0x6680];
	s8 =	sor.u32 s11, s9;
	s9 =	sadd.s32 $0xFFFFFFE0, s6;
	s11 =	sadd.s32 $0x200, s1;
	v11 =	vadd.f32 v11, v3;
	v5 =	vadd.f32 v6, v5  }
.Ltmp10:
0x2b8: {  	v6 =	vmul.f32 v10, v10;
	v3 =	vld [tilespmem:s8+$0x280];
	s9 =	sand.u32 $0x70, s9;
	s11 =	sand.u32 $0xFC00, s11;
	v9 =	vadd.f32 v9, v0;
	v1 =	vadd.f32 v12, v1;
	(pc) =	sbr.rel @p0 .LBB2_23-.Ltmp10, $4  }
0x2b9: {  	v11 =	vadd.f32 v13, v11;
	v12 =	vadd.f32 v14, v5;
	v13 =	vmul.f32 v8, v8;
	v0 =	vld [tilespmem:s8+$0x6680];
	s8 =	sor.u32 s11, s9;
	s9 =	sadd.s32 $0xFFFFFFF0, s6;
	s11 =	sadd.s32 $0x280, s1  }
0x2ba: {  	v10 =	vadd.f32 v10, v9;
	v6 =	vadd.f32 v6, v1;
	v14 =	vmul.f32 v7, v7;
	v5 =	vld [tilespmem:s8+$0x280];
	s9 =	sand.u32 $0x70, s9;
	s11 =	sand.u32 $0xFC00, s11  }
0x2bb: {  	v8 =	vadd.f32 v8, v11;
	v9 =	vadd.f32 v13, v12;
	v12 =	vmul.f32 v4, v4;
	v1 =	vld [tilespmem:s8+$0x6680];
	s11 =	sor.u32 s11, s9;
	s8 =	sadd.s32 $0x300, s1;
	s1 =	sadd.s32 $0x380, s1  }
0x2bc: {  	s15 =	sand.u32 $0x70, s6;
	s6 =	sadd.s32 $0x70, s6;
	v11 =	vadd.f32 v7, v10;
	v7 =	vadd.f32 v14, v6;
	v10 =	vmul.f32 v2, v2;
	v6 =	vld [tilespmem:s11+$0x280];
	s18 =	sand.u32 $0xFC00, s8  }
0x2bd: {  	v4 =	vadd.f32 v4, v8  }
0x2be: {  	v55 =	vadd.f32 v12, v9;
	v56 =	vmul.f32 v3, v3;
	s0 =	sor.u32 s18, s15  }
0x2bf: {  	v2 =	vadd.f32 v2, v11;
	v57 =	vld [tilespmem:s0+$0x280];
	v3 =	vadd.f32 v3, v4  }
0x2c0: {  	v58 =	vld [tilespmem:s11+$0x6680];
	v7 =	vadd.f32 v10, v7;
	v8 =	vadd.f32 v56, v55;
	v59 =	vmul.f32 v5, v5  }
0x2c1: {  	v2 =	vadd.f32 v0, v2;
	v3 =	vadd.f32 v5, v3  }
0x2c2: {  	v60 =	vld [tilespmem:s0+$0x6680];
	v0 =	vmul.f32 v0, v0;
	v8 =	vadd.f32 v59, v8;
	v61 =	vmul.f32 v6, v6  }
0x2c3: {  	v2 =	vadd.f32 v1, v2;
	v3 =	vadd.f32 v6, v3  }
0x2c4: {  	v0 =	vadd.f32 v0, v7;
	v62 =	vadd.f32 v61, v8;
	v63 =	vmul.f32 v57, v57  }
0x2c5: {  	v1 =	vmul.f32 v1, v1;
	v2 =	vadd.f32 v58, v2;
	v3 =	vadd.f32 v57, v3  }
0x2c6: {  	v6 =	vadd.f32 v63, v62  }
0x2c7: {  	v0 =	vadd.f32 v1, v0;
	v1 =	vmul.f32 v58, v58;
	v2 =	vadd.f32 v60, v2;
	(xrf2) =	vadd.scan.msk.f32 $0xffff, v3  }
0x2c8: {  	(xrf2) =	vadd.scan.msk.f32 $0xffff, v6  }
0x2c9: {  	v0 =	vadd.f32 v1, v0;
	v1 =	vmul.f32 v60, v60;
	(xrf2) =	vadd.scan.msk.f32 $0xffff, v2;
	_ =	sdelay $0x1  }
0x2ca: {  	v0 =	vadd.f32 v1, v0;
	_ =	sdelay $0x1  }
0x2cb: {  	(xrf2) =	vadd.scan.msk.f32 $0xffff, v0;
	_ =	sdelay $0x3  }
0x2cc: {  	v0, _, _ =	vpop (xrf2)  }
0x2cd: {  	v1, _, _ =	vpop (xrf2);
	(v2sf) =	vpush v0, $0xF  }
0x2ce: {  	v0, _, _ =	vpop (xrf2);
	(v2sf) =	vpush v1, $0xF  }
0x2cf: {  	(v2sf) =	vpush v0, $0xF;
	_ =	sdelay $0x2  }
0x2d0: {  	v0, _, _ =	vpop (xrf2)  }
0x2d1: {  	(v2sf) =	vpush v0, $0xF;
	_ =	sdelay $0x8  }
0x2d2: {  	s17 =	spop (v2sf)  }
0x2d3: {  	s1 =	spop (v2sf)  }
0x2d4: {  	s0 =	smul.f32 s17, s17;
	s6 =	spop (v2sf)  }
0x2d5: {  	s16 =	simm.s32 $0x0;
	s8 =	simm.s32 $0x0;
	s6 =	smul.f32 s6, s6  }
0x2d6: {  	s8 =	sand.u32 $0x70, s8;
	s9 =	sand.u32 $0x7C00, s16;
	s0 =	smul.f32 $3.188775440e-04, s0  }
0x2d7: {  	s15 =	sor.u32 s9, s8;
	s6 =	smul.f32 $3.188775440e-04, s6  }
0x2d8: {  	v1 =	vld [tilespmem:s15+$0x6680];
	s18 =	spop (v2sf);
	s0 =	ssub.f32 s1, s0  }
0x2d9: {  	v0 =	vld [tilespmem:s15+$0x280];
	s19 =	ssub.f32 s18, s6  }
0x2da: {  	s0 =	smul.f32 $3.189792620e-04, s0  }
0x2db: {  	s1 =	smul.f32 $3.189792620e-04, s19  }
0x2dc: {  	p0 =	sge.f32 s0, $9.999999770e-03  }
0x2dd: {  	p1 =	sge.f32 s1, $9.999999770e-03  }
0x2de: {  	s20 =	simm.s32 $0x10;
	s21 =	simm.s32 $0x80;
	v2 =	vpsel p0, v0, v1  }
0x2df: {  	s0 =	sand.u32 $0x70, s20;
	s1 =	sand.u32 $0xFC00, s21;
	[tilespmem:s15+$0xCA80] =	vst v2;
	v0 =	vpsel p1, v1, v0  }
0x2e0: {  	s17 =	sor.u32 s1, s0;
	[tilespmem:s15+$0x12E80] =	vst v0  }
0x2e1: {  	v0 =	vld [tilespmem:s17+$0x280]  }
0x2e2: {  	v1 =	vld [tilespmem:s17+$0x6680];
	_ =	sdelay $0x4  }
0x2e3: {  	s22 =	simm.s32 $0x20;
	s23 =	simm.s32 $0x100;
	v2 =	vpsel p0, v0, v1  }
0x2e4: {  	s0 =	sand.u32 $0x70, s22;
	s1 =	sand.u32 $0xFC00, s23;
	v0 =	vpsel p1, v1, v0;
	[tilespmem:s17+$0xCA80] =	vst v2  }
0x2e5: {  	s19 =	sor.u32 s1, s0;
	[tilespmem:s17+$0x12E80] =	vst v0  }
0x2e6: {  	v0 =	vld [tilespmem:s19+$0x280]  }
0x2e7: {  	v1 =	vld [tilespmem:s19+$0x6680];
	_ =	sdelay $0x4  }
0x2e8: {  	s24 =	simm.s32 $0x30;
	s25 =	simm.s32 $0x180;
	v2 =	vpsel p0, v0, v1  }
0x2e9: {  	s0 =	sand.u32 $0x70, s24;
	s1 =	sand.u32 $0xFC00, s25;
	v0 =	vpsel p1, v1, v0;
	[tilespmem:s19+$0xCA80] =	vst v2  }
0x2ea: {  	s20 =	sor.u32 s1, s0;
	[tilespmem:s19+$0x12E80] =	vst v0  }
0x2eb: {  	v0 =	vld [tilespmem:s20+$0x280]  }
0x2ec: {  	v1 =	vld [tilespmem:s20+$0x6680];
	_ =	sdelay $0x4  }
0x2ed: {  	s26 =	simm.s32 $0x40;
	s28 =	simm.s32 $0x200;
	v2 =	vpsel p0, v0, v1  }
0x2ee: {  	s0 =	sand.u32 $0x70, s26;
	s1 =	sand.u32 $0xFC00, s28;
	v0 =	vpsel p1, v1, v0;
	[tilespmem:s20+$0xCA80] =	vst v2  }
0x2ef: {  	s21 =	sor.u32 s1, s0;
	[tilespmem:s20+$0x12E80] =	vst v0  }
0x2f0: {  	v0 =	vld [tilespmem:s21+$0x280]  }
0x2f1: {  	v1 =	vld [tilespmem:s21+$0x6680];
	_ =	sdelay $0x4  }
0x2f2: {  	s29 =	simm.s32 $0x50;
	s30 =	simm.s32 $0x280;
	v2 =	vpsel p0, v0, v1  }
0x2f3: {  	s23 =	sand.u32 $0x70, s29;
	s24 =	sand.u32 $0xFC00, s30;
	v0 =	vpsel p1, v1, v0;
	[tilespmem:s21+$0xCA80] =	vst v2  }
0x2f4: {  	s31 =	simm.s32 $0x300;
	s11 =	sor.u32 s24, s23;
	[tilespmem:s21+$0x12E80] =	vst v0  }
0x2f5: {  	s18 =	sand.u32 $0xFC00, s31;
	s6 =	simm.s32 $0x60;
	s22 =	simm.s32 $0x60;
	v0 =	vld [tilespmem:s11+$0x280]  }
0x2f6: {  	s25 =	simm.s32 $0x60;
	s1 =	simm.s32 $0x0;
	s0 =	smov.u32 s18;
	v1 =	vld [tilespmem:s11+$0x6680]  }
.LBB2_25:
0x2f7: {  	_ = 	snop  }
0x2f8: {  	s1 =	sadd.s32 $0x7, s1;
	s16 =	sadd.s32 $0x380, s16;
	s6 =	sadd.s32 $0x70, s6  }
0x2f9: {  	s8 =	sadd.s32 $0x300, s16;
	p2 =	slt.u32 s1, $0xBD  }
0x2fa: {  	s8 =	sand.u32 $0xFC00, s8  }
0x2fb: {  	v2 =	vpsel p0, v0, v1;
	v0 =	vpsel p1, v1, v0  }
0x2fc: {  	s9 =	sand.u32 $0x70, s25;
	s25 =	smov.u32 s6;
	[tilespmem:s11+$0xCA80] =	vst v2  }
0x2fd: {  	s9 =	sor.u32 s0, s9;
	s0 =	smov.u32 s8;
	[tilespmem:s11+$0x12E80] =	vst v0  }
0x2fe: {  	v0 =	vld [tilespmem:s9+$0x280]  }
0x2ff: {  	v1 =	vld [tilespmem:s9+$0x6680];
	_ =	sdelay $0x4  }
0x300: {  	s8 =	sadd.s32 $0xFFFFFFA0, s6;
	v2 =	vpsel p0, v0, v1;
	v0 =	vpsel p1, v1, v0  }
0x301: {  	s8 =	sand.u32 $0x70, s8;
	s11 =	sand.u32 $0x7C00, s16;
	[tilespmem:s9+$0xCA80] =	vst v2  }
0x302: {  	s8 =	sor.u32 s11, s8;
	[tilespmem:s9+$0x12E80] =	vst v0  }
0x303: {  	v0 =	vld [tilespmem:s8+$0x280]  }
0x304: {  	v1 =	vld [tilespmem:s8+$0x6680];
	_ =	sdelay $0x4  }
0x305: {  	s11 =	sadd.s32 $0x80, s16;
	s9 =	sadd.s32 $0xFFFFFFB0, s6;
	v2 =	vpsel p0, v0, v1;
	v0 =	vpsel p1, v1, v0  }
0x306: {  	s11 =	sand.u32 $0xFC00, s11;
	s9 =	sand.u32 $0x70, s9;
	[tilespmem:s8+$0xCA80] =	vst v2  }
0x307: {  	[tilespmem:s8+$0x12E80] =	vst v0;
	s8 =	sor.u32 s11, s9  }
0x308: {  	v0 =	vld [tilespmem:s8+$0x280]  }
0x309: {  	v1 =	vld [tilespmem:s8+$0x6680];
	_ =	sdelay $0x4  }
0x30a: {  	s9 =	sadd.s32 $0xFFFFFFC0, s6;
	s11 =	sadd.s32 $0x100, s16;
	v2 =	vpsel p0, v0, v1;
	v0 =	vpsel p1, v1, v0  }
0x30b: {  	s9 =	sand.u32 $0x70, s9;
	s11 =	sand.u32 $0xFC00, s11;
	[tilespmem:s8+$0xCA80] =	vst v2  }
0x30c: {  	[tilespmem:s8+$0x12E80] =	vst v0;
	s8 =	sor.u32 s11, s9  }
0x30d: {  	v0 =	vld [tilespmem:s8+$0x280]  }
0x30e: {  	v1 =	vld [tilespmem:s8+$0x6680];
	_ =	sdelay $0x4  }
0x30f: {  	s9 =	sadd.s32 $0xFFFFFFD0, s6;
	s11 =	sadd.s32 $0x180, s16;
	v2 =	vpsel p0, v0, v1;
	v0 =	vpsel p1, v1, v0  }
0x310: {  	s9 =	sand.u32 $0x70, s9;
	s11 =	sand.u32 $0xFC00, s11;
	[tilespmem:s8+$0xCA80] =	vst v2  }
0x311: {  	[tilespmem:s8+$0x12E80] =	vst v0;
	s8 =	sor.u32 s11, s9  }
0x312: {  	v0 =	vld [tilespmem:s8+$0x280]  }
0x313: {  	v1 =	vld [tilespmem:s8+$0x6680];
	_ =	sdelay $0x4  }
0x314: {  	s9 =	sadd.s32 $0xFFFFFFE0, s6;
	s11 =	sadd.s32 $0x200, s16;
	v2 =	vpsel p0, v0, v1;
	v0 =	vpsel p1, v1, v0  }
0x315: {  	s9 =	sand.u32 $0x70, s9;
	s11 =	sand.u32 $0xFC00, s11;
	[tilespmem:s8+$0xCA80] =	vst v2  }
0x316: {  	[tilespmem:s8+$0x12E80] =	vst v0;
	s8 =	sor.u32 s11, s9  }
0x317: {  	v0 =	vld [tilespmem:s8+$0x280]  }
0x318: {  	v1 =	vld [tilespmem:s8+$0x6680];
	_ =	sdelay $0x4  }
.Ltmp11:
0x319: {  	s9 =	sadd.s32 $0xFFFFFFF0, s6;
	s11 =	sadd.s32 $0x280, s16;
	v2 =	vpsel p0, v0, v1;
	v0 =	vpsel p1, v1, v0;
	(pc) =	sbr.rel @p2 .LBB2_25-.Ltmp11, $4  }
0x31a: {  	s9 =	sand.u32 $0x70, s9;
	s11 =	sand.u32 $0xFC00, s11;
	[tilespmem:s8+$0xCA80] =	vst v2  }
0x31b: {  	s11 =	sor.u32 s11, s9;
	[tilespmem:s8+$0x12E80] =	vst v0  }
0x31c: {  	v0 =	vld [tilespmem:s11+$0x280]  }
0x31d: {  	v1 =	vld [tilespmem:s11+$0x6680]  }
0x31e: {  	_ =	sdelay $0x3  }
0x31f: {  	v2 =	vpsel p0, v0, v1  }
0x320: {  	s1 =	sand.u32 $0x70, s25;
	v0 =	vpsel p1, v1, v0;
	[tilespmem:s11+$0xCA80] =	vst v2  }
0x321: {  	s0 =	sor.u32 s0, s1;
	[tilespmem:s11+$0x12E80] =	vst v0  }
0x322: {  	v0 =	vld [tilespmem:s0+$0x280]  }
0x323: {  	v1 =	vld [tilespmem:s0+$0x6680];
	_ =	sdelay $0x4  }
0x324: {  	v2 =	vpsel p0, v0, v1  }
0x325: {  	v0 =	vpsel p1, v1, v0;
	[tilespmem:s0+$0xCA80] =	vst v2  }
0x326: {  	[tilespmem:s0+$0x12E80] =	vst v0  }
0x327: {  	v0 =	vld [tilespmem:s15+$0x300]  }
0x328: {  	v1 =	vld [tilespmem:s15+$0x6700]  }
0x329: {  	v6 =	vld [tilespmem:s17+$0x300]  }
0x32a: {  	v7 =	vld [tilespmem:s17+$0x6700]  }
0x32b: {  	v4 =	vld [tilespmem:s19+$0x300]  }
0x32c: {  	v2 =	vld [tilespmem:s19+$0x6700];
	v5 =	vmul.f32 v0, v0  }
0x32d: {  	v8 =	vimm.f32 $0.0e+00;
	v3 =	vld [tilespmem:s20+$0x300];
	v9 =	vmul.f32 v1, v1  }
0x32e: {  	v10 =	vadd.f32 v0, v8;
	v12 =	vmul.f32 v6, v6;
	v0 =	vld [tilespmem:s20+$0x6700];
	v11 =	vadd.f32 v5, v8  }
0x32f: {  	v13 =	vadd.f32 v1, v8;
	v15 =	vmul.f32 v7, v7;
	v14 =	vadd.f32 v9, v8;
	v5 =	vld [tilespmem:s21+$0x300]  }
0x330: {  	s6 =	simm.s32 $0xD0;
	s11 =	sor.u32 s24, s23;
	v1 =	vld [tilespmem:s21+$0x6700];
	v8 =	vadd.f32 v6, v10;
	v9 =	vadd.f32 v12, v11;
	v12 =	vmul.f32 v4, v4  }
0x331: {  	s1 =	simm.s32 $0x380;
	s0 =	simm.s32 $0x0;
	s15 =	sand.u32 $0x70, s22;
	v10 =	vmul.f32 v2, v2;
	v6 =	vld [tilespmem:s11+$0x300];
	v11 =	vadd.f32 v7, v13;
	v7 =	vadd.f32 v15, v14  }
.LBB2_27:
0x332: {  	s8 =	sadd.s32 $0xFFFFFFA0, s6;
	s9 =	sadd.s32 $0xFFFFFFB0, s6;
	v4 =	vadd.f32 v4, v8;
	v8 =	vadd.f32 v12, v9;
	v9 =	vmul.f32 v3, v3;
	v12 =	vld [tilespmem:s11+$0x6700];
	s11 =	sor.u32 s18, s15  }
0x333: {  	s15 =	sand.u32 $0x7C00, s1;
	s0 =	sadd.s32 $0x7, s0;
	s8 =	sand.u32 $0x70, s8;
	v2 =	vadd.f32 v2, v11;
	v7 =	vadd.f32 v10, v7;
	v10 =	vmul.f32 v0, v0;
	v11 =	vld [tilespmem:s11+$0x300]  }
0x334: {  	p0 =	slt.u32 s0, $0xBD;
	s8 =	sor.u32 s15, s8;
	s15 =	sadd.s32 $0x80, s1;
	v3 =	vadd.f32 v3, v4;
	v4 =	vadd.f32 v9, v8;
	v8 =	vmul.f32 v5, v5;
	v9 =	vld [tilespmem:s11+$0x6700]  }
0x335: {  	s9 =	sand.u32 $0x70, s9;
	v13 =	vld [tilespmem:s8+$0x300];
	s11 =	sand.u32 $0xFC00, s15;
	v0 =	vadd.f32 v0, v2;
	v2 =	vadd.f32 v10, v7;
	v7 =	vmul.f32 v1, v1  }
0x336: {  	v10 =	vld [tilespmem:s8+$0x6700];
	s8 =	sor.u32 s11, s9;
	s9 =	sadd.s32 $0xFFFFFFC0, s6;
	s11 =	sadd.s32 $0x100, s1;
	v3 =	vadd.f32 v5, v3;
	v4 =	vadd.f32 v8, v4;
	v5 =	vmul.f32 v6, v6  }
0x337: {  	v8 =	vld [tilespmem:s8+$0x300];
	s9 =	sand.u32 $0x70, s9;
	s11 =	sand.u32 $0xFC00, s11;
	v0 =	vadd.f32 v1, v0;
	v1 =	vadd.f32 v7, v2;
	v2 =	vmul.f32 v12, v12  }
0x338: {  	v7 =	vld [tilespmem:s8+$0x6700];
	s8 =	sor.u32 s11, s9;
	s9 =	sadd.s32 $0xFFFFFFD0, s6;
	s11 =	sadd.s32 $0x180, s1;
	v3 =	vadd.f32 v6, v3;
	v5 =	vadd.f32 v5, v4;
	v6 =	vmul.f32 v11, v11  }
0x339: {  	v4 =	vld [tilespmem:s8+$0x300];
	s9 =	sand.u32 $0x70, s9;
	s11 =	sand.u32 $0xFC00, s11;
	v0 =	vadd.f32 v12, v0;
	v1 =	vadd.f32 v2, v1;
	v12 =	vmul.f32 v9, v9  }
0x33a: {  	v14 =	vmul.f32 v13, v13;
	v2 =	vld [tilespmem:s8+$0x6700];
	s8 =	sor.u32 s11, s9;
	s9 =	sadd.s32 $0xFFFFFFE0, s6;
	s11 =	sadd.s32 $0x200, s1;
	v11 =	vadd.f32 v11, v3;
	v5 =	vadd.f32 v6, v5  }
.Ltmp12:
0x33b: {  	v6 =	vmul.f32 v10, v10;
	v3 =	vld [tilespmem:s8+$0x300];
	s9 =	sand.u32 $0x70, s9;
	s11 =	sand.u32 $0xFC00, s11;
	v9 =	vadd.f32 v9, v0;
	v1 =	vadd.f32 v12, v1;
	(pc) =	sbr.rel @p0 .LBB2_27-.Ltmp12, $4  }
0x33c: {  	v11 =	vadd.f32 v13, v11;
	v12 =	vadd.f32 v14, v5;
	v13 =	vmul.f32 v8, v8;
	v0 =	vld [tilespmem:s8+$0x6700];
	s8 =	sor.u32 s11, s9;
	s9 =	sadd.s32 $0xFFFFFFF0, s6;
	s11 =	sadd.s32 $0x280, s1  }
0x33d: {  	v10 =	vadd.f32 v10, v9;
	v6 =	vadd.f32 v6, v1;
	v14 =	vmul.f32 v7, v7;
	v5 =	vld [tilespmem:s8+$0x300];
	s9 =	sand.u32 $0x70, s9;
	s11 =	sand.u32 $0xFC00, s11  }
0x33e: {  	v8 =	vadd.f32 v8, v11;
	v9 =	vadd.f32 v13, v12;
	v12 =	vmul.f32 v4, v4;
	v1 =	vld [tilespmem:s8+$0x6700];
	s11 =	sor.u32 s11, s9;
	s8 =	sadd.s32 $0x300, s1;
	s1 =	sadd.s32 $0x380, s1  }
0x33f: {  	s15 =	sand.u32 $0x70, s6;
	s6 =	sadd.s32 $0x70, s6;
	v11 =	vadd.f32 v7, v10;
	v7 =	vadd.f32 v14, v6;
	v10 =	vmul.f32 v2, v2;
	v6 =	vld [tilespmem:s11+$0x300];
	s18 =	sand.u32 $0xFC00, s8  }
0x340: {  	v4 =	vadd.f32 v4, v8  }
0x341: {  	v55 =	vadd.f32 v12, v9;
	v56 =	vmul.f32 v3, v3;
	s0 =	sor.u32 s18, s15  }
0x342: {  	v2 =	vadd.f32 v2, v11;
	v57 =	vld [tilespmem:s0+$0x300];
	v3 =	vadd.f32 v3, v4  }
0x343: {  	v58 =	vld [tilespmem:s11+$0x6700];
	v7 =	vadd.f32 v10, v7;
	v8 =	vadd.f32 v56, v55;
	v59 =	vmul.f32 v5, v5  }
0x344: {  	v2 =	vadd.f32 v0, v2;
	v3 =	vadd.f32 v5, v3  }
0x345: {  	v60 =	vld [tilespmem:s0+$0x6700];
	v0 =	vmul.f32 v0, v0;
	v8 =	vadd.f32 v59, v8;
	v61 =	vmul.f32 v6, v6  }
0x346: {  	v2 =	vadd.f32 v1, v2;
	v3 =	vadd.f32 v6, v3  }
0x347: {  	v0 =	vadd.f32 v0, v7;
	v62 =	vadd.f32 v61, v8;
	v63 =	vmul.f32 v57, v57  }
0x348: {  	v1 =	vmul.f32 v1, v1;
	v2 =	vadd.f32 v58, v2;
	v3 =	vadd.f32 v57, v3  }
0x349: {  	v6 =	vadd.f32 v63, v62  }
0x34a: {  	v0 =	vadd.f32 v1, v0;
	v1 =	vmul.f32 v58, v58;
	v2 =	vadd.f32 v60, v2;
	(xrf2) =	vadd.scan.msk.f32 $0xffff, v3  }
0x34b: {  	(xrf2) =	vadd.scan.msk.f32 $0xffff, v6  }
0x34c: {  	v0 =	vadd.f32 v1, v0;
	v1 =	vmul.f32 v60, v60;
	(xrf2) =	vadd.scan.msk.f32 $0xffff, v2;
	_ =	sdelay $0x1  }
0x34d: {  	v0 =	vadd.f32 v1, v0;
	_ =	sdelay $0x1  }
0x34e: {  	(xrf2) =	vadd.scan.msk.f32 $0xffff, v0;
	_ =	sdelay $0x3  }
0x34f: {  	v0, _, _ =	vpop (xrf2)  }
0x350: {  	v1, _, _ =	vpop (xrf2);
	(v2sf) =	vpush v0, $0xF  }
0x351: {  	v0, _, _ =	vpop (xrf2);
	(v2sf) =	vpush v1, $0xF  }
0x352: {  	(v2sf) =	vpush v0, $0xF;
	_ =	sdelay $0x2  }
0x353: {  	v0, _, _ =	vpop (xrf2)  }
0x354: {  	(v2sf) =	vpush v0, $0xF;
	_ =	sdelay $0x8  }
0x355: {  	s26 =	spop (v2sf)  }
0x356: {  	s1 =	spop (v2sf)  }
0x357: {  	s0 =	smul.f32 s26, s26;
	s6 =	spop (v2sf)  }
0x358: {  	s8 =	simm.s32 $0x0;
	s26 =	simm.s32 $0x0;
	s6 =	smul.f32 s6, s6  }
0x359: {  	s8 =	sand.u32 $0x70, s8;
	s9 =	sand.u32 $0x7C00, s26;
	s0 =	smul.f32 $3.188775440e-04, s0  }
0x35a: {  	s8 =	sor.u32 s9, s8;
	s6 =	smul.f32 $3.188775440e-04, s6  }
0x35b: {  	s28 =	spop (v2sf);
	v0 =	vld [tilespmem:s8+$0x300];
	s0 =	ssub.f32 s1, s0  }
0x35c: {  	v1 =	vld [tilespmem:s8+$0x6700];
	s6 =	ssub.f32 s28, s6  }
0x35d: {  	s0 =	smul.f32 $3.189792620e-04, s0  }
0x35e: {  	s1 =	smul.f32 $3.189792620e-04, s6  }
0x35f: {  	p1 =	sge.f32 s0, $9.999999770e-03  }
0x360: {  	p0 =	sge.f32 s1, $9.999999770e-03  }
0x361: {  	s11 =	simm.s32 $0x80;
	s9 =	simm.s32 $0x10;
	v2 =	vpsel p1, v0, v1  }
0x362: {  	s0 =	sand.u32 $0x70, s9;
	s1 =	sand.u32 $0xFC00, s11;
	[tilespmem:s8+$0xCB00] =	vst v2;
	v0 =	vpsel p0, v1, v0  }
0x363: {  	s0 =	sor.u32 s1, s0;
	[tilespmem:s8+$0x12F00] =	vst v0  }
0x364: {  	v0 =	vld [tilespmem:s0+$0x300]  }
0x365: {  	v1 =	vld [tilespmem:s0+$0x6700];
	_ =	sdelay $0x4  }
0x366: {  	s15 =	simm.s32 $0x20;
	s16 =	simm.s32 $0x100;
	v2 =	vpsel p1, v0, v1  }
0x367: {  	s6 =	sand.u32 $0xFC00, s16;
	s1 =	sand.u32 $0x70, s15;
	v0 =	vpsel p0, v1, v0;
	[tilespmem:s0+$0xCB00] =	vst v2  }
0x368: {  	s17 =	sor.u32 s6, s1;
	[tilespmem:s0+$0x12F00] =	vst v0  }
0x369: {  	v0 =	vld [tilespmem:s17+$0x300]  }
0x36a: {  	v1 =	vld [tilespmem:s17+$0x6700];
	_ =	sdelay $0x4  }
0x36b: {  	s18 =	simm.s32 $0x30;
	s19 =	simm.s32 $0x180;
	v2 =	vpsel p1, v0, v1  }
0x36c: {  	s1 =	sand.u32 $0x70, s18;
	s6 =	sand.u32 $0xFC00, s19;
	v0 =	vpsel p0, v1, v0;
	[tilespmem:s17+$0xCB00] =	vst v2  }
0x36d: {  	s20 =	sor.u32 s6, s1;
	[tilespmem:s17+$0x12F00] =	vst v0  }
0x36e: {  	v0 =	vld [tilespmem:s20+$0x300]  }
0x36f: {  	v1 =	vld [tilespmem:s20+$0x6700];
	_ =	sdelay $0x4  }
0x370: {  	s21 =	simm.s32 $0x40;
	s22 =	simm.s32 $0x200;
	v2 =	vpsel p1, v0, v1  }
0x371: {  	s1 =	sand.u32 $0x70, s21;
	s6 =	sand.u32 $0xFC00, s22;
	v0 =	vpsel p0, v1, v0;
	[tilespmem:s20+$0xCB00] =	vst v2  }
0x372: {  	s23 =	sor.u32 s6, s1;
	[tilespmem:s20+$0x12F00] =	vst v0  }
0x373: {  	v0 =	vld [tilespmem:s23+$0x300]  }
0x374: {  	v1 =	vld [tilespmem:s23+$0x6700];
	_ =	sdelay $0x2  }
0x375: {  	s29 =	simm.s32 $0x60  }
0x376: {  	s30 =	simm.s32 $0x0;
	s24 =	simm.s32 $0x50;
	s28 =	simm.s32 $0x300  }
0x377: {  	s25 =	simm.s32 $0x280;
	s31 =	sand.u32 $0xFC00, s28;
	s16 =	simm.s32 $0x80;
	v2 =	vpsel p1, v0, v1  }
0x378: {  	s15 =	simm.s32 $0x2;
	s1 =	sand.u32 $0x70, s24;
	s6 =	sand.u32 $0xFC00, s25;
	v0 =	vpsel p0, v1, v0;
	[tilespmem:s23+$0xCB00] =	vst v2  }
0x379: {  	s18 =	simm.s32 $0x3;
	s19 =	simm.s32 $0x100;
	s6 =	sor.u32 s6, s1;
	[tilespmem:s23+$0x12F00] =	vst v0  }
0x37a: {  	s21 =	simm.s32 $0x200;
	s22 =	simm.s32 $0x4;
	s24 =	simm.s32 $0x6;
	v0 =	vld [tilespmem:s6+$0x300]  }
0x37b: {  	s25 =	simm.s32 $0x280;
	s1 =	simm.s32 $0x0;
	s0 =	simm.s32 $0x60;
	v1 =	vld [tilespmem:s6+$0x6700]  }
0x37c: {  	s17 =	simm.s32 $0x180;
	s20 =	simm.s32 $0x5;
	s23 =	simm.s32 $0x300  }
.LBB2_29:
0x37d: {  	s30 =	sadd.s32 $0x7, s30;
	s1 =	sadd.s32 $0x380, s1;
	s29 =	sadd.s32 $0x70, s29  }
0x37e: {  	s8 =	sadd.s32 $0x300, s1;
	p2 =	slt.u32 s30, $0xBD  }
0x37f: {  	s8 =	sand.u32 $0xFC00, s8  }
0x380: {  	v2 =	vpsel p1, v0, v1;
	v0 =	vpsel p0, v1, v0  }
0x381: {  	s9 =	sand.u32 $0x70, s0;
	s0 =	smov.u32 s29;
	[tilespmem:s6+$0xCB00] =	vst v2  }
0x382: {  	[tilespmem:s6+$0x12F00] =	vst v0;
	s6 =	sor.u32 s31, s9;
	s31 =	smov.u32 s8  }
0x383: {  	v0 =	vld [tilespmem:s6+$0x300]  }
0x384: {  	v1 =	vld [tilespmem:s6+$0x6700];
	_ =	sdelay $0x4  }
0x385: {  	s8 =	sadd.s32 $0xFFFFFFA0, s29;
	v2 =	vpsel p1, v0, v1;
	v0 =	vpsel p0, v1, v0  }
0x386: {  	s9 =	sand.u32 $0x7C00, s1;
	s8 =	sand.u32 $0x70, s8;
	[tilespmem:s6+$0xCB00] =	vst v2  }
0x387: {  	s8 =	sor.u32 s9, s8;
	[tilespmem:s6+$0x12F00] =	vst v0  }
0x388: {  	v0 =	vld [tilespmem:s8+$0x300]  }
0x389: {  	v1 =	vld [tilespmem:s8+$0x6700];
	_ =	sdelay $0x4  }
0x38a: {  	s9 =	sadd.s32 $0x80, s1;
	s6 =	sadd.s32 $0xFFFFFFB0, s29;
	v2 =	vpsel p1, v0, v1;
	v0 =	vpsel p0, v1, v0  }
0x38b: {  	s9 =	sand.u32 $0xFC00, s9;
	s6 =	sand.u32 $0x70, s6;
	[tilespmem:s8+$0xCB00] =	vst v2  }
0x38c: {  	s6 =	sor.u32 s9, s6;
	[tilespmem:s8+$0x12F00] =	vst v0  }
0x38d: {  	v0 =	vld [tilespmem:s6+$0x300]  }
0x38e: {  	v1 =	vld [tilespmem:s6+$0x6700];
	_ =	sdelay $0x4  }
0x38f: {  	s9 =	sadd.s32 $0x100, s1;
	s8 =	sadd.s32 $0xFFFFFFC0, s29;
	v2 =	vpsel p1, v0, v1;
	v0 =	vpsel p0, v1, v0  }
0x390: {  	s9 =	sand.u32 $0xFC00, s9;
	s8 =	sand.u32 $0x70, s8;
	[tilespmem:s6+$0xCB00] =	vst v2  }
0x391: {  	[tilespmem:s6+$0x12F00] =	vst v0;
	s6 =	sor.u32 s9, s8  }
0x392: {  	v0 =	vld [tilespmem:s6+$0x300]  }
0x393: {  	v1 =	vld [tilespmem:s6+$0x6700];
	_ =	sdelay $0x4  }
0x394: {  	s8 =	sadd.s32 $0xFFFFFFD0, s29;
	s9 =	sadd.s32 $0x180, s1;
	v2 =	vpsel p1, v0, v1;
	v0 =	vpsel p0, v1, v0  }
0x395: {  	s8 =	sand.u32 $0x70, s8;
	s9 =	sand.u32 $0xFC00, s9;
	[tilespmem:s6+$0xCB00] =	vst v2  }
0x396: {  	[tilespmem:s6+$0x12F00] =	vst v0;
	s6 =	sor.u32 s9, s8  }
0x397: {  	v0 =	vld [tilespmem:s6+$0x300]  }
0x398: {  	v1 =	vld [tilespmem:s6+$0x6700];
	_ =	sdelay $0x4  }
0x399: {  	s8 =	sadd.s32 $0xFFFFFFE0, s29;
	s9 =	sadd.s32 $0x200, s1;
	v2 =	vpsel p1, v0, v1;
	v0 =	vpsel p0, v1, v0  }
0x39a: {  	s8 =	sand.u32 $0x70, s8;
	s9 =	sand.u32 $0xFC00, s9;
	[tilespmem:s6+$0xCB00] =	vst v2  }
0x39b: {  	[tilespmem:s6+$0x12F00] =	vst v0;
	s6 =	sor.u32 s9, s8  }
0x39c: {  	v0 =	vld [tilespmem:s6+$0x300]  }
0x39d: {  	v1 =	vld [tilespmem:s6+$0x6700];
	_ =	sdelay $0x4  }
0x39e: {  	s28 =	simm.s32 $0x1;
	s8 =	sadd.s32 $0xFFFFFFF0, s29;
	s9 =	sadd.s32 $0x280, s1;
	v2 =	vpsel p1, v0, v1;
	v0 =	vpsel p0, v1, v0  }
.Ltmp13:
0x39f: {  	s8 =	sand.u32 $0x70, s8;
	s9 =	sand.u32 $0xFC00, s9;
	[tilespmem:s6+$0xCB00] =	vst v2;
	(pc) =	sbr.rel @p2 .LBB2_29-.Ltmp13, $3  }
0x3a0: {  	[tilespmem:s6+$0x12F00] =	vst v0;
	s6 =	sor.u32 s9, s8  }
0x3a1: {  	v0 =	vld [tilespmem:s6+$0x300]  }
0x3a2: {  	v1 =	vld [tilespmem:s6+$0x6700];
	_ =	sdelay $0x1  }
0x3a3: {  	_ =	sdelay $0x2  }
0x3a4: {  	v2 =	vpsel p1, v0, v1  }
0x3a5: {  	s0 =	sand.u32 $0x70, s0;
	v0 =	vpsel p0, v1, v0;
	[tilespmem:s6+$0xCB00] =	vst v2  }
0x3a6: {  	s0 =	sor.u32 s31, s0;
	[tilespmem:s6+$0x12F00] =	vst v0  }
0x3a7: {  	v0 =	vld [tilespmem:s0+$0x300]  }
0x3a8: {  	v1 =	vld [tilespmem:s0+$0x6700];
	_ =	sdelay $0x3  }
0x3a9: {  	s1 =	sand.u32 $0x7, s26  }
0x3aa: {  	s1 =	sshll.u32 s1, $0x4;
	v2 =	vpsel p1, v0, v1  }
0x3ab: {  	s31 =	sand.u32 $0x7, s28;
	s1 =	sadd.s32 $0x0, s1;
	v0 =	vpsel p0, v1, v0;
	[tilespmem:s0+$0xCB00] =	vst v2  }
0x3ac: {  	s8 =	sshll.u32 s31, $0x4;
	s1 =	sor.u32 $0x380, s1;
	[tilespmem:s0+$0x12F00] =	vst v0  }
0x3ad: {  	s9 =	sand.u32 $0x7, s15;
	s0 =	sadd.s32 $0x80, s8;
	v1 =	vld [tilespmem:s1+$0x0]  }
0x3ae: {  	s6 =	sshll.u32 s9, $0x4;
	v4 =	vld [tilespmem:s1+$0x6400];
	s0 =	sor.u32 $0x380, s0  }
0x3af: {  	s11 =	sand.u32 $0x7, s18;
	s6 =	sadd.s32 $0x100, s6;
	v6 =	vld [tilespmem:s0+$0x0]  }
0x3b0: {  	s26 =	sor.u32 $0x380, s6;
	s1 =	sshll.u32 s11, $0x4;
	v7 =	vld [tilespmem:s0+$0x6400]  }
0x3b1: {  	s29 =	sand.u32 $0x7, s22;
	v0 =	vld [tilespmem:s26+$0x6400];
	s1 =	sadd.s32 $0x180, s1  }
0x3b2: {  	s6 =	sshll.u32 s29, $0x4;
	v2 =	vld [tilespmem:s26+$0x0];
	s30 =	sor.u32 $0x380, s1;
	v5 =	vmul.f32 v1, v1  }
0x3b3: {  	v8 =	vimm.f32 $0.0e+00;
	s31 =	sand.u32 $0x7, s20;
	s6 =	sadd.s32 $0x200, s6;
	v3 =	vld [tilespmem:s30+$0x0];
	v9 =	vmul.f32 v4, v4  }
0x3b4: {  	s6 =	sor.u32 $0x380, s6;
	s1 =	sshll.u32 s31, $0x4;
	v10 =	vadd.f32 v1, v8;
	v1 =	vld [tilespmem:s30+$0x6400];
	v12 =	vmul.f32 v6, v6;
	v11 =	vadd.f32 v5, v8  }
0x3b5: {  	s8 =	sand.u32 $0x7, s24;
	s1 =	sadd.s32 $0x280, s1;
	v13 =	vadd.f32 v4, v8;
	v4 =	vld [tilespmem:s6+$0x6400];
	v15 =	vmul.f32 v7, v7;
	v14 =	vadd.f32 v9, v8  }
0x3b6: {  	s8 =	sshll.u32 s8, $0x4;
	s0 =	simm.s32 $0x0;
	s11 =	sor.u32 $0x380, s1;
	v5 =	vld [tilespmem:s6+$0x0];
	v8 =	vadd.f32 v6, v10;
	v10 =	vmul.f32 v0, v0;
	v9 =	vadd.f32 v12, v11  }
0x3b7: {  	s26 =	sadd.s32 $0x300, s8;
	s1 =	simm.s32 $0x380;
	v6 =	vld [tilespmem:s11+$0x0];
	s6 =	simm.s32 $0x7;
	v12 =	vmul.f32 v2, v2;
	v11 =	vadd.f32 v7, v13;
	v7 =	vadd.f32 v15, v14  }
.LBB2_31:
0x3b8: {  	s8 =	sand.u32 $0x7, s6  }
0x3b9: {  	v2 =	vadd.f32 v2, v8;
	v8 =	vadd.f32 v12, v9;
	v9 =	vmul.f32 v3, v3;
	v12 =	vld [tilespmem:s11+$0x6400];
	s9 =	sor.u32 $0x380, s26;
	s15 =	sadd.s32 $0x7, s15;
	s0 =	sadd.s32 $0x7, s0  }
0x3ba: {  	s28 =	sadd.s32 $0x7, s28;
	s16 =	sadd.s32 $0x380, s16;
	s8 =	sshll.u32 s8, $0x4;
	v0 =	vadd.f32 v0, v11;
	v7 =	vadd.f32 v10, v7;
	v10 =	vmul.f32 v1, v1;
	v11 =	vld [tilespmem:s9+$0x0]  }
0x3bb: {  	s11 =	sand.u32 $0x7, s28;
	p0 =	slt.u32 s0, $0xBD;
	s8 =	sadd.s32 s8, s1;
	v2 =	vadd.f32 v3, v2;
	v3 =	vadd.f32 v9, v8;
	v8 =	vmul.f32 v5, v5;
	v9 =	vld [tilespmem:s9+$0x6400]  }
0x3bc: {  	s18 =	sadd.s32 $0x7, s18;
	s9 =	sshll.u32 s11, $0x4;
	s8 =	sor.u32 $0x380, s8;
	v0 =	vadd.f32 v1, v0;
	v1 =	vadd.f32 v10, v7;
	v7 =	vmul.f32 v4, v4  }
0x3bd: {  	s19 =	sadd.s32 $0x380, s19;
	s11 =	sand.u32 $0x7, s15;
	s9 =	sadd.s32 s9, s16;
	v10 =	vld [tilespmem:s8+$0x0];
	v2 =	vadd.f32 v5, v2;
	v3 =	vadd.f32 v8, v3;
	v5 =	vmul.f32 v6, v6  }
0x3be: {  	s22 =	sadd.s32 $0x7, s22;
	s11 =	sshll.u32 s11, $0x4;
	v8 =	vld [tilespmem:s8+$0x6400];
	s8 =	sor.u32 $0x380, s9;
	v0 =	vadd.f32 v4, v0;
	v1 =	vadd.f32 v7, v1;
	v4 =	vmul.f32 v12, v12  }
0x3bf: {  	s17 =	sadd.s32 $0x380, s17;
	s11 =	sadd.s32 s11, s19;
	s9 =	sand.u32 $0x7, s18;
	v7 =	vld [tilespmem:s8+$0x0];
	v6 =	vadd.f32 v6, v2;
	v3 =	vadd.f32 v5, v3;
	v5 =	vmul.f32 v11, v11  }
0x3c0: {  	s20 =	sadd.s32 $0x7, s20;
	s9 =	sshll.u32 s9, $0x4;
	v13 =	vld [tilespmem:s8+$0x6400];
	s8 =	sor.u32 $0x380, s11;
	v12 =	vadd.f32 v12, v0;
	v1 =	vadd.f32 v4, v1;
	v4 =	vmul.f32 v9, v9  }
0x3c1: {  	s21 =	sadd.s32 $0x380, s21;
	s11 =	sand.u32 $0x7, s22;
	s9 =	sadd.s32 s9, s17;
	v2 =	vld [tilespmem:s8+$0x0];
	v6 =	vadd.f32 v11, v6;
	v5 =	vadd.f32 v5, v3  }
0x3c2: {  	s24 =	sadd.s32 $0x7, s24;
	s11 =	sshll.u32 s11, $0x4;
	v11 =	vmul.f32 v10, v10;
	v0 =	vld [tilespmem:s8+$0x6400];
	s8 =	sor.u32 $0x380, s9;
	v9 =	vadd.f32 v9, v12;
	v4 =	vadd.f32 v4, v1  }
.Ltmp14:
0x3c3: {  	s9 =	sand.u32 $0x7, s20;
	s11 =	sadd.s32 s11, s21;
	v12 =	vmul.f32 v8, v8;
	v3 =	vld [tilespmem:s8+$0x0];
	(pc) =	sbr.rel @p0 .LBB2_31-.Ltmp14, $4  }
0x3c4: {  	s25 =	sadd.s32 $0x380, s25;
	s9 =	sshll.u32 s9, $0x4;
	v6 =	vadd.f32 v10, v6;
	v10 =	vadd.f32 v11, v5;
	v11 =	vmul.f32 v7, v7;
	v1 =	vld [tilespmem:s8+$0x6400];
	s8 =	sor.u32 $0x380, s11  }
0x3c5: {  	s11 =	sand.u32 $0x7, s24;
	s9 =	sadd.s32 s9, s25;
	v14 =	vadd.f32 v8, v9;
	v15 =	vadd.f32 v12, v4;
	v16 =	vmul.f32 v13, v13;
	v5 =	vld [tilespmem:s8+$0x0]  }
0x3c6: {  	s23 =	sadd.s32 $0x380, s23;
	s26 =	sshll.u32 s11, $0x4;
	v8 =	vadd.f32 v7, v6;
	s11 =	sor.u32 $0x380, s9;
	v9 =	vadd.f32 v11, v10;
	v12 =	vmul.f32 v2, v2;
	v4 =	vld [tilespmem:s8+$0x6400]  }
0x3c7: {  	s6 =	sadd.s32 $0x7, s6;
	s1 =	sadd.s32 $0x380, s1;
	s26 =	sadd.s32 s26, s23;
	v11 =	vadd.f32 v13, v14;
	v7 =	vadd.f32 v16, v15;
	v10 =	vmul.f32 v0, v0;
	v6 =	vld [tilespmem:s11+$0x0]  }
0x3c8: {  	v2 =	vadd.f32 v2, v8  }
0x3c9: {  	v55 =	vadd.f32 v12, v9;
	v56 =	vmul.f32 v3, v3;
	s0 =	sor.u32 $0x380, s26  }
0x3ca: {  	v0 =	vadd.f32 v0, v11;
	v57 =	vld [tilespmem:s0+$0x0];
	v2 =	vadd.f32 v3, v2  }
0x3cb: {  	v7 =	vadd.f32 v10, v7;
	v3 =	vld [tilespmem:s11+$0x6400];
	v8 =	vadd.f32 v56, v55;
	v58 =	vmul.f32 v5, v5  }
0x3cc: {  	v0 =	vadd.f32 v1, v0;
	v2 =	vadd.f32 v5, v2  }
0x3cd: {  	v59 =	vld [tilespmem:s0+$0x6400];
	v1 =	vmul.f32 v1, v1;
	v8 =	vadd.f32 v58, v8;
	v60 =	vmul.f32 v6, v6  }
0x3ce: {  	v0 =	vadd.f32 v4, v0;
	v2 =	vadd.f32 v6, v2  }
0x3cf: {  	v1 =	vadd.f32 v1, v7;
	v61 =	vadd.f32 v60, v8;
	v62 =	vmul.f32 v57, v57  }
0x3d0: {  	v63 =	vmul.f32 v4, v4;
	v0 =	vadd.f32 v3, v0;
	v2 =	vadd.f32 v57, v2  }
0x3d1: {  	v6 =	vadd.f32 v62, v61  }
0x3d2: {  	v1 =	vadd.f32 v63, v1;
	v3 =	vmul.f32 v3, v3;
	v0 =	vadd.f32 v59, v0;
	(xrf2) =	vadd.scan.msk.f32 $0xffff, v2  }
0x3d3: {  	(xrf2) =	vadd.scan.msk.f32 $0xffff, v6  }
0x3d4: {  	v1 =	vadd.f32 v3, v1;
	v2 =	vmul.f32 v59, v59;
	(xrf2) =	vadd.scan.msk.f32 $0xffff, v0;
	_ =	sdelay $0x1  }
0x3d5: {  	v0 =	vadd.f32 v2, v1;
	_ =	sdelay $0x1  }
0x3d6: {  	(xrf2) =	vadd.scan.msk.f32 $0xffff, v0;
	_ =	sdelay $0x3  }
0x3d7: {  	v0, _, _ =	vpop (xrf2)  }
0x3d8: {  	v1, _, _ =	vpop (xrf2);
	(v2sf) =	vpush v0, $0xF  }
0x3d9: {  	v0, _, _ =	vpop (xrf2);
	(v2sf) =	vpush v1, $0xF  }
0x3da: {  	(v2sf) =	vpush v0, $0xF;
	_ =	sdelay $0x2  }
0x3db: {  	v0, _, _ =	vpop (xrf2)  }
0x3dc: {  	(v2sf) =	vpush v0, $0xF;
	_ =	sdelay $0x8  }
0x3dd: {  	s17 =	spop (v2sf)  }
0x3de: {  	s15 =	simm.s32 $0x0;
	s1 =	spop (v2sf)  }
0x3df: {  	s8 =	sand.u32 $0x7, s15;
	s0 =	smul.f32 s17, s17;
	s6 =	spop (v2sf)  }
0x3e0: {  	s8 =	sshll.u32 s8, $0x4;
	s6 =	smul.f32 s6, s6  }
0x3e1: {  	s8 =	sadd.s32 $0x0, s8;
	s0 =	smul.f32 $3.188775440e-04, s0  }
0x3e2: {  	s8 =	sor.u32 $0x380, s8;
	s6 =	smul.f32 $3.188775440e-04, s6  }
0x3e3: {  	v1 =	vld [tilespmem:s8+$0x6400];
	s9 =	spop (v2sf);
	s0 =	ssub.f32 s1, s0  }
0x3e4: {  	v0 =	vld [tilespmem:s8+$0x0];
	s18 =	ssub.f32 s9, s6  }
0x3e5: {  	s0 =	smul.f32 $3.189792620e-04, s0  }
0x3e6: {  	s1 =	smul.f32 $3.189792620e-04, s18  }
0x3e7: {  	s19 =	simm.s32 $0x1;
	p0 =	sge.f32 s0, $9.999999770e-03  }
0x3e8: {  	s0 =	sand.u32 $0x7, s19;
	p1 =	sge.f32 s1, $9.999999770e-03  }
0x3e9: {  	s0 =	sshll.u32 s0, $0x4;
	v2 =	vpsel p0, v0, v1  }
0x3ea: {  	s0 =	sadd.s32 $0x80, s0;
	[tilespmem:s8+$0xC800] =	vst v2;
	v0 =	vpsel p1, v1, v0  }
0x3eb: {  	s0 =	sor.u32 $0x380, s0;
	[tilespmem:s8+$0x12C00] =	vst v0  }
0x3ec: {  	v0 =	vld [tilespmem:s0+$0x0]  }
0x3ed: {  	v1 =	vld [tilespmem:s0+$0x6400];
	_ =	sdelay $0x2  }
0x3ee: {  	s20 =	simm.s32 $0x2  }
0x3ef: {  	s1 =	sand.u32 $0x7, s20  }
0x3f0: {  	s1 =	sshll.u32 s1, $0x4;
	v2 =	vpsel p0, v0, v1  }
0x3f1: {  	s1 =	sadd.s32 $0x100, s1;
	v0 =	vpsel p1, v1, v0;
	[tilespmem:s0+$0xC800] =	vst v2  }
0x3f2: {  	s21 =	sor.u32 $0x380, s1;
	[tilespmem:s0+$0x12C00] =	vst v0  }
0x3f3: {  	v0 =	vld [tilespmem:s21+$0x0]  }
0x3f4: {  	v1 =	vld [tilespmem:s21+$0x6400];
	_ =	sdelay $0x2  }
0x3f5: {  	s22 =	simm.s32 $0x3  }
0x3f6: {  	s1 =	sand.u32 $0x7, s22  }
0x3f7: {  	s1 =	sshll.u32 s1, $0x4;
	v2 =	vpsel p0, v0, v1  }
0x3f8: {  	s1 =	sadd.s32 $0x180, s1;
	v0 =	vpsel p1, v1, v0;
	[tilespmem:s21+$0xC800] =	vst v2  }
0x3f9: {  	s23 =	sor.u32 $0x380, s1;
	[tilespmem:s21+$0x12C00] =	vst v0  }
0x3fa: {  	v0 =	vld [tilespmem:s23+$0x0]  }
0x3fb: {  	v1 =	vld [tilespmem:s23+$0x6400];
	_ =	sdelay $0x2  }
0x3fc: {  	s24 =	simm.s32 $0x4  }
0x3fd: {  	s1 =	sand.u32 $0x7, s24  }
0x3fe: {  	s1 =	sshll.u32 s1, $0x4;
	v2 =	vpsel p0, v0, v1  }
0x3ff: {  	s1 =	sadd.s32 $0x200, s1;
	v0 =	vpsel p1, v1, v0;
	[tilespmem:s23+$0xC800] =	vst v2  }
0x400: {  	s25 =	sor.u32 $0x380, s1;
	[tilespmem:s23+$0x12C00] =	vst v0  }
0x401: {  	v0 =	vld [tilespmem:s25+$0x0]  }
0x402: {  	v1 =	vld [tilespmem:s25+$0x6400];
	_ =	sdelay $0x2  }
0x403: {  	s26 =	simm.s32 $0x5  }
0x404: {  	s16 =	simm.s32 $0x300;
	s1 =	sand.u32 $0x7, s26  }
0x405: {  	s28 =	simm.s32 $0xB;
	s29 =	simm.s32 $0x680;
	s1 =	sshll.u32 s1, $0x4;
	v2 =	vpsel p0, v0, v1  }
0x406: {  	s30 =	simm.s32 $0xD;
	s31 =	simm.s32 $0x600;
	s1 =	sadd.s32 $0x280, s1;
	v0 =	vpsel p1, v1, v0;
	[tilespmem:s25+$0xC800] =	vst v2  }
0x407: {  	s17 =	simm.s32 $0x6;
	s18 =	simm.s32 $0x0;
	s1 =	sor.u32 $0x380, s1;
	[tilespmem:s25+$0x12C00] =	vst v0  }
0x408: {  	s19 =	simm.s32 $0x8;
	s20 =	simm.s32 $0x9;
	s22 =	simm.s32 $0x500;
	v0 =	vld [tilespmem:s1+$0x0]  }
0x409: {  	s24 =	simm.s32 $0x480;
	s26 =	simm.s32 $0x580;
	s0 =	simm.s32 $0x0;
	v1 =	vld [tilespmem:s1+$0x6400]  }
0x40a: {  	s21 =	simm.s32 $0x400;
	s23 =	simm.s32 $0xA;
	s25 =	simm.s32 $0xC  }
.LBB2_33:
0x40b: {  	s18 =	sadd.s32 $0x7, s18;
	s15 =	sadd.s32 $0x380, s15;
	s0 =	sadd.s32 $0x7, s0  }
0x40c: {  	p2 =	slt.u32 s18, $0xBD  }
0x40d: {  	s6 =	sand.u32 $0x7, s17;
	s17 =	smov.u32 s30  }
0x40e: {  	s6 =	sshll.u32 s6, $0x4;
	v2 =	vpsel p0, v0, v1;
	v0 =	vpsel p1, v1, v0  }
0x40f: {  	s6 =	sadd.s32 s6, s16;
	s16 =	smov.u32 s29;
	[tilespmem:s1+$0xC800] =	vst v2  }
0x410: {  	[tilespmem:s1+$0x12C00] =	vst v0;
	s1 =	sor.u32 $0x380, s6  }
0x411: {  	v0 =	vld [tilespmem:s1+$0x0]  }
0x412: {  	v1 =	vld [tilespmem:s1+$0x6400];
	_ =	sdelay $0x3  }
0x413: {  	s6 =	sand.u32 $0x7, s0  }
0x414: {  	s6 =	sshll.u32 s6, $0x4;
	v2 =	vpsel p0, v0, v1;
	v0 =	vpsel p1, v1, v0  }
0x415: {  	s6 =	sadd.s32 s6, s15;
	[tilespmem:s1+$0xC800] =	vst v2  }
0x416: {  	s6 =	sor.u32 $0x380, s6;
	[tilespmem:s1+$0x12C00] =	vst v0  }
0x417: {  	v0 =	vld [tilespmem:s6+$0x0]  }
0x418: {  	v1 =	vld [tilespmem:s6+$0x6400];
	_ =	sdelay $0x3  }
0x419: {  	s1 =	sand.u32 $0x7, s19  }
0x41a: {  	s1 =	sshll.u32 s1, $0x4;
	v2 =	vpsel p0, v0, v1;
	v0 =	vpsel p1, v1, v0  }
0x41b: {  	s1 =	sadd.s32 s1, s21;
	[tilespmem:s6+$0xC800] =	vst v2  }
0x41c: {  	s1 =	sor.u32 $0x380, s1;
	[tilespmem:s6+$0x12C00] =	vst v0  }
0x41d: {  	v0 =	vld [tilespmem:s1+$0x0]  }
0x41e: {  	v1 =	vld [tilespmem:s1+$0x6400];
	_ =	sdelay $0x3  }
0x41f: {  	s6 =	sand.u32 $0x7, s20  }
0x420: {  	s6 =	sshll.u32 s6, $0x4;
	v2 =	vpsel p0, v0, v1;
	v0 =	vpsel p1, v1, v0  }
0x421: {  	s6 =	sadd.s32 s6, s24;
	[tilespmem:s1+$0xC800] =	vst v2  }
0x422: {  	[tilespmem:s1+$0x12C00] =	vst v0;
	s1 =	sor.u32 $0x380, s6  }
0x423: {  	v0 =	vld [tilespmem:s1+$0x0]  }
0x424: {  	v1 =	vld [tilespmem:s1+$0x6400];
	_ =	sdelay $0x3  }
0x425: {  	s6 =	sand.u32 $0x7, s23  }
0x426: {  	s6 =	sshll.u32 s6, $0x4;
	v2 =	vpsel p0, v0, v1;
	v0 =	vpsel p1, v1, v0  }
0x427: {  	s6 =	sadd.s32 s6, s22;
	[tilespmem:s1+$0xC800] =	vst v2  }
0x428: {  	[tilespmem:s1+$0x12C00] =	vst v0;
	s1 =	sor.u32 $0x380, s6  }
0x429: {  	v0 =	vld [tilespmem:s1+$0x0]  }
0x42a: {  	v1 =	vld [tilespmem:s1+$0x6400];
	_ =	sdelay $0x3  }
0x42b: {  	s6 =	sand.u32 $0x7, s28  }
0x42c: {  	s6 =	sshll.u32 s6, $0x4;
	v2 =	vpsel p0, v0, v1;
	v0 =	vpsel p1, v1, v0  }
0x42d: {  	s6 =	sadd.s32 s6, s26;
	[tilespmem:s1+$0xC800] =	vst v2  }
0x42e: {  	[tilespmem:s1+$0x12C00] =	vst v0;
	s1 =	sor.u32 $0x380, s6  }
0x42f: {  	v0 =	vld [tilespmem:s1+$0x0]  }
0x430: {  	v1 =	vld [tilespmem:s1+$0x6400];
	_ =	sdelay $0x3  }
0x431: {  	s6 =	sand.u32 $0x7, s25  }
0x432: {  	s6 =	sshll.u32 s6, $0x4;
	v2 =	vpsel p0, v0, v1;
	v0 =	vpsel p1, v1, v0  }
.Ltmp15:
0x433: {  	s19 =	sadd.s32 $0x7, s19;
	s6 =	sadd.s32 s6, s31;
	[tilespmem:s1+$0xC800] =	vst v2;
	(pc) =	sbr.rel @p2 .LBB2_33-.Ltmp15, $4  }
0x434: {  	s21 =	sadd.s32 $0x380, s21;
	s20 =	sadd.s32 $0x7, s20;
	[tilespmem:s1+$0x12C00] =	vst v0;
	s1 =	sor.u32 $0x380, s6  }
0x435: {  	s24 =	sadd.s32 $0x380, s24;
	s23 =	sadd.s32 $0x7, s23;
	s22 =	sadd.s32 $0x380, s22;
	v0 =	vld [tilespmem:s1+$0x0]  }
0x436: {  	s28 =	sadd.s32 $0x7, s28;
	s26 =	sadd.s32 $0x380, s26;
	s25 =	sadd.s32 $0x7, s25;
	v1 =	vld [tilespmem:s1+$0x6400]  }
0x437: {  	s30 =	sadd.s32 $0x7, s30;
	s29 =	sadd.s32 $0x380, s29;
	s31 =	sadd.s32 $0x380, s31  }
0x438: {  	_ =	sdelay $0x1  }
0x439: {  	s0 =	sand.u32 $0x7, s17  }
0x43a: {  	s0 =	sshll.u32 s0, $0x4;
	v2 =	vpsel p0, v0, v1  }
0x43b: {  	s0 =	sadd.s32 s0, s16;
	v61 =	vpsel p1, v1, v0;
	[tilespmem:s1+$0xC800] =	vst v2  }
0x43c: {  	s0 =	sor.u32 $0x380, s0;
	[tilespmem:s1+$0x12C00] =	vst v61  }
0x43d: {  	v0 =	vld [tilespmem:s0+$0x0]  }
0x43e: {  	v62 =	vld [tilespmem:s0+$0x6400];
	_ =	sdelay $0x4  }
0x43f: {  	v63 =	vpsel p0, v0, v62  }
0x440: {  	v0 =	vpsel p1, v62, v0;
	[tilespmem:s0+$0xC800] =	vst v63  }
0x441: {  	s29 =	sadd.s32 s4, s13;
	s30 =	simm.s32 $0xC800;
	[tilespmem:s0+$0x12C00] =	vst v0  }
0x442: {  	[hbm4b:s29+s2] =	stream.linear.scatter [tilespmem:s30], [sflag:$0x1], $0x6400, $0x38;
	[tilespmem:$0x19000] =	vst v63  }
0x443: {  	s12 =	sadd.s32 $0x1, s12;
	_ =	swait.ge [sflag:s7], $0x6400  }
0x444: {  	p0 =	sne.s32 s12, $0xC;
	[sflag:s7] =	ssyncset.done $0x0  }
.Ltmp16:
0x445: {  	s31 =	sadd.s32 s4, s14;
	[sflag:s7] =	ssyncadd.s32 $0xFFFF9C00;
	(pc) =	sbr.rel @p0 .LBB2_2-.Ltmp16, $4  }
0x446: {  	[hbm4b:s31+s2] =	stream.linear.scatter [tilespmem:s10], [sflag:$0x1], $0x6400, $0x38;
	[tilespmem:$0x19000] =	vst v63  }
0x447: {  	_ =	swait.ge [sflag:s7], $0x6400  }
0x448: {  	[sflag:s7] =	ssyncset.done $0x0  }
0x449: {  	[sflag:s7] =	ssyncadd.s32 $0xFFFF9C00  }
0x44a: {  	s1 =	rddreg [dreg:$0x3]  }
0x44b: {  	s0 =	rddreg [dreg:$0x2];
	s1 =	sadd.s32 $0x1, s1  }
0x44c: {  	p0 =	sne.s32 s1, s0  }
.Ltmp17:
0x44d: {  	_ = 	snop;
	(pc) =	sbr.rel @p0 .LBB2_1-.Ltmp17, $1  }
0x44e: {  	_ =	sdelay $0x3  }
0x44f: {  	_ =	sfence.sel $0x180000  }
0x450: {  	[bflag:$0x0] =	sbarrier.arrive $0xFFFF  }
0x451: {  	_ =	strace $0x9000004A  }
0x452: {  	s0 =	stileid.u32;
	[bflag:$0x2] =	sbarrier.arrive $0xFFFF  }
0x453: {  	p0 =	sne.s32 s0, $0x0;
	s0 =	rddreg [dreg:$0x1]  }
0x454: {  	s0 =	sadd.s32 @!p0 $0x100000, s0  }
0x455: {  	[sflag:s0] =	ssyncadd.tile.s32 @!p0 $0x1;
	_ =	shalt  }
.Lfunc_end2:
_tile_overlayer_lowered:
.L_overlay_start_2:
0x456: {  	(tag) =	ssettag $0x2  }
0x457: {  	s0 =	rddreg [dreg:$0x0];
	s2 =	stileid.u32  }
0x458: {  	s1 =	rddreg [dreg:$0x1];
	p0 =	sne.s32 s2, $0x0  }
0x459: {  	s3 =	rddreg [dreg:$0x2];
	[bflag:$0x3] =	sbarrier.arrive $0xFFFF;
	s2 =	simm.s32 @!p0 $0x1C01  }
0x45a: {  	[timem:s3], [sflag:s2] =	dma.local @!p0 [hbm:s0], s1  }
0x45b: {  	s0 =	simm.s32 @!p0 $0x1  }
0x45c: {  	_ =	swait.ge @!p0 [sflag:s0], s1  }
0x45d: {  	s1 =	ssub.s32 @!p0 $0x0, s1;
	[sflag:s0] =	ssyncset.done @!p0 $0x0  }
0x45e: {  	[sflag:s0] =	ssyncadd.s32 @!p0 s1  }
0x45f: {  	[bflag:$0x3] =	sbarrier.arrive $0xFFFF  }
0x460: {  	_ =	shalt  }

// kernel: sparse-core-data-format-call.1.cloned.1.call-start
scs
called_computation.1_lowered:
.L_overlay_start_0:
0x0: {  	s2 =	sld [smem:$0x3FD9]  }
0x1: {  	s3 =	sld [smem:$0x3FFE];
	_ =	sdelay $0x1  }
0x2: {  	s1 =	srdreg.scid  }
0x3: {  	s0 =	sand.u32 $0x1, s1  }
0x4: {  	s18 =	sshll.u32 s0, $0xA;
	s2 =	sadd.s32 s3, s2  }
0x5: {  	s2 =	sadd.s32 s2, s18  }
0x6: {  	[smem:$0x3FC7] =	sst s2  }
0x7: {  	_ = 	snop  }
0x8: {  	s2 =	sld [smem:$0x3FC9];
	(tm) =	ssettm $0x1  }
0x9: {  	s19 =	sld [smem:$0x3FFB];
	_ =	sdelay $0x3  }
0xa: {  	_ =	strace s19  }
0xb: {  	s3 =	sld [smem:$0x3FFC];
	_ =	sdelay $0x3  }
0xc: {  	_ =	strace s3  }
0xd: {  	s3 =	sld [smem:$0x3FFD];
	_ =	sdelay $0x3  }
0xe: {  	_ =	strace s3  }
0xf: {  	_ =	strace $0x8FFFFFFF  }
0x10: {  	s20 =	sld [smem:$0x3FDB];
	_ =	sdelay $0x1  }
0x11: {  	s4 =	simm.s32 $_scs_section_size  }
0x12: {  	s5 =	simm.s32 $_size__tile_overlayer_lowered;
	s6 =	simm.s32 $_tile_overlayer_lowered  }
0x13: {  	s23 =	simm.s32 $0x1BFF;
	s22 =	sshll.u32 s6, $0x1;
	s3 =	sadd.s32 s4, s20  }
0x14: {  	s7 =	simm.s32 $0x0;
	s21 =	sshll.u32 s5, $0x1;
	s5 =	sadd.s32 s22, s3  }
0x15: {  	[timem:s7], [sflag:s23] =	dma.local [hbm:s5], s21  }
0x16: {  	_ =	swait.ge [sflag:s23], s21  }
0x17: {  	s4 =	ssub.s32 $0x0, s21;
	[sflag:s23] =	ssyncset.done $0x0  }
0x18: {  	[sflag:s23] =	ssyncadd.s32 s4;
	_ =	sdelay $0x1  }
0x19: {  	s24 =	simm.s32 $0x1B8B  }
0x1a: {  	_ =	swait.ge [sflag:s24], $0x1  }
0x1b: {  	[sflag:s24] =	ssyncset.done $0x0  }
0x1c: {  	s26 =	simm.s32 $0x1B8E;
	s25 =	sld [smem:$0x3FFE];
	[sflag:s24] =	ssyncadd.s32 $0xFFFFFFFF  }
0x1d: {  	s27 =	simm.s32 $execute0_lowered;
	[smem:$0x3FD2] =	sst s26  }
0x1e: {  	s5 =	sshll.u32 s27, $0x1;
	_ =	strace $0x80000046;
	[dreg:$0x1] =	wrdreg $0xFFFFFFFF  }
0x1f: {  	s28 =	simm.s32 $_size_execute0_lowered;
	s3 =	sadd.s32 s3, s5;
	[dreg:$0x0] =	wrdreg $0x0  }
0x20: {  	s5 =	sshll.u32 s28, $0x1;
	[dreg:$0x2] =	wrdreg s3  }
0x21: {  	[dreg:$0x3] =	wrdreg s5  }
0x22: {  	[dreg:$0x4] =	wrdreg $0xC0  }
0x23: {  	_ =	task [dreg:s7], $0x5FFFF  }
0x24: {  	[dreg:$0x1] =	wrdreg $0xFFFFFFFF  }
0x25: {  	[dreg:$0x0] =	wrdreg $0x60  }
0x26: {  	[dreg:$0x2] =	wrdreg s2  }
0x27: {  	[dreg:$0x3] =	wrdreg s25  }
0x28: {  	[dreg:$0x4] =	wrdreg $0x9  }
0x29: {  	_ =	task.clear_ibuf [dreg:s7], $0x5FFFF;
	_ =	strace $0x90000046  }
0x2a: {  	s29 =	simm.s32 $0x9;
	_ =	strace $0x80000048  }
0x2b: {  	_ =	swait.ge [sflag:s29], $0x1  }
0x2c: {  	[sflag:s29] =	ssyncadd.s32 $0xFFFFFFFF  }
0x2d: {  	_ =	strace $0x90000048  }
0x2e: {  	_ =	sfence  }
0x2f: {  	s30 =	sld [smem:$0x0];
	_ =	sdelay $0x2  }
0x30: {  	s31 =	sshll.u32 s1, $0xD;
	s1 =	sshrl.u32 s1, $0x2  }
0x31: {  	s3 =	sand.u32 $0x4000, s31;
	s1 =	sadd.s32 s1, s30  }
0x32: {  	s0 =	sor.u32 s3, s0;
	s1 =	sshll.u32 s1, $0x11  }
0x33: {  	s0 =	sor.u32 s1, s0  }
0x34: {  	s0 =	sadd.s32 $0x8F2B, s0  }
0x35: {  	[sflag:s0] =	ssyncadd.remote.s32 $0x1  }
0x36: {  	_ =	sfence.sel $0xFFFF  }
0x37: {  	[dreg:$0x0] =	wrdreg $0xFFFFFFFF;
	(pc) =	sbr.abs _section_cstart, $3  }
0x38: {  	[dreg:$0x1] =	wrdreg $0xFFFFFFFF  }
0x39: {  	_ =	task.clear_ibuf [dreg:s7], $0x2FFFF;
	_ =	strace $0x9FFFFFFF  }
0x3a: {  	(tm) =	ssettm $0x7FFFFFFF  }
0x3b: {  	_ =	shalt  }
tec
execute0_lowered:
.L_overlay_start_1:
0x0: {  	(tag) =	ssettag $0x1  }
0x1: {  	s0 =	stileid.u32  }
0x2: {  	s1 =	srdreg.scid;
	s4 =	rddreg [dreg:$0x0]  }
0x3: {  	s8 =	rddreg [dreg:$0x1];
	s9 =	simm.s32 $0x2;
	s19 =	simm.s32 $0x0  }
0x4: {  	p0 =	por $0x0, $0x0;
	s10 =	simm.s32 $0xC00;
	s11 =	simm.s32 $0x1C00  }
0x5: {  	s18 =	simm.s32 $0x0;
	s1 =	sand.u32 $0x1, s1;
	s3 =	sand.u32 $0x1, s0  }
0x6: {  	s22 =	simm.s32 $0x0;
	s2 =	ssub.s32 $0x2, s3;
	s5 =	ssub.s32 $0x38, s1  }
0x7: {  	s6 =	sshrl.u32 s2, $0x1;
	s2 =	sand.u32 $0x1, s2;
	s7 =	sshrl.u32 s5, $0x1  }
0x8: {  	s20 =	simm.s32 $0x0;
	s6 =	sadd.s32 s2, s6;
	s5 =	ssub.s32 s5, s7  }
0x9: {  	s21 =	simm.s32 $0x0;
	s12 =	simm.s32 $0x0;
	s6 =	smul.u32 s5, s6  }
.Ltmp0:
0xa: {  	s13 =	simm.s32 $0x0;
	s17 =	simm.s32 $0x0;
	(pc) =	sbr.rel .LBB1_1-.Ltmp0, $4  }
0xb: {  	s14 =	smov.u32 s1;
	s16 =	smov.u32 s3;
	s2 =	rddreg [dreg:$0x2]  }
0xc: {  	_ =	strace $0x80000047;
	s5 =	simm.s32 $0x1;
	s6 =	smul.u32 $0x3, s6  }
0xd: {  	s7 =	sadd.s32 $0xC00, s8;
	s8 =	sshrl.u32 s0, $0x1;
	[sflag:s5] =	ssyncpa.u1 $0x0  }
0xe: {  	s15 =	smov.u32 s8;
	[sflag:s9] =	ssyncpa.u1 $0x0;
	s9 =	sadd.s32 $0x1, s6  }
.LBB1_6:
0xf: {  	s22 =	sshll.u32 s22, $0x7;
	s28 =	sshll.u32 s18, $0x3;
	v5 =	vld [tilespmem:s26+$0xFFFFFFD0];
	[tilespmem:s25+$0x1040 ss:$0x41] =	vst.msk $0xffff, v3  }
0x10: {  	v58 =	vld [tilespmem:s26+$0xFFFFFFE0];
	[tilespmem:s25+$0x1450 ss:$0x41] =	vst.msk $0xffff, v4;
	s29 =	sand.u32 $0xFFFFFC00, s22;
	s28 =	sand.u32 $0xFFFFFC00, s28  }
0x11: {  	s27 =	sshra.s32 s27, $0x2;
	v59 =	vld [tilespmem:s26+$0xFFFFFFF0];
	[tilespmem:s25+$0x1860 ss:$0x41] =	vst.msk $0xffff, v2;
	s22 =	sand.u32 $0x380, s22;
	s28 =	sadd.s32 s29, s28  }
0x12: {  	v60 =	vld [tilespmem:s26+$0x0];
	[tilespmem:s25+$0x0 ss:$0x41] =	vst.msk $0xffff, v0;
	s21 =	smul.u32 $0x2A0000, s21;
	s24 =	sadd.s32 s27, s24;
	s22 =	sor.u32 s22, s28  }
0x13: {  	v61 =	vld [tilespmem:s26+$0x10];
	s20 =	smul.u32 $0x54000, s20;
	[tilespmem:s24+$0x1C70 ss:$0x41] =	vst.msk $0xffff, v1;
	s22 =	sshrl.u32 s22, $0x7  }
0x14: {  	v62 =	vld [tilespmem:s26+$0x20];
	s31 =	smulhi.u32 $0x4924925, s22;
	[tilespmem:s24+$0x410 ss:$0x41] =	vst.msk $0xffff, v5  }
0x15: {  	v63 =	vld [tilespmem:s26+$0xFFFFFFC0];
	s19 =	smul.u32 $0x380, s19;
	[tilespmem:s24+$0x820 ss:$0x41] =	vst.msk $0xffff, v58  }
0x16: {  	s21 =	sadd.s32 s7, s21;
	[tilespmem:s24+$0xC30 ss:$0x41] =	vst.msk $0xffff, v59;
	s27 =	smul.u32 $0x38, s31  }
0x17: {  	s30 =	sand.u32 $0x7, s18;
	s28 =	sshrl.u32 s18, $0x3;
	s20 =	sadd.s32 s20, s21;
	[tilespmem:s24+$0x1040 ss:$0x41] =	vst.msk $0xffff, v60  }
0x18: {  	s29 =	sand.u32 $0xF, s28;
	s19 =	sadd.s32 s19, s20;
	[tilespmem:s24+$0x1450 ss:$0x41] =	vst.msk $0xffff, v61;
	s22 =	ssub.s32 s22, s27  }
0x19: {  	s18 =	sshll.u32 s30, $0x12;
	[tilespmem:s24+$0x1860 ss:$0x41] =	vst.msk $0xffff, v62;
	s19 =	sadd.s32 s29, s19;
	s31 =	sshll.u32 s22, $0x4  }
0x1a: {  	s18 =	sor.u32 $0x40, s18;
	[tilespmem:s24+$0x0 ss:$0x41] =	vst.msk $0xffff, v63;
	s19 =	sadd.s32 s31, s19  }
0x1b: {  	[hbm4b:s19+s18] =	stream.strided.scatter [tilespmem:s23], [sflag:$0x2], $0x2000, s11, s18, $0x18;
	[tilespmem:$0x8100] =	vst v63  }
.LBB1_7:
0x1c: {  	s23 =	sadd.s32 $0x80, s12  }
0x1d: {  	s18 =	sadd.s32 $0x40, s13;
	s24 =	smov.u32 s13;
	p2 =	sgt.s32 s23, $0x17F  }
0x1e: {  	s24 =	smov.u32 @p2 s18  }
0x1f: {  	s25 =	smov.u32 s14;
	s18 =	sadd.s32 $0x2, s14;
	p3 =	sgt.s32 s24, $0x37  }
0x20: {  	s25 =	smov.u32 @p3 s18  }
0x21: {  	s26 =	smov.u32 s15;
	s18 =	sadd.s32 $0x8, s15;
	p4 =	sgt.s32 s25, $0x37  }
0x22: {  	p1 =	slt.u32 s17, $0x2;
	s27 =	smov.u32 s16;
	s26 =	smov.u32 @p4 s18  }
0x23: {  	s19 =	smov.u32 s12;
	s18 =	sadd.s32 $0x2, s16;
	p5 =	sgt.s32 s26, $0x7  }
0x24: {  	s22 =	smov.u32 s14;
	s20 =	smov.u32 s15;
	s27 =	smov.u32 @p5 s18  }
0x25: {  	s21 =	smov.u32 s16;
	s23 =	simm.s32 @p2 $0x0;
	p2 =	sgt.s32 s27, $0x1  }
0x26: {  	s28 =	simm.s32 @!p1 $0x2;
	s27 =	smov.u32 @p2 s3;
	p2 =	sne.s32 s17, s9  }
.Ltmp1:
0x27: {  	p0 =	por !p0, !p0;
	_ =	swait.ge @!p1 [sflag:s28], $0x2000;
	(pc) =	sbr.rel @!p2 .LBB1_8-.Ltmp1, $4  }
0x28: {  	[sflag:s28] =	ssyncset.done @!p1 $0x0;
	s12 =	smov.u32 s23;
	s25 =	smov.u32 @p4 s1  }
0x29: {  	s24 =	simm.s32 @p3 $0x0;
	[sflag:s28] =	ssyncadd.s32 @!p1 $0xFFFFE000;
	s14 =	smov.u32 s25  }
0x2a: {  	s26 =	smov.u32 @p5 s8;
	s18 =	smov.u32 s13;
	s13 =	smov.u32 s24  }
0x2b: {  	s15 =	smov.u32 s26;
	s17 =	sadd.s32 $0x1, s17;
	s16 =	smov.u32 s27  }
.LBB1_1:
0x2c: {  	p1 =	sge.u32 s17, s6  }
.Ltmp2:
0x2d: {  	_ = 	snop;
	(pc) =	sbr.rel @p1 .LBB1_3-.Ltmp2, $1  }
0x2e: {  	_ =	sdelay $0x3  }
0x2f: {  	s23 =	sshrl.u32 s13, $0x3;
	s24 =	sxor.u32 $0xFFFFFFFF, s17;
	s25 =	sshll.u32 s12, $0x3  }
0x30: {  	s26 =	sand.u32 $0x7F, s12;
	s31 =	sshll.u32 s13, $0x7;
	p1 =	sgt.s32 s16, $0x1  }
0x31: {  	s27 =	smov.u32 s16;
	s28 =	sshra.s32 s16, $0x1F;
	s29 =	smov.u32 s15  }
0x32: {  	s30 =	sshra.s32 s15, $0x1F;
	s23 =	smul.u32 $0xC00, s23;
	s25 =	sand.u32 $0xFFFFFC00, s25  }
0x33: {  	s27 =	simm.s32 @!p1 $0x1;
	s28 =	sand.u32 s28, s16;
	p1 =	sgt.s32 s15, $0x7  }
0x34: {  	s30 =	sand.u32 s30, s15;
	s28 =	sxor.u32 $0xFFFFFFFF, s28;
	s29 =	simm.s32 @!p1 $0x7  }
0x35: {  	s23 =	sadd.s32 s23, s25;
	s25 =	sand.u32 $0x380, s31;
	s28 =	sadd.s32 s28, s27  }
0x36: {  	s29 =	ssub.s32 s29, s30;
	s31 =	sshra.s32 s14, $0x1F;
	s23 =	sor.u32 s25, s23  }
0x37: {  	p1 =	sgt.s32 s28, $0x0;
	s25 =	ssub.s32 $0x1, s28;
	s30 =	sadd.s32 $0xFFFFFFF9, s29  }
0x38: {  	s27 =	ssub.s32 $0x8, s29;
	s28 =	smov.u32 s14;
	s29 =	sand.u32 s31, s14  }
0x39: {  	s31 =	sshra.s32 s13, $0x1F;
	s25 =	simm.s32 @p1 $0x0;
	p1 =	sgt.s32 s30, $0x0  }
0x3a: {  	s30 =	smulhi.u32 $0xAAAAAAAB, s23;
	s27 =	simm.s32 @p1 $0x0;
	p1 =	sgt.s32 s14, $0x37  }
0x3b: {  	s23 =	sor.u32 s26, s23;
	s31 =	sand.u32 s31, s13;
	s28 =	simm.s32 @!p1 $0x37  }
0x3c: {  	p1 =	sgt.s32 s13, $0xFFFFFFF8;
	s26 =	ssub.s32 s28, s29;
	s28 =	smov.u32 s13  }
0x3d: {  	s25 =	smul.u32 s25, s27;
	s27 =	sadd.s32 $0xFFFFFFC9, s26;
	s28 =	simm.s32 @!p1 $0xFFFFFFF8  }
0x3e: {  	s26 =	ssub.s32 $0x38, s26;
	p1 =	sgt.s32 s27, $0x0;
	s27 =	ssub.s32 s28, s31  }
0x3f: {  	s29 =	smulhi.u32 $0xAAAAAAAB, s23;
	s26 =	simm.s32 @p1 $0x0;
	s31 =	sadd.s32 $0x8, s27  }
0x40: {  	s28 =	sshrl.u32 s30, $0x8;
	s25 =	smul.u32 s26, s25;
	p1 =	sgt.s32 s31, $0x3F  }
0x41: {  	s26 =	ssub.s32 $0x38, s27;
	s27 =	sshrl.u32 s29, $0x8;
	s29 =	smulhi.u32 $0x4924925, s28  }
0x42: {  	s24 =	sshll.u32 s24, $0xD;
	s26 =	simm.s32 @p1 $0x0;
	s27 =	smul.u32 $0x180, s27  }
0x43: {  	s31 =	sshra.s32 s12, $0x1F;
	p1 =	sgt.s32 s12, $0x100;
	s25 =	smul.u32 s26, s25  }
0x44: {  	s30 =	sand.u32 s31, s12;
	s26 =	smov.u32 s12;
	s29 =	smul.u32 $0x38, s29  }
0x45: {  	s26 =	simm.s32 @!p1 $0x100;
	s23 =	ssub.s32 s23, s27;
	s27 =	smul.u32 $0x24C00, s15  }
0x46: {  	s24 =	sand.u32 $0x2000, s24;
	s26 =	ssub.s32 s26, s30;
	s30 =	smul.u32 $0x126000, s16  }
0x47: {  	s28 =	ssub.s32 s28, s29;
	s31 =	sadd.s32 $0xFFFFFF00, s26;
	s26 =	ssub.s32 $0x180, s26  }
0x48: {  	p1 =	sgt.s32 s31, $0x7F;
	s31 =	smul.u32 $0xA80, s14;
	s30 =	sadd.s32 s4, s30  }
0x49: {  	s28 =	smul.u32 $0x30, s28;
	s26 =	simm.s32 @p1 $0x0;
	s27 =	sadd.s32 s27, s30  }
0x4a: {  	s30 =	sand.u32 $0x7, s23;
	s25 =	smul.u32 s26, s25;
	s29 =	sadd.s32 s31, s27  }
0x4b: {  	s23 =	sshrl.u32 s23, $0x3;
	s27 =	sshll.u32 s30, $0x12;
	s26 =	sadd.s32 s28, s29  }
0x4c: {  	s31 =	sor.u32 $0x400, s27;
	s25 =	sand.u32 $0x3FFFFFFF, s25;
	s23 =	sadd.s32 s23, s26  }
0x4d: {  	[tilespmem:s24], [sflag:$0x1] =	stream.strided.gather [hbm4b:s23+s31], s25, s10, s31, $0x38;
	[tilespmem:$0x8100] =	vst v63  }
.LBB1_3:
0x4e: {  	s23 =	sadd.s32 $0xFFFFFFFF, s17  }
0x4f: {  	p1 =	sge.u32 s23, s6  }
.Ltmp3:
0x50: {  	_ = 	snop;
	(pc) =	sbr.rel @p1 .LBB1_7-.Ltmp3, $1  }
0x51: {  	_ =	sdelay $0x3  }
0x52: {  	s23 =	sshra.s32 s21, $0x1F;
	p1 =	sgt.s32 s21, $0x1  }
0x53: {  	s24 =	smov.u32 s21;
	p2 =	sgt.s32 s20, $0x7;
	s25 =	sshra.s32 s20, $0x1F  }
0x54: {  	s26 =	sshra.s32 s22, $0x1F;
	s29 =	sshra.s32 s18, $0x1F;
	s23 =	sand.u32 s23, s21  }
0x55: {  	s31 =	sshra.s32 s19, $0x1F;
	s24 =	simm.s32 @!p1 $0x1;
	s23 =	sxor.u32 $0xFFFFFFFF, s23  }
0x56: {  	s25 =	sand.u32 s25, s20;
	s23 =	sadd.s32 s23, s24;
	s24 =	smov.u32 s20  }
0x57: {  	s26 =	sand.u32 s26, s22;
	p1 =	sgt.s32 s23, $0x0;
	s24 =	simm.s32 @!p2 $0x7  }
0x58: {  	p2 =	sgt.s32 s22, $0x37;
	s24 =	ssub.s32 s24, s25;
	s25 =	smov.u32 s22  }
0x59: {  	s23 =	ssub.s32 $0x1, s23;
	s27 =	sadd.s32 $0xFFFFFFF9, s24;
	s25 =	simm.s32 @!p2 $0x37  }
0x5a: {  	s24 =	ssub.s32 $0x8, s24;
	p2 =	sgt.s32 s27, $0x0;
	s25 =	ssub.s32 s25, s26  }
0x5b: {  	s23 =	simm.s32 @p1 $0x0;
	s24 =	simm.s32 @p2 $0x0;
	s26 =	sadd.s32 $0xFFFFFFC9, s25  }
0x5c: {  	s23 =	smul.u32 s23, s24;
	p1 =	sgt.s32 s26, $0x0;
	s24 =	ssub.s32 $0x38, s25  }
0x5d: {  	s25 =	smov.u32 s18;
	s24 =	simm.s32 @p1 $0x0;
	p1 =	sgt.s32 s18, $0xFFFFFFF8  }
0x5e: {  	s30 =	sand.u32 s29, s18;
	s23 =	smul.u32 s24, s23;
	s25 =	simm.s32 @!p1 $0xFFFFFFF8  }
0x5f: {  	p1 =	sgt.s32 s19, $0x100;
	s24 =	ssub.s32 s25, s30;
	s25 =	smov.u32 s19  }
0x60: {  	s26 =	sand.u32 s31, s19;
	s27 =	sadd.s32 $0x8, s24;
	s25 =	simm.s32 @!p1 $0x100  }
0x61: {  	s24 =	ssub.s32 $0x38, s24;
	p1 =	sgt.s32 s27, $0x3F;
	s25 =	ssub.s32 s25, s26  }
0x62: {  	s24 =	simm.s32 @p1 $0x0;
	s26 =	sadd.s32 $0xFFFFFF00, s25  }
0x63: {  	s23 =	smul.u32 s24, s23;
	p1 =	sgt.s32 s26, $0x7F;
	s24 =	ssub.s32 $0x180, s25  }
0x64: {  	s24 =	simm.s32 @p1 $0x0  }
0x65: {  	s23 =	smul.u32 s24, s23;
	_ =	sdelay $0x1  }
0x66: {  	s24 =	simm.s32 $0x1;
	s23 =	sand.u32 $0x3FFFFFFF, s23  }
0x67: {  	s24 =	simm.s32 @!p0 $0x0;
	_ =	swait.ge [sflag:s5], s23  }
0x68: {  	s26 =	sshll.u32 s24, $0xD;
	s23 =	ssub.s32 $0x0, s23;
	[sflag:s5] =	ssyncset.done $0x0  }
0x69: {  	s29 =	sor.u32 $0x40, s26;
	[sflag:s5] =	ssyncadd.s32 s23  }
0x6a: {  	s30 =	smul.u32 $0x8200, s24;
	v0 =	vld [tilespmem:s29+$0x30]  }
0x6b: {  	v1 =	vld [tilespmem:s29+$0xFFFFFFD0]  }
0x6c: {  	s23 =	sshrl.u32 s30, $0x2;
	v5 =	vld [tilespmem:s29+$0xFFFFFFE0]  }
0x6d: {  	s24 =	sor.u32 $0x4000, s23;
	v6 =	vld [tilespmem:s29+$0xFFFFFFF0]  }
0x6e: {  	s31 =	sand.u32 $0x1, s17;
	v3 =	vld [tilespmem:s29+$0x0];
	s25 =	sadd.s32 $0x0, s24  }
0x6f: {  	s23 =	smul.u32 $0x8200, s31;
	v4 =	vld [tilespmem:s29+$0x10];
	[tilespmem:s25+$0x1C70 ss:$0x41] =	vst.msk $0xffff, v0  }
0x70: {  	v2 =	vld [tilespmem:s29+$0x20];
	[tilespmem:s25+$0x410 ss:$0x41] =	vst.msk $0xffff, v1  }
0x71: {  	s26 =	sadd.s32 $0x80, s29;
	s23 =	sshrl.u32 s23, $0x2;
	v0 =	vld [tilespmem:s29+$0xFFFFFFC0];
	[tilespmem:s25+$0x820 ss:$0x41] =	vst.msk $0xffff, v5  }
0x72: {  	s28 =	simm.s32 $0x8;
	s27 =	simm.s32 $0x4;
	s23 =	sor.u32 $0x4000, s23;
	v1 =	vld [tilespmem:s26+$0x30];
	[tilespmem:s25+$0xC30 ss:$0x41] =	vst.msk $0xffff, v6  }
.LBB1_5:
0x73: {  	p1 =	sne.s32 s28, $0xFC;
	v5 =	vld [tilespmem:s26+$0xFFFFFFD0];
	[tilespmem:s25+$0x1040 ss:$0x41] =	vst.msk $0xffff, v3  }
0x74: {  	v6 =	vld [tilespmem:s26+$0xFFFFFFE0];
	[tilespmem:s25+$0x1450 ss:$0x41] =	vst.msk $0xffff, v4  }
0x75: {  	s29 =	sshra.s32 s27, $0x2;
	s27 =	smov.u32 s28;
	v7 =	vld [tilespmem:s26+$0xFFFFFFF0];
	[tilespmem:s25+$0x1860 ss:$0x41] =	vst.msk $0xffff, v2  }
.Ltmp4:
0x76: {  	v3 =	vld [tilespmem:s26+$0x0];
	[tilespmem:s25+$0x0 ss:$0x41] =	vst.msk $0xffff, v0;
	s25 =	sadd.s32 s29, s24;
	(pc) =	sbr.rel @p1 .LBB1_5-.Ltmp4, $4  }
0x77: {  	v4 =	vld [tilespmem:s26+$0x10];
	[tilespmem:s25+$0x1C70 ss:$0x41] =	vst.msk $0xffff, v1  }
0x78: {  	[tilespmem:s25+$0x410 ss:$0x41] =	vst.msk $0xffff, v5;
	v2 =	vld [tilespmem:s26+$0x20]  }
0x79: {  	v0 =	vld [tilespmem:s26+$0xFFFFFFC0];
	[tilespmem:s25+$0x820 ss:$0x41] =	vst.msk $0xffff, v6;
	s26 =	sadd.s32 $0x80, s26  }
0x7a: {  	s28 =	sadd.s32 $0x4, s28;
	v1 =	vld [tilespmem:s26+$0x30];
	[tilespmem:s25+$0xC30 ss:$0x41] =	vst.msk $0xffff, v7  }
.Ltmp5:
0x7b: {  	_ = 	snop;
	(pc) =	sbr.rel .LBB1_6-.Ltmp5, $1  }
0x7c: {  	_ =	sdelay $0x3  }
.LBB1_8:
0x7d: {  	_ =	sfence.sel $0x180000  }
0x7e: {  	s1 =	simm.s32 $0x1;
	[bflag:$0x0] =	sbarrier.arrive $0xFFFF  }
0x7f: {  	s31 =	simm.s32 $0x2;
	[sflag:s1] =	ssyncpa.u1 $0x1  }
0x80: {  	[sflag:s31] =	ssyncpa.u1 $0x1  }
0x81: {  	p0 =	sne.s32 s0, $0x0;
	_ =	strace $0x90000047  }
0x82: {  	s0 =	sadd.s32 @!p0 $0x100000, s2;
	[bflag:$0x2] =	sbarrier.arrive $0xFFFF  }
0x83: {  	[sflag:s0] =	ssyncadd.tile.s32 @!p0 $0x1;
	_ =	shalt  }
.Lfunc_end1:
_tile_overlayer_lowered:
.L_overlay_start_2:
0x84: {  	(tag) =	ssettag $0x2  }
0x85: {  	s0 =	rddreg [dreg:$0x0];
	s2 =	stileid.u32  }
0x86: {  	s1 =	rddreg [dreg:$0x1];
	p0 =	sne.s32 s2, $0x0  }
0x87: {  	s3 =	rddreg [dreg:$0x2];
	[bflag:$0x3] =	sbarrier.arrive $0xFFFF;
	s2 =	simm.s32 @!p0 $0x1C01  }
0x88: {  	[timem:s3], [sflag:s2] =	dma.local @!p0 [hbm:s0], s1  }
0x89: {  	s0 =	simm.s32 @!p0 $0x1  }
0x8a: {  	_ =	swait.ge @!p0 [sflag:s0], s1  }
0x8b: {  	s1 =	ssub.s32 @!p0 $0x0, s1;
	[sflag:s0] =	ssyncset.done @!p0 $0x0  }
0x8c: {  	[sflag:s0] =	ssyncadd.s32 @!p0 s1  }
0x8d: {  	[bflag:$0x3] =	sbarrier.arrive $0xFFFF  }
0x8e: {  	_ =	shalt  }

// kernel: sparse-core-data-format-call.cloned.1.call-start
scs
called_computation_lowered:
.L_overlay_start_0:
0x0: {  	s2 =	sld [smem:$0x3FD9]  }
0x1: {  	s3 =	sld [smem:$0x3FFE];
	_ =	sdelay $0x1  }
0x2: {  	s1 =	srdreg.scid  }
0x3: {  	s0 =	sand.u32 $0x1, s1  }
0x4: {  	s18 =	sshll.u32 s0, $0xA;
	s2 =	sadd.s32 s3, s2  }
0x5: {  	s2 =	sadd.s32 s2, s18  }
0x6: {  	[smem:$0x3FC7] =	sst s2  }
0x7: {  	_ = 	snop  }
0x8: {  	s2 =	sld [smem:$0x3FD0];
	(tm) =	ssettm $0x1  }
0x9: {  	s19 =	sld [smem:$0x3FFB];
	_ =	sdelay $0x3  }
0xa: {  	_ =	strace s19  }
0xb: {  	s3 =	sld [smem:$0x3FFC];
	_ =	sdelay $0x3  }
0xc: {  	_ =	strace s3  }
0xd: {  	s3 =	sld [smem:$0x3FFD];
	_ =	sdelay $0x3  }
0xe: {  	_ =	strace s3  }
0xf: {  	_ =	strace $0x8FFFFFFF  }
0x10: {  	s20 =	sld [smem:$0x3FDB];
	_ =	sdelay $0x1  }
0x11: {  	s4 =	simm.s32 $_scs_section_size  }
0x12: {  	s5 =	simm.s32 $_size__tile_overlayer_lowered;
	s6 =	simm.s32 $_tile_overlayer_lowered  }
0x13: {  	s23 =	simm.s32 $0x1BFF;
	s22 =	sshll.u32 s6, $0x1;
	s3 =	sadd.s32 s4, s20  }
0x14: {  	s7 =	simm.s32 $0x0;
	s21 =	sshll.u32 s5, $0x1;
	s5 =	sadd.s32 s22, s3  }
0x15: {  	[timem:s7], [sflag:s23] =	dma.local [hbm:s5], s21  }
0x16: {  	_ =	swait.ge [sflag:s23], s21  }
0x17: {  	s4 =	ssub.s32 $0x0, s21;
	[sflag:s23] =	ssyncset.done $0x0  }
0x18: {  	[sflag:s23] =	ssyncadd.s32 s4;
	_ =	sdelay $0x1  }
0x19: {  	s24 =	simm.s32 $0x1B8B  }
0x1a: {  	_ =	swait.ge [sflag:s24], $0x1  }
0x1b: {  	[sflag:s24] =	ssyncset.done $0x0  }
0x1c: {  	s26 =	simm.s32 $0x1B8E;
	s25 =	sld [smem:$0x3FFE];
	[sflag:s24] =	ssyncadd.s32 $0xFFFFFFFF  }
0x1d: {  	s27 =	simm.s32 $execute0_lowered;
	[smem:$0x3FD2] =	sst s26  }
0x1e: {  	s5 =	sshll.u32 s27, $0x1;
	_ =	strace $0x8000004C;
	[dreg:$0x1] =	wrdreg $0xFFFFFFFF  }
0x1f: {  	s28 =	simm.s32 $_size_execute0_lowered;
	s3 =	sadd.s32 s3, s5;
	[dreg:$0x0] =	wrdreg $0x0  }
0x20: {  	s5 =	sshll.u32 s28, $0x1;
	[dreg:$0x2] =	wrdreg s3  }
0x21: {  	[dreg:$0x3] =	wrdreg s5  }
0x22: {  	[dreg:$0x4] =	wrdreg $0xC0  }
0x23: {  	_ =	task [dreg:s7], $0x5FFFF  }
0x24: {  	[dreg:$0x1] =	wrdreg $0xFFFFFFFF  }
0x25: {  	[dreg:$0x0] =	wrdreg $0x60  }
0x26: {  	[dreg:$0x2] =	wrdreg s25  }
0x27: {  	[dreg:$0x3] =	wrdreg s2  }
0x28: {  	[dreg:$0x4] =	wrdreg $0x9  }
0x29: {  	_ =	task.clear_ibuf [dreg:s7], $0x5FFFF;
	_ =	strace $0x9000004C  }
0x2a: {  	s29 =	simm.s32 $0x9;
	_ =	strace $0x8000004E  }
0x2b: {  	_ =	swait.ge [sflag:s29], $0x1  }
0x2c: {  	[sflag:s29] =	ssyncadd.s32 $0xFFFFFFFF  }
0x2d: {  	_ =	strace $0x9000004E  }
0x2e: {  	_ =	sfence  }
0x2f: {  	s30 =	sld [smem:$0x0];
	_ =	sdelay $0x2  }
0x30: {  	s31 =	sshll.u32 s1, $0xD;
	s1 =	sshrl.u32 s1, $0x2  }
0x31: {  	s3 =	sand.u32 $0x4000, s31;
	s1 =	sadd.s32 s1, s30  }
0x32: {  	s0 =	sor.u32 s3, s0;
	s1 =	sshll.u32 s1, $0x11  }
0x33: {  	s0 =	sor.u32 s1, s0  }
0x34: {  	s0 =	sadd.s32 $0x8F2B, s0  }
0x35: {  	[sflag:s0] =	ssyncadd.remote.s32 $0x1  }
0x36: {  	_ =	sfence.sel $0xFFFF  }
0x37: {  	[dreg:$0x0] =	wrdreg $0xFFFFFFFF;
	(pc) =	sbr.abs _section_cstart, $3  }
0x38: {  	[dreg:$0x1] =	wrdreg $0xFFFFFFFF  }
0x39: {  	_ =	task.clear_ibuf [dreg:s7], $0x2FFFF;
	_ =	strace $0x9FFFFFFF  }
0x3a: {  	(tm) =	ssettm $0x7FFFFFFF  }
0x3b: {  	_ =	shalt  }
tec
execute0_lowered:
.L_overlay_start_1:
0x0: {  	(tag) =	ssettag $0x1  }
0x1: {  	s0 =	stileid.u32;
	s1 =	srdreg.scid  }
0x2: {  	s7 =	rddreg [dreg:$0x0];
	_ =	strace $0x8000004D;
	s9 =	simm.s32 $0x2  }
0x3: {  	s20 =	simm.s32 $0x0;
	p0 =	por $0x0, $0x0;
	s10 =	simm.s32 $0xC00  }
0x4: {  	s21 =	simm.s32 $0x0;
	s1 =	sand.u32 $0x1, s1;
	s2 =	sand.u32 $0x1, s0  }
0x5: {  	s22 =	simm.s32 $0x0;
	s3 =	ssub.s32 $0x2, s2;
	s4 =	ssub.s32 $0x38, s1  }
0x6: {  	s5 =	sshrl.u32 s3, $0x1;
	s3 =	sand.u32 $0x1, s3;
	s6 =	sshrl.u32 s4, $0x1  }
0x7: {  	s23 =	simm.s32 $0x0;
	s3 =	sadd.s32 s3, s5;
	s31 =	ssub.s32 s4, s6  }
0x8: {  	s11 =	simm.s32 $0x0;
	s12 =	simm.s32 $0x0;
	s6 =	smul.u32 s31, s3  }
.Ltmp0:
0x9: {  	s13 =	simm.s32 $0x0;
	s16 =	simm.s32 $0x0;
	(pc) =	sbr.rel .LBB1_1-.Ltmp0, $4  }
0xa: {  	s19 =	simm.s32 $0x0;
	s7 =	sadd.s32 $0x258C00, s7;
	s8 =	sshrl.u32 s0, $0x1  }
0xb: {  	s0 =	simm.s32 $0x0;
	s5 =	simm.s32 $0x1;
	s6 =	smul.u32 $0x3, s6  }
0xc: {  	s15 =	smov.u32 s1;
	s17 =	smov.u32 s8;
	[sflag:s5] =	ssyncpa.u1 $0x0  }
0xd: {  	s18 =	smov.u32 s2;
	[sflag:s9] =	ssyncpa.u1 $0x0;
	s9 =	sadd.s32 $0x1, s6  }
.LBB1_4:
0xe: {  	s26 =	sshll.u32 s12, $0x3  }
0xf: {  	s27 =	sand.u32 $0x7F, s12;
	p1 =	sgt.s32 s0, $0x1;
	s30 =	sshra.s32 s0, $0x1F  }
0x10: {  	p2 =	sgt.s32 s13, $0x7;
	s31 =	smov.u32 s13;
	s3 =	sshra.s32 s13, $0x1F  }
0x11: {  	s14 =	smov.u32 s0;
	s26 =	sand.u32 $0xFFFFFC00, s26;
	s30 =	sand.u32 s30, s0  }
0x12: {  	s31 =	simm.s32 @!p2 $0x7;
	s3 =	sand.u32 s3, s13;
	s14 =	simm.s32 @!p1 $0x1  }
0x13: {  	p2 =	sgt.s32 s12, $0x100;
	s27 =	sor.u32 s27, s26;
	s26 =	smulhi.u32 $0xAAAAAAAB, s26  }
0x14: {  	s30 =	sxor.u32 $0xFFFFFFFF, s30;
	s3 =	ssub.s32 s31, s3;
	s31 =	sshra.s32 s12, $0x1F  }
0x15: {  	s28 =	smulhi.u32 $0xAAAAAAAB, s27;
	s14 =	sadd.s32 s30, s14;
	s4 =	sadd.s32 $0xFFFFFFF9, s3  }
0x16: {  	s30 =	smov.u32 s12;
	s31 =	sand.u32 s31, s12;
	s3 =	ssub.s32 $0x8, s3  }
0x17: {  	s26 =	sshrl.u32 s26, $0x8;
	p1 =	sgt.s32 s4, $0x0;
	s4 =	ssub.s32 $0x1, s14  }
0x18: {  	s30 =	simm.s32 @!p2 $0x100;
	p2 =	sgt.s32 s14, $0x0;
	s29 =	smulhi.u32 $0x4924925, s26  }
0x19: {  	s14 =	smov.u32 s11;
	s28 =	sshrl.u32 s28, $0x8;
	s4 =	smul.u32 $0x38, s4  }
0x1a: {  	s30 =	ssub.s32 s30, s31;
	s3 =	simm.s32 @p1 $0x0;
	s28 =	smul.u32 $0x180, s28  }
0x1b: {  	p1 =	sgt.s32 s11, $0x37;
	s31 =	sadd.s32 $0xFFFFFF00, s30;
	s29 =	smul.u32 $0x38, s29  }
0x1c: {  	s4 =	simm.s32 @p2 $0x0;
	p2 =	sgt.s32 s31, $0x7F;
	s31 =	sshra.s32 s11, $0x1F  }
0x1d: {  	s14 =	simm.s32 @!p1 $0x37;
	s3 =	smul.u32 s3, s4;
	s4 =	sand.u32 s31, s11  }
0x1e: {  	s4 =	ssub.s32 s14, s4;
	s14 =	ssub.s32 s27, s28;
	s28 =	smul.u32 $0x126000, s0  }
0x1f: {  	s30 =	ssub.s32 $0x180, s30;
	s27 =	smul.u32 $0x24C00, s13  }
0x20: {  	s30 =	simm.s32 @p2 $0x0;
	s26 =	ssub.s32 s26, s29;
	s29 =	smul.u32 $0xA80, s11  }
0x21: {  	s31 =	rddreg [dreg:$0x1];
	s3 =	smul.u32 s30, s3;
	s30 =	sadd.s32 $0xFFFFFFC9, s4  }
0x22: {  	s4 =	ssub.s32 $0x38, s4;
	p1 =	sgt.s32 s30, $0x0;
	s28 =	sadd.s32 s31, s28  }
0x23: {  	s26 =	smul.u32 $0x30, s26;
	s27 =	sadd.s32 s27, s28;
	s4 =	simm.s32 @p1 $0x0  }
0x24: {  	[tilespmem:s25+$0x810 ss:$0x81] =	vst.msk $0xffff, v2;
	s3 =	smul.u32 s4, s3;
	s28 =	sadd.s32 s29, s27;
	s29 =	sand.u32 $0x7, s14  }
0x25: {  	[tilespmem:s25+$0x1020 ss:$0x81] =	vst.msk $0xffff, v0;
	s14 =	sshrl.u32 s14, $0x3;
	s4 =	sadd.s32 s26, s28;
	s30 =	sshll.u32 s29, $0x12  }
0x26: {  	[tilespmem:s25+$0x0 ss:$0x81] =	vst.msk $0xffff, v1;
	s3 =	sand.u32 $0x3FFFFFF8, s3;
	s4 =	sadd.s32 s14, s4;
	s31 =	sor.u32 $0x400, s30  }
0x27: {  	[hbm4b:s4+s31] =	stream.strided.scatter [tilespmem:s24], [sflag:$0x2], s3, s10, s31, $0x20;
	[tilespmem:$0x8080] =	vst v63  }
.LBB1_5:
0x28: {  	p1 =	slt.u32 s19, $0x2;
	s4 =	smov.u32 s22  }
0x29: {  	s24 =	smov.u32 s16;
	p2 =	sgt.s32 @!p1 s23, $0x1;
	p3 =	sgt.s32 @!p1 s22, $0x7  }
0x2a: {  	s3 =	sshra.s32 @!p1 s23, $0x1F;
	s14 =	sshra.s32 @!p1 s22, $0x1F;
	p4 =	sgt.s32 @!p1 s20, $0x37  }
0x2b: {  	p2 =	por !p2, p1;
	p3 =	por !p3, p1;
	s3 =	sand.u32 @!p1 s3, s23  }
0x2c: {  	s14 =	sand.u32 @!p1 s14, s22;
	s22 =	smov.u32 s21;
	s4 =	simm.s32 @p3 $0x7  }
0x2d: {  	s23 =	simm.s32 @p2 $0x1;
	s3 =	sxor.u32 @!p1 $0xFFFFFFFF, s3;
	s4 =	ssub.s32 @!p1 s4, s14  }
0x2e: {  	s3 =	sadd.s32 @!p1 s3, s23;
	s23 =	sshra.s32 @!p1 s21, $0x1F;
	s14 =	sadd.s32 @!p1 $0xFFFFFFF9, s4  }
0x2f: {  	p2 =	sgt.s32 @!p1 s3, $0x0;
	s3 =	ssub.s32 @!p1 $0x1, s3;
	p3 =	sgt.s32 @!p1 s14, $0x0  }
0x30: {  	s4 =	ssub.s32 @!p1 $0x8, s4;
	s14 =	smov.u32 s20;
	p3 =	por !p3, p1  }
0x31: {  	s4 =	simm.s32 @!p3 $0x0;
	p3 =	por !p4, p1;
	p4 =	sgt.s32 @!p1 s21, $0x100  }
0x32: {  	s3 =	smul.u32 @!p1 $0x38, s3;
	s14 =	simm.s32 @p3 $0x37;
	p3 =	por !p4, p1  }
0x33: {  	s21 =	sand.u32 @!p1 s23, s21;
	s23 =	sshra.s32 @!p1 s20, $0x1F;
	s22 =	simm.s32 @p3 $0x100  }
0x34: {  	p2 =	por !p2, p1;
	s20 =	sand.u32 @!p1 s23, s20;
	s21 =	ssub.s32 @!p1 s22, s21  }
0x35: {  	s3 =	simm.s32 @!p2 $0x0;
	s14 =	ssub.s32 @!p1 s14, s20;
	s20 =	sadd.s32 @!p1 $0xFFFFFF00, s21  }
0x36: {  	s25 =	smov.u32 s17;
	s3 =	smul.u32 @!p1 s4, s3;
	p3 =	sgt.s32 @!p1 s20, $0x7F  }
0x37: {  	s22 =	sadd.s32 @!p1 $0xFFFFFFC9, s14;
	s20 =	ssub.s32 @!p1 $0x180, s21;
	p2 =	por !p3, p1  }
0x38: {  	s4 =	ssub.s32 @!p1 $0x38, s14;
	p3 =	sgt.s32 @!p1 s22, $0x0;
	s20 =	simm.s32 @!p2 $0x0  }
0x39: {  	s14 =	sadd.s32 $0x2, s15;
	p2 =	por !p3, p1;
	s3 =	smul.u32 @!p1 s20, s3  }
0x3a: {  	s4 =	simm.s32 @!p2 $0x0;
	p2 =	sgt.s32 s14, $0x37;
	s20 =	sadd.s32 $0x80, s16  }
0x3b: {  	s26 =	smov.u32 s18;
	p0 =	por !p0, !p0;
	s24 =	smov.u32 @p2 s20  }
0x3c: {  	s3 =	smul.u32 @!p1 s4, s3;
	p3 =	sgt.s32 s24, $0x17F;
	s4 =	sadd.s32 $0x8, s17  }
0x3d: {  	s23 =	smov.u32 s0;
	s0 =	smov.u32 s18;
	s25 =	smov.u32 @p3 s4  }
0x3e: {  	s21 =	smov.u32 s12;
	s20 =	sadd.s32 $0x2, s18;
	p4 =	sgt.s32 s25, $0x7  }
0x3f: {  	s12 =	smov.u32 s16;
	s22 =	smov.u32 s13;
	s26 =	smov.u32 @p4 s20  }
0x40: {  	s13 =	smov.u32 s17;
	s14 =	smov.u32 @p2 s1;
	p2 =	sgt.s32 s26, $0x1  }
0x41: {  	s4 =	simm.s32 @!p1 $0x2;
	s26 =	smov.u32 @p2 s2;
	p2 =	sne.s32 s19, s9  }
.Ltmp1:
0x42: {  	s24 =	simm.s32 @p3 $0x0;
	s3 =	sand.u32 @!p1 $0x3FFFFFF8, s3;
	(pc) =	sbr.rel @!p2 .LBB1_6-.Ltmp1, $4  }
0x43: {  	s16 =	smov.u32 s24;
	_ =	swait.ge @!p1 [sflag:s4], s3;
	s3 =	ssub.s32 @!p1 $0x0, s3  }
0x44: {  	s25 =	smov.u32 @p4 s8;
	s20 =	smov.u32 s11;
	s11 =	smov.u32 s15  }
0x45: {  	s15 =	smov.u32 s14;
	[sflag:s4] =	ssyncset.done @!p1 $0x0;
	s17 =	smov.u32 s25  }
0x46: {  	s19 =	sadd.s32 $0x1, s19;
	[sflag:s4] =	ssyncadd.s32 @!p1 s3;
	s18 =	smov.u32 s26  }
.LBB1_1:
0x47: {  	p1 =	sge.u32 s19, s6  }
0x48: {  	s24 =	sand.u32 @!p1 $0x1FFFFFF, s15;
	s26 =	smul.u32 @!p1 $0x2A0000, s18  }
0x49: {  	s25 =	smulhi.u32 @!p1 $0x4924925, s24  }
0x4a: {  	s27 =	smul.u32 @!p1 $0x54000, s17  }
0x4b: {  	s31 =	sadd.s32 $0xFFFFFFFF, s19;
	s25 =	smul.u32 @!p1 $0x38, s25  }
0x4c: {  	s28 =	sxor.u32 @!p1 $0xFFFFFFFF, s19;
	s29 =	smul.u32 @!p1 $0x380, s16;
	s26 =	sadd.s32 @!p1 s7, s26  }
0x4d: {  	s26 =	sadd.s32 @!p1 s27, s26;
	s27 =	simm.s32 @!p1 $0x1C00;
	s24 =	ssub.s32 @!p1 s24, s25  }
0x4e: {  	s26 =	sadd.s32 @!p1 s29, s26;
	s25 =	sshll.u32 @!p1 s28, $0xD;
	s24 =	sshll.u32 @!p1 s24, $0x4  }
0x4f: {  	s25 =	sand.u32 @!p1 $0x2000, s25;
	s24 =	sadd.s32 @!p1 s24, s26;
	s26 =	simm.s32 @!p1 $0x40  }
0x50: {  	[tilespmem:s25], [sflag:$0x1] =	stream.strided.gather @!p1 [hbm4b:s24+s26], $0x2000, s27, s26, $0x38;
	[tilespmem:$0x8080] =	vst v63  }
0x51: {  	p1 =	sge.u32 s31, s6  }
.Ltmp2:
0x52: {  	_ = 	snop;
	(pc) =	sbr.rel @p1 .LBB1_5-.Ltmp2, $1  }
0x53: {  	_ =	sdelay $0x3  }
0x54: {  	s24 =	simm.s32 $0x1  }
0x55: {  	_ =	swait.ge [sflag:s5], $0x2000;
	s24 =	simm.s32 @!p0 $0x0  }
0x56: {  	[sflag:s5] =	ssyncset.done $0x0;
	s25 =	sshll.u32 s24, $0xD  }
0x57: {  	[sflag:s5] =	ssyncadd.s32 $0xFFFFE000;
	s28 =	sor.u32 $0x20, s25  }
0x58: {  	s24 =	smul.u32 $0x8100, s24;
	v3 =	vld [tilespmem:s28+$0x10]  }
0x59: {  	s30 =	sand.u32 $0x1, s19;
	v2 =	vld [tilespmem:s28+$0xFFFFFFF0]  }
0x5a: {  	s25 =	smul.u32 $0x8100, s30;
	s24 =	sshrl.u32 s24, $0x2;
	v0 =	vld [tilespmem:s28+$0x0]  }
0x5b: {  	v1 =	vld [tilespmem:s28+$0xFFFFFFE0];
	s26 =	sor.u32 $0x4000, s24  }
0x5c: {  	s31 =	sshrl.u32 s25, $0x2;
	s25 =	sadd.s32 $0x0, s26  }
0x5d: {  	s27 =	simm.s32 $0x4;
	s28 =	sadd.s32 $0x40, s28;
	s24 =	sor.u32 $0x4000, s31;
	[tilespmem:s25+$0x1830 ss:$0x81] =	vst.msk $0xffff, v3  }
.LBB1_3:
0x5e: {  	v3 =	vld [tilespmem:s28+$0x10];
	p1 =	sne.s32 s27, $0x1FC;
	[tilespmem:s25+$0x810 ss:$0x81] =	vst.msk $0xffff, v2;
	s29 =	smov.u32 s27;
	s27 =	sadd.s32 $0x4, s27  }
.Ltmp3:
0x5f: {  	v2 =	vld [tilespmem:s28+$0xFFFFFFF0];
	[tilespmem:s25+$0x1020 ss:$0x81] =	vst.msk $0xffff, v0;
	(pc) =	sbr.rel @p1 .LBB1_3-.Ltmp3, $4  }
0x60: {  	v0 =	vld [tilespmem:s28+$0x0];
	[tilespmem:s25+$0x0 ss:$0x81] =	vst.msk $0xffff, v1  }
0x61: {  	s25 =	sshra.s32 s29, $0x2;
	v1 =	vld [tilespmem:s28+$0xFFFFFFE0]  }
0x62: {  	s25 =	sadd.s32 s25, s26  }
0x63: {  	s28 =	sadd.s32 $0x40, s28;
	[tilespmem:s25+$0x1830 ss:$0x81] =	vst.msk $0xffff, v3  }
.Ltmp4:
0x64: {  	_ = 	snop;
	(pc) =	sbr.rel .LBB1_4-.Ltmp4, $1  }
0x65: {  	_ =	sdelay $0x3  }
.LBB1_6:
0x66: {  	_ =	sfence.sel $0x180000  }
0x67: {  	s0 =	simm.s32 $0x1;
	[bflag:$0x0] =	sbarrier.arrive $0xFFFF  }
0x68: {  	s30 =	simm.s32 $0x2;
	[sflag:s0] =	ssyncpa.u1 $0x1  }
0x69: {  	[sflag:s30] =	ssyncpa.u1 $0x1  }
0x6a: {  	_ =	strace $0x9000004D  }
0x6b: {  	s31 =	stileid.u32;
	[bflag:$0x2] =	sbarrier.arrive $0xFFFF  }
0x6c: {  	p0 =	sne.s32 s31, $0x0;
	s0 =	rddreg [dreg:$0x2]  }
0x6d: {  	s0 =	sadd.s32 @!p0 $0x100000, s0  }
0x6e: {  	[sflag:s0] =	ssyncadd.tile.s32 @!p0 $0x1;
	_ =	shalt  }
.Lfunc_end1:
_tile_overlayer_lowered:
.L_overlay_start_2:
0x6f: {  	(tag) =	ssettag $0x2  }
0x70: {  	s0 =	rddreg [dreg:$0x0];
	s2 =	stileid.u32  }
0x71: {  	s1 =	rddreg [dreg:$0x1];
	p0 =	sne.s32 s2, $0x0  }
0x72: {  	s3 =	rddreg [dreg:$0x2];
	[bflag:$0x3] =	sbarrier.arrive $0xFFFF;
	s2 =	simm.s32 @!p0 $0x1C01  }
0x73: {  	[timem:s3], [sflag:s2] =	dma.local @!p0 [hbm:s0], s1  }
0x74: {  	s0 =	simm.s32 @!p0 $0x1  }
0x75: {  	_ =	swait.ge @!p0 [sflag:s0], s1  }
0x76: {  	s1 =	ssub.s32 @!p0 $0x0, s1;
	[sflag:s0] =	ssyncset.done @!p0 $0x0  }
0x77: {  	[sflag:s0] =	ssyncadd.s32 @!p0 s1  }
0x78: {  	[bflag:$0x3] =	sbarrier.arrive $0xFFFF  }
0x79: {  	_ =	shalt  }

</sc_bundles>
